<compile_context>
chip_gen: v7x
topology: tpu7x:2x2x1
jax: 0.10.2.dev20260603
libtpu: 0.0.44.dev20260713+nightly
codegen_flags: <defaults>
</compile_context>

<pallas_src>
import functools

import jax
import jax.numpy as jnp
from jax import lax
from jax.experimental import pallas as pl
from jax.experimental.pallas import tpu as pltpu
from jax.experimental.pallas import tpu_sc as plsc

N_NODE = 10000
E = 320000
D = 128
L = 16
NC = 2
NS = 16
NW = NC * NS
T = E // NW
CH = 80
NCHUNK = T // CH
ROWS_PER_TILE = 624
ROWS_REM = N_NODE - NS * ROWS_PER_TILE


def _tc_project(pf, vf, w1a, w1b, b1):
    blk = 1000

    def body(pf_ref, vf_ref, wa_ref, wb_ref, b1_ref, p_ref, v_ref):
        p_ref[...] = (
            jnp.dot(pf_ref[...], wa_ref[...], preferred_element_type=jnp.float32)
            + b1_ref[...]
        ) * 2.0
        v_ref[...] = (
            jnp.dot(vf_ref[...], wb_ref[...], preferred_element_type=jnp.float32) * 2.0
        )

    return pl.pallas_call(
        body,
        grid=(N_NODE // blk,),
        in_specs=[
            pl.BlockSpec((blk, D), lambda i: (i, 0)),
            pl.BlockSpec((blk, D), lambda i: (i, 0)),
            pl.BlockSpec((D, D), lambda i: (0, 0)),
            pl.BlockSpec((D, D), lambda i: (0, 0)),
            pl.BlockSpec((1, D), lambda i: (0, 0)),
        ],
        out_specs=[
            pl.BlockSpec((blk, D), lambda i: (i, 0)),
            pl.BlockSpec((blk, D), lambda i: (i, 0)),
        ],
        out_shape=[
            jax.ShapeDtypeStruct((N_NODE, D), jnp.float32),
            jax.ShapeDtypeStruct((N_NODE, D), jnp.float32),
        ],
    )(pf, vf, w1a, w1b, b1)


def _sc_edge_logits(p, v, src, dst, w2):
    mesh = plsc.VectorSubcoreMesh(core_axis_name="c", subcore_axis_name="s")

    @functools.partial(
        pl.kernel,
        mesh=mesh,
        out_type=jax.ShapeDtypeStruct((E * L,), jnp.float32),
        scratch_types=[
            pltpu.VMEM((T,), jnp.int32),
            pltpu.VMEM((T,), jnp.int32),
            pltpu.VMEM((CH, D), jnp.float32),
            pltpu.VMEM((CH, D), jnp.float32),
            pltpu.VMEM((CH, D), jnp.float32),
            pltpu.VMEM((CH, D), jnp.float32),
            pltpu.VMEM((D,), jnp.float32),
            pltpu.VMEM((CH * L,), jnp.float32),
            pltpu.SemaphoreType.DMA,
            pltpu.SemaphoreType.DMA,
            pltpu.SemaphoreType.DMA,
            pltpu.SemaphoreType.DMA,
        ],
    )
    def k(p_hbm, v_hbm, src_hbm, dst_hbm, w2_hbm, out_hbm,
          sidx_all, didx_all, prow_a, prow_b, vrow_a, vrow_b, w2v, part,
          sp_a, sv_a, sp_b, sv_b):
        wid = lax.axis_index("s") * NC + lax.axis_index("c")
        tbase = wid * T
        pltpu.sync_copy(w2_hbm, w2v)
        for i in range(D // L):
            sl = pl.ds(i * L, L)
            w2v[sl] = w2v[sl] * (-2.0)
        pltpu.sync_copy(src_hbm.at[pl.ds(tbase, T)], sidx_all)
        pltpu.sync_copy(dst_hbm.at[pl.ds(tbase, T)], didx_all)

        def issue(c, prow, vrow, sp, sv):
            off = c * CH
            pltpu.async_copy(p_hbm.at[sidx_all.at[pl.ds(off, CH)]], prow, sp)
            pltpu.async_copy(v_hbm.at[didx_all.at[pl.ds(off, CH)]], vrow, sv)

        def wait(c, prow, vrow, sp, sv):
            off = c * CH
            pltpu.make_async_copy(p_hbm.at[sidx_all.at[pl.ds(off, CH)]], prow, sp).wait()
            pltpu.make_async_copy(v_hbm.at[didx_all.at[pl.ds(off, CH)]], vrow, sv).wait()

        def compute(c, prow, vrow):
            w2r = tuple(w2v[pl.ds(i * L, L)] for i in range(D // L))

            @plsc.parallel_loop(0, CH, 1, unroll=4, carry=w2r)
            def edge_body(j, wcar):
                acc = jnp.zeros((L,), jnp.float32)
                for i in range(D // L):
                    sl = pl.ds(i * L, L)
                    x = prow[j, sl] + vrow[j, sl]
                    acc = acc + wcar[i] / (jnp.exp(x) + 1.0)
                part[pl.ds(j * L, L)] = acc
                return wcar

            pltpu.sync_copy(part, out_hbm.at[pl.ds((tbase + c * CH) * L, CH * L)])

        issue(0, prow_a, vrow_a, sp_a, sv_a)

        def pair_body(i, carry):
            c0 = i * 2
            issue(c0 + 1, prow_b, vrow_b, sp_b, sv_b)
            wait(c0, prow_a, vrow_a, sp_a, sv_a)
            compute(c0, prow_a, vrow_a)
            issue(c0 + 2, prow_a, vrow_a, sp_a, sv_a)
            wait(c0 + 1, prow_b, vrow_b, sp_b, sv_b)
            compute(c0 + 1, prow_b, vrow_b)
            return carry

        lax.fori_loop(0, (NCHUNK - 1) // 2, pair_body, 0)
        wait(NCHUNK - 1, prow_a, vrow_a, sp_a, sv_a)
        compute(NCHUNK - 1, prow_a, vrow_a)

    return k(p, v, src, dst, w2)


def _tc_group_sum(partials2d, kmat):
    blk = 2000

    def body(p_ref, k_ref, o_ref):
        o_ref[...] = jnp.dot(p_ref[...], k_ref[...], preferred_element_type=jnp.float32)

    return pl.pallas_call(
        body,
        grid=((E * L // D) // blk,),
        in_specs=[
            pl.BlockSpec((blk, D), lambda i: (i, 0)),
            pl.BlockSpec((D, D // L), lambda i: (0, 0)),
        ],
        out_specs=pl.BlockSpec((blk, D // L), lambda i: (i, 0)),
        out_shape=jax.ShapeDtypeStruct((E * L // D, D // L), jnp.float32),
    )(partials2d, kmat)


def _tc_softmax(logits2d):
    def body(x_ref, o_ref):
        x = x_ref[...]
        m = jnp.max(x)
        e = jnp.exp(x - m)
        o_ref[...] = e / jnp.sum(e)

    return pl.pallas_call(
        body,
        out_shape=jax.ShapeDtypeStruct(logits2d.shape, jnp.float32),
    )(logits2d)


def _sc_scatter(pf, src, dst, w, zeros_init):
    mesh = plsc.VectorSubcoreMesh(core_axis_name="c", subcore_axis_name="s")

    @functools.partial(
        pl.kernel,
        mesh=mesh,
        out_type=jax.ShapeDtypeStruct((NC * N_NODE, D), jnp.float32),
        scratch_types=[
            pltpu.VMEM((T,), jnp.int32),
            pltpu.VMEM((CH,), jnp.int32),
            pltpu.VMEM((CH,), jnp.int32),
            pltpu.VMEM((CH,), jnp.int32),
            pltpu.VMEM((CH,), jnp.float32),
            pltpu.VMEM((CH,), jnp.float32),
            pltpu.VMEM((CH,), jnp.float32),
            pltpu.VMEM((CH, D), jnp.float32),
            pltpu.VMEM((CH, D), jnp.float32),
            pltpu.VMEM((CH, D), jnp.float32),
            pltpu.VMEM_SHARED((N_NODE, D), jnp.float32),
            pltpu.SemaphoreType.DMA,
            pltpu.SemaphoreType.DMA,
            pltpu.SemaphoreType.DMA,
            pltpu.SemaphoreType.DMA,
            pltpu.SemaphoreType.DMA,
            pltpu.SemaphoreType.DMA,
        ],
    )
    def k(pf_hbm, src_hbm, dst_hbm, w_hbm, zero_hbm, out_hbm,
          sidx_all, di0, di1, di2, wb0, wb1, wb2, ro0, ro1, ro2, acc,
          sg0, sg1, sg2, ss0, ss1, ss2):
        cid = lax.axis_index("c")
        sid = lax.axis_index("s")
        wid = sid * NC + cid
        tbase = wid * T
        pltpu.sync_copy(
            zero_hbm.at[pl.ds(0, ROWS_PER_TILE)],
            acc.at[pl.ds(sid * ROWS_PER_TILE, ROWS_PER_TILE)],
        )

        @pl.when(sid == NS - 1)
        def _():
            pltpu.sync_copy(
                zero_hbm.at[pl.ds(0, ROWS_REM)],
                acc.at[pl.ds(NS * ROWS_PER_TILE, ROWS_REM)],
            )

        pltpu.sync_copy(src_hbm.at[pl.ds(tbase, T)], sidx_all)
        plsc.subcore_barrier()

        slots = (
            (ro0, di0, wb0, sg0, ss0),
            (ro1, di1, wb1, sg1, ss1),
            (ro2, di2, wb2, sg2, ss2),
        )

        def issue(c, sl):
            rows, didx, wb, sg, ss = sl
            off = c * CH
            pltpu.async_copy(pf_hbm.at[sidx_all.at[pl.ds(off, CH)]], rows, sg)
            pltpu.async_copy(dst_hbm.at[pl.ds(tbase + off, CH)], didx, sg)
            pltpu.async_copy(w_hbm.at[pl.ds(tbase + off, CH)], wb, sg)

        def wait_gather(c, sl):
            rows, didx, wb, sg, ss = sl
            off = c * CH
            pltpu.make_async_copy(
                pf_hbm.at[sidx_all.at[pl.ds(off, CH)]], rows, sg
            ).wait()
            pltpu.make_async_copy(dst_hbm.at[pl.ds(tbase + off, CH)], didx, sg).wait()
            pltpu.make_async_copy(w_hbm.at[pl.ds(tbase + off, CH)], wb, sg).wait()

        def wait_scatter(sl):
            rows, didx, wb, sg, ss = sl
            pltpu.make_async_copy(rows, acc.at[didx], ss).wait()

        def process(c, sl):
            rows, didx, wb, sg, ss = sl
            wait_gather(c, sl)

            @plsc.parallel_loop(0, CH, 1, unroll=4)
            def edge_body(j):
                grp = (j // L) * L
                wv = wb[pl.ds(grp, L)]
                lane = jnp.full((L,), j - grp, jnp.int32)
                wsp = wv.at[lane].get(mode="promise_in_bounds")
                for i in range(D // L):
                    sl2 = pl.ds(i * L, L)
                    rows[j, sl2] = rows[j, sl2] * wsp

            pltpu.async_copy(rows, acc.at[didx], ss, add=True)

        issue(0, slots[0])
        issue(1, slots[1])

        def tri_body(t, carry):
            for kk in range(3):
                c = t * 3 + kk
                sl = slots[kk]
                nsl = slots[(kk + 2) % 3]

                @pl.when(c < NCHUNK)
                def _():
                    process(c, sl)

                    @pl.when(jnp.logical_and(c >= 1, c < NCHUNK - 1))
                    def _():
                        wait_scatter(nsl)

                    @pl.when(c + 2 < NCHUNK)
                    def _():
                        issue(c + 2, nsl)

            return carry

        lax.fori_loop(0, (NCHUNK + 2) // 3, tri_body, 0)
        wait_scatter(slots[(NCHUNK - 2) % 3])
        wait_scatter(slots[(NCHUNK - 1) % 3])
        plsc.subcore_barrier()
        pltpu.sync_copy(
            acc.at[pl.ds(sid * ROWS_PER_TILE, ROWS_PER_TILE)],
            out_hbm.at[pl.ds(cid * N_NODE + sid * ROWS_PER_TILE, ROWS_PER_TILE)],
        )

        @pl.when(sid == NS - 1)
        def _():
            pltpu.sync_copy(
                acc.at[pl.ds(NS * ROWS_PER_TILE, ROWS_REM)],
                out_hbm.at[pl.ds(cid * N_NODE + NS * ROWS_PER_TILE, ROWS_REM)],
            )

    return k(pf, src, dst, w, zeros_init)


def _tc_add(a, b):
    blk = 2000

    def body(a_ref, b_ref, o_ref):
        o_ref[...] = a_ref[...] + b_ref[...]

    return pl.pallas_call(
        body,
        grid=(N_NODE // blk,),
        in_specs=[
            pl.BlockSpec((blk, D), lambda i: (i, 0)),
            pl.BlockSpec((blk, D), lambda i: (i, 0)),
        ],
        out_specs=pl.BlockSpec((blk, D), lambda i: (i, 0)),
        out_shape=jax.ShapeDtypeStruct((N_NODE, D), jnp.float32),
    )(a, b)


def kernel(program_features, voxel_features, cross_edge_index, W1, b1, W2, b2):
    src = cross_edge_index[0].astype(jnp.int32)
    dst = cross_edge_index[1].astype(jnp.int32)
    w1a = W1[:D]
    w1b = W1[D:]
    p, v = _tc_project(
        program_features, voxel_features, w1a, w1b, b1.reshape(1, D)
    )
    w2v = W2[:, 0]
    partials = _sc_edge_logits(p, v, src, dst, w2v)
    partials2d = partials.reshape(E * L // D, D)
    kmat = (jnp.arange(D, dtype=jnp.int32)[:, None] // L
            == jnp.arange(D // L, dtype=jnp.int32)[None, :]).astype(jnp.float32)
    logits = _tc_group_sum(partials2d, kmat)
    weights2d = _tc_softmax(logits.reshape(E // D, D))
    w_flat = weights2d.reshape(E)
    zeros_init = jnp.zeros((ROWS_PER_TILE, D), jnp.float32)
    out_partials = _sc_scatter(program_features, src, dst, w_flat, zeros_init)
    output_features = _tc_add(out_partials[:N_NODE], out_partials[N_NODE:])
    attention_weights = w_flat.reshape(E, 1)
    return (output_features, attention_weights)

# --- scband reference (transcript-rebuilt; emitter-appended) ---
"""Pipeline reference for scband-cross-modal-attention-29068338659454 (READ-ONLY COPY).

The authoritative reference and input builder live on the scoring server;
editing this copy changes nothing except your own understanding.
"""

import jax, jax.numpy as jnp
import numpy as np

N_PROG = 10000
N_VOX = 10000
E = 320000
D = 128


def setup_inputs(seed: int = 0) -> dict:
    key = jax.random.key(seed)
    k1, k2, k3, k4, k5, k6, k7 = jax.random.split(key, 7)
    program_features = jax.random.normal(k1, (N_PROG, D), dtype=jnp.float32)
    voxel_features = jax.random.normal(k2, (N_VOX, D), dtype=jnp.float32)
    cross_edge_index = jax.random.randint(k3, (2, E), 0, N_PROG)
    # Linear(2*D -> D): weight stored as [2*D, D] for x @ W + b
    s1 = 1.0 / np.sqrt(2 * D)
    W1 = jax.random.uniform(k4, (2 * D, D), dtype=jnp.float32, minval=-s1, maxval=s1)
    b1 = jax.random.uniform(k5, (D,), dtype=jnp.float32, minval=-s1, maxval=s1)
    # Linear(D -> 1)
    s2 = 1.0 / np.sqrt(D)
    W2 = jax.random.uniform(k6, (D, 1), dtype=jnp.float32, minval=-s2, maxval=s2)
    b2 = jax.random.uniform(k7, (1,), dtype=jnp.float32, minval=-s2, maxval=s2)
    return {
        "program_features": program_features,
        "voxel_features": voxel_features,
        "cross_edge_index": cross_edge_index,
        "W1": W1,
        "b1": b1,
        "W2": W2,
        "b2": b2,
    }


def reference(program_features, voxel_features, cross_edge_index, W1, b1, W2, b2):
    # gather per-edge features
    program_node_features = jnp.take(program_features, cross_edge_index[0], axis=0)  # [E, D]
    voxel_node_features = jnp.take(voxel_features, cross_edge_index[1], axis=0)      # [E, D]
    attention_input = jnp.concatenate([program_node_features, voxel_node_features], axis=-1)  # [E, 2D]
    h = jnp.tanh(attention_input @ W1 + b1)        # [E, D]
    logits = h @ W2 + b2                           # [E, 1]
    attention_weights = jax.nn.softmax(logits, axis=0)  # softmax over all edges (dim=0)
    attended_features = attention_weights * program_node_features  # [E, D]
    output_features = jnp.zeros_like(voxel_features).at[cross_edge_index[1]].add(attended_features)
    return (output_features, attention_weights)

if __name__ == "__main__":
    import jax
    _d = setup_inputs()
    print(jax.jit(kernel)(*tuple(_d.values())))

</pallas_src>

<mosaic_0001>
#map = affine_map<(d0, d1) -> (0, 0)>
#map1 = affine_map<(d0, d1) -> (0)>
module attributes {stable_mosaic.version = 14 : i64} {
  func.func @k(%arg0: i32, %arg1: i32, %arg2: memref<10000x128xf32, #tpu.memory_space<hbm>>, %arg3: memref<10000x128xf32, #tpu.memory_space<hbm>>, %arg4: memref<320000xi32, #tpu.memory_space<hbm>>, %arg5: memref<320000xi32, #tpu.memory_space<hbm>>, %arg6: memref<128xf32, #tpu.memory_space<hbm>>, %arg7: memref<5120000xf32, #tpu.memory_space<hbm>>, %arg8: memref<10000xi32, #tpu.memory_space<vmem>>, %arg9: memref<10000xi32, #tpu.memory_space<vmem>>, %arg10: memref<80x128xf32, #tpu.memory_space<vmem>>, %arg11: memref<80x128xf32, #tpu.memory_space<vmem>>, %arg12: memref<80x128xf32, #tpu.memory_space<vmem>>, %arg13: memref<80x128xf32, #tpu.memory_space<vmem>>, %arg14: memref<128xf32, #tpu.memory_space<vmem>>, %arg15: memref<1280xf32, #tpu.memory_space<vmem>>, %arg16: memref<!tpu.dma_semaphore, #tpu.memory_space<semaphore_mem>>, %arg17: memref<!tpu.dma_semaphore, #tpu.memory_space<semaphore_mem>>, %arg18: memref<!tpu.dma_semaphore, #tpu.memory_space<semaphore_mem>>, %arg19: memref<!tpu.dma_semaphore, #tpu.memory_space<semaphore_mem>>) attributes {dimension_semantics = [#tpu.dimension_semantics<core_parallel>, #tpu.dimension_semantics<subcore_parallel>], iteration_bounds = array<i64: 2, 16>, scalar_prefetch = 0 : i64, scratch_operands = 12 : i64, tpu.core_type = #tpu.core_type<sc_vector_subcore>, window_params = [{transform_indices = #map}, {transform_indices = #map}, {transform_indices = #map1}, {transform_indices = #map1}, {transform_indices = #map1}, {transform_indices = #map1}]} {
    %mul3A = arith.constant 2 : i32
    %mul3A_0 = arith.muli %arg1, %mul3A : i32
    %add3A = arith.addi %mul3A_0, %arg0 : i32
    %mul3A_1 = arith.constant 10000 : i32
    %mul3A_2 = arith.muli %add3A, %mul3A_1 : i32
    "tpu.region"() ({
      %run_scoped3A = tpu.sem_alloc : memref<!tpu.dma_semaphore, #tpu.memory_space<semaphore_mem>>
      tpu.enqueue_dma source(%arg6 : memref<128xf32, #tpu.memory_space<hbm>>) target(%arg14 : memref<128xf32, #tpu.memory_space<vmem>>) target_semaphore(%run_scoped3A : memref<!tpu.dma_semaphore, #tpu.memory_space<semaphore_mem>>)
      tpu.wait_dma2 semaphore(%run_scoped3A : memref<!tpu.dma_semaphore, #tpu.memory_space<semaphore_mem>>) src(%arg6 : memref<128xf32, #tpu.memory_space<hbm>>) dst(%arg14 : memref<128xf32, #tpu.memory_space<vmem>>)
      tpu.yield
    }) : () -> ()
    %get3A = arith.constant 0 : index
    %get3A_3 = tpu.vector_load %arg14[%get3A] {strides = array<i32>} : memref<128xf32, #tpu.memory_space<vmem>>, vector<16xf32>,
    %get3A_4 = vector.shape_cast %get3A_3 : vector<16xf32> to vector<16xf32>
    %mul3A_5 = arith.constant -2.000000e+00 : f32
    %mul3A_6 = vector.broadcast %mul3A_5 : f32 to vector<16xf32>
    %mul3A_7 = arith.mulf %get3A_4, %mul3A_6 : vector<16xf32>
    %swap3A = arith.constant 0 : index
    %swap3A_8 = tpu.vector_load %arg14[%swap3A] {strides = array<i32>} : memref<128xf32, #tpu.memory_space<vmem>>, vector<16xf32>,
    %swap3A_9 = vector.shape_cast %swap3A_8 : vector<16xf32> to vector<16xf32>
    %swap3A_10 = vector.shape_cast %mul3A_7 : vector<16xf32> to vector<16xf32>
    tpu.vector_store %arg14[%swap3A], %swap3A_10 {strides = array<i32>} : memref<128xf32, #tpu.memory_space<vmem>>, vector<16xf32>,
    %get3A_11 = arith.constant 16 : index
    %get3A_12 = tpu.vector_load %arg14[%get3A_11] {strides = array<i32>} : memref<128xf32, #tpu.memory_space<vmem>>, vector<16xf32>,
    %get3A_13 = vector.shape_cast %get3A_12 : vector<16xf32> to vector<16xf32>
    %mul3A_14 = arith.constant -2.000000e+00 : f32
    %mul3A_15 = vector.broadcast %mul3A_14 : f32 to vector<16xf32>
    %mul3A_16 = arith.mulf %get3A_13, %mul3A_15 : vector<16xf32>
    %swap3A_17 = arith.constant 16 : index
    %swap3A_18 = tpu.vector_load %arg14[%swap3A_17] {strides = array<i32>} : memref<128xf32, #tpu.memory_space<vmem>>, vector<16xf32>,
    %swap3A_19 = vector.shape_cast %swap3A_18 : vector<16xf32> to vector<16xf32>
    %swap3A_20 = vector.shape_cast %mul3A_16 : vector<16xf32> to vector<16xf32>
    tpu.vector_store %arg14[%swap3A_17], %swap3A_20 {strides = array<i32>} : memref<128xf32, #tpu.memory_space<vmem>>, vector<16xf32>,
    %get3A_21 = arith.constant 32 : index
    %get3A_22 = tpu.vector_load %arg14[%get3A_21] {strides = array<i32>} : memref<128xf32, #tpu.memory_space<vmem>>, vector<16xf32>,
    %get3A_23 = vector.shape_cast %get3A_22 : vector<16xf32> to vector<16xf32>
    %mul3A_24 = arith.constant -2.000000e+00 : f32
    %mul3A_25 = vector.broadcast %mul3A_24 : f32 to vector<16xf32>
    %mul3A_26 = arith.mulf %get3A_23, %mul3A_25 : vector<16xf32>
    %swap3A_27 = arith.constant 32 : index
    %swap3A_28 = tpu.vector_load %arg14[%swap3A_27] {strides = array<i32>} : memref<128xf32, #tpu.memory_space<vmem>>, vector<16xf32>,
    %swap3A_29 = vector.shape_cast %swap3A_28 : vector<16xf32> to vector<16xf32>
    %swap3A_30 = vector.shape_cast %mul3A_26 : vector<16xf32> to vector<16xf32>
    tpu.vector_store %arg14[%swap3A_27], %swap3A_30 {strides = array<i32>} : memref<128xf32, #tpu.memory_space<vmem>>, vector<16xf32>,
    %get3A_31 = arith.constant 48 : index
    %get3A_32 = tpu.vector_load %arg14[%get3A_31] {strides = array<i32>} : memref<128xf32, #tpu.memory_space<vmem>>, vector<16xf32>,
    %get3A_33 = vector.shape_cast %get3A_32 : vector<16xf32> to vector<16xf32>
    %mul3A_34 = arith.constant -2.000000e+00 : f32
    %mul3A_35 = vector.broadcast %mul3A_34 : f32 to vector<16xf32>
    %mul3A_36 = arith.mulf %get3A_33, %mul3A_35 : vector<16xf32>
    %swap3A_37 = arith.constant 48 : index
    %swap3A_38 = tpu.vector_load %arg14[%swap3A_37] {strides = array<i32>} : memref<128xf32, #tpu.memory_space<vmem>>, vector<16xf32>,
    %swap3A_39 = vector.shape_cast %swap3A_38 : vector<16xf32> to vector<16xf32>
    %swap3A_40 = vector.shape_cast %mul3A_36 : vector<16xf32> to vector<16xf32>
    tpu.vector_store %arg14[%swap3A_37], %swap3A_40 {strides = array<i32>} : memref<128xf32, #tpu.memory_space<vmem>>, vector<16xf32>,
    %get3A_41 = arith.constant 64 : index
    %get3A_42 = tpu.vector_load %arg14[%get3A_41] {strides = array<i32>} : memref<128xf32, #tpu.memory_space<vmem>>, vector<16xf32>,
    %get3A_43 = vector.shape_cast %get3A_42 : vector<16xf32> to vector<16xf32>
    %mul3A_44 = arith.constant -2.000000e+00 : f32
    %mul3A_45 = vector.broadcast %mul3A_44 : f32 to vector<16xf32>
    %mul3A_46 = arith.mulf %get3A_43, %mul3A_45 : vector<16xf32>
    %swap3A_47 = arith.constant 64 : index
    %swap3A_48 = tpu.vector_load %arg14[%swap3A_47] {strides = array<i32>} : memref<128xf32, #tpu.memory_space<vmem>>, vector<16xf32>,
    %swap3A_49 = vector.shape_cast %swap3A_48 : vector<16xf32> to vector<16xf32>
    %swap3A_50 = vector.shape_cast %mul3A_46 : vector<16xf32> to vector<16xf32>
    tpu.vector_store %arg14[%swap3A_47], %swap3A_50 {strides = array<i32>} : memref<128xf32, #tpu.memory_space<vmem>>, vector<16xf32>,
    %get3A_51 = arith.constant 80 : index
    %get3A_52 = tpu.vector_load %arg14[%get3A_51] {strides = array<i32>} : memref<128xf32, #tpu.memory_space<vmem>>, vector<16xf32>,
    %get3A_53 = vector.shape_cast %get3A_52 : vector<16xf32> to vector<16xf32>
    %mul3A_54 = arith.constant -2.000000e+00 : f32
    %mul3A_55 = vector.broadcast %mul3A_54 : f32 to vector<16xf32>
    %mul3A_56 = arith.mulf %get3A_53, %mul3A_55 : vector<16xf32>
    %swap3A_57 = arith.constant 80 : index
    %swap3A_58 = tpu.vector_load %arg14[%swap3A_57] {strides = array<i32>} : memref<128xf32, #tpu.memory_space<vmem>>, vector<16xf32>,
    %swap3A_59 = vector.shape_cast %swap3A_58 : vector<16xf32> to vector<16xf32>
    %swap3A_60 = vector.shape_cast %mul3A_56 : vector<16xf32> to vector<16xf32>
    tpu.vector_store %arg14[%swap3A_57], %swap3A_60 {strides = array<i32>} : memref<128xf32, #tpu.memory_space<vmem>>, vector<16xf32>,
    %get3A_61 = arith.constant 96 : index
    %get3A_62 = tpu.vector_load %arg14[%get3A_61] {strides = array<i32>} : memref<128xf32, #tpu.memory_space<vmem>>, vector<16xf32>,
    %get3A_63 = vector.shape_cast %get3A_62 : vector<16xf32> to vector<16xf32>
    %mul3A_64 = arith.constant -2.000000e+00 : f32
    %mul3A_65 = vector.broadcast %mul3A_64 : f32 to vector<16xf32>
    %mul3A_66 = arith.mulf %get3A_63, %mul3A_65 : vector<16xf32>
    %swap3A_67 = arith.constant 96 : index
    %swap3A_68 = tpu.vector_load %arg14[%swap3A_67] {strides = array<i32>} : memref<128xf32, #tpu.memory_space<vmem>>, vector<16xf32>,
    %swap3A_69 = vector.shape_cast %swap3A_68 : vector<16xf32> to vector<16xf32>
    %swap3A_70 = vector.shape_cast %mul3A_66 : vector<16xf32> to vector<16xf32>
    tpu.vector_store %arg14[%swap3A_67], %swap3A_70 {strides = array<i32>} : memref<128xf32, #tpu.memory_space<vmem>>, vector<16xf32>,
    %get3A_71 = arith.constant 112 : index
    %get3A_72 = tpu.vector_load %arg14[%get3A_71] {strides = array<i32>} : memref<128xf32, #tpu.memory_space<vmem>>, vector<16xf32>,
    %get3A_73 = vector.shape_cast %get3A_72 : vector<16xf32> to vector<16xf32>
    %mul3A_74 = arith.constant -2.000000e+00 : f32
    %mul3A_75 = vector.broadcast %mul3A_74 : f32 to vector<16xf32>
    %mul3A_76 = arith.mulf %get3A_73, %mul3A_75 : vector<16xf32>
    %swap3A_77 = arith.constant 112 : index
    %swap3A_78 = tpu.vector_load %arg14[%swap3A_77] {strides = array<i32>} : memref<128xf32, #tpu.memory_space<vmem>>, vector<16xf32>,
    %swap3A_79 = vector.shape_cast %swap3A_78 : vector<16xf32> to vector<16xf32>
    %swap3A_80 = vector.shape_cast %mul3A_76 : vector<16xf32> to vector<16xf32>
    tpu.vector_store %arg14[%swap3A_77], %swap3A_80 {strides = array<i32>} : memref<128xf32, #tpu.memory_space<vmem>>, vector<16xf32>,
    "tpu.region"() ({
      %run_scoped3A = tpu.sem_alloc : memref<!tpu.dma_semaphore, #tpu.memory_space<semaphore_mem>>
      %dma_start3A_135 = tpu.memref_slice %arg4[%mul3A_2] : memref<320000xi32, #tpu.memory_space<hbm>> -> memref<10000xi32, #tpu.memory_space<hbm>>
      %dma_start3A_136 = tpu.memref_slice %arg4[%mul3A_2] : memref<320000xi32, #tpu.memory_space<hbm>> -> memref<10000xi32, #tpu.memory_space<hbm>>
      tpu.enqueue_dma source(%dma_start3A_136 : memref<10000xi32, #tpu.memory_space<hbm>>) target(%arg8 : memref<10000xi32, #tpu.memory_space<vmem>>) target_semaphore(%run_scoped3A : memref<!tpu.dma_semaphore, #tpu.memory_space<semaphore_mem>>)
      %dma_wait3A_137 = tpu.memref_slice %arg4[%mul3A_2] : memref<320000xi32, #tpu.memory_space<hbm>> -> memref<10000xi32, #tpu.memory_space<hbm>>
      %dma_wait3A_138 = tpu.memref_slice %arg4[%mul3A_2] : memref<320000xi32, #tpu.memory_space<hbm>> -> memref<10000xi32, #tpu.memory_space<hbm>>
      tpu.wait_dma2 semaphore(%run_scoped3A : memref<!tpu.dma_semaphore, #tpu.memory_space<semaphore_mem>>) src(%dma_wait3A_138 : memref<10000xi32, #tpu.memory_space<hbm>>) dst(%arg8 : memref<10000xi32, #tpu.memory_space<vmem>>)
      tpu.yield
    }) : () -> ()
    "tpu.region"() ({
      %run_scoped3A = tpu.sem_alloc : memref<!tpu.dma_semaphore, #tpu.memory_space<semaphore_mem>>
      %dma_start3A_135 = tpu.memref_slice %arg5[%mul3A_2] : memref<320000xi32, #tpu.memory_space<hbm>> -> memref<10000xi32, #tpu.memory_space<hbm>>
      %dma_start3A_136 = tpu.memref_slice %arg5[%mul3A_2] : memref<320000xi32, #tpu.memory_space<hbm>> -> memref<10000xi32, #tpu.memory_space<hbm>>
      tpu.enqueue_dma source(%dma_start3A_136 : memref<10000xi32, #tpu.memory_space<hbm>>) target(%arg9 : memref<10000xi32, #tpu.memory_space<vmem>>) target_semaphore(%run_scoped3A : memref<!tpu.dma_semaphore, #tpu.memory_space<semaphore_mem>>)
      %dma_wait3A_137 = tpu.memref_slice %arg5[%mul3A_2] : memref<320000xi32, #tpu.memory_space<hbm>> -> memref<10000xi32, #tpu.memory_space<hbm>>
      %dma_wait3A_138 = tpu.memref_slice %arg5[%mul3A_2] : memref<320000xi32, #tpu.memory_space<hbm>> -> memref<10000xi32, #tpu.memory_space<hbm>>
      tpu.wait_dma2 semaphore(%run_scoped3A : memref<!tpu.dma_semaphore, #tpu.memory_space<semaphore_mem>>) src(%dma_wait3A_138 : memref<10000xi32, #tpu.memory_space<hbm>>) dst(%arg9 : memref<10000xi32, #tpu.memory_space<vmem>>)
      tpu.yield
    }) : () -> ()
    %dma_start3A = arith.constant 0 : i32
    %dma_start3A_81 = tpu.memref_slice %arg8[%dma_start3A] : memref<10000xi32, #tpu.memory_space<vmem>> -> memref<80xi32, #tpu.memory_space<vmem>>
    %dma_start3A_82 = arith.constant 0 : i32
    %dma_start3A_83 = arith.constant 0 : i32
    %dma_start3A_84 = tpu.memref_slice %arg2[%dma_start3A_82, %dma_start3A_83] : memref<10000x128xf32, #tpu.memory_space<hbm>> -> memref<10000x128xf32, #tpu.memory_space<hbm>>
    tpu.enqueue_indirect_dma source(%dma_start3A_84 : memref<10000x128xf32, #tpu.memory_space<hbm>>) target(%arg10 : memref<80x128xf32, #tpu.memory_space<vmem>>) offsets(%dma_start3A_81 : memref<80xi32, #tpu.memory_space<vmem>>) semaphore(%arg16 : memref<!tpu.dma_semaphore, #tpu.memory_space<semaphore_mem>>)
    %dma_start3A_85 = arith.constant 0 : i32
    %dma_start3A_86 = tpu.memref_slice %arg9[%dma_start3A_85] : memref<10000xi32, #tpu.memory_space<vmem>> -> memref<80xi32, #tpu.memory_space<vmem>>
    %dma_start3A_87 = arith.constant 0 : i32
    %dma_start3A_88 = arith.constant 0 : i32
    %dma_start3A_89 = tpu.memref_slice %arg3[%dma_start3A_87, %dma_start3A_88] : memref<10000x128xf32, #tpu.memory_space<hbm>> -> memref<10000x128xf32, #tpu.memory_space<hbm>>
    tpu.enqueue_indirect_dma source(%dma_start3A_89 : memref<10000x128xf32, #tpu.memory_space<hbm>>) target(%arg12 : memref<80x128xf32, #tpu.memory_space<vmem>>) offsets(%dma_start3A_86 : memref<80xi32, #tpu.memory_space<vmem>>) semaphore(%arg17 : memref<!tpu.dma_semaphore, #tpu.memory_space<semaphore_mem>>)
    %scan3A = arith.constant 0 : i32
    %scan3A_90 = arith.constant 0 : i32
    %scan3A_91 = arith.constant 62 : i32
    %scan3A_92 = arith.addi %scan3A_90, %scan3A_91 : i32
    %scan3A_93 = arith.constant 1 : i32
    scf.for %scan3A_135 = %scan3A_90 to %scan3A_92 step %scan3A_93  : i32 {
      %mul3A_136 = arith.constant 2 : i32
      %mul3A_137 = arith.muli %scan3A_135, %mul3A_136 : i32
      %add3A_138 = arith.constant 1 : i32
      %add3A_139 = arith.addi %mul3A_137, %add3A_138 : i32
      %mul3A_140 = arith.constant 80 : i32
      %mul3A_141 = arith.muli %add3A_139, %mul3A_140 : i32
      %dma_start3A_142 = tpu.memref_slice %arg8[%mul3A_141] : memref<10000xi32, #tpu.memory_space<vmem>> -> memref<80xi32, #tpu.memory_space<vmem>>
      %dma_start3A_143 = arith.constant 0 : i32
      %dma_start3A_144 = arith.constant 0 : i32
      %dma_start3A_145 = tpu.memref_slice %arg2[%dma_start3A_143, %dma_start3A_144] : memref<10000x128xf32, #tpu.memory_space<hbm>> -> memref<10000x128xf32, #tpu.memory_space<hbm>>
      tpu.enqueue_indirect_dma source(%dma_start3A_145 : memref<10000x128xf32, #tpu.memory_space<hbm>>) target(%arg11 : memref<80x128xf32, #tpu.memory_space<vmem>>) offsets(%dma_start3A_142 : memref<80xi32, #tpu.memory_space<vmem>>) semaphore(%arg18 : memref<!tpu.dma_semaphore, #tpu.memory_space<semaphore_mem>>)
      %dma_start3A_146 = tpu.memref_slice %arg9[%mul3A_141] : memref<10000xi32, #tpu.memory_space<vmem>> -> memref<80xi32, #tpu.memory_space<vmem>>
      %dma_start3A_147 = arith.constant 0 : i32
      %dma_start3A_148 = arith.constant 0 : i32
      %dma_start3A_149 = tpu.memref_slice %arg3[%dma_start3A_147, %dma_start3A_148] : memref<10000x128xf32, #tpu.memory_space<hbm>> -> memref<10000x128xf32, #tpu.memory_space<hbm>>
      tpu.enqueue_indirect_dma source(%dma_start3A_149 : memref<10000x128xf32, #tpu.memory_space<hbm>>) target(%arg13 : memref<80x128xf32, #tpu.memory_space<vmem>>) offsets(%dma_start3A_146 : memref<80xi32, #tpu.memory_space<vmem>>) semaphore(%arg19 : memref<!tpu.dma_semaphore, #tpu.memory_space<semaphore_mem>>)
      %mul3A_150 = arith.constant 80 : i32
      %mul3A_151 = arith.muli %mul3A_137, %mul3A_150 : i32
      %dma_wait3A_152 = tpu.memref_slice %arg8[%mul3A_151] : memref<10000xi32, #tpu.memory_space<vmem>> -> memref<80xi32, #tpu.memory_space<vmem>>
      %dma_wait3A_153 = arith.constant 0 : i32
      %dma_wait3A_154 = arith.constant 0 : i32
      %dma_wait3A_155 = tpu.memref_slice %arg2[%dma_wait3A_153, %dma_wait3A_154] : memref<10000x128xf32, #tpu.memory_space<hbm>> -> memref<10000x128xf32, #tpu.memory_space<hbm>>
      tpu.wait_indirect_dma semaphore(%arg16 : memref<!tpu.dma_semaphore, #tpu.memory_space<semaphore_mem>>) src(%dma_wait3A_155 : memref<10000x128xf32, #tpu.memory_space<hbm>>) dst(%arg10 : memref<80x128xf32, #tpu.memory_space<vmem>>)
      %dma_wait3A_156 = tpu.memref_slice %arg9[%mul3A_151] : memref<10000xi32, #tpu.memory_space<vmem>> -> memref<80xi32, #tpu.memory_space<vmem>>
      %dma_wait3A_157 = arith.constant 0 : i32
      %dma_wait3A_158 = arith.constant 0 : i32
      %dma_wait3A_159 = tpu.memref_slice %arg3[%dma_wait3A_157, %dma_wait3A_158] : memref<10000x128xf32, #tpu.memory_space<hbm>> -> memref<10000x128xf32, #tpu.memory_space<hbm>>
      tpu.wait_indirect_dma semaphore(%arg17 : memref<!tpu.dma_semaphore, #tpu.memory_space<semaphore_mem>>) src(%dma_wait3A_159 : memref<10000x128xf32, #tpu.memory_space<hbm>>) dst(%arg12 : memref<80x128xf32, #tpu.memory_space<vmem>>)
      %get3A_160 = arith.constant 0 : index
      %get3A_161 = tpu.vector_load %arg14[%get3A_160] {strides = array<i32>} : memref<128xf32, #tpu.memory_space<vmem>>, vector<16xf32>,
      %get3A_162 = vector.shape_cast %get3A_161 : vector<16xf32> to vector<16xf32>
      %get3A_163 = arith.constant 16 : index
      %get3A_164 = tpu.vector_load %arg14[%get3A_163] {strides = array<i32>} : memref<128xf32, #tpu.memory_space<vmem>>, vector<16xf32>,
      %get3A_165 = vector.shape_cast %get3A_164 : vector<16xf32> to vector<16xf32>
      %get3A_166 = arith.constant 32 : index
      %get3A_167 = tpu.vector_load %arg14[%get3A_166] {strides = array<i32>} : memref<128xf32, #tpu.memory_space<vmem>>, vector<16xf32>,
      %get3A_168 = vector.shape_cast %get3A_167 : vector<16xf32> to vector<16xf32>
      %get3A_169 = arith.constant 48 : index
      %get3A_170 = tpu.vector_load %arg14[%get3A_169] {strides = array<i32>} : memref<128xf32, #tpu.memory_space<vmem>>, vector<16xf32>,
      %get3A_171 = vector.shape_cast %get3A_170 : vector<16xf32> to vector<16xf32>
      %get3A_172 = arith.constant 64 : index
      %get3A_173 = tpu.vector_load %arg14[%get3A_172] {strides = array<i32>} : memref<128xf32, #tpu.memory_space<vmem>>, vector<16xf32>,
      %get3A_174 = vector.shape_cast %get3A_173 : vector<16xf32> to vector<16xf32>
      %get3A_175 = arith.constant 80 : index
      %get3A_176 = tpu.vector_load %arg14[%get3A_175] {strides = array<i32>} : memref<128xf32, #tpu.memory_space<vmem>>, vector<16xf32>,
      %get3A_177 = vector.shape_cast %get3A_176 : vector<16xf32> to vector<16xf32>
      %get3A_178 = arith.constant 96 : index
      %get3A_179 = tpu.vector_load %arg14[%get3A_178] {strides = array<i32>} : memref<128xf32, #tpu.memory_space<vmem>>, vector<16xf32>,
      %get3A_180 = vector.shape_cast %get3A_179 : vector<16xf32> to vector<16xf32>
      %get3A_181 = arith.constant 112 : index
      %get3A_182 = tpu.vector_load %arg14[%get3A_181] {strides = array<i32>} : memref<128xf32, #tpu.memory_space<vmem>>, vector<16xf32>,
      %get3A_183 = vector.shape_cast %get3A_182 : vector<16xf32> to vector<16xf32>
      %parallel_loop3A_184 = arith.constant 0 : i32
      %parallel_loop3A_185 = arith.constant 80 : i32
      %parallel_loop3A_186 = arith.constant 1 : i32
      %parallel_loop3A_187:8 = scf.for %parallel_loop3A_252 = %parallel_loop3A_184 to %parallel_loop3A_185 step %parallel_loop3A_186 iter_args(%parallel_loop3A_253 = %get3A_162, %parallel_loop3A_254 = %get3A_165, %parallel_loop3A_255 = %get3A_168, %parallel_loop3A_256 = %get3A_171, %parallel_loop3A_257 = %get3A_174, %parallel_loop3A_258 = %get3A_177, %parallel_loop3A_259 = %get3A_180, %parallel_loop3A_260 = %get3A_183) -> (vector<16xf32>, vector<16xf32>, vector<16xf32>, vector<16xf32>, vector<16xf32>, vector<16xf32>, vector<16xf32>, vector<16xf32>)  : i32 {
        %parallel_loop3A_261 = arith.constant 0.000000e+00 : f32
        %parallel_loop3A_262 = vector.broadcast %parallel_loop3A_261 : f32 to vector<16xf32>
        %parallel_loop3A_263 = arith.index_cast %parallel_loop3A_252 : i32 to index
        %parallel_loop3A_264 = arith.constant 0 : index
        %parallel_loop3A_265 = tpu.vector_load %arg10[%parallel_loop3A_263, %parallel_loop3A_264] {strides = array<i32>} : memref<80x128xf32, #tpu.memory_space<vmem>>, vector<1x16xf32>,
        %parallel_loop3A_266 = vector.shape_cast %parallel_loop3A_265 : vector<1x16xf32> to vector<16xf32>
        %parallel_loop3A_267 = arith.index_cast %parallel_loop3A_252 : i32 to index
        %parallel_loop3A_268 = arith.constant 0 : index
        %parallel_loop3A_269 = tpu.vector_load %arg12[%parallel_loop3A_267, %parallel_loop3A_268] {strides = array<i32>} : memref<80x128xf32, #tpu.memory_space<vmem>>, vector<1x16xf32>,
        %parallel_loop3A_270 = vector.shape_cast %parallel_loop3A_269 : vector<1x16xf32> to vector<16xf32>
        %parallel_loop3A_271 = arith.addf %parallel_loop3A_266, %parallel_loop3A_270 : vector<16xf32>
        %parallel_loop3A_272 = math.exp %parallel_loop3A_271 : vector<16xf32>
        %parallel_loop3A_273 = arith.constant 1.000000e+00 : f32
        %parallel_loop3A_274 = vector.broadcast %parallel_loop3A_273 : f32 to vector<16xf32>
        %parallel_loop3A_275 = arith.addf %parallel_loop3A_272, %parallel_loop3A_274 : vector<16xf32>
        %parallel_loop3A_276 = arith.divf %parallel_loop3A_253, %parallel_loop3A_275 : vector<16xf32>
        %parallel_loop3A_277 = arith.addf %parallel_loop3A_262, %parallel_loop3A_276 : vector<16xf32>
        %parallel_loop3A_278 = arith.index_cast %parallel_loop3A_252 : i32 to index
        %parallel_loop3A_279 = arith.constant 16 : index
        %parallel_loop3A_280 = tpu.vector_load %arg10[%parallel_loop3A_278, %parallel_loop3A_279] {strides = array<i32>} : memref<80x128xf32, #tpu.memory_space<vmem>>, vector<1x16xf32>,
        %parallel_loop3A_281 = vector.shape_cast %parallel_loop3A_280 : vector<1x16xf32> to vector<16xf32>
        %parallel_loop3A_282 = arith.index_cast %parallel_loop3A_252 : i32 to index
        %parallel_loop3A_283 = arith.constant 16 : index
        %parallel_loop3A_284 = tpu.vector_load %arg12[%parallel_loop3A_282, %parallel_loop3A_283] {strides = array<i32>} : memref<80x128xf32, #tpu.memory_space<vmem>>, vector<1x16xf32>,
        %parallel_loop3A_285 = vector.shape_cast %parallel_loop3A_284 : vector<1x16xf32> to vector<16xf32>
        %parallel_loop3A_286 = arith.addf %parallel_loop3A_281, %parallel_loop3A_285 : vector<16xf32>
        %parallel_loop3A_287 = math.exp %parallel_loop3A_286 : vector<16xf32>
        %parallel_loop3A_288 = arith.constant 1.000000e+00 : f32
        %parallel_loop3A_289 = vector.broadcast %parallel_loop3A_288 : f32 to vector<16xf32>
        %parallel_loop3A_290 = arith.addf %parallel_loop3A_287, %parallel_loop3A_289 : vector<16xf32>
        %parallel_loop3A_291 = arith.divf %parallel_loop3A_254, %parallel_loop3A_290 : vector<16xf32>
        %parallel_loop3A_292 = arith.addf %parallel_loop3A_277, %parallel_loop3A_291 : vector<16xf32>
        %parallel_loop3A_293 = arith.index_cast %parallel_loop3A_252 : i32 to index
        %parallel_loop3A_294 = arith.constant 32 : index
        %parallel_loop3A_295 = tpu.vector_load %arg10[%parallel_loop3A_293, %parallel_loop3A_294] {strides = array<i32>} : memref<80x128xf32, #tpu.memory_space<vmem>>, vector<1x16xf32>,
        %parallel_loop3A_296 = vector.shape_cast %parallel_loop3A_295 : vector<1x16xf32> to vector<16xf32>
        %parallel_loop3A_297 = arith.index_cast %parallel_loop3A_252 : i32 to index
        %parallel_loop3A_298 = arith.constant 32 : index
        %parallel_loop3A_299 = tpu.vector_load %arg12[%parallel_loop3A_297, %parallel_loop3A_298] {strides = array<i32>} : memref<80x128xf32, #tpu.memory_space<vmem>>, vector<1x16xf32>,
        %parallel_loop3A_300 = vector.shape_cast %parallel_loop3A_299 : vector<1x16xf32> to vector<16xf32>
        %parallel_loop3A_301 = arith.addf %parallel_loop3A_296, %parallel_loop3A_300 : vector<16xf32>
        %parallel_loop3A_302 = math.exp %parallel_loop3A_301 : vector<16xf32>
        %parallel_loop3A_303 = arith.constant 1.000000e+00 : f32
        %parallel_loop3A_304 = vector.broadcast %parallel_loop3A_303 : f32 to vector<16xf32>
        %parallel_loop3A_305 = arith.addf %parallel_loop3A_302, %parallel_loop3A_304 : vector<16xf32>
        %parallel_loop3A_306 = arith.divf %parallel_loop3A_255, %parallel_loop3A_305 : vector<16xf32>
        %parallel_loop3A_307 = arith.addf %parallel_loop3A_292, %parallel_loop3A_306 : vector<16xf32>
        %parallel_loop3A_308 = arith.index_cast %parallel_loop3A_252 : i32 to index
        %parallel_loop3A_309 = arith.constant 48 : index
        %parallel_loop3A_310 = tpu.vector_load %arg10[%parallel_loop3A_308, %parallel_loop3A_309] {strides = array<i32>} : memref<80x128xf32, #tpu.memory_space<vmem>>, vector<1x16xf32>,
        %parallel_loop3A_311 = vector.shape_cast %parallel_loop3A_310 : vector<1x16xf32> to vector<16xf32>
        %parallel_loop3A_312 = arith.index_cast %parallel_loop3A_252 : i32 to index
        %parallel_loop3A_313 = arith.constant 48 : index
        %parallel_loop3A_314 = tpu.vector_load %arg12[%parallel_loop3A_312, %parallel_loop3A_313] {strides = array<i32>} : memref<80x128xf32, #tpu.memory_space<vmem>>, vector<1x16xf32>,
        %parallel_loop3A_315 = vector.shape_cast %parallel_loop3A_314 : vector<1x16xf32> to vector<16xf32>
        %parallel_loop3A_316 = arith.addf %parallel_loop3A_311, %parallel_loop3A_315 : vector<16xf32>
        %parallel_loop3A_317 = math.exp %parallel_loop3A_316 : vector<16xf32>
        %parallel_loop3A_318 = arith.constant 1.000000e+00 : f32
        %parallel_loop3A_319 = vector.broadcast %parallel_loop3A_318 : f32 to vector<16xf32>
        %parallel_loop3A_320 = arith.addf %parallel_loop3A_317, %parallel_loop3A_319 : vector<16xf32>
        %parallel_loop3A_321 = arith.divf %parallel_loop3A_256, %parallel_loop3A_320 : vector<16xf32>
        %parallel_loop3A_322 = arith.addf %parallel_loop3A_307, %parallel_loop3A_321 : vector<16xf32>
        %parallel_loop3A_323 = arith.index_cast %parallel_loop3A_252 : i32 to index
        %parallel_loop3A_324 = arith.constant 64 : index
        %parallel_loop3A_325 = tpu.vector_load %arg10[%parallel_loop3A_323, %parallel_loop3A_324] {strides = array<i32>} : memref<80x128xf32, #tpu.memory_space<vmem>>, vector<1x16xf32>,
        %parallel_loop3A_326 = vector.shape_cast %parallel_loop3A_325 : vector<1x16xf32> to vector<16xf32>
        %parallel_loop3A_327 = arith.index_cast %parallel_loop3A_252 : i32 to index
        %parallel_loop3A_328 = arith.constant 64 : index
        %parallel_loop3A_329 = tpu.vector_load %arg12[%parallel_loop3A_327, %parallel_loop3A_328] {strides = array<i32>} : memref<80x128xf32, #tpu.memory_space<vmem>>, vector<1x16xf32>,
        %parallel_loop3A_330 = vector.shape_cast %parallel_loop3A_329 : vector<1x16xf32> to vector<16xf32>
        %parallel_loop3A_331 = arith.addf %parallel_loop3A_326, %parallel_loop3A_330 : vector<16xf32>
        %parallel_loop3A_332 = math.exp %parallel_loop3A_331 : vector<16xf32>
        %parallel_loop3A_333 = arith.constant 1.000000e+00 : f32
        %parallel_loop3A_334 = vector.broadcast %parallel_loop3A_333 : f32 to vector<16xf32>
        %parallel_loop3A_335 = arith.addf %parallel_loop3A_332, %parallel_loop3A_334 : vector<16xf32>
        %parallel_loop3A_336 = arith.divf %parallel_loop3A_257, %parallel_loop3A_335 : vector<16xf32>
        %parallel_loop3A_337 = arith.addf %parallel_loop3A_322, %parallel_loop3A_336 : vector<16xf32>
        %parallel_loop3A_338 = arith.index_cast %parallel_loop3A_252 : i32 to index
        %parallel_loop3A_339 = arith.constant 80 : index
        %parallel_loop3A_340 = tpu.vector_load %arg10[%parallel_loop3A_338, %parallel_loop3A_339] {strides = array<i32>} : memref<80x128xf32, #tpu.memory_space<vmem>>, vector<1x16xf32>,
        %parallel_loop3A_341 = vector.shape_cast %parallel_loop3A_340 : vector<1x16xf32> to vector<16xf32>
        %parallel_loop3A_342 = arith.index_cast %parallel_loop3A_252 : i32 to index
        %parallel_loop3A_343 = arith.constant 80 : index
        %parallel_loop3A_344 = tpu.vector_load %arg12[%parallel_loop3A_342, %parallel_loop3A_343] {strides = array<i32>} : memref<80x128xf32, #tpu.memory_space<vmem>>, vector<1x16xf32>,
        %parallel_loop3A_345 = vector.shape_cast %parallel_loop3A_344 : vector<1x16xf32> to vector<16xf32>
        %parallel_loop3A_346 = arith.addf %parallel_loop3A_341, %parallel_loop3A_345 : vector<16xf32>
        %parallel_loop3A_347 = math.exp %parallel_loop3A_346 : vector<16xf32>
        %parallel_loop3A_348 = arith.constant 1.000000e+00 : f32
        %parallel_loop3A_349 = vector.broadcast %parallel_loop3A_348 : f32 to vector<16xf32>
        %parallel_loop3A_350 = arith.addf %parallel_loop3A_347, %parallel_loop3A_349 : vector<16xf32>
        %parallel_loop3A_351 = arith.divf %parallel_loop3A_258, %parallel_loop3A_350 : vector<16xf32>
        %parallel_loop3A_352 = arith.addf %parallel_loop3A_337, %parallel_loop3A_351 : vector<16xf32>
        %parallel_loop3A_353 = arith.index_cast %parallel_loop3A_252 : i32 to index
        %parallel_loop3A_354 = arith.constant 96 : index
        %parallel_loop3A_355 = tpu.vector_load %arg10[%parallel_loop3A_353, %parallel_loop3A_354] {strides = array<i32>} : memref<80x128xf32, #tpu.memory_space<vmem>>, vector<1x16xf32>,
        %parallel_loop3A_356 = vector.shape_cast %parallel_loop3A_355 : vector<1x16xf32> to vector<16xf32>
        %parallel_loop3A_357 = arith.index_cast %parallel_loop3A_252 : i32 to index
        %parallel_loop3A_358 = arith.constant 96 : index
        %parallel_loop3A_359 = tpu.vector_load %arg12[%parallel_loop3A_357, %parallel_loop3A_358] {strides = array<i32>} : memref<80x128xf32, #tpu.memory_space<vmem>>, vector<1x16xf32>,
        %parallel_loop3A_360 = vector.shape_cast %parallel_loop3A_359 : vector<1x16xf32> to vector<16xf32>
        %parallel_loop3A_361 = arith.addf %parallel_loop3A_356, %parallel_loop3A_360 : vector<16xf32>
        %parallel_loop3A_362 = math.exp %parallel_loop3A_361 : vector<16xf32>
        %parallel_loop3A_363 = arith.constant 1.000000e+00 : f32
        %parallel_loop3A_364 = vector.broadcast %parallel_loop3A_363 : f32 to vector<16xf32>
        %parallel_loop3A_365 = arith.addf %parallel_loop3A_362, %parallel_loop3A_364 : vector<16xf32>
        %parallel_loop3A_366 = arith.divf %parallel_loop3A_259, %parallel_loop3A_365 : vector<16xf32>
        %parallel_loop3A_367 = arith.addf %parallel_loop3A_352, %parallel_loop3A_366 : vector<16xf32>
        %parallel_loop3A_368 = arith.index_cast %parallel_loop3A_252 : i32 to index
        %parallel_loop3A_369 = arith.constant 112 : index
        %parallel_loop3A_370 = tpu.vector_load %arg10[%parallel_loop3A_368, %parallel_loop3A_369] {strides = array<i32>} : memref<80x128xf32, #tpu.memory_space<vmem>>, vector<1x16xf32>,
        %parallel_loop3A_371 = vector.shape_cast %parallel_loop3A_370 : vector<1x16xf32> to vector<16xf32>
        %parallel_loop3A_372 = arith.index_cast %parallel_loop3A_252 : i32 to index
        %parallel_loop3A_373 = arith.constant 112 : index
        %parallel_loop3A_374 = tpu.vector_load %arg12[%parallel_loop3A_372, %parallel_loop3A_373] {strides = array<i32>} : memref<80x128xf32, #tpu.memory_space<vmem>>, vector<1x16xf32>,
        %parallel_loop3A_375 = vector.shape_cast %parallel_loop3A_374 : vector<1x16xf32> to vector<16xf32>
        %parallel_loop3A_376 = arith.addf %parallel_loop3A_371, %parallel_loop3A_375 : vector<16xf32>
        %parallel_loop3A_377 = math.exp %parallel_loop3A_376 : vector<16xf32>
        %parallel_loop3A_378 = arith.constant 1.000000e+00 : f32
        %parallel_loop3A_379 = vector.broadcast %parallel_loop3A_378 : f32 to vector<16xf32>
        %parallel_loop3A_380 = arith.addf %parallel_loop3A_377, %parallel_loop3A_379 : vector<16xf32>
        %parallel_loop3A_381 = arith.divf %parallel_loop3A_260, %parallel_loop3A_380 : vector<16xf32>
        %parallel_loop3A_382 = arith.addf %parallel_loop3A_367, %parallel_loop3A_381 : vector<16xf32>
        %parallel_loop3A_383 = arith.constant 16 : i32
        %parallel_loop3A_384 = arith.muli %parallel_loop3A_252, %parallel_loop3A_383 : i32
        %parallel_loop3A_385 = arith.index_cast %parallel_loop3A_384 : i32 to index
        %parallel_loop3A_386 = tpu.vector_load %arg15[%parallel_loop3A_385] {strides = array<i32>} : memref<1280xf32, #tpu.memory_space<vmem>>, vector<16xf32>,
        %parallel_loop3A_387 = vector.shape_cast %parallel_loop3A_386 : vector<16xf32> to vector<16xf32>
        %parallel_loop3A_388 = vector.shape_cast %parallel_loop3A_382 : vector<16xf32> to vector<16xf32>
        tpu.vector_store %arg15[%parallel_loop3A_385], %parallel_loop3A_388 {strides = array<i32>} : memref<1280xf32, #tpu.memory_space<vmem>>, vector<16xf32>,
        scf.yield %parallel_loop3A_253, %parallel_loop3A_254, %parallel_loop3A_255, %parallel_loop3A_256, %parallel_loop3A_257, %parallel_loop3A_258, %parallel_loop3A_259, %parallel_loop3A_260 : vector<16xf32>, vector<16xf32>, vector<16xf32>, vector<16xf32>, vector<16xf32>, vector<16xf32>, vector<16xf32>, vector<16xf32>
      } {sc.loop_unroll_factor = 4 : i64, sc.parallel_access}
      %mul3A_188 = arith.constant 80 : i32
      %mul3A_189 = arith.muli %mul3A_137, %mul3A_188 : i32
      %add3A_190 = arith.addi %mul3A_2, %mul3A_189 : i32
      %mul3A_191 = arith.constant 16 : i32
      %mul3A_192 = arith.muli %add3A_190, %mul3A_191 : i32
      "tpu.region"() ({
        %run_scoped3A = tpu.sem_alloc : memref<!tpu.dma_semaphore, #tpu.memory_space<semaphore_mem>>
        %dma_start3A_252 = tpu.memref_slice %arg7[%mul3A_192] : memref<5120000xf32, #tpu.memory_space<hbm>> -> memref<1280xf32, #tpu.memory_space<hbm>>
        %dma_start3A_253 = tpu.memref_slice %arg7[%mul3A_192] : memref<5120000xf32, #tpu.memory_space<hbm>> -> memref<1280xf32, #tpu.memory_space<hbm>>
        tpu.enqueue_dma source(%arg15 : memref<1280xf32, #tpu.memory_space<vmem>>) target(%dma_start3A_253 : memref<1280xf32, #tpu.memory_space<hbm>>) target_semaphore(%run_scoped3A : memref<!tpu.dma_semaphore, #tpu.memory_space<semaphore_mem>>)
        %dma_wait3A_254 = tpu.memref_slice %arg7[%mul3A_192] : memref<5120000xf32, #tpu.memory_space<hbm>> -> memref<1280xf32, #tpu.memory_space<hbm>>
        %dma_wait3A_255 = tpu.memref_slice %arg7[%mul3A_192] : memref<5120000xf32, #tpu.memory_space<hbm>> -> memref<1280xf32, #tpu.memory_space<hbm>>
        tpu.wait_dma2 semaphore(%run_scoped3A : memref<!tpu.dma_semaphore, #tpu.memory_space<semaphore_mem>>) src(%arg15 : memref<1280xf32, #tpu.memory_space<vmem>>) dst(%dma_wait3A_255 : memref<1280xf32, #tpu.memory_space<hbm>>)
        tpu.yield
      }) : () -> ()
      %add3A_193 = arith.constant 2 : i32
      %add3A_194 = arith.addi %mul3A_137, %add3A_193 : i32
      %mul3A_195 = arith.constant 80 : i32
      %mul3A_196 = arith.muli %add3A_194, %mul3A_195 : i32
      %dma_start3A_197 = tpu.memref_slice %arg8[%mul3A_196] : memref<10000xi32, #tpu.memory_space<vmem>> -> memref<80xi32, #tpu.memory_space<vmem>>
      %dma_start3A_198 = arith.constant 0 : i32
      %dma_start3A_199 = arith.constant 0 : i32
      %dma_start3A_200 = tpu.memref_slice %arg2[%dma_start3A_198, %dma_start3A_199] : memref<10000x128xf32, #tpu.memory_space<hbm>> -> memref<10000x128xf32, #tpu.memory_space<hbm>>
      tpu.enqueue_indirect_dma source(%dma_start3A_200 : memref<10000x128xf32, #tpu.memory_space<hbm>>) target(%arg10 : memref<80x128xf32, #tpu.memory_space<vmem>>) offsets(%dma_start3A_197 : memref<80xi32, #tpu.memory_space<vmem>>) semaphore(%arg16 : memref<!tpu.dma_semaphore, #tpu.memory_space<semaphore_mem>>)
      %dma_start3A_201 = tpu.memref_slice %arg9[%mul3A_196] : memref<10000xi32, #tpu.memory_space<vmem>> -> memref<80xi32, #tpu.memory_space<vmem>>
      %dma_start3A_202 = arith.constant 0 : i32
      %dma_start3A_203 = arith.constant 0 : i32
      %dma_start3A_204 = tpu.memref_slice %arg3[%dma_start3A_202, %dma_start3A_203] : memref<10000x128xf32, #tpu.memory_space<hbm>> -> memref<10000x128xf32, #tpu.memory_space<hbm>>
      tpu.enqueue_indirect_dma source(%dma_start3A_204 : memref<10000x128xf32, #tpu.memory_space<hbm>>) target(%arg12 : memref<80x128xf32, #tpu.memory_space<vmem>>) offsets(%dma_start3A_201 : memref<80xi32, #tpu.memory_space<vmem>>) semaphore(%arg17 : memref<!tpu.dma_semaphore, #tpu.memory_space<semaphore_mem>>)
      %add3A_205 = arith.constant 1 : i32
      %add3A_206 = arith.addi %mul3A_137, %add3A_205 : i32
      %mul3A_207 = arith.constant 80 : i32
      %mul3A_208 = arith.muli %add3A_206, %mul3A_207 : i32
      %dma_wait3A_209 = tpu.memref_slice %arg8[%mul3A_208] : memref<10000xi32, #tpu.memory_space<vmem>> -> memref<80xi32, #tpu.memory_space<vmem>>
      %dma_wait3A_210 = arith.constant 0 : i32
      %dma_wait3A_211 = arith.constant 0 : i32
      %dma_wait3A_212 = tpu.memref_slice %arg2[%dma_wait3A_210, %dma_wait3A_211] : memref<10000x128xf32, #tpu.memory_space<hbm>> -> memref<10000x128xf32, #tpu.memory_space<hbm>>
      tpu.wait_indirect_dma semaphore(%arg18 : memref<!tpu.dma_semaphore, #tpu.memory_space<semaphore_mem>>) src(%dma_wait3A_212 : memref<10000x128xf32, #tpu.memory_space<hbm>>) dst(%arg11 : memref<80x128xf32, #tpu.memory_space<vmem>>)
      %dma_wait3A_213 = tpu.memref_slice %arg9[%mul3A_208] : memref<10000xi32, #tpu.memory_space<vmem>> -> memref<80xi32, #tpu.memory_space<vmem>>
      %dma_wait3A_214 = arith.constant 0 : i32
      %dma_wait3A_215 = arith.constant 0 : i32
      %dma_wait3A_216 = tpu.memref_slice %arg3[%dma_wait3A_214, %dma_wait3A_215] : memref<10000x128xf32, #tpu.memory_space<hbm>> -> memref<10000x128xf32, #tpu.memory_space<hbm>>
      tpu.wait_indirect_dma semaphore(%arg19 : memref<!tpu.dma_semaphore, #tpu.memory_space<semaphore_mem>>) src(%dma_wait3A_216 : memref<10000x128xf32, #tpu.memory_space<hbm>>) dst(%arg13 : memref<80x128xf32, #tpu.memory_space<vmem>>)
      %add3A_217 = arith.constant 1 : i32
      %add3A_218 = arith.addi %mul3A_137, %add3A_217 : i32
      %get3A_219 = arith.constant 0 : index
      %get3A_220 = tpu.vector_load %arg14[%get3A_219] {strides = array<i32>} : memref<128xf32, #tpu.memory_space<vmem>>, vector<16xf32>,
      %get3A_221 = vector.shape_cast %get3A_220 : vector<16xf32> to vector<16xf32>
      %get3A_222 = arith.constant 16 : index
      %get3A_223 = tpu.vector_load %arg14[%get3A_222] {strides = array<i32>} : memref<128xf32, #tpu.memory_space<vmem>>, vector<16xf32>,
      %get3A_224 = vector.shape_cast %get3A_223 : vector<16xf32> to vector<16xf32>
      %get3A_225 = arith.constant 32 : index
      %get3A_226 = tpu.vector_load %arg14[%get3A_225] {strides = array<i32>} : memref<128xf32, #tpu.memory_space<vmem>>, vector<16xf32>,
      %get3A_227 = vector.shape_cast %get3A_226 : vector<16xf32> to vector<16xf32>
      %get3A_228 = arith.constant 48 : index
      %get3A_229 = tpu.vector_load %arg14[%get3A_228] {strides = array<i32>} : memref<128xf32, #tpu.memory_space<vmem>>, vector<16xf32>,
      %get3A_230 = vector.shape_cast %get3A_229 : vector<16xf32> to vector<16xf32>
      %get3A_231 = arith.constant 64 : index
      %get3A_232 = tpu.vector_load %arg14[%get3A_231] {strides = array<i32>} : memref<128xf32, #tpu.memory_space<vmem>>, vector<16xf32>,
      %get3A_233 = vector.shape_cast %get3A_232 : vector<16xf32> to vector<16xf32>
      %get3A_234 = arith.constant 80 : index
      %get3A_235 = tpu.vector_load %arg14[%get3A_234] {strides = array<i32>} : memref<128xf32, #tpu.memory_space<vmem>>, vector<16xf32>,
      %get3A_236 = vector.shape_cast %get3A_235 : vector<16xf32> to vector<16xf32>
      %get3A_237 = arith.constant 96 : index
      %get3A_238 = tpu.vector_load %arg14[%get3A_237] {strides = array<i32>} : memref<128xf32, #tpu.memory_space<vmem>>, vector<16xf32>,
      %get3A_239 = vector.shape_cast %get3A_238 : vector<16xf32> to vector<16xf32>
      %get3A_240 = arith.constant 112 : index
      %get3A_241 = tpu.vector_load %arg14[%get3A_240] {strides = array<i32>} : memref<128xf32, #tpu.memory_space<vmem>>, vector<16xf32>,
      %get3A_242 = vector.shape_cast %get3A_241 : vector<16xf32> to vector<16xf32>
      %parallel_loop3A_243 = arith.constant 0 : i32
      %parallel_loop3A_244 = arith.constant 80 : i32
      %parallel_loop3A_245 = arith.constant 1 : i32
      %parallel_loop3A_246:8 = scf.for %parallel_loop3A_252 = %parallel_loop3A_243 to %parallel_loop3A_244 step %parallel_loop3A_245 iter_args(%parallel_loop3A_253 = %get3A_221, %parallel_loop3A_254 = %get3A_224, %parallel_loop3A_255 = %get3A_227, %parallel_loop3A_256 = %get3A_230, %parallel_loop3A_257 = %get3A_233, %parallel_loop3A_258 = %get3A_236, %parallel_loop3A_259 = %get3A_239, %parallel_loop3A_260 = %get3A_242) -> (vector<16xf32>, vector<16xf32>, vector<16xf32>, vector<16xf32>, vector<16xf32>, vector<16xf32>, vector<16xf32>, vector<16xf32>)  : i32 {
        %parallel_loop3A_261 = arith.constant 0.000000e+00 : f32
        %parallel_loop3A_262 = vector.broadcast %parallel_loop3A_261 : f32 to vector<16xf32>
        %parallel_loop3A_263 = arith.index_cast %parallel_loop3A_252 : i32 to index
        %parallel_loop3A_264 = arith.constant 0 : index
        %parallel_loop3A_265 = tpu.vector_load %arg11[%parallel_loop3A_263, %parallel_loop3A_264] {strides = array<i32>} : memref<80x128xf32, #tpu.memory_space<vmem>>, vector<1x16xf32>,
        %parallel_loop3A_266 = vector.shape_cast %parallel_loop3A_265 : vector<1x16xf32> to vector<16xf32>
        %parallel_loop3A_267 = arith.index_cast %parallel_loop3A_252 : i32 to index
        %parallel_loop3A_268 = arith.constant 0 : index
        %parallel_loop3A_269 = tpu.vector_load %arg13[%parallel_loop3A_267, %parallel_loop3A_268] {strides = array<i32>} : memref<80x128xf32, #tpu.memory_space<vmem>>, vector<1x16xf32>,
        %parallel_loop3A_270 = vector.shape_cast %parallel_loop3A_269 : vector<1x16xf32> to vector<16xf32>
        %parallel_loop3A_271 = arith.addf %parallel_loop3A_266, %parallel_loop3A_270 : vector<16xf32>
        %parallel_loop3A_272 = math.exp %parallel_loop3A_271 : vector<16xf32>
        %parallel_loop3A_273 = arith.constant 1.000000e+00 : f32
        %parallel_loop3A_274 = vector.broadcast %parallel_loop3A_273 : f32 to vector<16xf32>
        %parallel_loop3A_275 = arith.addf %parallel_loop3A_272, %parallel_loop3A_274 : vector<16xf32>
        %parallel_loop3A_276 = arith.divf %parallel_loop3A_253, %parallel_loop3A_275 : vector<16xf32>
        %parallel_loop3A_277 = arith.addf %parallel_loop3A_262, %parallel_loop3A_276 : vector<16xf32>
        %parallel_loop3A_278 = arith.index_cast %parallel_loop3A_252 : i32 to index
        %parallel_loop3A_279 = arith.constant 16 : index
        %parallel_loop3A_280 = tpu.vector_load %arg11[%parallel_loop3A_278, %parallel_loop3A_279] {strides = array<i32>} : memref<80x128xf32, #tpu.memory_space<vmem>>, vector<1x16xf32>,
        %parallel_loop3A_281 = vector.shape_cast %parallel_loop3A_280 : vector<1x16xf32> to vector<16xf32>
        %parallel_loop3A_282 = arith.index_cast %parallel_loop3A_252 : i32 to index
        %parallel_loop3A_283 = arith.constant 16 : index
        %parallel_loop3A_284 = tpu.vector_load %arg13[%parallel_loop3A_282, %parallel_loop3A_283] {strides = array<i32>} : memref<80x128xf32, #tpu.memory_space<vmem>>, vector<1x16xf32>,
        %parallel_loop3A_285 = vector.shape_cast %parallel_loop3A_284 : vector<1x16xf32> to vector<16xf32>
        %parallel_loop3A_286 = arith.addf %parallel_loop3A_281, %parallel_loop3A_285 : vector<16xf32>
        %parallel_loop3A_287 = math.exp %parallel_loop3A_286 : vector<16xf32>
        %parallel_loop3A_288 = arith.constant 1.000000e+00 : f32
        %parallel_loop3A_289 = vector.broadcast %parallel_loop3A_288 : f32 to vector<16xf32>
        %parallel_loop3A_290 = arith.addf %parallel_loop3A_287, %parallel_loop3A_289 : vector<16xf32>
        %parallel_loop3A_291 = arith.divf %parallel_loop3A_254, %parallel_loop3A_290 : vector<16xf32>
        %parallel_loop3A_292 = arith.addf %parallel_loop3A_277, %parallel_loop3A_291 : vector<16xf32>
        %parallel_loop3A_293 = arith.index_cast %parallel_loop3A_252 : i32 to index
        %parallel_loop3A_294 = arith.constant 32 : index
        %parallel_loop3A_295 = tpu.vector_load %arg11[%parallel_loop3A_293, %parallel_loop3A_294] {strides = array<i32>} : memref<80x128xf32, #tpu.memory_space<vmem>>, vector<1x16xf32>,
        %parallel_loop3A_296 = vector.shape_cast %parallel_loop3A_295 : vector<1x16xf32> to vector<16xf32>
        %parallel_loop3A_297 = arith.index_cast %parallel_loop3A_252 : i32 to index
        %parallel_loop3A_298 = arith.constant 32 : index
        %parallel_loop3A_299 = tpu.vector_load %arg13[%parallel_loop3A_297, %parallel_loop3A_298] {strides = array<i32>} : memref<80x128xf32, #tpu.memory_space<vmem>>, vector<1x16xf32>,
        %parallel_loop3A_300 = vector.shape_cast %parallel_loop3A_299 : vector<1x16xf32> to vector<16xf32>
        %parallel_loop3A_301 = arith.addf %parallel_loop3A_296, %parallel_loop3A_300 : vector<16xf32>
        %parallel_loop3A_302 = math.exp %parallel_loop3A_301 : vector<16xf32>
        %parallel_loop3A_303 = arith.constant 1.000000e+00 : f32
        %parallel_loop3A_304 = vector.broadcast %parallel_loop3A_303 : f32 to vector<16xf32>
        %parallel_loop3A_305 = arith.addf %parallel_loop3A_302, %parallel_loop3A_304 : vector<16xf32>
        %parallel_loop3A_306 = arith.divf %parallel_loop3A_255, %parallel_loop3A_305 : vector<16xf32>
        %parallel_loop3A_307 = arith.addf %parallel_loop3A_292, %parallel_loop3A_306 : vector<16xf32>
        %parallel_loop3A_308 = arith.index_cast %parallel_loop3A_252 : i32 to index
        %parallel_loop3A_309 = arith.constant 48 : index
        %parallel_loop3A_310 = tpu.vector_load %arg11[%parallel_loop3A_308, %parallel_loop3A_309] {strides = array<i32>} : memref<80x128xf32, #tpu.memory_space<vmem>>, vector<1x16xf32>,
        %parallel_loop3A_311 = vector.shape_cast %parallel_loop3A_310 : vector<1x16xf32> to vector<16xf32>
        %parallel_loop3A_312 = arith.index_cast %parallel_loop3A_252 : i32 to index
        %parallel_loop3A_313 = arith.constant 48 : index
        %parallel_loop3A_314 = tpu.vector_load %arg13[%parallel_loop3A_312, %parallel_loop3A_313] {strides = array<i32>} : memref<80x128xf32, #tpu.memory_space<vmem>>, vector<1x16xf32>,
        %parallel_loop3A_315 = vector.shape_cast %parallel_loop3A_314 : vector<1x16xf32> to vector<16xf32>
        %parallel_loop3A_316 = arith.addf %parallel_loop3A_311, %parallel_loop3A_315 : vector<16xf32>
        %parallel_loop3A_317 = math.exp %parallel_loop3A_316 : vector<16xf32>
        %parallel_loop3A_318 = arith.constant 1.000000e+00 : f32
        %parallel_loop3A_319 = vector.broadcast %parallel_loop3A_318 : f32 to vector<16xf32>
        %parallel_loop3A_320 = arith.addf %parallel_loop3A_317, %parallel_loop3A_319 : vector<16xf32>
        %parallel_loop3A_321 = arith.divf %parallel_loop3A_256, %parallel_loop3A_320 : vector<16xf32>
        %parallel_loop3A_322 = arith.addf %parallel_loop3A_307, %parallel_loop3A_321 : vector<16xf32>
        %parallel_loop3A_323 = arith.index_cast %parallel_loop3A_252 : i32 to index
        %parallel_loop3A_324 = arith.constant 64 : index
        %parallel_loop3A_325 = tpu.vector_load %arg11[%parallel_loop3A_323, %parallel_loop3A_324] {strides = array<i32>} : memref<80x128xf32, #tpu.memory_space<vmem>>, vector<1x16xf32>,
        %parallel_loop3A_326 = vector.shape_cast %parallel_loop3A_325 : vector<1x16xf32> to vector<16xf32>
        %parallel_loop3A_327 = arith.index_cast %parallel_loop3A_252 : i32 to index
        %parallel_loop3A_328 = arith.constant 64 : index
        %parallel_loop3A_329 = tpu.vector_load %arg13[%parallel_loop3A_327, %parallel_loop3A_328] {strides = array<i32>} : memref<80x128xf32, #tpu.memory_space<vmem>>, vector<1x16xf32>,
        %parallel_loop3A_330 = vector.shape_cast %parallel_loop3A_329 : vector<1x16xf32> to vector<16xf32>
        %parallel_loop3A_331 = arith.addf %parallel_loop3A_326, %parallel_loop3A_330 : vector<16xf32>
        %parallel_loop3A_332 = math.exp %parallel_loop3A_331 : vector<16xf32>
        %parallel_loop3A_333 = arith.constant 1.000000e+00 : f32
        %parallel_loop3A_334 = vector.broadcast %parallel_loop3A_333 : f32 to vector<16xf32>
        %parallel_loop3A_335 = arith.addf %parallel_loop3A_332, %parallel_loop3A_334 : vector<16xf32>
        %parallel_loop3A_336 = arith.divf %parallel_loop3A_257, %parallel_loop3A_335 : vector<16xf32>
        %parallel_loop3A_337 = arith.addf %parallel_loop3A_322, %parallel_loop3A_336 : vector<16xf32>
        %parallel_loop3A_338 = arith.index_cast %parallel_loop3A_252 : i32 to index
        %parallel_loop3A_339 = arith.constant 80 : index
        %parallel_loop3A_340 = tpu.vector_load %arg11[%parallel_loop3A_338, %parallel_loop3A_339] {strides = array<i32>} : memref<80x128xf32, #tpu.memory_space<vmem>>, vector<1x16xf32>,
        %parallel_loop3A_341 = vector.shape_cast %parallel_loop3A_340 : vector<1x16xf32> to vector<16xf32>
        %parallel_loop3A_342 = arith.index_cast %parallel_loop3A_252 : i32 to index
        %parallel_loop3A_343 = arith.constant 80 : index
        %parallel_loop3A_344 = tpu.vector_load %arg13[%parallel_loop3A_342, %parallel_loop3A_343] {strides = array<i32>} : memref<80x128xf32, #tpu.memory_space<vmem>>, vector<1x16xf32>,
        %parallel_loop3A_345 = vector.shape_cast %parallel_loop3A_344 : vector<1x16xf32> to vector<16xf32>
        %parallel_loop3A_346 = arith.addf %parallel_loop3A_341, %parallel_loop3A_345 : vector<16xf32>
        %parallel_loop3A_347 = math.exp %parallel_loop3A_346 : vector<16xf32>
        %parallel_loop3A_348 = arith.constant 1.000000e+00 : f32
        %parallel_loop3A_349 = vector.broadcast %parallel_loop3A_348 : f32 to vector<16xf32>
        %parallel_loop3A_350 = arith.addf %parallel_loop3A_347, %parallel_loop3A_349 : vector<16xf32>
        %parallel_loop3A_351 = arith.divf %parallel_loop3A_258, %parallel_loop3A_350 : vector<16xf32>
        %parallel_loop3A_352 = arith.addf %parallel_loop3A_337, %parallel_loop3A_351 : vector<16xf32>
        %parallel_loop3A_353 = arith.index_cast %parallel_loop3A_252 : i32 to index
        %parallel_loop3A_354 = arith.constant 96 : index
        %parallel_loop3A_355 = tpu.vector_load %arg11[%parallel_loop3A_353, %parallel_loop3A_354] {strides = array<i32>} : memref<80x128xf32, #tpu.memory_space<vmem>>, vector<1x16xf32>,
        %parallel_loop3A_356 = vector.shape_cast %parallel_loop3A_355 : vector<1x16xf32> to vector<16xf32>
        %parallel_loop3A_357 = arith.index_cast %parallel_loop3A_252 : i32 to index
        %parallel_loop3A_358 = arith.constant 96 : index
        %parallel_loop3A_359 = tpu.vector_load %arg13[%parallel_loop3A_357, %parallel_loop3A_358] {strides = array<i32>} : memref<80x128xf32, #tpu.memory_space<vmem>>, vector<1x16xf32>,
        %parallel_loop3A_360 = vector.shape_cast %parallel_loop3A_359 : vector<1x16xf32> to vector<16xf32>
        %parallel_loop3A_361 = arith.addf %parallel_loop3A_356, %parallel_loop3A_360 : vector<16xf32>
        %parallel_loop3A_362 = math.exp %parallel_loop3A_361 : vector<16xf32>
        %parallel_loop3A_363 = arith.constant 1.000000e+00 : f32
        %parallel_loop3A_364 = vector.broadcast %parallel_loop3A_363 : f32 to vector<16xf32>
        %parallel_loop3A_365 = arith.addf %parallel_loop3A_362, %parallel_loop3A_364 : vector<16xf32>
        %parallel_loop3A_366 = arith.divf %parallel_loop3A_259, %parallel_loop3A_365 : vector<16xf32>
        %parallel_loop3A_367 = arith.addf %parallel_loop3A_352, %parallel_loop3A_366 : vector<16xf32>
        %parallel_loop3A_368 = arith.index_cast %parallel_loop3A_252 : i32 to index
        %parallel_loop3A_369 = arith.constant 112 : index
        %parallel_loop3A_370 = tpu.vector_load %arg11[%parallel_loop3A_368, %parallel_loop3A_369] {strides = array<i32>} : memref<80x128xf32, #tpu.memory_space<vmem>>, vector<1x16xf32>,
        %parallel_loop3A_371 = vector.shape_cast %parallel_loop3A_370 : vector<1x16xf32> to vector<16xf32>
        %parallel_loop3A_372 = arith.index_cast %parallel_loop3A_252 : i32 to index
        %parallel_loop3A_373 = arith.constant 112 : index
        %parallel_loop3A_374 = tpu.vector_load %arg13[%parallel_loop3A_372, %parallel_loop3A_373] {strides = array<i32>} : memref<80x128xf32, #tpu.memory_space<vmem>>, vector<1x16xf32>,
        %parallel_loop3A_375 = vector.shape_cast %parallel_loop3A_374 : vector<1x16xf32> to vector<16xf32>
        %parallel_loop3A_376 = arith.addf %parallel_loop3A_371, %parallel_loop3A_375 : vector<16xf32>
        %parallel_loop3A_377 = math.exp %parallel_loop3A_376 : vector<16xf32>
        %parallel_loop3A_378 = arith.constant 1.000000e+00 : f32
        %parallel_loop3A_379 = vector.broadcast %parallel_loop3A_378 : f32 to vector<16xf32>
        %parallel_loop3A_380 = arith.addf %parallel_loop3A_377, %parallel_loop3A_379 : vector<16xf32>
        %parallel_loop3A_381 = arith.divf %parallel_loop3A_260, %parallel_loop3A_380 : vector<16xf32>
        %parallel_loop3A_382 = arith.addf %parallel_loop3A_367, %parallel_loop3A_381 : vector<16xf32>
        %parallel_loop3A_383 = arith.constant 16 : i32
        %parallel_loop3A_384 = arith.muli %parallel_loop3A_252, %parallel_loop3A_383 : i32
        %parallel_loop3A_385 = arith.index_cast %parallel_loop3A_384 : i32 to index
        %parallel_loop3A_386 = tpu.vector_load %arg15[%parallel_loop3A_385] {strides = array<i32>} : memref<1280xf32, #tpu.memory_space<vmem>>, vector<16xf32>,
        %parallel_loop3A_387 = vector.shape_cast %parallel_loop3A_386 : vector<16xf32> to vector<16xf32>
        %parallel_loop3A_388 = vector.shape_cast %parallel_loop3A_382 : vector<16xf32> to vector<16xf32>
        tpu.vector_store %arg15[%parallel_loop3A_385], %parallel_loop3A_388 {strides = array<i32>} : memref<1280xf32, #tpu.memory_space<vmem>>, vector<16xf32>,
        scf.yield %parallel_loop3A_253, %parallel_loop3A_254, %parallel_loop3A_255, %parallel_loop3A_256, %parallel_loop3A_257, %parallel_loop3A_258, %parallel_loop3A_259, %parallel_loop3A_260 : vector<16xf32>, vector<16xf32>, vector<16xf32>, vector<16xf32>, vector<16xf32>, vector<16xf32>, vector<16xf32>, vector<16xf32>
      } {sc.loop_unroll_factor = 4 : i64, sc.parallel_access}
      %mul3A_247 = arith.constant 80 : i32
      %mul3A_248 = arith.muli %add3A_218, %mul3A_247 : i32
      %add3A_249 = arith.addi %mul3A_2, %mul3A_248 : i32
      %mul3A_250 = arith.constant 16 : i32
      %mul3A_251 = arith.muli %add3A_249, %mul3A_250 : i32
      "tpu.region"() ({
        %run_scoped3A = tpu.sem_alloc : memref<!tpu.dma_semaphore, #tpu.memory_space<semaphore_mem>>
        %dma_start3A_252 = tpu.memref_slice %arg7[%mul3A_251] : memref<5120000xf32, #tpu.memory_space<hbm>> -> memref<1280xf32, #tpu.memory_space<hbm>>
        %dma_start3A_253 = tpu.memref_slice %arg7[%mul3A_251] : memref<5120000xf32, #tpu.memory_space<hbm>> -> memref<1280xf32, #tpu.memory_space<hbm>>
        tpu.enqueue_dma source(%arg15 : memref<1280xf32, #tpu.memory_space<vmem>>) target(%dma_start3A_253 : memref<1280xf32, #tpu.memory_space<hbm>>) target_semaphore(%run_scoped3A : memref<!tpu.dma_semaphore, #tpu.memory_space<semaphore_mem>>)
        %dma_wait3A_254 = tpu.memref_slice %arg7[%mul3A_251] : memref<5120000xf32, #tpu.memory_space<hbm>> -> memref<1280xf32, #tpu.memory_space<hbm>>
        %dma_wait3A_255 = tpu.memref_slice %arg7[%mul3A_251] : memref<5120000xf32, #tpu.memory_space<hbm>> -> memref<1280xf32, #tpu.memory_space<hbm>>
        tpu.wait_dma2 semaphore(%run_scoped3A : memref<!tpu.dma_semaphore, #tpu.memory_space<semaphore_mem>>) src(%arg15 : memref<1280xf32, #tpu.memory_space<vmem>>) dst(%dma_wait3A_255 : memref<1280xf32, #tpu.memory_space<hbm>>)
        tpu.yield
      }) : () -> ()
    }
    %scan3A_94 = arith.constant 62 : i32
    %dma_wait3A = arith.constant 9920 : i32
    %dma_wait3A_95 = tpu.memref_slice %arg8[%dma_wait3A] : memref<10000xi32, #tpu.memory_space<vmem>> -> memref<80xi32, #tpu.memory_space<vmem>>
    %dma_wait3A_96 = arith.constant 0 : i32
    %dma_wait3A_97 = arith.constant 0 : i32
    %dma_wait3A_98 = tpu.memref_slice %arg2[%dma_wait3A_96, %dma_wait3A_97] : memref<10000x128xf32, #tpu.memory_space<hbm>> -> memref<10000x128xf32, #tpu.memory_space<hbm>>
    tpu.wait_indirect_dma semaphore(%arg16 : memref<!tpu.dma_semaphore, #tpu.memory_space<semaphore_mem>>) src(%dma_wait3A_98 : memref<10000x128xf32, #tpu.memory_space<hbm>>) dst(%arg10 : memref<80x128xf32, #tpu.memory_space<vmem>>)
    %dma_wait3A_99 = arith.constant 9920 : i32
    %dma_wait3A_100 = tpu.memref_slice %arg9[%dma_wait3A_99] : memref<10000xi32, #tpu.memory_space<vmem>> -> memref<80xi32, #tpu.memory_space<vmem>>
    %dma_wait3A_101 = arith.constant 0 : i32
    %dma_wait3A_102 = arith.constant 0 : i32
    %dma_wait3A_103 = tpu.memref_slice %arg3[%dma_wait3A_101, %dma_wait3A_102] : memref<10000x128xf32, #tpu.memory_space<hbm>> -> memref<10000x128xf32, #tpu.memory_space<hbm>>
    tpu.wait_indirect_dma semaphore(%arg17 : memref<!tpu.dma_semaphore, #tpu.memory_space<semaphore_mem>>) src(%dma_wait3A_103 : memref<10000x128xf32, #tpu.memory_space<hbm>>) dst(%arg12 : memref<80x128xf32, #tpu.memory_space<vmem>>)
    %get3A_104 = arith.constant 0 : index
    %get3A_105 = tpu.vector_load %arg14[%get3A_104] {strides = array<i32>} : memref<128xf32, #tpu.memory_space<vmem>>, vector<16xf32>,
    %get3A_106 = vector.shape_cast %get3A_105 : vector<16xf32> to vector<16xf32>
    %get3A_107 = arith.constant 16 : index
    %get3A_108 = tpu.vector_load %arg14[%get3A_107] {strides = array<i32>} : memref<128xf32, #tpu.memory_space<vmem>>, vector<16xf32>,
    %get3A_109 = vector.shape_cast %get3A_108 : vector<16xf32> to vector<16xf32>
    %get3A_110 = arith.constant 32 : index
    %get3A_111 = tpu.vector_load %arg14[%get3A_110] {strides = array<i32>} : memref<128xf32, #tpu.memory_space<vmem>>, vector<16xf32>,
    %get3A_112 = vector.shape_cast %get3A_111 : vector<16xf32> to vector<16xf32>
    %get3A_113 = arith.constant 48 : index
    %get3A_114 = tpu.vector_load %arg14[%get3A_113] {strides = array<i32>} : memref<128xf32, #tpu.memory_space<vmem>>, vector<16xf32>,
    %get3A_115 = vector.shape_cast %get3A_114 : vector<16xf32> to vector<16xf32>
    %get3A_116 = arith.constant 64 : index
    %get3A_117 = tpu.vector_load %arg14[%get3A_116] {strides = array<i32>} : memref<128xf32, #tpu.memory_space<vmem>>, vector<16xf32>,
    %get3A_118 = vector.shape_cast %get3A_117 : vector<16xf32> to vector<16xf32>
    %get3A_119 = arith.constant 80 : index
    %get3A_120 = tpu.vector_load %arg14[%get3A_119] {strides = array<i32>} : memref<128xf32, #tpu.memory_space<vmem>>, vector<16xf32>,
    %get3A_121 = vector.shape_cast %get3A_120 : vector<16xf32> to vector<16xf32>
    %get3A_122 = arith.constant 96 : index
    %get3A_123 = tpu.vector_load %arg14[%get3A_122] {strides = array<i32>} : memref<128xf32, #tpu.memory_space<vmem>>, vector<16xf32>,
    %get3A_124 = vector.shape_cast %get3A_123 : vector<16xf32> to vector<16xf32>
    %get3A_125 = arith.constant 112 : index
    %get3A_126 = tpu.vector_load %arg14[%get3A_125] {strides = array<i32>} : memref<128xf32, #tpu.memory_space<vmem>>, vector<16xf32>,
    %get3A_127 = vector.shape_cast %get3A_126 : vector<16xf32> to vector<16xf32>
    %parallel_loop3A = arith.constant 0 : i32
    %parallel_loop3A_128 = arith.constant 80 : i32
    %parallel_loop3A_129 = arith.constant 1 : i32
    %parallel_loop3A_130:8 = scf.for %parallel_loop3A_135 = %parallel_loop3A to %parallel_loop3A_128 step %parallel_loop3A_129 iter_args(%parallel_loop3A_136 = %get3A_106, %parallel_loop3A_137 = %get3A_109, %parallel_loop3A_138 = %get3A_112, %parallel_loop3A_139 = %get3A_115, %parallel_loop3A_140 = %get3A_118, %parallel_loop3A_141 = %get3A_121, %parallel_loop3A_142 = %get3A_124, %parallel_loop3A_143 = %get3A_127) -> (vector<16xf32>, vector<16xf32>, vector<16xf32>, vector<16xf32>, vector<16xf32>, vector<16xf32>, vector<16xf32>, vector<16xf32>)  : i32 {
      %parallel_loop3A_144 = arith.constant 0.000000e+00 : f32
      %parallel_loop3A_145 = vector.broadcast %parallel_loop3A_144 : f32 to vector<16xf32>
      %parallel_loop3A_146 = arith.index_cast %parallel_loop3A_135 : i32 to index
      %parallel_loop3A_147 = arith.constant 0 : index
      %parallel_loop3A_148 = tpu.vector_load %arg10[%parallel_loop3A_146, %parallel_loop3A_147] {strides = array<i32>} : memref<80x128xf32, #tpu.memory_space<vmem>>, vector<1x16xf32>,
      %parallel_loop3A_149 = vector.shape_cast %parallel_loop3A_148 : vector<1x16xf32> to vector<16xf32>
      %parallel_loop3A_150 = arith.index_cast %parallel_loop3A_135 : i32 to index
      %parallel_loop3A_151 = arith.constant 0 : index
      %parallel_loop3A_152 = tpu.vector_load %arg12[%parallel_loop3A_150, %parallel_loop3A_151] {strides = array<i32>} : memref<80x128xf32, #tpu.memory_space<vmem>>, vector<1x16xf32>,
      %parallel_loop3A_153 = vector.shape_cast %parallel_loop3A_152 : vector<1x16xf32> to vector<16xf32>
      %parallel_loop3A_154 = arith.addf %parallel_loop3A_149, %parallel_loop3A_153 : vector<16xf32>
      %parallel_loop3A_155 = math.exp %parallel_loop3A_154 : vector<16xf32>
      %parallel_loop3A_156 = arith.constant 1.000000e+00 : f32
      %parallel_loop3A_157 = vector.broadcast %parallel_loop3A_156 : f32 to vector<16xf32>
      %parallel_loop3A_158 = arith.addf %parallel_loop3A_155, %parallel_loop3A_157 : vector<16xf32>
      %parallel_loop3A_159 = arith.divf %parallel_loop3A_136, %parallel_loop3A_158 : vector<16xf32>
      %parallel_loop3A_160 = arith.addf %parallel_loop3A_145, %parallel_loop3A_159 : vector<16xf32>
      %parallel_loop3A_161 = arith.index_cast %parallel_loop3A_135 : i32 to index
      %parallel_loop3A_162 = arith.constant 16 : index
      %parallel_loop3A_163 = tpu.vector_load %arg10[%parallel_loop3A_161, %parallel_loop3A_162] {strides = array<i32>} : memref<80x128xf32, #tpu.memory_space<vmem>>, vector<1x16xf32>,
      %parallel_loop3A_164 = vector.shape_cast %parallel_loop3A_163 : vector<1x16xf32> to vector<16xf32>
      %parallel_loop3A_165 = arith.index_cast %parallel_loop3A_135 : i32 to index
      %parallel_loop3A_166 = arith.constant 16 : index
      %parallel_loop3A_167 = tpu.vector_load %arg12[%parallel_loop3A_165, %parallel_loop3A_166] {strides = array<i32>} : memref<80x128xf32, #tpu.memory_space<vmem>>, vector<1x16xf32>,
      %parallel_loop3A_168 = vector.shape_cast %parallel_loop3A_167 : vector<1x16xf32> to vector<16xf32>
      %parallel_loop3A_169 = arith.addf %parallel_loop3A_164, %parallel_loop3A_168 : vector<16xf32>
      %parallel_loop3A_170 = math.exp %parallel_loop3A_169 : vector<16xf32>
      %parallel_loop3A_171 = arith.constant 1.000000e+00 : f32
      %parallel_loop3A_172 = vector.broadcast %parallel_loop3A_171 : f32 to vector<16xf32>
      %parallel_loop3A_173 = arith.addf %parallel_loop3A_170, %parallel_loop3A_172 : vector<16xf32>
      %parallel_loop3A_174 = arith.divf %parallel_loop3A_137, %parallel_loop3A_173 : vector<16xf32>
      %parallel_loop3A_175 = arith.addf %parallel_loop3A_160, %parallel_loop3A_174 : vector<16xf32>
      %parallel_loop3A_176 = arith.index_cast %parallel_loop3A_135 : i32 to index
      %parallel_loop3A_177 = arith.constant 32 : index
      %parallel_loop3A_178 = tpu.vector_load %arg10[%parallel_loop3A_176, %parallel_loop3A_177] {strides = array<i32>} : memref<80x128xf32, #tpu.memory_space<vmem>>, vector<1x16xf32>,
      %parallel_loop3A_179 = vector.shape_cast %parallel_loop3A_178 : vector<1x16xf32> to vector<16xf32>
      %parallel_loop3A_180 = arith.index_cast %parallel_loop3A_135 : i32 to index
      %parallel_loop3A_181 = arith.constant 32 : index
      %parallel_loop3A_182 = tpu.vector_load %arg12[%parallel_loop3A_180, %parallel_loop3A_181] {strides = array<i32>} : memref<80x128xf32, #tpu.memory_space<vmem>>, vector<1x16xf32>,
      %parallel_loop3A_183 = vector.shape_cast %parallel_loop3A_182 : vector<1x16xf32> to vector<16xf32>
      %parallel_loop3A_184 = arith.addf %parallel_loop3A_179, %parallel_loop3A_183 : vector<16xf32>
      %parallel_loop3A_185 = math.exp %parallel_loop3A_184 : vector<16xf32>
      %parallel_loop3A_186 = arith.constant 1.000000e+00 : f32
      %parallel_loop3A_187 = vector.broadcast %parallel_loop3A_186 : f32 to vector<16xf32>
      %parallel_loop3A_188 = arith.addf %parallel_loop3A_185, %parallel_loop3A_187 : vector<16xf32>
      %parallel_loop3A_189 = arith.divf %parallel_loop3A_138, %parallel_loop3A_188 : vector<16xf32>
      %parallel_loop3A_190 = arith.addf %parallel_loop3A_175, %parallel_loop3A_189 : vector<16xf32>
      %parallel_loop3A_191 = arith.index_cast %parallel_loop3A_135 : i32 to index
      %parallel_loop3A_192 = arith.constant 48 : index
      %parallel_loop3A_193 = tpu.vector_load %arg10[%parallel_loop3A_191, %parallel_loop3A_192] {strides = array<i32>} : memref<80x128xf32, #tpu.memory_space<vmem>>, vector<1x16xf32>,
      %parallel_loop3A_194 = vector.shape_cast %parallel_loop3A_193 : vector<1x16xf32> to vector<16xf32>
      %parallel_loop3A_195 = arith.index_cast %parallel_loop3A_135 : i32 to index
      %parallel_loop3A_196 = arith.constant 48 : index
      %parallel_loop3A_197 = tpu.vector_load %arg12[%parallel_loop3A_195, %parallel_loop3A_196] {strides = array<i32>} : memref<80x128xf32, #tpu.memory_space<vmem>>, vector<1x16xf32>,
      %parallel_loop3A_198 = vector.shape_cast %parallel_loop3A_197 : vector<1x16xf32> to vector<16xf32>
      %parallel_loop3A_199 = arith.addf %parallel_loop3A_194, %parallel_loop3A_198 : vector<16xf32>
      %parallel_loop3A_200 = math.exp %parallel_loop3A_199 : vector<16xf32>
      %parallel_loop3A_201 = arith.constant 1.000000e+00 : f32
      %parallel_loop3A_202 = vector.broadcast %parallel_loop3A_201 : f32 to vector<16xf32>
      %parallel_loop3A_203 = arith.addf %parallel_loop3A_200, %parallel_loop3A_202 : vector<16xf32>
      %parallel_loop3A_204 = arith.divf %parallel_loop3A_139, %parallel_loop3A_203 : vector<16xf32>
      %parallel_loop3A_205 = arith.addf %parallel_loop3A_190, %parallel_loop3A_204 : vector<16xf32>
      %parallel_loop3A_206 = arith.index_cast %parallel_loop3A_135 : i32 to index
      %parallel_loop3A_207 = arith.constant 64 : index
      %parallel_loop3A_208 = tpu.vector_load %arg10[%parallel_loop3A_206, %parallel_loop3A_207] {strides = array<i32>} : memref<80x128xf32, #tpu.memory_space<vmem>>, vector<1x16xf32>,
      %parallel_loop3A_209 = vector.shape_cast %parallel_loop3A_208 : vector<1x16xf32> to vector<16xf32>
      %parallel_loop3A_210 = arith.index_cast %parallel_loop3A_135 : i32 to index
      %parallel_loop3A_211 = arith.constant 64 : index
      %parallel_loop3A_212 = tpu.vector_load %arg12[%parallel_loop3A_210, %parallel_loop3A_211] {strides = array<i32>} : memref<80x128xf32, #tpu.memory_space<vmem>>, vector<1x16xf32>,
      %parallel_loop3A_213 = vector.shape_cast %parallel_loop3A_212 : vector<1x16xf32> to vector<16xf32>
      %parallel_loop3A_214 = arith.addf %parallel_loop3A_209, %parallel_loop3A_213 : vector<16xf32>
      %parallel_loop3A_215 = math.exp %parallel_loop3A_214 : vector<16xf32>
      %parallel_loop3A_216 = arith.constant 1.000000e+00 : f32
      %parallel_loop3A_217 = vector.broadcast %parallel_loop3A_216 : f32 to vector<16xf32>
      %parallel_loop3A_218 = arith.addf %parallel_loop3A_215, %parallel_loop3A_217 : vector<16xf32>
      %parallel_loop3A_219 = arith.divf %parallel_loop3A_140, %parallel_loop3A_218 : vector<16xf32>
      %parallel_loop3A_220 = arith.addf %parallel_loop3A_205, %parallel_loop3A_219 : vector<16xf32>
      %parallel_loop3A_221 = arith.index_cast %parallel_loop3A_135 : i32 to index
      %parallel_loop3A_222 = arith.constant 80 : index
      %parallel_loop3A_223 = tpu.vector_load %arg10[%parallel_loop3A_221, %parallel_loop3A_222] {strides = array<i32>} : memref<80x128xf32, #tpu.memory_space<vmem>>, vector<1x16xf32>,
      %parallel_loop3A_224 = vector.shape_cast %parallel_loop3A_223 : vector<1x16xf32> to vector<16xf32>
      %parallel_loop3A_225 = arith.index_cast %parallel_loop3A_135 : i32 to index
      %parallel_loop3A_226 = arith.constant 80 : index
      %parallel_loop3A_227 = tpu.vector_load %arg12[%parallel_loop3A_225, %parallel_loop3A_226] {strides = array<i32>} : memref<80x128xf32, #tpu.memory_space<vmem>>, vector<1x16xf32>,
      %parallel_loop3A_228 = vector.shape_cast %parallel_loop3A_227 : vector<1x16xf32> to vector<16xf32>
      %parallel_loop3A_229 = arith.addf %parallel_loop3A_224, %parallel_loop3A_228 : vector<16xf32>
      %parallel_loop3A_230 = math.exp %parallel_loop3A_229 : vector<16xf32>
      %parallel_loop3A_231 = arith.constant 1.000000e+00 : f32
      %parallel_loop3A_232 = vector.broadcast %parallel_loop3A_231 : f32 to vector<16xf32>
      %parallel_loop3A_233 = arith.addf %parallel_loop3A_230, %parallel_loop3A_232 : vector<16xf32>
      %parallel_loop3A_234 = arith.divf %parallel_loop3A_141, %parallel_loop3A_233 : vector<16xf32>
      %parallel_loop3A_235 = arith.addf %parallel_loop3A_220, %parallel_loop3A_234 : vector<16xf32>
      %parallel_loop3A_236 = arith.index_cast %parallel_loop3A_135 : i32 to index
      %parallel_loop3A_237 = arith.constant 96 : index
      %parallel_loop3A_238 = tpu.vector_load %arg10[%parallel_loop3A_236, %parallel_loop3A_237] {strides = array<i32>} : memref<80x128xf32, #tpu.memory_space<vmem>>, vector<1x16xf32>,
      %parallel_loop3A_239 = vector.shape_cast %parallel_loop3A_238 : vector<1x16xf32> to vector<16xf32>
      %parallel_loop3A_240 = arith.index_cast %parallel_loop3A_135 : i32 to index
      %parallel_loop3A_241 = arith.constant 96 : index
      %parallel_loop3A_242 = tpu.vector_load %arg12[%parallel_loop3A_240, %parallel_loop3A_241] {strides = array<i32>} : memref<80x128xf32, #tpu.memory_space<vmem>>, vector<1x16xf32>,
      %parallel_loop3A_243 = vector.shape_cast %parallel_loop3A_242 : vector<1x16xf32> to vector<16xf32>
      %parallel_loop3A_244 = arith.addf %parallel_loop3A_239, %parallel_loop3A_243 : vector<16xf32>
      %parallel_loop3A_245 = math.exp %parallel_loop3A_244 : vector<16xf32>
      %parallel_loop3A_246 = arith.constant 1.000000e+00 : f32
      %parallel_loop3A_247 = vector.broadcast %parallel_loop3A_246 : f32 to vector<16xf32>
      %parallel_loop3A_248 = arith.addf %parallel_loop3A_245, %parallel_loop3A_247 : vector<16xf32>
      %parallel_loop3A_249 = arith.divf %parallel_loop3A_142, %parallel_loop3A_248 : vector<16xf32>
      %parallel_loop3A_250 = arith.addf %parallel_loop3A_235, %parallel_loop3A_249 : vector<16xf32>
      %parallel_loop3A_251 = arith.index_cast %parallel_loop3A_135 : i32 to index
      %parallel_loop3A_252 = arith.constant 112 : index
      %parallel_loop3A_253 = tpu.vector_load %arg10[%parallel_loop3A_251, %parallel_loop3A_252] {strides = array<i32>} : memref<80x128xf32, #tpu.memory_space<vmem>>, vector<1x16xf32>,
      %parallel_loop3A_254 = vector.shape_cast %parallel_loop3A_253 : vector<1x16xf32> to vector<16xf32>
      %parallel_loop3A_255 = arith.index_cast %parallel_loop3A_135 : i32 to index
      %parallel_loop3A_256 = arith.constant 112 : index
      %parallel_loop3A_257 = tpu.vector_load %arg12[%parallel_loop3A_255, %parallel_loop3A_256] {strides = array<i32>} : memref<80x128xf32, #tpu.memory_space<vmem>>, vector<1x16xf32>,
      %parallel_loop3A_258 = vector.shape_cast %parallel_loop3A_257 : vector<1x16xf32> to vector<16xf32>
      %parallel_loop3A_259 = arith.addf %parallel_loop3A_254, %parallel_loop3A_258 : vector<16xf32>
      %parallel_loop3A_260 = math.exp %parallel_loop3A_259 : vector<16xf32>
      %parallel_loop3A_261 = arith.constant 1.000000e+00 : f32
      %parallel_loop3A_262 = vector.broadcast %parallel_loop3A_261 : f32 to vector<16xf32>
      %parallel_loop3A_263 = arith.addf %parallel_loop3A_260, %parallel_loop3A_262 : vector<16xf32>
      %parallel_loop3A_264 = arith.divf %parallel_loop3A_143, %parallel_loop3A_263 : vector<16xf32>
      %parallel_loop3A_265 = arith.addf %parallel_loop3A_250, %parallel_loop3A_264 : vector<16xf32>
      %parallel_loop3A_266 = arith.constant 16 : i32
      %parallel_loop3A_267 = arith.muli %parallel_loop3A_135, %parallel_loop3A_266 : i32
      %parallel_loop3A_268 = arith.index_cast %parallel_loop3A_267 : i32 to index
      %parallel_loop3A_269 = tpu.vector_load %arg15[%parallel_loop3A_268] {strides = array<i32>} : memref<1280xf32, #tpu.memory_space<vmem>>, vector<16xf32>,
      %parallel_loop3A_270 = vector.shape_cast %parallel_loop3A_269 : vector<16xf32> to vector<16xf32>
      %parallel_loop3A_271 = vector.shape_cast %parallel_loop3A_265 : vector<16xf32> to vector<16xf32>
      tpu.vector_store %arg15[%parallel_loop3A_268], %parallel_loop3A_271 {strides = array<i32>} : memref<1280xf32, #tpu.memory_space<vmem>>, vector<16xf32>,
      scf.yield %parallel_loop3A_136, %parallel_loop3A_137, %parallel_loop3A_138, %parallel_loop3A_139, %parallel_loop3A_140, %parallel_loop3A_141, %parallel_loop3A_142, %parallel_loop3A_143 : vector<16xf32>, vector<16xf32>, vector<16xf32>, vector<16xf32>, vector<16xf32>, vector<16xf32>, vector<16xf32>, vector<16xf32>
    } {sc.loop_unroll_factor = 4 : i64, sc.parallel_access}
    %add3A_131 = arith.constant 9920 : i32
    %add3A_132 = arith.addi %mul3A_2, %add3A_131 : i32
    %mul3A_133 = arith.constant 16 : i32
    %mul3A_134 = arith.muli %add3A_132, %mul3A_133 : i32
    "tpu.region"() ({
      %run_scoped3A = tpu.sem_alloc : memref<!tpu.dma_semaphore, #tpu.memory_space<semaphore_mem>>
      %dma_start3A_135 = tpu.memref_slice %arg7[%mul3A_134] : memref<5120000xf32, #tpu.memory_space<hbm>> -> memref<1280xf32, #tpu.memory_space<hbm>>
      %dma_start3A_136 = tpu.memref_slice %arg7[%mul3A_134] : memref<5120000xf32, #tpu.memory_space<hbm>> -> memref<1280xf32, #tpu.memory_space<hbm>>
      tpu.enqueue_dma source(%arg15 : memref<1280xf32, #tpu.memory_space<vmem>>) target(%dma_start3A_136 : memref<1280xf32, #tpu.memory_space<hbm>>) target_semaphore(%run_scoped3A : memref<!tpu.dma_semaphore, #tpu.memory_space<semaphore_mem>>)
      %dma_wait3A_137 = tpu.memref_slice %arg7[%mul3A_134] : memref<5120000xf32, #tpu.memory_space<hbm>> -> memref<1280xf32, #tpu.memory_space<hbm>>
      %dma_wait3A_138 = tpu.memref_slice %arg7[%mul3A_134] : memref<5120000xf32, #tpu.memory_space<hbm>> -> memref<1280xf32, #tpu.memory_space<hbm>>
      tpu.wait_dma2 semaphore(%run_scoped3A : memref<!tpu.dma_semaphore, #tpu.memory_space<semaphore_mem>>) src(%arg15 : memref<1280xf32, #tpu.memory_space<vmem>>) dst(%dma_wait3A_138 : memref<1280xf32, #tpu.memory_space<hbm>>)
      tpu.yield
    }) : () -> ()
    return
  }
}

#map = affine_map<(d0, d1) -> (0, 0)>
#map1 = affine_map<(d0, d1) -> (0)>
module attributes {stable_mosaic.version = 14 : i64} {
  func.func @k(%arg0: i32, %arg1: i32, %arg2: memref<10000x128xf32, #tpu.memory_space<hbm>>, %arg3: memref<320000xi32, #tpu.memory_space<hbm>>, %arg4: memref<320000xi32, #tpu.memory_space<hbm>>, %arg5: memref<320000xf32, #tpu.memory_space<hbm>>, %arg6: memref<624x128xf32, #tpu.memory_space<hbm>>, %arg7: memref<20000x128xf32, #tpu.memory_space<hbm>>, %arg8: memref<10000xi32, #tpu.memory_space<vmem>>, %arg9: memref<80xi32, #tpu.memory_space<vmem>>, %arg10: memref<80xi32, #tpu.memory_space<vmem>>, %arg11: memref<80xi32, #tpu.memory_space<vmem>>, %arg12: memref<80xf32, #tpu.memory_space<vmem>>, %arg13: memref<80xf32, #tpu.memory_space<vmem>>, %arg14: memref<80xf32, #tpu.memory_space<vmem>>, %arg15: memref<80x128xf32, #tpu.memory_space<vmem>>, %arg16: memref<80x128xf32, #tpu.memory_space<vmem>>, %arg17: memref<80x128xf32, #tpu.memory_space<vmem>>, %arg18: memref<10000x128xf32, #tpu.memory_space<vmem_shared>>, %arg19: memref<!tpu.dma_semaphore, #tpu.memory_space<semaphore_mem>>, %arg20: memref<!tpu.dma_semaphore, #tpu.memory_space<semaphore_mem>>, %arg21: memref<!tpu.dma_semaphore, #tpu.memory_space<semaphore_mem>>, %arg22: memref<!tpu.dma_semaphore, #tpu.memory_space<semaphore_mem>>, %arg23: memref<!tpu.dma_semaphore, #tpu.memory_space<semaphore_mem>>, %arg24: memref<!tpu.dma_semaphore, #tpu.memory_space<semaphore_mem>>) attributes {dimension_semantics = [#tpu.dimension_semantics<core_parallel>, #tpu.dimension_semantics<subcore_parallel>], iteration_bounds = array<i64: 2, 16>, scalar_prefetch = 0 : i64, scratch_operands = 17 : i64, tpu.core_type = #tpu.core_type<sc_vector_subcore>, window_params = [{transform_indices = #map}, {transform_indices = #map1}, {transform_indices = #map1}, {transform_indices = #map1}, {transform_indices = #map}, {transform_indices = #map}]} {
    %mul3A = arith.constant 2 : i32
    %mul3A_0 = arith.muli %arg1, %mul3A : i32
    %add3A = arith.addi %mul3A_0, %arg0 : i32
    %mul3A_1 = arith.constant 10000 : i32
    %mul3A_2 = arith.muli %add3A, %mul3A_1 : i32
    %mul3A_3 = arith.constant 624 : i32
    %mul3A_4 = arith.muli %arg1, %mul3A_3 : i32
    "tpu.region"() ({
      %run_scoped3A = tpu.sem_alloc : memref<!tpu.dma_semaphore, #tpu.memory_space<semaphore_mem>>
      %dma_start3A_55 = arith.constant 0 : i32
      %dma_start3A_56 = tpu.memref_slice %arg18[%mul3A_4, %dma_start3A_55] : memref<10000x128xf32, #tpu.memory_space<vmem_shared>> -> memref<624x128xf32, #tpu.memory_space<vmem_shared>>
      %dma_start3A_57 = arith.constant 0 : i32
      %dma_start3A_58 = arith.constant 0 : i32
      %dma_start3A_59 = tpu.memref_slice %arg6[%dma_start3A_57, %dma_start3A_58] : memref<624x128xf32, #tpu.memory_space<hbm>> -> memref<624x128xf32, #tpu.memory_space<hbm>>
      tpu.enqueue_dma source(%dma_start3A_59 : memref<624x128xf32, #tpu.memory_space<hbm>>) target(%dma_start3A_56 : memref<624x128xf32, #tpu.memory_space<vmem_shared>>) target_semaphore(%run_scoped3A : memref<!tpu.dma_semaphore, #tpu.memory_space<semaphore_mem>>)
      %dma_wait3A_60 = arith.constant 0 : i32
      %dma_wait3A_61 = tpu.memref_slice %arg18[%mul3A_4, %dma_wait3A_60] : memref<10000x128xf32, #tpu.memory_space<vmem_shared>> -> memref<624x128xf32, #tpu.memory_space<vmem_shared>>
      %dma_wait3A_62 = arith.constant 0 : i32
      %dma_wait3A_63 = arith.constant 0 : i32
      %dma_wait3A_64 = tpu.memref_slice %arg6[%dma_wait3A_62, %dma_wait3A_63] : memref<624x128xf32, #tpu.memory_space<hbm>> -> memref<624x128xf32, #tpu.memory_space<hbm>>
      tpu.wait_dma2 semaphore(%run_scoped3A : memref<!tpu.dma_semaphore, #tpu.memory_space<semaphore_mem>>) src(%dma_wait3A_64 : memref<624x128xf32, #tpu.memory_space<hbm>>) dst(%dma_wait3A_61 : memref<624x128xf32, #tpu.memory_space<vmem_shared>>)
      tpu.yield
    }) : () -> ()
    %eq3A = arith.constant 15 : i32
    %eq3A_5 = arith.cmpi eq, %arg1, %eq3A : i32
    %convert_element_type3A = arith.extui %eq3A_5 : i1 to i32
    %cond3A = arith.constant 0 : i32
    %cond3A_6 = arith.cmpi ne, %convert_element_type3A, %cond3A : i32
    scf.if %cond3A_6 {
      "tpu.region"() ({
        %run_scoped3A = tpu.sem_alloc : memref<!tpu.dma_semaphore, #tpu.memory_space<semaphore_mem>>
        %dma_start3A_55 = arith.constant 9984 : i32
        %dma_start3A_56 = arith.constant 0 : i32
        %dma_start3A_57 = tpu.memref_slice %arg18[%dma_start3A_55, %dma_start3A_56] : memref<10000x128xf32, #tpu.memory_space<vmem_shared>> -> memref<16x128xf32, #tpu.memory_space<vmem_shared>>
        %dma_start3A_58 = arith.constant 0 : i32
        %dma_start3A_59 = arith.constant 0 : i32
        %dma_start3A_60 = tpu.memref_slice %arg6[%dma_start3A_58, %dma_start3A_59] : memref<624x128xf32, #tpu.memory_space<hbm>> -> memref<16x128xf32, #tpu.memory_space<hbm>>
        tpu.enqueue_dma source(%dma_start3A_60 : memref<16x128xf32, #tpu.memory_space<hbm>>) target(%dma_start3A_57 : memref<16x128xf32, #tpu.memory_space<vmem_shared>>) target_semaphore(%run_scoped3A : memref<!tpu.dma_semaphore, #tpu.memory_space<semaphore_mem>>)
        %dma_wait3A_61 = arith.constant 9984 : i32
        %dma_wait3A_62 = arith.constant 0 : i32
        %dma_wait3A_63 = tpu.memref_slice %arg18[%dma_wait3A_61, %dma_wait3A_62] : memref<10000x128xf32, #tpu.memory_space<vmem_shared>> -> memref<16x128xf32, #tpu.memory_space<vmem_shared>>
        %dma_wait3A_64 = arith.constant 0 : i32
        %dma_wait3A_65 = arith.constant 0 : i32
        %dma_wait3A_66 = tpu.memref_slice %arg6[%dma_wait3A_64, %dma_wait3A_65] : memref<624x128xf32, #tpu.memory_space<hbm>> -> memref<16x128xf32, #tpu.memory_space<hbm>>
        tpu.wait_dma2 semaphore(%run_scoped3A : memref<!tpu.dma_semaphore, #tpu.memory_space<semaphore_mem>>) src(%dma_wait3A_66 : memref<16x128xf32, #tpu.memory_space<hbm>>) dst(%dma_wait3A_63 : memref<16x128xf32, #tpu.memory_space<vmem_shared>>)
        tpu.yield
      }) : () -> ()
    } else {
    }
    "tpu.region"() ({
      %run_scoped3A = tpu.sem_alloc : memref<!tpu.dma_semaphore, #tpu.memory_space<semaphore_mem>>
      %dma_start3A_55 = tpu.memref_slice %arg3[%mul3A_2] : memref<320000xi32, #tpu.memory_space<hbm>> -> memref<10000xi32, #tpu.memory_space<hbm>>
      %dma_start3A_56 = tpu.memref_slice %arg3[%mul3A_2] : memref<320000xi32, #tpu.memory_space<hbm>> -> memref<10000xi32, #tpu.memory_space<hbm>>
      tpu.enqueue_dma source(%dma_start3A_56 : memref<10000xi32, #tpu.memory_space<hbm>>) target(%arg8 : memref<10000xi32, #tpu.memory_space<vmem>>) target_semaphore(%run_scoped3A : memref<!tpu.dma_semaphore, #tpu.memory_space<semaphore_mem>>)
      %dma_wait3A_57 = tpu.memref_slice %arg3[%mul3A_2] : memref<320000xi32, #tpu.memory_space<hbm>> -> memref<10000xi32, #tpu.memory_space<hbm>>
      %dma_wait3A_58 = tpu.memref_slice %arg3[%mul3A_2] : memref<320000xi32, #tpu.memory_space<hbm>> -> memref<10000xi32, #tpu.memory_space<hbm>>
      tpu.wait_dma2 semaphore(%run_scoped3A : memref<!tpu.dma_semaphore, #tpu.memory_space<semaphore_mem>>) src(%dma_wait3A_58 : memref<10000xi32, #tpu.memory_space<hbm>>) dst(%arg8 : memref<10000xi32, #tpu.memory_space<vmem>>)
      tpu.yield
    }) : () -> ()
    %barrier3A = arith.constant 0 : index
    tpu.barrier barrier_id(%barrier3A)
    %dma_start3A = arith.constant 0 : i32
    %dma_start3A_7 = tpu.memref_slice %arg8[%dma_start3A] : memref<10000xi32, #tpu.memory_space<vmem>> -> memref<80xi32, #tpu.memory_space<vmem>>
    %dma_start3A_8 = arith.constant 0 : i32
    %dma_start3A_9 = arith.constant 0 : i32
    %dma_start3A_10 = tpu.memref_slice %arg2[%dma_start3A_8, %dma_start3A_9] : memref<10000x128xf32, #tpu.memory_space<hbm>> -> memref<10000x128xf32, #tpu.memory_space<hbm>>
    tpu.enqueue_indirect_dma source(%dma_start3A_10 : memref<10000x128xf32, #tpu.memory_space<hbm>>) target(%arg15 : memref<80x128xf32, #tpu.memory_space<vmem>>) offsets(%dma_start3A_7 : memref<80xi32, #tpu.memory_space<vmem>>) semaphore(%arg19 : memref<!tpu.dma_semaphore, #tpu.memory_space<semaphore_mem>>)
    %add3A_11 = arith.constant 0 : i32
    %add3A_12 = arith.addi %mul3A_2, %add3A_11 : i32
    %dma_start3A_13 = tpu.memref_slice %arg4[%add3A_12] : memref<320000xi32, #tpu.memory_space<hbm>> -> memref<80xi32, #tpu.memory_space<hbm>>
    %dma_start3A_14 = tpu.memref_slice %arg4[%add3A_12] : memref<320000xi32, #tpu.memory_space<hbm>> -> memref<80xi32, #tpu.memory_space<hbm>>
    tpu.enqueue_dma source(%dma_start3A_14 : memref<80xi32, #tpu.memory_space<hbm>>) target(%arg9 : memref<80xi32, #tpu.memory_space<vmem>>) target_semaphore(%arg19 : memref<!tpu.dma_semaphore, #tpu.memory_space<semaphore_mem>>)
    %add3A_15 = arith.constant 0 : i32
    %add3A_16 = arith.addi %mul3A_2, %add3A_15 : i32
    %dma_start3A_17 = tpu.memref_slice %arg5[%add3A_16] : memref<320000xf32, #tpu.memory_space<hbm>> -> memref<80xf32, #tpu.memory_space<hbm>>
    %dma_start3A_18 = tpu.memref_slice %arg5[%add3A_16] : memref<320000xf32, #tpu.memory_space<hbm>> -> memref<80xf32, #tpu.memory_space<hbm>>
    tpu.enqueue_dma source(%dma_start3A_18 : memref<80xf32, #tpu.memory_space<hbm>>) target(%arg12 : memref<80xf32, #tpu.memory_space<vmem>>) target_semaphore(%arg19 : memref<!tpu.dma_semaphore, #tpu.memory_space<semaphore_mem>>)
    %dma_start3A_19 = arith.constant 80 : i32
    %dma_start3A_20 = tpu.memref_slice %arg8[%dma_start3A_19] : memref<10000xi32, #tpu.memory_space<vmem>> -> memref<80xi32, #tpu.memory_space<vmem>>
    %dma_start3A_21 = arith.constant 0 : i32
    %dma_start3A_22 = arith.constant 0 : i32
    %dma_start3A_23 = tpu.memref_slice %arg2[%dma_start3A_21, %dma_start3A_22] : memref<10000x128xf32, #tpu.memory_space<hbm>> -> memref<10000x128xf32, #tpu.memory_space<hbm>>
    tpu.enqueue_indirect_dma source(%dma_start3A_23 : memref<10000x128xf32, #tpu.memory_space<hbm>>) target(%arg16 : memref<80x128xf32, #tpu.memory_space<vmem>>) offsets(%dma_start3A_20 : memref<80xi32, #tpu.memory_space<vmem>>) semaphore(%arg20 : memref<!tpu.dma_semaphore, #tpu.memory_space<semaphore_mem>>)
    %add3A_24 = arith.constant 80 : i32
    %add3A_25 = arith.addi %mul3A_2, %add3A_24 : i32
    %dma_start3A_26 = tpu.memref_slice %arg4[%add3A_25] : memref<320000xi32, #tpu.memory_space<hbm>> -> memref<80xi32, #tpu.memory_space<hbm>>
    %dma_start3A_27 = tpu.memref_slice %arg4[%add3A_25] : memref<320000xi32, #tpu.memory_space<hbm>> -> memref<80xi32, #tpu.memory_space<hbm>>
    tpu.enqueue_dma source(%dma_start3A_27 : memref<80xi32, #tpu.memory_space<hbm>>) target(%arg10 : memref<80xi32, #tpu.memory_space<vmem>>) target_semaphore(%arg20 : memref<!tpu.dma_semaphore, #tpu.memory_space<semaphore_mem>>)
    %add3A_28 = arith.constant 80 : i32
    %add3A_29 = arith.addi %mul3A_2, %add3A_28 : i32
    %dma_start3A_30 = tpu.memref_slice %arg5[%add3A_29] : memref<320000xf32, #tpu.memory_space<hbm>> -> memref<80xf32, #tpu.memory_space<hbm>>
    %dma_start3A_31 = tpu.memref_slice %arg5[%add3A_29] : memref<320000xf32, #tpu.memory_space<hbm>> -> memref<80xf32, #tpu.memory_space<hbm>>
    tpu.enqueue_dma source(%dma_start3A_31 : memref<80xf32, #tpu.memory_space<hbm>>) target(%arg13 : memref<80xf32, #tpu.memory_space<vmem>>) target_semaphore(%arg20 : memref<!tpu.dma_semaphore, #tpu.memory_space<semaphore_mem>>)
    %scan3A = arith.constant 0 : i32
    %scan3A_32 = arith.constant 0 : i32
    %scan3A_33 = arith.constant 42 : i32
    %scan3A_34 = arith.addi %scan3A_32, %scan3A_33 : i32
    %scan3A_35 = arith.constant 1 : i32
    scf.for %scan3A_55 = %scan3A_32 to %scan3A_34 step %scan3A_35  : i32 {
      %mul3A_56 = arith.constant 3 : i32
      %mul3A_57 = arith.muli %scan3A_55, %mul3A_56 : i32
      %add3A_58 = arith.constant 0 : i32
      %add3A_59 = arith.addi %mul3A_57, %add3A_58 : i32
      %lt3A = arith.constant 125 : i32
      %lt3A_60 = arith.cmpi slt, %add3A_59, %lt3A : i32
      %convert_element_type3A_61 = arith.extui %lt3A_60 : i1 to i32
      %cond3A_62 = arith.constant 0 : i32
      %cond3A_63 = arith.cmpi ne, %convert_element_type3A_61, %cond3A_62 : i32
      scf.if %cond3A_63 {
        %mul3A_82 = arith.constant 80 : i32
        %mul3A_83 = arith.muli %add3A_59, %mul3A_82 : i32
        %dma_wait3A_84 = tpu.memref_slice %arg8[%mul3A_83] : memref<10000xi32, #tpu.memory_space<vmem>> -> memref<80xi32, #tpu.memory_space<vmem>>
        %dma_wait3A_85 = arith.constant 0 : i32
        %dma_wait3A_86 = arith.constant 0 : i32
        %dma_wait3A_87 = tpu.memref_slice %arg2[%dma_wait3A_85, %dma_wait3A_86] : memref<10000x128xf32, #tpu.memory_space<hbm>> -> memref<10000x128xf32, #tpu.memory_space<hbm>>
        tpu.wait_indirect_dma semaphore(%arg19 : memref<!tpu.dma_semaphore, #tpu.memory_space<semaphore_mem>>) src(%dma_wait3A_87 : memref<10000x128xf32, #tpu.memory_space<hbm>>) dst(%arg15 : memref<80x128xf32, #tpu.memory_space<vmem>>)
        %add3A_88 = arith.addi %mul3A_2, %mul3A_83 : i32
        %dma_wait3A_89 = tpu.memref_slice %arg4[%add3A_88] : memref<320000xi32, #tpu.memory_space<hbm>> -> memref<80xi32, #tpu.memory_space<hbm>>
        %dma_wait3A_90 = tpu.memref_slice %arg4[%add3A_88] : memref<320000xi32, #tpu.memory_space<hbm>> -> memref<80xi32, #tpu.memory_space<hbm>>
        tpu.wait_dma2 semaphore(%arg19 : memref<!tpu.dma_semaphore, #tpu.memory_space<semaphore_mem>>) src(%dma_wait3A_90 : memref<80xi32, #tpu.memory_space<hbm>>) dst(%arg9 : memref<80xi32, #tpu.memory_space<vmem>>)
        %add3A_91 = arith.addi %mul3A_2, %mul3A_83 : i32
        %dma_wait3A_92 = tpu.memref_slice %arg5[%add3A_91] : memref<320000xf32, #tpu.memory_space<hbm>> -> memref<80xf32, #tpu.memory_space<hbm>>
        %dma_wait3A_93 = tpu.memref_slice %arg5[%add3A_91] : memref<320000xf32, #tpu.memory_space<hbm>> -> memref<80xf32, #tpu.memory_space<hbm>>
        tpu.wait_dma2 semaphore(%arg19 : memref<!tpu.dma_semaphore, #tpu.memory_space<semaphore_mem>>) src(%dma_wait3A_93 : memref<80xf32, #tpu.memory_space<hbm>>) dst(%arg12 : memref<80xf32, #tpu.memory_space<vmem>>)
        %parallel_loop3A = arith.constant 0 : i32
        %parallel_loop3A_94 = arith.constant 80 : i32
        %parallel_loop3A_95 = arith.constant 1 : i32
        scf.for %parallel_loop3A_112 = %parallel_loop3A to %parallel_loop3A_94 step %parallel_loop3A_95  : i32 {
          %parallel_loop3A_113 = arith.constant 16 : i32
          %parallel_loop3A_114 = arith.divsi %parallel_loop3A_112, %parallel_loop3A_113 : i32
          %parallel_loop3A_115 = arith.constant 0 : i32
          %parallel_loop3A_116 = arith.cmpi sgt, %parallel_loop3A_112, %parallel_loop3A_115 : i32
          %parallel_loop3A_117 = arith.extui %parallel_loop3A_116 : i1 to i32
          %parallel_loop3A_118 = arith.constant 0 : i32
          %parallel_loop3A_119 = arith.cmpi slt, %parallel_loop3A_112, %parallel_loop3A_118 : i32
          %parallel_loop3A_120 = arith.extui %parallel_loop3A_119 : i1 to i32
          %parallel_loop3A_121 = arith.subi %parallel_loop3A_117, %parallel_loop3A_120 : i32
          %parallel_loop3A_122 = arith.constant 0 : i32
          %parallel_loop3A_123 = arith.cmpi sgt, %parallel_loop3A_113, %parallel_loop3A_122 : i32
          %parallel_loop3A_124 = arith.extui %parallel_loop3A_123 : i1 to i32
          %parallel_loop3A_125 = arith.constant 0 : i32
          %parallel_loop3A_126 = arith.cmpi slt, %parallel_loop3A_113, %parallel_loop3A_125 : i32
          %parallel_loop3A_127 = arith.extui %parallel_loop3A_126 : i1 to i32
          %parallel_loop3A_128 = arith.subi %parallel_loop3A_124, %parallel_loop3A_127 : i32
          %parallel_loop3A_129 = arith.cmpi ne, %parallel_loop3A_121, %parallel_loop3A_128 : i32
          %parallel_loop3A_130 = arith.remsi %parallel_loop3A_112, %parallel_loop3A_113 : i32
          %parallel_loop3A_131 = arith.constant 0 : i32
          %parallel_loop3A_132 = arith.cmpi ne, %parallel_loop3A_130, %parallel_loop3A_131 : i32
          %parallel_loop3A_133 = arith.andi %parallel_loop3A_129, %parallel_loop3A_132 : i1
          %parallel_loop3A_134 = arith.constant 1 : i32
          %parallel_loop3A_135 = arith.subi %parallel_loop3A_114, %parallel_loop3A_134 : i32
          %parallel_loop3A_136 = arith.select %parallel_loop3A_133, %parallel_loop3A_135, %parallel_loop3A_114 : i32
          %parallel_loop3A_137 = arith.constant 16 : i32
          %parallel_loop3A_138 = arith.muli %parallel_loop3A_136, %parallel_loop3A_137 : i32
          %parallel_loop3A_139 = arith.index_cast %parallel_loop3A_138 : i32 to index
          %parallel_loop3A_140 = tpu.vector_load %arg12[%parallel_loop3A_139] {strides = array<i32>} : memref<80xf32, #tpu.memory_space<vmem>>, vector<16xf32>,
          %parallel_loop3A_141 = vector.shape_cast %parallel_loop3A_140 : vector<16xf32> to vector<16xf32>
          %parallel_loop3A_142 = arith.subi %parallel_loop3A_112, %parallel_loop3A_138 : i32
          %parallel_loop3A_143 = vector.broadcast %parallel_loop3A_142 : i32 to vector<16xi32>
          %parallel_loop3A_144 = arith.constant 0 : i32
          %parallel_loop3A_145 = vector.broadcast %parallel_loop3A_144 : i32 to vector<16xi32>
          %parallel_loop3A_146 = arith.cmpi slt, %parallel_loop3A_143, %parallel_loop3A_145 : vector<16xi32>
          %parallel_loop3A_147 = arith.constant 16 : i32
          %parallel_loop3A_148 = vector.broadcast %parallel_loop3A_147 : i32 to vector<16xi32>
          %parallel_loop3A_149 = arith.addi %parallel_loop3A_143, %parallel_loop3A_148 : vector<16xi32>
          %parallel_loop3A_150 = arith.select %parallel_loop3A_146, %parallel_loop3A_149, %parallel_loop3A_143 : vector<16xi1>, vector<16xi32>
          %parallel_loop3A_151 = vector.shape_cast %parallel_loop3A_150 : vector<16xi32> to vector<16x1xi32>
          %parallel_loop3A_152 = vector.shape_cast %parallel_loop3A_151 : vector<16x1xi32> to vector<16xi32>
          %parallel_loop3A_153 = tpu.dynamic_gather %parallel_loop3A_141[%parallel_loop3A_152] in [0] : vector<16xf32>, vector<16xi32> -> vector<16xf32>
          %parallel_loop3A_154 = arith.index_cast %parallel_loop3A_112 : i32 to index
          %parallel_loop3A_155 = arith.constant 0 : index
          %parallel_loop3A_156 = tpu.vector_load %arg15[%parallel_loop3A_154, %parallel_loop3A_155] {strides = array<i32>} : memref<80x128xf32, #tpu.memory_space<vmem>>, vector<1x16xf32>,
          %parallel_loop3A_157 = vector.shape_cast %parallel_loop3A_156 : vector<1x16xf32> to vector<16xf32>
          %parallel_loop3A_158 = arith.mulf %parallel_loop3A_157, %parallel_loop3A_153 : vector<16xf32>
          %parallel_loop3A_159 = arith.index_cast %parallel_loop3A_112 : i32 to index
          %parallel_loop3A_160 = arith.constant 0 : index
          %parallel_loop3A_161 = tpu.vector_load %arg15[%parallel_loop3A_159, %parallel_loop3A_160] {strides = array<i32>} : memref<80x128xf32, #tpu.memory_space<vmem>>, vector<1x16xf32>,
          %parallel_loop3A_162 = vector.shape_cast %parallel_loop3A_161 : vector<1x16xf32> to vector<16xf32>
          %parallel_loop3A_163 = vector.shape_cast %parallel_loop3A_158 : vector<16xf32> to vector<1x16xf32>
          tpu.vector_store %arg15[%parallel_loop3A_159, %parallel_loop3A_160], %parallel_loop3A_163 {strides = array<i32>} : memref<80x128xf32, #tpu.memory_space<vmem>>, vector<1x16xf32>,
          %parallel_loop3A_164 = arith.index_cast %parallel_loop3A_112 : i32 to index
          %parallel_loop3A_165 = arith.constant 16 : index
          %parallel_loop3A_166 = tpu.vector_load %arg15[%parallel_loop3A_164, %parallel_loop3A_165] {strides = array<i32>} : memref<80x128xf32, #tpu.memory_space<vmem>>, vector<1x16xf32>,
          %parallel_loop3A_167 = vector.shape_cast %parallel_loop3A_166 : vector<1x16xf32> to vector<16xf32>
          %parallel_loop3A_168 = arith.mulf %parallel_loop3A_167, %parallel_loop3A_153 : vector<16xf32>
          %parallel_loop3A_169 = arith.index_cast %parallel_loop3A_112 : i32 to index
          %parallel_loop3A_170 = arith.constant 16 : index
          %parallel_loop3A_171 = tpu.vector_load %arg15[%parallel_loop3A_169, %parallel_loop3A_170] {strides = array<i32>} : memref<80x128xf32, #tpu.memory_space<vmem>>, vector<1x16xf32>,
          %parallel_loop3A_172 = vector.shape_cast %parallel_loop3A_171 : vector<1x16xf32> to vector<16xf32>
          %parallel_loop3A_173 = vector.shape_cast %parallel_loop3A_168 : vector<16xf32> to vector<1x16xf32>
          tpu.vector_store %arg15[%parallel_loop3A_169, %parallel_loop3A_170], %parallel_loop3A_173 {strides = array<i32>} : memref<80x128xf32, #tpu.memory_space<vmem>>, vector<1x16xf32>,
          %parallel_loop3A_174 = arith.index_cast %parallel_loop3A_112 : i32 to index
          %parallel_loop3A_175 = arith.constant 32 : index
          %parallel_loop3A_176 = tpu.vector_load %arg15[%parallel_loop3A_174, %parallel_loop3A_175] {strides = array<i32>} : memref<80x128xf32, #tpu.memory_space<vmem>>, vector<1x16xf32>,
          %parallel_loop3A_177 = vector.shape_cast %parallel_loop3A_176 : vector<1x16xf32> to vector<16xf32>
          %parallel_loop3A_178 = arith.mulf %parallel_loop3A_177, %parallel_loop3A_153 : vector<16xf32>
          %parallel_loop3A_179 = arith.index_cast %parallel_loop3A_112 : i32 to index
          %parallel_loop3A_180 = arith.constant 32 : index
          %parallel_loop3A_181 = tpu.vector_load %arg15[%parallel_loop3A_179, %parallel_loop3A_180] {strides = array<i32>} : memref<80x128xf32, #tpu.memory_space<vmem>>, vector<1x16xf32>,
          %parallel_loop3A_182 = vector.shape_cast %parallel_loop3A_181 : vector<1x16xf32> to vector<16xf32>
          %parallel_loop3A_183 = vector.shape_cast %parallel_loop3A_178 : vector<16xf32> to vector<1x16xf32>
          tpu.vector_store %arg15[%parallel_loop3A_179, %parallel_loop3A_180], %parallel_loop3A_183 {strides = array<i32>} : memref<80x128xf32, #tpu.memory_space<vmem>>, vector<1x16xf32>,
          %parallel_loop3A_184 = arith.index_cast %parallel_loop3A_112 : i32 to index
          %parallel_loop3A_185 = arith.constant 48 : index
          %parallel_loop3A_186 = tpu.vector_load %arg15[%parallel_loop3A_184, %parallel_loop3A_185] {strides = array<i32>} : memref<80x128xf32, #tpu.memory_space<vmem>>, vector<1x16xf32>,
          %parallel_loop3A_187 = vector.shape_cast %parallel_loop3A_186 : vector<1x16xf32> to vector<16xf32>
          %parallel_loop3A_188 = arith.mulf %parallel_loop3A_187, %parallel_loop3A_153 : vector<16xf32>
          %parallel_loop3A_189 = arith.index_cast %parallel_loop3A_112 : i32 to index
          %parallel_loop3A_190 = arith.constant 48 : index
          %parallel_loop3A_191 = tpu.vector_load %arg15[%parallel_loop3A_189, %parallel_loop3A_190] {strides = array<i32>} : memref<80x128xf32, #tpu.memory_space<vmem>>, vector<1x16xf32>,
          %parallel_loop3A_192 = vector.shape_cast %parallel_loop3A_191 : vector<1x16xf32> to vector<16xf32>
          %parallel_loop3A_193 = vector.shape_cast %parallel_loop3A_188 : vector<16xf32> to vector<1x16xf32>
          tpu.vector_store %arg15[%parallel_loop3A_189, %parallel_loop3A_190], %parallel_loop3A_193 {strides = array<i32>} : memref<80x128xf32, #tpu.memory_space<vmem>>, vector<1x16xf32>,
          %parallel_loop3A_194 = arith.index_cast %parallel_loop3A_112 : i32 to index
          %parallel_loop3A_195 = arith.constant 64 : index
          %parallel_loop3A_196 = tpu.vector_load %arg15[%parallel_loop3A_194, %parallel_loop3A_195] {strides = array<i32>} : memref<80x128xf32, #tpu.memory_space<vmem>>, vector<1x16xf32>,
          %parallel_loop3A_197 = vector.shape_cast %parallel_loop3A_196 : vector<1x16xf32> to vector<16xf32>
          %parallel_loop3A_198 = arith.mulf %parallel_loop3A_197, %parallel_loop3A_153 : vector<16xf32>
          %parallel_loop3A_199 = arith.index_cast %parallel_loop3A_112 : i32 to index
          %parallel_loop3A_200 = arith.constant 64 : index
          %parallel_loop3A_201 = tpu.vector_load %arg15[%parallel_loop3A_199, %parallel_loop3A_200] {strides = array<i32>} : memref<80x128xf32, #tpu.memory_space<vmem>>, vector<1x16xf32>,
          %parallel_loop3A_202 = vector.shape_cast %parallel_loop3A_201 : vector<1x16xf32> to vector<16xf32>
          %parallel_loop3A_203 = vector.shape_cast %parallel_loop3A_198 : vector<16xf32> to vector<1x16xf32>
          tpu.vector_store %arg15[%parallel_loop3A_199, %parallel_loop3A_200], %parallel_loop3A_203 {strides = array<i32>} : memref<80x128xf32, #tpu.memory_space<vmem>>, vector<1x16xf32>,
          %parallel_loop3A_204 = arith.index_cast %parallel_loop3A_112 : i32 to index
          %parallel_loop3A_205 = arith.constant 80 : index
          %parallel_loop3A_206 = tpu.vector_load %arg15[%parallel_loop3A_204, %parallel_loop3A_205] {strides = array<i32>} : memref<80x128xf32, #tpu.memory_space<vmem>>, vector<1x16xf32>,
          %parallel_loop3A_207 = vector.shape_cast %parallel_loop3A_206 : vector<1x16xf32> to vector<16xf32>
          %parallel_loop3A_208 = arith.mulf %parallel_loop3A_207, %parallel_loop3A_153 : vector<16xf32>
          %parallel_loop3A_209 = arith.index_cast %parallel_loop3A_112 : i32 to index
          %parallel_loop3A_210 = arith.constant 80 : index
          %parallel_loop3A_211 = tpu.vector_load %arg15[%parallel_loop3A_209, %parallel_loop3A_210] {strides = array<i32>} : memref<80x128xf32, #tpu.memory_space<vmem>>, vector<1x16xf32>,
          %parallel_loop3A_212 = vector.shape_cast %parallel_loop3A_211 : vector<1x16xf32> to vector<16xf32>
          %parallel_loop3A_213 = vector.shape_cast %parallel_loop3A_208 : vector<16xf32> to vector<1x16xf32>
          tpu.vector_store %arg15[%parallel_loop3A_209, %parallel_loop3A_210], %parallel_loop3A_213 {strides = array<i32>} : memref<80x128xf32, #tpu.memory_space<vmem>>, vector<1x16xf32>,
          %parallel_loop3A_214 = arith.index_cast %parallel_loop3A_112 : i32 to index
          %parallel_loop3A_215 = arith.constant 96 : index
          %parallel_loop3A_216 = tpu.vector_load %arg15[%parallel_loop3A_214, %parallel_loop3A_215] {strides = array<i32>} : memref<80x128xf32, #tpu.memory_space<vmem>>, vector<1x16xf32>,
          %parallel_loop3A_217 = vector.shape_cast %parallel_loop3A_216 : vector<1x16xf32> to vector<16xf32>
          %parallel_loop3A_218 = arith.mulf %parallel_loop3A_217, %parallel_loop3A_153 : vector<16xf32>
          %parallel_loop3A_219 = arith.index_cast %parallel_loop3A_112 : i32 to index
          %parallel_loop3A_220 = arith.constant 96 : index
          %parallel_loop3A_221 = tpu.vector_load %arg15[%parallel_loop3A_219, %parallel_loop3A_220] {strides = array<i32>} : memref<80x128xf32, #tpu.memory_space<vmem>>, vector<1x16xf32>,
          %parallel_loop3A_222 = vector.shape_cast %parallel_loop3A_221 : vector<1x16xf32> to vector<16xf32>
          %parallel_loop3A_223 = vector.shape_cast %parallel_loop3A_218 : vector<16xf32> to vector<1x16xf32>
          tpu.vector_store %arg15[%parallel_loop3A_219, %parallel_loop3A_220], %parallel_loop3A_223 {strides = array<i32>} : memref<80x128xf32, #tpu.memory_space<vmem>>, vector<1x16xf32>,
          %parallel_loop3A_224 = arith.index_cast %parallel_loop3A_112 : i32 to index
          %parallel_loop3A_225 = arith.constant 112 : index
          %parallel_loop3A_226 = tpu.vector_load %arg15[%parallel_loop3A_224, %parallel_loop3A_225] {strides = array<i32>} : memref<80x128xf32, #tpu.memory_space<vmem>>, vector<1x16xf32>,
          %parallel_loop3A_227 = vector.shape_cast %parallel_loop3A_226 : vector<1x16xf32> to vector<16xf32>
          %parallel_loop3A_228 = arith.mulf %parallel_loop3A_227, %parallel_loop3A_153 : vector<16xf32>
          %parallel_loop3A_229 = arith.index_cast %parallel_loop3A_112 : i32 to index
          %parallel_loop3A_230 = arith.constant 112 : index
          %parallel_loop3A_231 = tpu.vector_load %arg15[%parallel_loop3A_229, %parallel_loop3A_230] {strides = array<i32>} : memref<80x128xf32, #tpu.memory_space<vmem>>, vector<1x16xf32>,
          %parallel_loop3A_232 = vector.shape_cast %parallel_loop3A_231 : vector<1x16xf32> to vector<16xf32>
          %parallel_loop3A_233 = vector.shape_cast %parallel_loop3A_228 : vector<16xf32> to vector<1x16xf32>
          tpu.vector_store %arg15[%parallel_loop3A_229, %parallel_loop3A_230], %parallel_loop3A_233 {strides = array<i32>} : memref<80x128xf32, #tpu.memory_space<vmem>>, vector<1x16xf32>,
        } {sc.loop_unroll_factor = 4 : i64, sc.parallel_access}
        %dma_start3A_96 = arith.constant 0 : i32
        %dma_start3A_97 = arith.constant 0 : i32
        %dma_start3A_98 = tpu.memref_slice %arg18[%dma_start3A_96, %dma_start3A_97] : memref<10000x128xf32, #tpu.memory_space<vmem_shared>> -> memref<10000x128xf32, #tpu.memory_space<vmem_shared>>
        tpu.enqueue_indirect_dma source(%arg15 : memref<80x128xf32, #tpu.memory_space<vmem>>) target(%dma_start3A_98 : memref<10000x128xf32, #tpu.memory_space<vmem_shared>>) offsets(%arg9 : memref<80xi32, #tpu.memory_space<vmem>>) semaphore(%arg22 : memref<!tpu.dma_semaphore, #tpu.memory_space<semaphore_mem>>) {add = true}
        %ge3A = arith.constant 1 : i32
        %ge3A_99 = arith.cmpi sge, %add3A_59, %ge3A : i32
        %lt3A_100 = arith.constant 124 : i32
        %lt3A_101 = arith.cmpi slt, %add3A_59, %lt3A_100 : i32
        %and3A = arith.andi %ge3A_99, %lt3A_101 : i1
        %convert_element_type3A_102 = arith.extui %and3A : i1 to i32
        %cond3A_103 = arith.constant 0 : i32
        %cond3A_104 = arith.cmpi ne, %convert_element_type3A_102, %cond3A_103 : i32
        scf.if %cond3A_104 {
          %dma_wait3A_112 = arith.constant 0 : i32
          %dma_wait3A_113 = arith.constant 0 : i32
          %dma_wait3A_114 = tpu.memref_slice %arg18[%dma_wait3A_112, %dma_wait3A_113] : memref<10000x128xf32, #tpu.memory_space<vmem_shared>> -> memref<10000x128xf32, #tpu.memory_space<vmem_shared>>
          tpu.wait_indirect_dma semaphore(%arg24 : memref<!tpu.dma_semaphore, #tpu.memory_space<semaphore_mem>>) src(%arg17 : memref<80x128xf32, #tpu.memory_space<vmem>>) dst(%dma_wait3A_114 : memref<10000x128xf32, #tpu.memory_space<vmem_shared>>)
        } else {
        }
        %add3A_105 = arith.constant 2 : i32
        %add3A_106 = arith.addi %add3A_59, %add3A_105 : i32
        %lt3A_107 = arith.constant 125 : i32
        %lt3A_108 = arith.cmpi slt, %add3A_106, %lt3A_107 : i32
        %convert_element_type3A_109 = arith.extui %lt3A_108 : i1 to i32
        %cond3A_110 = arith.constant 0 : i32
        %cond3A_111 = arith.cmpi ne, %convert_element_type3A_109, %cond3A_110 : i32
        scf.if %cond3A_111 {
          %add3A_112 = arith.constant 2 : i32
          %add3A_113 = arith.addi %add3A_59, %add3A_112 : i32
          %mul3A_114 = arith.constant 80 : i32
          %mul3A_115 = arith.muli %add3A_113, %mul3A_114 : i32
          %dma_start3A_116 = tpu.memref_slice %arg8[%mul3A_115] : memref<10000xi32, #tpu.memory_space<vmem>> -> memref<80xi32, #tpu.memory_space<vmem>>
          %dma_start3A_117 = arith.constant 0 : i32
          %dma_start3A_118 = arith.constant 0 : i32
          %dma_start3A_119 = tpu.memref_slice %arg2[%dma_start3A_117, %dma_start3A_118] : memref<10000x128xf32, #tpu.memory_space<hbm>> -> memref<10000x128xf32, #tpu.memory_space<hbm>>
          tpu.enqueue_indirect_dma source(%dma_start3A_119 : memref<10000x128xf32, #tpu.memory_space<hbm>>) target(%arg17 : memref<80x128xf32, #tpu.memory_space<vmem>>) offsets(%dma_start3A_116 : memref<80xi32, #tpu.memory_space<vmem>>) semaphore(%arg21 : memref<!tpu.dma_semaphore, #tpu.memory_space<semaphore_mem>>)
          %add3A_120 = arith.addi %mul3A_2, %mul3A_115 : i32
          %dma_start3A_121 = tpu.memref_slice %arg4[%add3A_120] : memref<320000xi32, #tpu.memory_space<hbm>> -> memref<80xi32, #tpu.memory_space<hbm>>
          %dma_start3A_122 = tpu.memref_slice %arg4[%add3A_120] : memref<320000xi32, #tpu.memory_space<hbm>> -> memref<80xi32, #tpu.memory_space<hbm>>
          tpu.enqueue_dma source(%dma_start3A_122 : memref<80xi32, #tpu.memory_space<hbm>>) target(%arg11 : memref<80xi32, #tpu.memory_space<vmem>>) target_semaphore(%arg21 : memref<!tpu.dma_semaphore, #tpu.memory_space<semaphore_mem>>)
          %add3A_123 = arith.addi %mul3A_2, %mul3A_115 : i32
          %dma_start3A_124 = tpu.memref_slice %arg5[%add3A_123] : memref<320000xf32, #tpu.memory_space<hbm>> -> memref<80xf32, #tpu.memory_space<hbm>>
          %dma_start3A_125 = tpu.memref_slice %arg5[%add3A_123] : memref<320000xf32, #tpu.memory_space<hbm>> -> memref<80xf32, #tpu.memory_space<hbm>>
          tpu.enqueue_dma source(%dma_start3A_125 : memref<80xf32, #tpu.memory_space<hbm>>) target(%arg14 : memref<80xf32, #tpu.memory_space<vmem>>) target_semaphore(%arg21 : memref<!tpu.dma_semaphore, #tpu.memory_space<semaphore_mem>>)
        } else {
        }
      } else {
      }
      %mul3A_64 = arith.constant 3 : i32
      %mul3A_65 = arith.muli %scan3A_55, %mul3A_64 : i32
      %add3A_66 = arith.constant 1 : i32
      %add3A_67 = arith.addi %mul3A_65, %add3A_66 : i32
      %lt3A_68 = arith.constant 125 : i32
      %lt3A_69 = arith.cmpi slt, %add3A_67, %lt3A_68 : i32
      %convert_element_type3A_70 = arith.extui %lt3A_69 : i1 to i32
      %cond3A_71 = arith.constant 0 : i32
      %cond3A_72 = arith.cmpi ne, %convert_element_type3A_70, %cond3A_71 : i32
      scf.if %cond3A_72 {
        %mul3A_82 = arith.constant 80 : i32
        %mul3A_83 = arith.muli %add3A_67, %mul3A_82 : i32
        %dma_wait3A_84 = tpu.memref_slice %arg8[%mul3A_83] : memref<10000xi32, #tpu.memory_space<vmem>> -> memref<80xi32, #tpu.memory_space<vmem>>
        %dma_wait3A_85 = arith.constant 0 : i32
        %dma_wait3A_86 = arith.constant 0 : i32
        %dma_wait3A_87 = tpu.memref_slice %arg2[%dma_wait3A_85, %dma_wait3A_86] : memref<10000x128xf32, #tpu.memory_space<hbm>> -> memref<10000x128xf32, #tpu.memory_space<hbm>>
        tpu.wait_indirect_dma semaphore(%arg20 : memref<!tpu.dma_semaphore, #tpu.memory_space<semaphore_mem>>) src(%dma_wait3A_87 : memref<10000x128xf32, #tpu.memory_space<hbm>>) dst(%arg16 : memref<80x128xf32, #tpu.memory_space<vmem>>)
        %add3A_88 = arith.addi %mul3A_2, %mul3A_83 : i32
        %dma_wait3A_89 = tpu.memref_slice %arg4[%add3A_88] : memref<320000xi32, #tpu.memory_space<hbm>> -> memref<80xi32, #tpu.memory_space<hbm>>
        %dma_wait3A_90 = tpu.memref_slice %arg4[%add3A_88] : memref<320000xi32, #tpu.memory_space<hbm>> -> memref<80xi32, #tpu.memory_space<hbm>>
        tpu.wait_dma2 semaphore(%arg20 : memref<!tpu.dma_semaphore, #tpu.memory_space<semaphore_mem>>) src(%dma_wait3A_90 : memref<80xi32, #tpu.memory_space<hbm>>) dst(%arg10 : memref<80xi32, #tpu.memory_space<vmem>>)
        %add3A_91 = arith.addi %mul3A_2, %mul3A_83 : i32
        %dma_wait3A_92 = tpu.memref_slice %arg5[%add3A_91] : memref<320000xf32, #tpu.memory_space<hbm>> -> memref<80xf32, #tpu.memory_space<hbm>>
        %dma_wait3A_93 = tpu.memref_slice %arg5[%add3A_91] : memref<320000xf32, #tpu.memory_space<hbm>> -> memref<80xf32, #tpu.memory_space<hbm>>
        tpu.wait_dma2 semaphore(%arg20 : memref<!tpu.dma_semaphore, #tpu.memory_space<semaphore_mem>>) src(%dma_wait3A_93 : memref<80xf32, #tpu.memory_space<hbm>>) dst(%arg13 : memref<80xf32, #tpu.memory_space<vmem>>)
        %parallel_loop3A = arith.constant 0 : i32
        %parallel_loop3A_94 = arith.constant 80 : i32
        %parallel_loop3A_95 = arith.constant 1 : i32
        scf.for %parallel_loop3A_112 = %parallel_loop3A to %parallel_loop3A_94 step %parallel_loop3A_95  : i32 {
          %parallel_loop3A_113 = arith.constant 16 : i32
          %parallel_loop3A_114 = arith.divsi %parallel_loop3A_112, %parallel_loop3A_113 : i32
          %parallel_loop3A_115 = arith.constant 0 : i32
          %parallel_loop3A_116 = arith.cmpi sgt, %parallel_loop3A_112, %parallel_loop3A_115 : i32
          %parallel_loop3A_117 = arith.extui %parallel_loop3A_116 : i1 to i32
          %parallel_loop3A_118 = arith.constant 0 : i32
          %parallel_loop3A_119 = arith.cmpi slt, %parallel_loop3A_112, %parallel_loop3A_118 : i32
          %parallel_loop3A_120 = arith.extui %parallel_loop3A_119 : i1 to i32
          %parallel_loop3A_121 = arith.subi %parallel_loop3A_117, %parallel_loop3A_120 : i32
          %parallel_loop3A_122 = arith.constant 0 : i32
          %parallel_loop3A_123 = arith.cmpi sgt, %parallel_loop3A_113, %parallel_loop3A_122 : i32
          %parallel_loop3A_124 = arith.extui %parallel_loop3A_123 : i1 to i32
          %parallel_loop3A_125 = arith.constant 0 : i32
          %parallel_loop3A_126 = arith.cmpi slt, %parallel_loop3A_113, %parallel_loop3A_125 : i32
          %parallel_loop3A_127 = arith.extui %parallel_loop3A_126 : i1 to i32
          %parallel_loop3A_128 = arith.subi %parallel_loop3A_124, %parallel_loop3A_127 : i32
          %parallel_loop3A_129 = arith.cmpi ne, %parallel_loop3A_121, %parallel_loop3A_128 : i32
          %parallel_loop3A_130 = arith.remsi %parallel_loop3A_112, %parallel_loop3A_113 : i32
          %parallel_loop3A_131 = arith.constant 0 : i32
          %parallel_loop3A_132 = arith.cmpi ne, %parallel_loop3A_130, %parallel_loop3A_131 : i32
          %parallel_loop3A_133 = arith.andi %parallel_loop3A_129, %parallel_loop3A_132 : i1
          %parallel_loop3A_134 = arith.constant 1 : i32
          %parallel_loop3A_135 = arith.subi %parallel_loop3A_114, %parallel_loop3A_134 : i32
          %parallel_loop3A_136 = arith.select %parallel_loop3A_133, %parallel_loop3A_135, %parallel_loop3A_114 : i32
          %parallel_loop3A_137 = arith.constant 16 : i32
          %parallel_loop3A_138 = arith.muli %parallel_loop3A_136, %parallel_loop3A_137 : i32
          %parallel_loop3A_139 = arith.index_cast %parallel_loop3A_138 : i32 to index
          %parallel_loop3A_140 = tpu.vector_load %arg13[%parallel_loop3A_139] {strides = array<i32>} : memref<80xf32, #tpu.memory_space<vmem>>, vector<16xf32>,
          %parallel_loop3A_141 = vector.shape_cast %parallel_loop3A_140 : vector<16xf32> to vector<16xf32>
          %parallel_loop3A_142 = arith.subi %parallel_loop3A_112, %parallel_loop3A_138 : i32
          %parallel_loop3A_143 = vector.broadcast %parallel_loop3A_142 : i32 to vector<16xi32>
          %parallel_loop3A_144 = arith.constant 0 : i32
          %parallel_loop3A_145 = vector.broadcast %parallel_loop3A_144 : i32 to vector<16xi32>
          %parallel_loop3A_146 = arith.cmpi slt, %parallel_loop3A_143, %parallel_loop3A_145 : vector<16xi32>
          %parallel_loop3A_147 = arith.constant 16 : i32
          %parallel_loop3A_148 = vector.broadcast %parallel_loop3A_147 : i32 to vector<16xi32>
          %parallel_loop3A_149 = arith.addi %parallel_loop3A_143, %parallel_loop3A_148 : vector<16xi32>
          %parallel_loop3A_150 = arith.select %parallel_loop3A_146, %parallel_loop3A_149, %parallel_loop3A_143 : vector<16xi1>, vector<16xi32>
          %parallel_loop3A_151 = vector.shape_cast %parallel_loop3A_150 : vector<16xi32> to vector<16x1xi32>
          %parallel_loop3A_152 = vector.shape_cast %parallel_loop3A_151 : vector<16x1xi32> to vector<16xi32>
          %parallel_loop3A_153 = tpu.dynamic_gather %parallel_loop3A_141[%parallel_loop3A_152] in [0] : vector<16xf32>, vector<16xi32> -> vector<16xf32>
          %parallel_loop3A_154 = arith.index_cast %parallel_loop3A_112 : i32 to index
          %parallel_loop3A_155 = arith.constant 0 : index
          %parallel_loop3A_156 = tpu.vector_load %arg16[%parallel_loop3A_154, %parallel_loop3A_155] {strides = array<i32>} : memref<80x128xf32, #tpu.memory_space<vmem>>, vector<1x16xf32>,
          %parallel_loop3A_157 = vector.shape_cast %parallel_loop3A_156 : vector<1x16xf32> to vector<16xf32>
          %parallel_loop3A_158 = arith.mulf %parallel_loop3A_157, %parallel_loop3A_153 : vector<16xf32>
          %parallel_loop3A_159 = arith.index_cast %parallel_loop3A_112 : i32 to index
          %parallel_loop3A_160 = arith.constant 0 : index
          %parallel_loop3A_161 = tpu.vector_load %arg16[%parallel_loop3A_159, %parallel_loop3A_160] {strides = array<i32>} : memref<80x128xf32, #tpu.memory_space<vmem>>, vector<1x16xf32>,
          %parallel_loop3A_162 = vector.shape_cast %parallel_loop3A_161 : vector<1x16xf32> to vector<16xf32>
          %parallel_loop3A_163 = vector.shape_cast %parallel_loop3A_158 : vector<16xf32> to vector<1x16xf32>
          tpu.vector_store %arg16[%parallel_loop3A_159, %parallel_loop3A_160], %parallel_loop3A_163 {strides = array<i32>} : memref<80x128xf32, #tpu.memory_space<vmem>>, vector<1x16xf32>,
          %parallel_loop3A_164 = arith.index_cast %parallel_loop3A_112 : i32 to index
          %parallel_loop3A_165 = arith.constant 16 : index
          %parallel_loop3A_166 = tpu.vector_load %arg16[%parallel_loop3A_164, %parallel_loop3A_165] {strides = array<i32>} : memref<80x128xf32, #tpu.memory_space<vmem>>, vector<1x16xf32>,
          %parallel_loop3A_167 = vector.shape_cast %parallel_loop3A_166 : vector<1x16xf32> to vector<16xf32>
          %parallel_loop3A_168 = arith.mulf %parallel_loop3A_167, %parallel_loop3A_153 : vector<16xf32>
          %parallel_loop3A_169 = arith.index_cast %parallel_loop3A_112 : i32 to index
          %parallel_loop3A_170 = arith.constant 16 : index
          %parallel_loop3A_171 = tpu.vector_load %arg16[%parallel_loop3A_169, %parallel_loop3A_170] {strides = array<i32>} : memref<80x128xf32, #tpu.memory_space<vmem>>, vector<1x16xf32>,
          %parallel_loop3A_172 = vector.shape_cast %parallel_loop3A_171 : vector<1x16xf32> to vector<16xf32>
          %parallel_loop3A_173 = vector.shape_cast %parallel_loop3A_168 : vector<16xf32> to vector<1x16xf32>
          tpu.vector_store %arg16[%parallel_loop3A_169, %parallel_loop3A_170], %parallel_loop3A_173 {strides = array<i32>} : memref<80x128xf32, #tpu.memory_space<vmem>>, vector<1x16xf32>,
          %parallel_loop3A_174 = arith.index_cast %parallel_loop3A_112 : i32 to index
          %parallel_loop3A_175 = arith.constant 32 : index
          %parallel_loop3A_176 = tpu.vector_load %arg16[%parallel_loop3A_174, %parallel_loop3A_175] {strides = array<i32>} : memref<80x128xf32, #tpu.memory_space<vmem>>, vector<1x16xf32>,
          %parallel_loop3A_177 = vector.shape_cast %parallel_loop3A_176 : vector<1x16xf32> to vector<16xf32>
          %parallel_loop3A_178 = arith.mulf %parallel_loop3A_177, %parallel_loop3A_153 : vector<16xf32>
          %parallel_loop3A_179 = arith.index_cast %parallel_loop3A_112 : i32 to index
          %parallel_loop3A_180 = arith.constant 32 : index
          %parallel_loop3A_181 = tpu.vector_load %arg16[%parallel_loop3A_179, %parallel_loop3A_180] {strides = array<i32>} : memref<80x128xf32, #tpu.memory_space<vmem>>, vector<1x16xf32>,
          %parallel_loop3A_182 = vector.shape_cast %parallel_loop3A_181 : vector<1x16xf32> to vector<16xf32>
          %parallel_loop3A_183 = vector.shape_cast %parallel_loop3A_178 : vector<16xf32> to vector<1x16xf32>
          tpu.vector_store %arg16[%parallel_loop3A_179, %parallel_loop3A_180], %parallel_loop3A_183 {strides = array<i32>} : memref<80x128xf32, #tpu.memory_space<vmem>>, vector<1x16xf32>,
          %parallel_loop3A_184 = arith.index_cast %parallel_loop3A_112 : i32 to index
          %parallel_loop3A_185 = arith.constant 48 : index
          %parallel_loop3A_186 = tpu.vector_load %arg16[%parallel_loop3A_184, %parallel_loop3A_185] {strides = array<i32>} : memref<80x128xf32, #tpu.memory_space<vmem>>, vector<1x16xf32>,
          %parallel_loop3A_187 = vector.shape_cast %parallel_loop3A_186 : vector<1x16xf32> to vector<16xf32>
          %parallel_loop3A_188 = arith.mulf %parallel_loop3A_187, %parallel_loop3A_153 : vector<16xf32>
          %parallel_loop3A_189 = arith.index_cast %parallel_loop3A_112 : i32 to index
          %parallel_loop3A_190 = arith.constant 48 : index
          %parallel_loop3A_191 = tpu.vector_load %arg16[%parallel_loop3A_189, %parallel_loop3A_190] {strides = array<i32>} : memref<80x128xf32, #tpu.memory_space<vmem>>, vector<1x16xf32>,
          %parallel_loop3A_192 = vector.shape_cast %parallel_loop3A_191 : vector<1x16xf32> to vector<16xf32>
          %parallel_loop3A_193 = vector.shape_cast %parallel_loop3A_188 : vector<16xf32> to vector<1x16xf32>
          tpu.vector_store %arg16[%parallel_loop3A_189, %parallel_loop3A_190], %parallel_loop3A_193 {strides = array<i32>} : memref<80x128xf32, #tpu.memory_space<vmem>>, vector<1x16xf32>,
          %parallel_loop3A_194 = arith.index_cast %parallel_loop3A_112 : i32 to index
          %parallel_loop3A_195 = arith.constant 64 : index
          %parallel_loop3A_196 = tpu.vector_load %arg16[%parallel_loop3A_194, %parallel_loop3A_195] {strides = array<i32>} : memref<80x128xf32, #tpu.memory_space<vmem>>, vector<1x16xf32>,
          %parallel_loop3A_197 = vector.shape_cast %parallel_loop3A_196 : vector<1x16xf32> to vector<16xf32>
          %parallel_loop3A_198 = arith.mulf %parallel_loop3A_197, %parallel_loop3A_153 : vector<16xf32>
          %parallel_loop3A_199 = arith.index_cast %parallel_loop3A_112 : i32 to index
          %parallel_loop3A_200 = arith.constant 64 : index
          %parallel_loop3A_201 = tpu.vector_load %arg16[%parallel_loop3A_199, %parallel_loop3A_200] {strides = array<i32>} : memref<80x128xf32, #tpu.memory_space<vmem>>, vector<1x16xf32>,
          %parallel_loop3A_202 = vector.shape_cast %parallel_loop3A_201 : vector<1x16xf32> to vector<16xf32>
          %parallel_loop3A_203 = vector.shape_cast %parallel_loop3A_198 : vector<16xf32> to vector<1x16xf32>
          tpu.vector_store %arg16[%parallel_loop3A_199, %parallel_loop3A_200], %parallel_loop3A_203 {strides = array<i32>} : memref<80x128xf32, #tpu.memory_space<vmem>>, vector<1x16xf32>,
          %parallel_loop3A_204 = arith.index_cast %parallel_loop3A_112 : i32 to index
          %parallel_loop3A_205 = arith.constant 80 : index
          %parallel_loop3A_206 = tpu.vector_load %arg16[%parallel_loop3A_204, %parallel_loop3A_205] {strides = array<i32>} : memref<80x128xf32, #tpu.memory_space<vmem>>, vector<1x16xf32>,
          %parallel_loop3A_207 = vector.shape_cast %parallel_loop3A_206 : vector<1x16xf32> to vector<16xf32>
          %parallel_loop3A_208 = arith.mulf %parallel_loop3A_207, %parallel_loop3A_153 : vector<16xf32>
          %parallel_loop3A_209 = arith.index_cast %parallel_loop3A_112 : i32 to index
          %parallel_loop3A_210 = arith.constant 80 : index
          %parallel_loop3A_211 = tpu.vector_load %arg16[%parallel_loop3A_209, %parallel_loop3A_210] {strides = array<i32>} : memref<80x128xf32, #tpu.memory_space<vmem>>, vector<1x16xf32>,
          %parallel_loop3A_212 = vector.shape_cast %parallel_loop3A_211 : vector<1x16xf32> to vector<16xf32>
          %parallel_loop3A_213 = vector.shape_cast %parallel_loop3A_208 : vector<16xf32> to vector<1x16xf32>
          tpu.vector_store %arg16[%parallel_loop3A_209, %parallel_loop3A_210], %parallel_loop3A_213 {strides = array<i32>} : memref<80x128xf32, #tpu.memory_space<vmem>>, vector<1x16xf32>,
          %parallel_loop3A_214 = arith.index_cast %parallel_loop3A_112 : i32 to index
          %parallel_loop3A_215 = arith.constant 96 : index
          %parallel_loop3A_216 = tpu.vector_load %arg16[%parallel_loop3A_214, %parallel_loop3A_215] {strides = array<i32>} : memref<80x128xf32, #tpu.memory_space<vmem>>, vector<1x16xf32>,
          %parallel_loop3A_217 = vector.shape_cast %parallel_loop3A_216 : vector<1x16xf32> to vector<16xf32>
          %parallel_loop3A_218 = arith.mulf %parallel_loop3A_217, %parallel_loop3A_153 : vector<16xf32>
          %parallel_loop3A_219 = arith.index_cast %parallel_loop3A_112 : i32 to index
          %parallel_loop3A_220 = arith.constant 96 : index
          %parallel_loop3A_221 = tpu.vector_load %arg16[%parallel_loop3A_219, %parallel_loop3A_220] {strides = array<i32>} : memref<80x128xf32, #tpu.memory_space<vmem>>, vector<1x16xf32>,
          %parallel_loop3A_222 = vector.shape_cast %parallel_loop3A_221 : vector<1x16xf32> to vector<16xf32>
          %parallel_loop3A_223 = vector.shape_cast %parallel_loop3A_218 : vector<16xf32> to vector<1x16xf32>
          tpu.vector_store %arg16[%parallel_loop3A_219, %parallel_loop3A_220], %parallel_loop3A_223 {strides = array<i32>} : memref<80x128xf32, #tpu.memory_space<vmem>>, vector<1x16xf32>,
          %parallel_loop3A_224 = arith.index_cast %parallel_loop3A_112 : i32 to index
          %parallel_loop3A_225 = arith.constant 112 : index
          %parallel_loop3A_226 = tpu.vector_load %arg16[%parallel_loop3A_224, %parallel_loop3A_225] {strides = array<i32>} : memref<80x128xf32, #tpu.memory_space<vmem>>, vector<1x16xf32>,
          %parallel_loop3A_227 = vector.shape_cast %parallel_loop3A_226 : vector<1x16xf32> to vector<16xf32>
          %parallel_loop3A_228 = arith.mulf %parallel_loop3A_227, %parallel_loop3A_153 : vector<16xf32>
          %parallel_loop3A_229 = arith.index_cast %parallel_loop3A_112 : i32 to index
          %parallel_loop3A_230 = arith.constant 112 : index
          %parallel_loop3A_231 = tpu.vector_load %arg16[%parallel_loop3A_229, %parallel_loop3A_230] {strides = array<i32>} : memref<80x128xf32, #tpu.memory_space<vmem>>, vector<1x16xf32>,
          %parallel_loop3A_232 = vector.shape_cast %parallel_loop3A_231 : vector<1x16xf32> to vector<16xf32>
          %parallel_loop3A_233 = vector.shape_cast %parallel_loop3A_228 : vector<16xf32> to vector<1x16xf32>
          tpu.vector_store %arg16[%parallel_loop3A_229, %parallel_loop3A_230], %parallel_loop3A_233 {strides = array<i32>} : memref<80x128xf32, #tpu.memory_space<vmem>>, vector<1x16xf32>,
        } {sc.loop_unroll_factor = 4 : i64, sc.parallel_access}
        %dma_start3A_96 = arith.constant 0 : i32
        %dma_start3A_97 = arith.constant 0 : i32
        %dma_start3A_98 = tpu.memref_slice %arg18[%dma_start3A_96, %dma_start3A_97] : memref<10000x128xf32, #tpu.memory_space<vmem_shared>> -> memref<10000x128xf32, #tpu.memory_space<vmem_shared>>
        tpu.enqueue_indirect_dma source(%arg16 : memref<80x128xf32, #tpu.memory_space<vmem>>) target(%dma_start3A_98 : memref<10000x128xf32, #tpu.memory_space<vmem_shared>>) offsets(%arg10 : memref<80xi32, #tpu.memory_space<vmem>>) semaphore(%arg23 : memref<!tpu.dma_semaphore, #tpu.memory_space<semaphore_mem>>) {add = true}
        %ge3A = arith.constant 1 : i32
        %ge3A_99 = arith.cmpi sge, %add3A_67, %ge3A : i32
        %lt3A_100 = arith.constant 124 : i32
        %lt3A_101 = arith.cmpi slt, %add3A_67, %lt3A_100 : i32
        %and3A = arith.andi %ge3A_99, %lt3A_101 : i1
        %convert_element_type3A_102 = arith.extui %and3A : i1 to i32
        %cond3A_103 = arith.constant 0 : i32
        %cond3A_104 = arith.cmpi ne, %convert_element_type3A_102, %cond3A_103 : i32
        scf.if %cond3A_104 {
          %dma_wait3A_112 = arith.constant 0 : i32
          %dma_wait3A_113 = arith.constant 0 : i32
          %dma_wait3A_114 = tpu.memref_slice %arg18[%dma_wait3A_112, %dma_wait3A_113] : memref<10000x128xf32, #tpu.memory_space<vmem_shared>> -> memref<10000x128xf32, #tpu.memory_space<vmem_shared>>
          tpu.wait_indirect_dma semaphore(%arg22 : memref<!tpu.dma_semaphore, #tpu.memory_space<semaphore_mem>>) src(%arg15 : memref<80x128xf32, #tpu.memory_space<vmem>>) dst(%dma_wait3A_114 : memref<10000x128xf32, #tpu.memory_space<vmem_shared>>)
        } else {
        }
        %add3A_105 = arith.constant 2 : i32
        %add3A_106 = arith.addi %add3A_67, %add3A_105 : i32
        %lt3A_107 = arith.constant 125 : i32
        %lt3A_108 = arith.cmpi slt, %add3A_106, %lt3A_107 : i32
        %convert_element_type3A_109 = arith.extui %lt3A_108 : i1 to i32
        %cond3A_110 = arith.constant 0 : i32
        %cond3A_111 = arith.cmpi ne, %convert_element_type3A_109, %cond3A_110 : i32
        scf.if %cond3A_111 {
          %add3A_112 = arith.constant 2 : i32
          %add3A_113 = arith.addi %add3A_67, %add3A_112 : i32
          %mul3A_114 = arith.constant 80 : i32
          %mul3A_115 = arith.muli %add3A_113, %mul3A_114 : i32
          %dma_start3A_116 = tpu.memref_slice %arg8[%mul3A_115] : memref<10000xi32, #tpu.memory_space<vmem>> -> memref<80xi32, #tpu.memory_space<vmem>>
          %dma_start3A_117 = arith.constant 0 : i32
          %dma_start3A_118 = arith.constant 0 : i32
          %dma_start3A_119 = tpu.memref_slice %arg2[%dma_start3A_117, %dma_start3A_118] : memref<10000x128xf32, #tpu.memory_space<hbm>> -> memref<10000x128xf32, #tpu.memory_space<hbm>>
          tpu.enqueue_indirect_dma source(%dma_start3A_119 : memref<10000x128xf32, #tpu.memory_space<hbm>>) target(%arg15 : memref<80x128xf32, #tpu.memory_space<vmem>>) offsets(%dma_start3A_116 : memref<80xi32, #tpu.memory_space<vmem>>) semaphore(%arg19 : memref<!tpu.dma_semaphore, #tpu.memory_space<semaphore_mem>>)
          %add3A_120 = arith.addi %mul3A_2, %mul3A_115 : i32
          %dma_start3A_121 = tpu.memref_slice %arg4[%add3A_120] : memref<320000xi32, #tpu.memory_space<hbm>> -> memref<80xi32, #tpu.memory_space<hbm>>
          %dma_start3A_122 = tpu.memref_slice %arg4[%add3A_120] : memref<320000xi32, #tpu.memory_space<hbm>> -> memref<80xi32, #tpu.memory_space<hbm>>
          tpu.enqueue_dma source(%dma_start3A_122 : memref<80xi32, #tpu.memory_space<hbm>>) target(%arg9 : memref<80xi32, #tpu.memory_space<vmem>>) target_semaphore(%arg19 : memref<!tpu.dma_semaphore, #tpu.memory_space<semaphore_mem>>)
          %add3A_123 = arith.addi %mul3A_2, %mul3A_115 : i32
          %dma_start3A_124 = tpu.memref_slice %arg5[%add3A_123] : memref<320000xf32, #tpu.memory_space<hbm>> -> memref<80xf32, #tpu.memory_space<hbm>>
          %dma_start3A_125 = tpu.memref_slice %arg5[%add3A_123] : memref<320000xf32, #tpu.memory_space<hbm>> -> memref<80xf32, #tpu.memory_space<hbm>>
          tpu.enqueue_dma source(%dma_start3A_125 : memref<80xf32, #tpu.memory_space<hbm>>) target(%arg12 : memref<80xf32, #tpu.memory_space<vmem>>) target_semaphore(%arg19 : memref<!tpu.dma_semaphore, #tpu.memory_space<semaphore_mem>>)
        } else {
        }
      } else {
      }
      %mul3A_73 = arith.constant 3 : i32
      %mul3A_74 = arith.muli %scan3A_55, %mul3A_73 : i32
      %add3A_75 = arith.constant 2 : i32
      %add3A_76 = arith.addi %mul3A_74, %add3A_75 : i32
      %lt3A_77 = arith.constant 125 : i32
      %lt3A_78 = arith.cmpi slt, %add3A_76, %lt3A_77 : i32
      %convert_element_type3A_79 = arith.extui %lt3A_78 : i1 to i32
      %cond3A_80 = arith.constant 0 : i32
      %cond3A_81 = arith.cmpi ne, %convert_element_type3A_79, %cond3A_80 : i32
      scf.if %cond3A_81 {
        %mul3A_82 = arith.constant 80 : i32
        %mul3A_83 = arith.muli %add3A_76, %mul3A_82 : i32
        %dma_wait3A_84 = tpu.memref_slice %arg8[%mul3A_83] : memref<10000xi32, #tpu.memory_space<vmem>> -> memref<80xi32, #tpu.memory_space<vmem>>
        %dma_wait3A_85 = arith.constant 0 : i32
        %dma_wait3A_86 = arith.constant 0 : i32
        %dma_wait3A_87 = tpu.memref_slice %arg2[%dma_wait3A_85, %dma_wait3A_86] : memref<10000x128xf32, #tpu.memory_space<hbm>> -> memref<10000x128xf32, #tpu.memory_space<hbm>>
        tpu.wait_indirect_dma semaphore(%arg21 : memref<!tpu.dma_semaphore, #tpu.memory_space<semaphore_mem>>) src(%dma_wait3A_87 : memref<10000x128xf32, #tpu.memory_space<hbm>>) dst(%arg17 : memref<80x128xf32, #tpu.memory_space<vmem>>)
        %add3A_88 = arith.addi %mul3A_2, %mul3A_83 : i32
        %dma_wait3A_89 = tpu.memref_slice %arg4[%add3A_88] : memref<320000xi32, #tpu.memory_space<hbm>> -> memref<80xi32, #tpu.memory_space<hbm>>
        %dma_wait3A_90 = tpu.memref_slice %arg4[%add3A_88] : memref<320000xi32, #tpu.memory_space<hbm>> -> memref<80xi32, #tpu.memory_space<hbm>>
        tpu.wait_dma2 semaphore(%arg21 : memref<!tpu.dma_semaphore, #tpu.memory_space<semaphore_mem>>) src(%dma_wait3A_90 : memref<80xi32, #tpu.memory_space<hbm>>) dst(%arg11 : memref<80xi32, #tpu.memory_space<vmem>>)
        %add3A_91 = arith.addi %mul3A_2, %mul3A_83 : i32
        %dma_wait3A_92 = tpu.memref_slice %arg5[%add3A_91] : memref<320000xf32, #tpu.memory_space<hbm>> -> memref<80xf32, #tpu.memory_space<hbm>>
        %dma_wait3A_93 = tpu.memref_slice %arg5[%add3A_91] : memref<320000xf32, #tpu.memory_space<hbm>> -> memref<80xf32, #tpu.memory_space<hbm>>
        tpu.wait_dma2 semaphore(%arg21 : memref<!tpu.dma_semaphore, #tpu.memory_space<semaphore_mem>>) src(%dma_wait3A_93 : memref<80xf32, #tpu.memory_space<hbm>>) dst(%arg14 : memref<80xf32, #tpu.memory_space<vmem>>)
        %parallel_loop3A = arith.constant 0 : i32
        %parallel_loop3A_94 = arith.constant 80 : i32
        %parallel_loop3A_95 = arith.constant 1 : i32
        scf.for %parallel_loop3A_112 = %parallel_loop3A to %parallel_loop3A_94 step %parallel_loop3A_95  : i32 {
          %parallel_loop3A_113 = arith.constant 16 : i32
          %parallel_loop3A_114 = arith.divsi %parallel_loop3A_112, %parallel_loop3A_113 : i32
          %parallel_loop3A_115 = arith.constant 0 : i32
          %parallel_loop3A_116 = arith.cmpi sgt, %parallel_loop3A_112, %parallel_loop3A_115 : i32
          %parallel_loop3A_117 = arith.extui %parallel_loop3A_116 : i1 to i32
          %parallel_loop3A_118 = arith.constant 0 : i32
          %parallel_loop3A_119 = arith.cmpi slt, %parallel_loop3A_112, %parallel_loop3A_118 : i32
          %parallel_loop3A_120 = arith.extui %parallel_loop3A_119 : i1 to i32
          %parallel_loop3A_121 = arith.subi %parallel_loop3A_117, %parallel_loop3A_120 : i32
          %parallel_loop3A_122 = arith.constant 0 : i32
          %parallel_loop3A_123 = arith.cmpi sgt, %parallel_loop3A_113, %parallel_loop3A_122 : i32
          %parallel_loop3A_124 = arith.extui %parallel_loop3A_123 : i1 to i32
          %parallel_loop3A_125 = arith.constant 0 : i32
          %parallel_loop3A_126 = arith.cmpi slt, %parallel_loop3A_113, %parallel_loop3A_125 : i32
          %parallel_loop3A_127 = arith.extui %parallel_loop3A_126 : i1 to i32
          %parallel_loop3A_128 = arith.subi %parallel_loop3A_124, %parallel_loop3A_127 : i32
          %parallel_loop3A_129 = arith.cmpi ne, %parallel_loop3A_121, %parallel_loop3A_128 : i32
          %parallel_loop3A_130 = arith.remsi %parallel_loop3A_112, %parallel_loop3A_113 : i32
          %parallel_loop3A_131 = arith.constant 0 : i32
          %parallel_loop3A_132 = arith.cmpi ne, %parallel_loop3A_130, %parallel_loop3A_131 : i32
          %parallel_loop3A_133 = arith.andi %parallel_loop3A_129, %parallel_loop3A_132 : i1
          %parallel_loop3A_134 = arith.constant 1 : i32
          %parallel_loop3A_135 = arith.subi %parallel_loop3A_114, %parallel_loop3A_134 : i32
          %parallel_loop3A_136 = arith.select %parallel_loop3A_133, %parallel_loop3A_135, %parallel_loop3A_114 : i32
          %parallel_loop3A_137 = arith.constant 16 : i32
          %parallel_loop3A_138 = arith.muli %parallel_loop3A_136, %parallel_loop3A_137 : i32
          %parallel_loop3A_139 = arith.index_cast %parallel_loop3A_138 : i32 to index
          %parallel_loop3A_140 = tpu.vector_load %arg14[%parallel_loop3A_139] {strides = array<i32>} : memref<80xf32, #tpu.memory_space<vmem>>, vector<16xf32>,
          %parallel_loop3A_141 = vector.shape_cast %parallel_loop3A_140 : vector<16xf32> to vector<16xf32>
          %parallel_loop3A_142 = arith.subi %parallel_loop3A_112, %parallel_loop3A_138 : i32
          %parallel_loop3A_143 = vector.broadcast %parallel_loop3A_142 : i32 to vector<16xi32>
          %parallel_loop3A_144 = arith.constant 0 : i32
          %parallel_loop3A_145 = vector.broadcast %parallel_loop3A_144 : i32 to vector<16xi32>
          %parallel_loop3A_146 = arith.cmpi slt, %parallel_loop3A_143, %parallel_loop3A_145 : vector<16xi32>
          %parallel_loop3A_147 = arith.constant 16 : i32
          %parallel_loop3A_148 = vector.broadcast %parallel_loop3A_147 : i32 to vector<16xi32>
          %parallel_loop3A_149 = arith.addi %parallel_loop3A_143, %parallel_loop3A_148 : vector<16xi32>
          %parallel_loop3A_150 = arith.select %parallel_loop3A_146, %parallel_loop3A_149, %parallel_loop3A_143 : vector<16xi1>, vector<16xi32>
          %parallel_loop3A_151 = vector.shape_cast %parallel_loop3A_150 : vector<16xi32> to vector<16x1xi32>
          %parallel_loop3A_152 = vector.shape_cast %parallel_loop3A_151 : vector<16x1xi32> to vector<16xi32>
          %parallel_loop3A_153 = tpu.dynamic_gather %parallel_loop3A_141[%parallel_loop3A_152] in [0] : vector<16xf32>, vector<16xi32> -> vector<16xf32>
          %parallel_loop3A_154 = arith.index_cast %parallel_loop3A_112 : i32 to index
          %parallel_loop3A_155 = arith.constant 0 : index
          %parallel_loop3A_156 = tpu.vector_load %arg17[%parallel_loop3A_154, %parallel_loop3A_155] {strides = array<i32>} : memref<80x128xf32, #tpu.memory_space<vmem>>, vector<1x16xf32>,
          %parallel_loop3A_157 = vector.shape_cast %parallel_loop3A_156 : vector<1x16xf32> to vector<16xf32>
          %parallel_loop3A_158 = arith.mulf %parallel_loop3A_157, %parallel_loop3A_153 : vector<16xf32>
          %parallel_loop3A_159 = arith.index_cast %parallel_loop3A_112 : i32 to index
          %parallel_loop3A_160 = arith.constant 0 : index
          %parallel_loop3A_161 = tpu.vector_load %arg17[%parallel_loop3A_159, %parallel_loop3A_160] {strides = array<i32>} : memref<80x128xf32, #tpu.memory_space<vmem>>, vector<1x16xf32>,
          %parallel_loop3A_162 = vector.shape_cast %parallel_loop3A_161 : vector<1x16xf32> to vector<16xf32>
          %parallel_loop3A_163 = vector.shape_cast %parallel_loop3A_158 : vector<16xf32> to vector<1x16xf32>
          tpu.vector_store %arg17[%parallel_loop3A_159, %parallel_loop3A_160], %parallel_loop3A_163 {strides = array<i32>} : memref<80x128xf32, #tpu.memory_space<vmem>>, vector<1x16xf32>,
          %parallel_loop3A_164 = arith.index_cast %parallel_loop3A_112 : i32 to index
          %parallel_loop3A_165 = arith.constant 16 : index
          %parallel_loop3A_166 = tpu.vector_load %arg17[%parallel_loop3A_164, %parallel_loop3A_165] {strides = array<i32>} : memref<80x128xf32, #tpu.memory_space<vmem>>, vector<1x16xf32>,
          %parallel_loop3A_167 = vector.shape_cast %parallel_loop3A_166 : vector<1x16xf32> to vector<16xf32>
          %parallel_loop3A_168 = arith.mulf %parallel_loop3A_167, %parallel_loop3A_153 : vector<16xf32>
          %parallel_loop3A_169 = arith.index_cast %parallel_loop3A_112 : i32 to index
          %parallel_loop3A_170 = arith.constant 16 : index
          %parallel_loop3A_171 = tpu.vector_load %arg17[%parallel_loop3A_169, %parallel_loop3A_170] {strides = array<i32>} : memref<80x128xf32, #tpu.memory_space<vmem>>, vector<1x16xf32>,
          %parallel_loop3A_172 = vector.shape_cast %parallel_loop3A_171 : vector<1x16xf32> to vector<16xf32>
          %parallel_loop3A_173 = vector.shape_cast %parallel_loop3A_168 : vector<16xf32> to vector<1x16xf32>
          tpu.vector_store %arg17[%parallel_loop3A_169, %parallel_loop3A_170], %parallel_loop3A_173 {strides = array<i32>} : memref<80x128xf32, #tpu.memory_space<vmem>>, vector<1x16xf32>,
          %parallel_loop3A_174 = arith.index_cast %parallel_loop3A_112 : i32 to index
          %parallel_loop3A_175 = arith.constant 32 : index
          %parallel_loop3A_176 = tpu.vector_load %arg17[%parallel_loop3A_174, %parallel_loop3A_175] {strides = array<i32>} : memref<80x128xf32, #tpu.memory_space<vmem>>, vector<1x16xf32>,
          %parallel_loop3A_177 = vector.shape_cast %parallel_loop3A_176 : vector<1x16xf32> to vector<16xf32>
          %parallel_loop3A_178 = arith.mulf %parallel_loop3A_177, %parallel_loop3A_153 : vector<16xf32>
          %parallel_loop3A_179 = arith.index_cast %parallel_loop3A_112 : i32 to index
          %parallel_loop3A_180 = arith.constant 32 : index
          %parallel_loop3A_181 = tpu.vector_load %arg17[%parallel_loop3A_179, %parallel_loop3A_180] {strides = array<i32>} : memref<80x128xf32, #tpu.memory_space<vmem>>, vector<1x16xf32>,
          %parallel_loop3A_182 = vector.shape_cast %parallel_loop3A_181 : vector<1x16xf32> to vector<16xf32>
          %parallel_loop3A_183 = vector.shape_cast %parallel_loop3A_178 : vector<16xf32> to vector<1x16xf32>
          tpu.vector_store %arg17[%parallel_loop3A_179, %parallel_loop3A_180], %parallel_loop3A_183 {strides = array<i32>} : memref<80x128xf32, #tpu.memory_space<vmem>>, vector<1x16xf32>,
          %parallel_loop3A_184 = arith.index_cast %parallel_loop3A_112 : i32 to index
          %parallel_loop3A_185 = arith.constant 48 : index
          %parallel_loop3A_186 = tpu.vector_load %arg17[%parallel_loop3A_184, %parallel_loop3A_185] {strides = array<i32>} : memref<80x128xf32, #tpu.memory_space<vmem>>, vector<1x16xf32>,
          %parallel_loop3A_187 = vector.shape_cast %parallel_loop3A_186 : vector<1x16xf32> to vector<16xf32>
          %parallel_loop3A_188 = arith.mulf %parallel_loop3A_187, %parallel_loop3A_153 : vector<16xf32>
          %parallel_loop3A_189 = arith.index_cast %parallel_loop3A_112 : i32 to index
          %parallel_loop3A_190 = arith.constant 48 : index
          %parallel_loop3A_191 = tpu.vector_load %arg17[%parallel_loop3A_189, %parallel_loop3A_190] {strides = array<i32>} : memref<80x128xf32, #tpu.memory_space<vmem>>, vector<1x16xf32>,
          %parallel_loop3A_192 = vector.shape_cast %parallel_loop3A_191 : vector<1x16xf32> to vector<16xf32>
          %parallel_loop3A_193 = vector.shape_cast %parallel_loop3A_188 : vector<16xf32> to vector<1x16xf32>
          tpu.vector_store %arg17[%parallel_loop3A_189, %parallel_loop3A_190], %parallel_loop3A_193 {strides = array<i32>} : memref<80x128xf32, #tpu.memory_space<vmem>>, vector<1x16xf32>,
          %parallel_loop3A_194 = arith.index_cast %parallel_loop3A_112 : i32 to index
          %parallel_loop3A_195 = arith.constant 64 : index
          %parallel_loop3A_196 = tpu.vector_load %arg17[%parallel_loop3A_194, %parallel_loop3A_195] {strides = array<i32>} : memref<80x128xf32, #tpu.memory_space<vmem>>, vector<1x16xf32>,
          %parallel_loop3A_197 = vector.shape_cast %parallel_loop3A_196 : vector<1x16xf32> to vector<16xf32>
          %parallel_loop3A_198 = arith.mulf %parallel_loop3A_197, %parallel_loop3A_153 : vector<16xf32>
          %parallel_loop3A_199 = arith.index_cast %parallel_loop3A_112 : i32 to index
          %parallel_loop3A_200 = arith.constant 64 : index
          %parallel_loop3A_201 = tpu.vector_load %arg17[%parallel_loop3A_199, %parallel_loop3A_200] {strides = array<i32>} : memref<80x128xf32, #tpu.memory_space<vmem>>, vector<1x16xf32>,
          %parallel_loop3A_202 = vector.shape_cast %parallel_loop3A_201 : vector<1x16xf32> to vector<16xf32>
          %parallel_loop3A_203 = vector.shape_cast %parallel_loop3A_198 : vector<16xf32> to vector<1x16xf32>
          tpu.vector_store %arg17[%parallel_loop3A_199, %parallel_loop3A_200], %parallel_loop3A_203 {strides = array<i32>} : memref<80x128xf32, #tpu.memory_space<vmem>>, vector<1x16xf32>,
          %parallel_loop3A_204 = arith.index_cast %parallel_loop3A_112 : i32 to index
          %parallel_loop3A_205 = arith.constant 80 : index
          %parallel_loop3A_206 = tpu.vector_load %arg17[%parallel_loop3A_204, %parallel_loop3A_205] {strides = array<i32>} : memref<80x128xf32, #tpu.memory_space<vmem>>, vector<1x16xf32>,
          %parallel_loop3A_207 = vector.shape_cast %parallel_loop3A_206 : vector<1x16xf32> to vector<16xf32>
          %parallel_loop3A_208 = arith.mulf %parallel_loop3A_207, %parallel_loop3A_153 : vector<16xf32>
          %parallel_loop3A_209 = arith.index_cast %parallel_loop3A_112 : i32 to index
          %parallel_loop3A_210 = arith.constant 80 : index
          %parallel_loop3A_211 = tpu.vector_load %arg17[%parallel_loop3A_209, %parallel_loop3A_210] {strides = array<i32>} : memref<80x128xf32, #tpu.memory_space<vmem>>, vector<1x16xf32>,
          %parallel_loop3A_212 = vector.shape_cast %parallel_loop3A_211 : vector<1x16xf32> to vector<16xf32>
          %parallel_loop3A_213 = vector.shape_cast %parallel_loop3A_208 : vector<16xf32> to vector<1x16xf32>
          tpu.vector_store %arg17[%parallel_loop3A_209, %parallel_loop3A_210], %parallel_loop3A_213 {strides = array<i32>} : memref<80x128xf32, #tpu.memory_space<vmem>>, vector<1x16xf32>,
          %parallel_loop3A_214 = arith.index_cast %parallel_loop3A_112 : i32 to index
          %parallel_loop3A_215 = arith.constant 96 : index
          %parallel_loop3A_216 = tpu.vector_load %arg17[%parallel_loop3A_214, %parallel_loop3A_215] {strides = array<i32>} : memref<80x128xf32, #tpu.memory_space<vmem>>, vector<1x16xf32>,
          %parallel_loop3A_217 = vector.shape_cast %parallel_loop3A_216 : vector<1x16xf32> to vector<16xf32>
          %parallel_loop3A_218 = arith.mulf %parallel_loop3A_217, %parallel_loop3A_153 : vector<16xf32>
          %parallel_loop3A_219 = arith.index_cast %parallel_loop3A_112 : i32 to index
          %parallel_loop3A_220 = arith.constant 96 : index
          %parallel_loop3A_221 = tpu.vector_load %arg17[%parallel_loop3A_219, %parallel_loop3A_220] {strides = array<i32>} : memref<80x128xf32, #tpu.memory_space<vmem>>, vector<1x16xf32>,
          %parallel_loop3A_222 = vector.shape_cast %parallel_loop3A_221 : vector<1x16xf32> to vector<16xf32>
          %parallel_loop3A_223 = vector.shape_cast %parallel_loop3A_218 : vector<16xf32> to vector<1x16xf32>
          tpu.vector_store %arg17[%parallel_loop3A_219, %parallel_loop3A_220], %parallel_loop3A_223 {strides = array<i32>} : memref<80x128xf32, #tpu.memory_space<vmem>>, vector<1x16xf32>,
          %parallel_loop3A_224 = arith.index_cast %parallel_loop3A_112 : i32 to index
          %parallel_loop3A_225 = arith.constant 112 : index
          %parallel_loop3A_226 = tpu.vector_load %arg17[%parallel_loop3A_224, %parallel_loop3A_225] {strides = array<i32>} : memref<80x128xf32, #tpu.memory_space<vmem>>, vector<1x16xf32>,
          %parallel_loop3A_227 = vector.shape_cast %parallel_loop3A_226 : vector<1x16xf32> to vector<16xf32>
          %parallel_loop3A_228 = arith.mulf %parallel_loop3A_227, %parallel_loop3A_153 : vector<16xf32>
          %parallel_loop3A_229 = arith.index_cast %parallel_loop3A_112 : i32 to index
          %parallel_loop3A_230 = arith.constant 112 : index
          %parallel_loop3A_231 = tpu.vector_load %arg17[%parallel_loop3A_229, %parallel_loop3A_230] {strides = array<i32>} : memref<80x128xf32, #tpu.memory_space<vmem>>, vector<1x16xf32>,
          %parallel_loop3A_232 = vector.shape_cast %parallel_loop3A_231 : vector<1x16xf32> to vector<16xf32>
          %parallel_loop3A_233 = vector.shape_cast %parallel_loop3A_228 : vector<16xf32> to vector<1x16xf32>
          tpu.vector_store %arg17[%parallel_loop3A_229, %parallel_loop3A_230], %parallel_loop3A_233 {strides = array<i32>} : memref<80x128xf32, #tpu.memory_space<vmem>>, vector<1x16xf32>,
        } {sc.loop_unroll_factor = 4 : i64, sc.parallel_access}
        %dma_start3A_96 = arith.constant 0 : i32
        %dma_start3A_97 = arith.constant 0 : i32
        %dma_start3A_98 = tpu.memref_slice %arg18[%dma_start3A_96, %dma_start3A_97] : memref<10000x128xf32, #tpu.memory_space<vmem_shared>> -> memref<10000x128xf32, #tpu.memory_space<vmem_shared>>
        tpu.enqueue_indirect_dma source(%arg17 : memref<80x128xf32, #tpu.memory_space<vmem>>) target(%dma_start3A_98 : memref<10000x128xf32, #tpu.memory_space<vmem_shared>>) offsets(%arg11 : memref<80xi32, #tpu.memory_space<vmem>>) semaphore(%arg24 : memref<!tpu.dma_semaphore, #tpu.memory_space<semaphore_mem>>) {add = true}
        %ge3A = arith.constant 1 : i32
        %ge3A_99 = arith.cmpi sge, %add3A_76, %ge3A : i32
        %lt3A_100 = arith.constant 124 : i32
        %lt3A_101 = arith.cmpi slt, %add3A_76, %lt3A_100 : i32
        %and3A = arith.andi %ge3A_99, %lt3A_101 : i1
        %convert_element_type3A_102 = arith.extui %and3A : i1 to i32
        %cond3A_103 = arith.constant 0 : i32
        %cond3A_104 = arith.cmpi ne, %convert_element_type3A_102, %cond3A_103 : i32
        scf.if %cond3A_104 {
          %dma_wait3A_112 = arith.constant 0 : i32
          %dma_wait3A_113 = arith.constant 0 : i32
          %dma_wait3A_114 = tpu.memref_slice %arg18[%dma_wait3A_112, %dma_wait3A_113] : memref<10000x128xf32, #tpu.memory_space<vmem_shared>> -> memref<10000x128xf32, #tpu.memory_space<vmem_shared>>
          tpu.wait_indirect_dma semaphore(%arg23 : memref<!tpu.dma_semaphore, #tpu.memory_space<semaphore_mem>>) src(%arg16 : memref<80x128xf32, #tpu.memory_space<vmem>>) dst(%dma_wait3A_114 : memref<10000x128xf32, #tpu.memory_space<vmem_shared>>)
        } else {
        }
        %add3A_105 = arith.constant 2 : i32
        %add3A_106 = arith.addi %add3A_76, %add3A_105 : i32
        %lt3A_107 = arith.constant 125 : i32
        %lt3A_108 = arith.cmpi slt, %add3A_106, %lt3A_107 : i32
        %convert_element_type3A_109 = arith.extui %lt3A_108 : i1 to i32
        %cond3A_110 = arith.constant 0 : i32
        %cond3A_111 = arith.cmpi ne, %convert_element_type3A_109, %cond3A_110 : i32
        scf.if %cond3A_111 {
          %add3A_112 = arith.constant 2 : i32
          %add3A_113 = arith.addi %add3A_76, %add3A_112 : i32
          %mul3A_114 = arith.constant 80 : i32
          %mul3A_115 = arith.muli %add3A_113, %mul3A_114 : i32
          %dma_start3A_116 = tpu.memref_slice %arg8[%mul3A_115] : memref<10000xi32, #tpu.memory_space<vmem>> -> memref<80xi32, #tpu.memory_space<vmem>>
          %dma_start3A_117 = arith.constant 0 : i32
          %dma_start3A_118 = arith.constant 0 : i32
          %dma_start3A_119 = tpu.memref_slice %arg2[%dma_start3A_117, %dma_start3A_118] : memref<10000x128xf32, #tpu.memory_space<hbm>> -> memref<10000x128xf32, #tpu.memory_space<hbm>>
          tpu.enqueue_indirect_dma source(%dma_start3A_119 : memref<10000x128xf32, #tpu.memory_space<hbm>>) target(%arg16 : memref<80x128xf32, #tpu.memory_space<vmem>>) offsets(%dma_start3A_116 : memref<80xi32, #tpu.memory_space<vmem>>) semaphore(%arg20 : memref<!tpu.dma_semaphore, #tpu.memory_space<semaphore_mem>>)
          %add3A_120 = arith.addi %mul3A_2, %mul3A_115 : i32
          %dma_start3A_121 = tpu.memref_slice %arg4[%add3A_120] : memref<320000xi32, #tpu.memory_space<hbm>> -> memref<80xi32, #tpu.memory_space<hbm>>
          %dma_start3A_122 = tpu.memref_slice %arg4[%add3A_120] : memref<320000xi32, #tpu.memory_space<hbm>> -> memref<80xi32, #tpu.memory_space<hbm>>
          tpu.enqueue_dma source(%dma_start3A_122 : memref<80xi32, #tpu.memory_space<hbm>>) target(%arg10 : memref<80xi32, #tpu.memory_space<vmem>>) target_semaphore(%arg20 : memref<!tpu.dma_semaphore, #tpu.memory_space<semaphore_mem>>)
          %add3A_123 = arith.addi %mul3A_2, %mul3A_115 : i32
          %dma_start3A_124 = tpu.memref_slice %arg5[%add3A_123] : memref<320000xf32, #tpu.memory_space<hbm>> -> memref<80xf32, #tpu.memory_space<hbm>>
          %dma_start3A_125 = tpu.memref_slice %arg5[%add3A_123] : memref<320000xf32, #tpu.memory_space<hbm>> -> memref<80xf32, #tpu.memory_space<hbm>>
          tpu.enqueue_dma source(%dma_start3A_125 : memref<80xf32, #tpu.memory_space<hbm>>) target(%arg13 : memref<80xf32, #tpu.memory_space<vmem>>) target_semaphore(%arg20 : memref<!tpu.dma_semaphore, #tpu.memory_space<semaphore_mem>>)
        } else {
        }
      } else {
      }
    }
    %scan3A_36 = arith.constant 42 : i32
    %dma_wait3A = arith.constant 0 : i32
    %dma_wait3A_37 = arith.constant 0 : i32
    %dma_wait3A_38 = tpu.memref_slice %arg18[%dma_wait3A, %dma_wait3A_37] : memref<10000x128xf32, #tpu.memory_space<vmem_shared>> -> memref<10000x128xf32, #tpu.memory_space<vmem_shared>>
    tpu.wait_indirect_dma semaphore(%arg22 : memref<!tpu.dma_semaphore, #tpu.memory_space<semaphore_mem>>) src(%arg15 : memref<80x128xf32, #tpu.memory_space<vmem>>) dst(%dma_wait3A_38 : memref<10000x128xf32, #tpu.memory_space<vmem_shared>>)
    %dma_wait3A_39 = arith.constant 0 : i32
    %dma_wait3A_40 = arith.constant 0 : i32
    %dma_wait3A_41 = tpu.memref_slice %arg18[%dma_wait3A_39, %dma_wait3A_40] : memref<10000x128xf32, #tpu.memory_space<vmem_shared>> -> memref<10000x128xf32, #tpu.memory_space<vmem_shared>>
    tpu.wait_indirect_dma semaphore(%arg23 : memref<!tpu.dma_semaphore, #tpu.memory_space<semaphore_mem>>) src(%arg16 : memref<80x128xf32, #tpu.memory_space<vmem>>) dst(%dma_wait3A_41 : memref<10000x128xf32, #tpu.memory_space<vmem_shared>>)
    %barrier3A_42 = arith.constant 0 : index
    tpu.barrier barrier_id(%barrier3A_42)
    %mul3A_43 = arith.constant 624 : i32
    %mul3A_44 = arith.muli %arg1, %mul3A_43 : i32
    %mul3A_45 = arith.constant 10000 : i32
    %mul3A_46 = arith.muli %arg0, %mul3A_45 : i32
    %mul3A_47 = arith.constant 624 : i32
    %mul3A_48 = arith.muli %arg1, %mul3A_47 : i32
    %add3A_49 = arith.addi %mul3A_46, %mul3A_48 : i32
    "tpu.region"() ({
      %run_scoped3A = tpu.sem_alloc : memref<!tpu.dma_semaphore, #tpu.memory_space<semaphore_mem>>
      %dma_start3A_55 = arith.constant 0 : i32
      %dma_start3A_56 = tpu.memref_slice %arg7[%add3A_49, %dma_start3A_55] : memref<20000x128xf32, #tpu.memory_space<hbm>> -> memref<624x128xf32, #tpu.memory_space<hbm>>
      %dma_start3A_57 = arith.constant 0 : i32
      %dma_start3A_58 = tpu.memref_slice %arg18[%mul3A_44, %dma_start3A_57] : memref<10000x128xf32, #tpu.memory_space<vmem_shared>> -> memref<624x128xf32, #tpu.memory_space<vmem_shared>>
      tpu.enqueue_dma source(%dma_start3A_58 : memref<624x128xf32, #tpu.memory_space<vmem_shared>>) target(%dma_start3A_56 : memref<624x128xf32, #tpu.memory_space<hbm>>) target_semaphore(%run_scoped3A : memref<!tpu.dma_semaphore, #tpu.memory_space<semaphore_mem>>)
      %dma_wait3A_59 = arith.constant 0 : i32
      %dma_wait3A_60 = tpu.memref_slice %arg7[%add3A_49, %dma_wait3A_59] : memref<20000x128xf32, #tpu.memory_space<hbm>> -> memref<624x128xf32, #tpu.memory_space<hbm>>
      %dma_wait3A_61 = arith.constant 0 : i32
      %dma_wait3A_62 = tpu.memref_slice %arg18[%mul3A_44, %dma_wait3A_61] : memref<10000x128xf32, #tpu.memory_space<vmem_shared>> -> memref<624x128xf32, #tpu.memory_space<vmem_shared>>
      tpu.wait_dma2 semaphore(%run_scoped3A : memref<!tpu.dma_semaphore, #tpu.memory_space<semaphore_mem>>) src(%dma_wait3A_62 : memref<624x128xf32, #tpu.memory_space<vmem_shared>>) dst(%dma_wait3A_60 : memref<624x128xf32, #tpu.memory_space<hbm>>)
      tpu.yield
    }) : () -> ()
    %eq3A_50 = arith.constant 15 : i32
    %eq3A_51 = arith.cmpi eq, %arg1, %eq3A_50 : i32
    %convert_element_type3A_52 = arith.extui %eq3A_51 : i1 to i32
    %cond3A_53 = arith.constant 0 : i32
    %cond3A_54 = arith.cmpi ne, %convert_element_type3A_52, %cond3A_53 : i32
    scf.if %cond3A_54 {
      %mul3A_55 = arith.constant 10000 : i32
      %mul3A_56 = arith.muli %arg0, %mul3A_55 : i32
      %add3A_57 = arith.constant 9984 : i32
      %add3A_58 = arith.addi %mul3A_56, %add3A_57 : i32
      "tpu.region"() ({
        %run_scoped3A = tpu.sem_alloc : memref<!tpu.dma_semaphore, #tpu.memory_space<semaphore_mem>>
        %dma_start3A_59 = arith.constant 0 : i32
        %dma_start3A_60 = tpu.memref_slice %arg7[%add3A_58, %dma_start3A_59] : memref<20000x128xf32, #tpu.memory_space<hbm>> -> memref<16x128xf32, #tpu.memory_space<hbm>>
        %dma_start3A_61 = arith.constant 9984 : i32
        %dma_start3A_62 = arith.constant 0 : i32
        %dma_start3A_63 = tpu.memref_slice %arg18[%dma_start3A_61, %dma_start3A_62] : memref<10000x128xf32, #tpu.memory_space<vmem_shared>> -> memref<16x128xf32, #tpu.memory_space<vmem_shared>>
        tpu.enqueue_dma source(%dma_start3A_63 : memref<16x128xf32, #tpu.memory_space<vmem_shared>>) target(%dma_start3A_60 : memref<16x128xf32, #tpu.memory_space<hbm>>) target_semaphore(%run_scoped3A : memref<!tpu.dma_semaphore, #tpu.memory_space<semaphore_mem>>)
        %dma_wait3A_64 = arith.constant 0 : i32
        %dma_wait3A_65 = tpu.memref_slice %arg7[%add3A_58, %dma_wait3A_64] : memref<20000x128xf32, #tpu.memory_space<hbm>> -> memref<16x128xf32, #tpu.memory_space<hbm>>
        %dma_wait3A_66 = arith.constant 9984 : i32
        %dma_wait3A_67 = arith.constant 0 : i32
        %dma_wait3A_68 = tpu.memref_slice %arg18[%dma_wait3A_66, %dma_wait3A_67] : memref<10000x128xf32, #tpu.memory_space<vmem_shared>> -> memref<16x128xf32, #tpu.memory_space<vmem_shared>>
        tpu.wait_dma2 semaphore(%run_scoped3A : memref<!tpu.dma_semaphore, #tpu.memory_space<semaphore_mem>>) src(%dma_wait3A_68 : memref<16x128xf32, #tpu.memory_space<vmem_shared>>) dst(%dma_wait3A_65 : memref<16x128xf32, #tpu.memory_space<hbm>>)
        tpu.yield
      }) : () -> ()
    } else {
    }
    return
  }
}

module attributes {stable_mosaic.version = 14 : i64} {
  func.func @body(%arg0: i32, %arg1: memref<1000x128xf32, #tpu.memory_space<vmem>>, %arg2: memref<1000x128xf32, #tpu.memory_space<vmem>>, %arg3: memref<128x128xf32, #tpu.memory_space<vmem>>, %arg4: memref<128x128xf32, #tpu.memory_space<vmem>>, %arg5: memref<1x128xf32, #tpu.memory_space<vmem>>, %arg6: memref<1000x128xf32, #tpu.memory_space<vmem>>, %arg7: memref<1000x128xf32, #tpu.memory_space<vmem>>) attributes {dimension_semantics = [#tpu.dimension_semantics<arbitrary>], iteration_bounds = array<i64: 10>, scalar_prefetch = 0 : i64, scratch_operands = 0 : i64, tpu.core_type = #tpu.core_type<tc>, window_params = [{transform_indices = @transform_0, window_bounds = array<i64: 1000, 128>}, {transform_indices = @transform_1, window_bounds = array<i64: 1000, 128>}, {pipeline_mode = #tpu.pipeline_mode<synchronous>, transform_indices = @transform_2, window_bounds = array<i64: 128, 128>}, {pipeline_mode = #tpu.pipeline_mode<synchronous>, transform_indices = @transform_3, window_bounds = array<i64: 128, 128>}, {pipeline_mode = #tpu.pipeline_mode<synchronous>, transform_indices = @transform_4, window_bounds = array<i64: 1, 128>}, {transform_indices = @transform_5, window_bounds = array<i64: 1000, 128>}, {transform_indices = @transform_6, window_bounds = array<i64: 1000, 128>}]} {
    %get3A = arith.constant 0 : index
    %get3A_0 = arith.constant 0 : index
    %get3A_1 = vector.load %arg1[%get3A, %get3A_0] : memref<1000x128xf32, #tpu.memory_space<vmem>>, vector<1000x128xf32>
    %get3A_2 = arith.constant 0 : index
    %get3A_3 = arith.constant 0 : index
    %get3A_4 = vector.load %arg3[%get3A_2, %get3A_3] : memref<128x128xf32, #tpu.memory_space<vmem>>, vector<128x128xf32>
    %dot_general3A = arith.constant dense<0.000000e+00> : vector<1000x128xf32>
    %dot_general3A_5 = tpu.matmul %get3A_1, %get3A_4, %dot_general3A {dimension_numbers = #tpu.dot_dimension_numbers<[1], [0], [0], [1], [0, 0, 1, 1], [], []>, transpose_lhs_hint = false} : vector<1000x128xf32>, vector<128x128xf32>, vector<1000x128xf32> -> vector<1000x128xf32>
    %get3A_6 = arith.constant 0 : index
    %get3A_7 = arith.constant 0 : index
    %get3A_8 = vector.load %arg5[%get3A_6, %get3A_7] : memref<1x128xf32, #tpu.memory_space<vmem>>, vector<1x128xf32>
    %add3A = vector.broadcast %get3A_8 : vector<1x128xf32> to vector<1000x128xf32>
    %add3A_9 = arith.addf %dot_general3A_5, %add3A : vector<1000x128xf32>
    %mul3A = arith.constant 2.000000e+00 : f32
    %mul3A_10 = vector.broadcast %mul3A : f32 to vector<1000x128xf32>
    %mul3A_11 = arith.mulf %add3A_9, %mul3A_10 : vector<1000x128xf32>
    %swap3A = arith.constant 0 : index
    %swap3A_12 = arith.constant 0 : index
    %swap3A_13 = vector.load %arg6[%swap3A, %swap3A_12] : memref<1000x128xf32, #tpu.memory_space<vmem>>, vector<1000x128xf32>
    tpu.vector_store %arg6[%swap3A, %swap3A_12], %mul3A_11 {strides = array<i32>} : memref<1000x128xf32, #tpu.memory_space<vmem>>, vector<1000x128xf32>,
    %get3A_14 = arith.constant 0 : index
    %get3A_15 = arith.constant 0 : index
    %get3A_16 = vector.load %arg2[%get3A_14, %get3A_15] : memref<1000x128xf32, #tpu.memory_space<vmem>>, vector<1000x128xf32>
    %get3A_17 = arith.constant 0 : index
    %get3A_18 = arith.constant 0 : index
    %get3A_19 = vector.load %arg4[%get3A_17, %get3A_18] : memref<128x128xf32, #tpu.memory_space<vmem>>, vector<128x128xf32>
    %dot_general3A_20 = arith.constant dense<0.000000e+00> : vector<1000x128xf32>
    %dot_general3A_21 = tpu.matmul %get3A_16, %get3A_19, %dot_general3A_20 {dimension_numbers = #tpu.dot_dimension_numbers<[1], [0], [0], [1], [0, 0, 1, 1], [], []>, transpose_lhs_hint = false} : vector<1000x128xf32>, vector<128x128xf32>, vector<1000x128xf32> -> vector<1000x128xf32>
    %mul3A_22 = arith.constant 2.000000e+00 : f32
    %mul3A_23 = vector.broadcast %mul3A_22 : f32 to vector<1000x128xf32>
    %mul3A_24 = arith.mulf %dot_general3A_21, %mul3A_23 : vector<1000x128xf32>
    %swap3A_25 = arith.constant 0 : index
    %swap3A_26 = arith.constant 0 : index
    %swap3A_27 = vector.load %arg7[%swap3A_25, %swap3A_26] : memref<1000x128xf32, #tpu.memory_space<vmem>>, vector<1000x128xf32>
    tpu.vector_store %arg7[%swap3A_25, %swap3A_26], %mul3A_24 {strides = array<i32>} : memref<1000x128xf32, #tpu.memory_space<vmem>>, vector<1000x128xf32>,
    return
  }
  func.func @transform_0(%arg0: i32) -> (i32, i32) {
    %c0_i32 = arith.constant 0 : i32
    %c0_i32_0 = arith.constant 0 : i32
    return %arg0, %c0_i32 : i32, i32
  }
  func.func @transform_1(%arg0: i32) -> (i32, i32) {
    %c0_i32 = arith.constant 0 : i32
    %c0_i32_0 = arith.constant 0 : i32
    return %arg0, %c0_i32 : i32, i32
  }
  func.func @transform_2(%arg0: i32) -> (i32, i32) {
    %c0_i32 = arith.constant 0 : i32
    %c0_i32_0 = arith.constant 0 : i32
    %c0_i32_1 = arith.constant 0 : i32
    return %c0_i32, %c0_i32_0 : i32, i32
  }
  func.func @transform_3(%arg0: i32) -> (i32, i32) {
    %c0_i32 = arith.constant 0 : i32
    %c0_i32_0 = arith.constant 0 : i32
    %c0_i32_1 = arith.constant 0 : i32
    return %c0_i32, %c0_i32_0 : i32, i32
  }
  func.func @transform_4(%arg0: i32) -> (i32, i32) {
    %c0_i32 = arith.constant 0 : i32
    %c0_i32_0 = arith.constant 0 : i32
    %c0_i32_1 = arith.constant 0 : i32
    return %c0_i32, %c0_i32_0 : i32, i32
  }
  func.func @transform_5(%arg0: i32) -> (i32, i32) {
    %c0_i32 = arith.constant 0 : i32
    %c0_i32_0 = arith.constant 0 : i32
    return %arg0, %c0_i32 : i32, i32
  }
  func.func @transform_6(%arg0: i32) -> (i32, i32) {
    %c0_i32 = arith.constant 0 : i32
    %c0_i32_0 = arith.constant 0 : i32
    return %arg0, %c0_i32 : i32, i32
  }
}

module attributes {stable_mosaic.version = 14 : i64} {
  func.func @body(%arg0: i32, %arg1: memref<2000x128xf32, #tpu.memory_space<vmem>>, %arg2: memref<128x8xf32, #tpu.memory_space<vmem>>, %arg3: memref<2000x8xf32, #tpu.memory_space<vmem>>) attributes {dimension_semantics = [#tpu.dimension_semantics<arbitrary>], iteration_bounds = array<i64: 20>, scalar_prefetch = 0 : i64, scratch_operands = 0 : i64, tpu.core_type = #tpu.core_type<tc>, window_params = [{transform_indices = @transform_0, window_bounds = array<i64: 2000, 128>}, {pipeline_mode = #tpu.pipeline_mode<synchronous>, transform_indices = @transform_1, window_bounds = array<i64: 128, 8>}, {transform_indices = @transform_2, window_bounds = array<i64: 2000, 8>}]} {
    %get3A = arith.constant 0 : index
    %get3A_0 = arith.constant 0 : index
    %get3A_1 = vector.load %arg1[%get3A, %get3A_0] : memref<2000x128xf32, #tpu.memory_space<vmem>>, vector<2000x128xf32>
    %get3A_2 = arith.constant 0 : index
    %get3A_3 = arith.constant 0 : index
    %get3A_4 = vector.load %arg2[%get3A_2, %get3A_3] : memref<128x8xf32, #tpu.memory_space<vmem>>, vector<128x8xf32>
    %dot_general3A = arith.constant dense<0.000000e+00> : vector<2000x8xf32>
    %dot_general3A_5 = tpu.matmul %get3A_1, %get3A_4, %dot_general3A {dimension_numbers = #tpu.dot_dimension_numbers<[1], [0], [0], [1], [0, 0, 1, 1], [], []>, transpose_lhs_hint = false} : vector<2000x128xf32>, vector<128x8xf32>, vector<2000x8xf32> -> vector<2000x8xf32>
    %swap3A = arith.constant 0 : index
    %swap3A_6 = arith.constant 0 : index
    %swap3A_7 = vector.load %arg3[%swap3A, %swap3A_6] : memref<2000x8xf32, #tpu.memory_space<vmem>>, vector<2000x8xf32>
    tpu.vector_store %arg3[%swap3A, %swap3A_6], %dot_general3A_5 {strides = array<i32>} : memref<2000x8xf32, #tpu.memory_space<vmem>>, vector<2000x8xf32>,
    return
  }
  func.func @transform_0(%arg0: i32) -> (i32, i32) {
    %c0_i32 = arith.constant 0 : i32
    %c0_i32_0 = arith.constant 0 : i32
    return %arg0, %c0_i32 : i32, i32
  }
  func.func @transform_1(%arg0: i32) -> (i32, i32) {
    %c0_i32 = arith.constant 0 : i32
    %c0_i32_0 = arith.constant 0 : i32
    %c0_i32_1 = arith.constant 0 : i32
    return %c0_i32, %c0_i32_0 : i32, i32
  }
  func.func @transform_2(%arg0: i32) -> (i32, i32) {
    %c0_i32 = arith.constant 0 : i32
    %c0_i32_0 = arith.constant 0 : i32
    return %arg0, %c0_i32 : i32, i32
  }
}

module attributes {stable_mosaic.version = 14 : i64} {
  func.func @body(%arg0: memref<2500x128xf32, #tpu.memory_space<vmem>>, %arg1: memref<2500x128xf32, #tpu.memory_space<vmem>>) attributes {dimension_semantics = [], scalar_prefetch = 0 : i64, scratch_operands = 0 : i64, tpu.core_type = #tpu.core_type<tc>} {
    %get3A = arith.constant 0 : index
    %get3A_0 = arith.constant 0 : index
    %get3A_1 = vector.load %arg0[%get3A, %get3A_0] : memref<2500x128xf32, #tpu.memory_space<vmem>>, vector<2500x128xf32>
    %reduce_max3A = vector.shape_cast %get3A_1 : vector<2500x128xf32> to vector<1x2500x128xf32>
    %reduce_max3A_2 = arith.constant dense<0xFF800000> : vector<1xf32>
    %reduce_max3A_3 = vector.multi_reduction <maximumf>, %reduce_max3A, %reduce_max3A_2 [1, 2] : vector<1x2500x128xf32> to vector<1xf32>
    %reduce_max3A_4 = vector.shape_cast %reduce_max3A_3 : vector<1xf32> to vector<1x1x1xf32>
    %reduce_max3A_5 = vector.extract %reduce_max3A_4[0, 0, 0] : f32 from vector<1x1x1xf32>
    %sub3A = vector.broadcast %reduce_max3A_5 : f32 to vector<2500x128xf32>
    %sub3A_6 = arith.subf %get3A_1, %sub3A : vector<2500x128xf32>
    %exp3A = math.exp %sub3A_6 : vector<2500x128xf32>
    %reduce_sum3A = vector.shape_cast %exp3A : vector<2500x128xf32> to vector<1x2500x128xf32>
    %reduce_sum3A_7 = arith.constant dense<0.000000e+00> : vector<1xf32>
    %reduce_sum3A_8 = vector.multi_reduction <add>, %reduce_sum3A, %reduce_sum3A_7 [1, 2] : vector<1x2500x128xf32> to vector<1xf32>
    %reduce_sum3A_9 = vector.shape_cast %reduce_sum3A_8 : vector<1xf32> to vector<1x1x1xf32>
    %reduce_sum3A_10 = vector.extract %reduce_sum3A_9[0, 0, 0] : f32 from vector<1x1x1xf32>
    %div3A = vector.broadcast %reduce_sum3A_10 : f32 to vector<2500x128xf32>
    %div3A_11 = arith.divf %exp3A, %div3A : vector<2500x128xf32>
    %swap3A = arith.constant 0 : index
    %swap3A_12 = arith.constant 0 : index
    %swap3A_13 = vector.load %arg1[%swap3A, %swap3A_12] : memref<2500x128xf32, #tpu.memory_space<vmem>>, vector<2500x128xf32>
    tpu.vector_store %arg1[%swap3A, %swap3A_12], %div3A_11 {strides = array<i32>} : memref<2500x128xf32, #tpu.memory_space<vmem>>, vector<2500x128xf32>,
    return
  }
}

module attributes {stable_mosaic.version = 14 : i64} {
  func.func @body(%arg0: i32, %arg1: memref<2000x128xf32, #tpu.memory_space<vmem>>, %arg2: memref<2000x128xf32, #tpu.memory_space<vmem>>, %arg3: memref<2000x128xf32, #tpu.memory_space<vmem>>) attributes {dimension_semantics = [#tpu.dimension_semantics<arbitrary>], iteration_bounds = array<i64: 5>, scalar_prefetch = 0 : i64, scratch_operands = 0 : i64, tpu.core_type = #tpu.core_type<tc>, window_params = [{transform_indices = @transform_0, window_bounds = array<i64: 2000, 128>}, {transform_indices = @transform_1, window_bounds = array<i64: 2000, 128>}, {transform_indices = @transform_2, window_bounds = array<i64: 2000, 128>}]} {
    %get3A = arith.constant 0 : index
    %get3A_0 = arith.constant 0 : index
    %get3A_1 = vector.load %arg1[%get3A, %get3A_0] : memref<2000x128xf32, #tpu.memory_space<vmem>>, vector<2000x128xf32>
    %get3A_2 = arith.constant 0 : index
    %get3A_3 = arith.constant 0 : index
    %get3A_4 = vector.load %arg2[%get3A_2, %get3A_3] : memref<2000x128xf32, #tpu.memory_space<vmem>>, vector<2000x128xf32>
    %add3A = arith.addf %get3A_1, %get3A_4 : vector<2000x128xf32>
    %swap3A = arith.constant 0 : index
    %swap3A_5 = arith.constant 0 : index
    %swap3A_6 = vector.load %arg3[%swap3A, %swap3A_5] : memref<2000x128xf32, #tpu.memory_space<vmem>>, vector<2000x128xf32>
    tpu.vector_store %arg3[%swap3A, %swap3A_5], %add3A {strides = array<i32>} : memref<2000x128xf32, #tpu.memory_space<vmem>>, vector<2000x128xf32>,
    return
  }
  func.func @transform_0(%arg0: i32) -> (i32, i32) {
    %c0_i32 = arith.constant 0 : i32
    %c0_i32_0 = arith.constant 0 : i32
    return %arg0, %c0_i32 : i32, i32
  }
  func.func @transform_1(%arg0: i32) -> (i32, i32) {
    %c0_i32 = arith.constant 0 : i32
    %c0_i32_0 = arith.constant 0 : i32
    return %arg0, %c0_i32 : i32, i32
  }
  func.func @transform_2(%arg0: i32) -> (i32, i32) {
    %c0_i32 = arith.constant 0 : i32
    %c0_i32_0 = arith.constant 0 : i32
    return %arg0, %c0_i32 : i32, i32
  }
}

</mosaic_0001>

<sc_bundles>
// kernel: kernel.11.cloned.1.call-start
scs
__scs_entry_jumppad:
0x0: {  	(pc) =	sbr.rel $0x88, $3  }
0x1: {  	(tag) =	ssettag $0x0;
	lr =	simm.s32 $0x1  }
0x2: {  	[smem:$0x3F9B] =	sst lr;
	_ =	strace $0xD0000000  }
0x3: {  	_ = 	snop  }
0x4: {  	_ = 	snop  }
0x5: {  	_ = 	snop  }
0x6: {  	_ = 	snop  }
0x7: {  	_ = 	snop  }
__scs_overlays_trampoline_lowered:
0x8: {  	[smem:$0x3FAA] =	sst s0  }
0x9: {  	[smem:$0x3FAB] =	sst s1  }
0xa: {  	[smem:$0x3FAC] =	sst s2  }
0xb: {  	[smem:$0x3FAD] =	sst s3  }
0xc: {  	[smem:$0x3FAE] =	sst s4  }
0xd: {  	[smem:$0x3FAF] =	sst s5  }
0xe: {  	[smem:$0x3FB0] =	sst s6  }
0xf: {  	[smem:$0x3FB1] =	sst s7  }
0x10: {  	[smem:$0x3FB2] =	sst s8  }
0x11: {  	[smem:$0x3FB3] =	sst s9;
	s0 =	simm.s32 @!p0 $0x0  }
0x12: {  	s1 =	sld [smem:$0x3F99];
	s0 =	simm.s32 @p0 $0x1  }
0x13: {  	[smem:$0x3FB4] =	sst s0;
	s0 =	simm.s32 @!p1 $0x0  }
0x14: {  	s2 =	sld [smem:$0x3F98];
	s0 =	simm.s32 @p1 $0x1  }
0x15: {  	[smem:$0x3FB5] =	sst s0;
	s0 =	simm.s32 @!p2 $0x0  }
0x16: {  	s3 =	sld [smem:$0x3FDB];
	s0 =	simm.s32 @p2 $0x1  }
0x17: {  	s4 =	simm.s32 $0x1BF5;
	[smem:$0x3FB7] =	sst s0  }
0x18: {  	s0 =	sld [smem:$0x3F9A];
	_ =	swait.ge [sflag:s4], $0x0  }
0x19: {  	s7 =	sld [smem:$0x3F9B]  }
0x1a: {  	s8 =	sadd.s32 $0xFFFFE003, lr  }
0x1b: {  	s9 =	sadd.s32 $0xFFFFFEF7, lr;
	s5 =	simm.s32 $0xFFFFFFFF;
	p2 =	slt.u32 s8, $0xFFFFF086  }
0x1c: {  	p1 =	slt.u32 s9, $0xF7A;
	s5 =	simm.s32 @!p2 $0x0  }
0x1d: {  	s5 =	simm.s32 @p1 $0x1;
	p0 =	seq.s32 s7, s2  }
0x1e: {  	s7 =	smul.u32 @!p0 $0xF7A, s2;
	p2 =	seq.s32 @!p0 s5, $0x0  }
0x1f: {  	s9 =	smul.u32 $0xF7A, s1;
	s8 =	simm.s32 @!p0 $0x1BF5;
	p2 =	por !p2, p0  }
0x20: {  	[sflag:s8] =	ssyncset.s32 @!p0 $0xFFFFF086;
	s6 =	sadd.s32 @!p0 s3, s7;
	s7 =	simm.s32 @!p0 $0x108  }
0x21: {  	s3 =	sadd.s32 s3, s9;
	s6 =	sadd.s32 @!p0 $0x88, s6;
	s7 =	simm.s32 @p2 $0x1082  }
0x22: {  	[simem:s7], [sflag:s8] =	dma.local @!p0 [hbm:s6], $0xF7A  }
0x23: {  	s9 =	sor.u32 $0xD0000000, s2;
	s6 =	simm.s32 $0x108;
	_ =	swait.ge @!p0 [sflag:s8], $0x0  }
0x24: {  	s3 =	sadd.s32 $0x88, s3;
	s6 =	simm.s32 @!p1 $0x1082;
	[sflag:s4] =	ssyncset.s32 $0xFFFFF086  }
0x25: {  	[simem:s6], [sflag:s4] =	dma.local [hbm:s3], $0xF7A  }
0x26: {  	[smem:$0x3F9B] =	sst s1;
	(tag) =	ssettag s2;
	_ =	strace s9  }
0x27: {  	s1 =	sld [smem:$0x3FAB]  }
0x28: {  	s2 =	sld [smem:$0x3FAC]  }
0x29: {  	s4 =	sld [smem:$0x3FAE]  }
0x2a: {  	p0 =	seq.s32 s5, $0x0;
	s5 =	sld [smem:$0x3FAF]  }
0x2b: {  	s6 =	sld [smem:$0x3FB0]  }
0x2c: {  	s7 =	sld [smem:$0x3FB1]  }
0x2d: {  	s3 =	simm.s32 $0x108;
	s8 =	sld [smem:$0x3FB2]  }
0x2e: {  	s3 =	simm.s32 @!p0 $0x1082;
	s9 =	sld [smem:$0x3FB3]  }
0x2f: {  	lr =	sadd.s32 s0, s3;
	s0 =	sld [smem:$0x3FAA]  }
0x30: {  	s3 =	sld [smem:$0x3FAD]  }
0x31: {  	[smem:$0x3FB6] =	sst s10  }
0x32: {  	s10 =	sld [smem:$0x3FB4];
	_ =	sdelay $0x3  }
0x33: {  	p0 =	seq.s32 s10, $0x1;
	s10 =	sld [smem:$0x3FB6];
	_ =	sdelay $0x3  }
0x34: {  	[smem:$0x3FB6] =	sst s10  }
0x35: {  	s10 =	sld [smem:$0x3FB5];
	_ =	sdelay $0x3  }
0x36: {  	p1 =	seq.s32 s10, $0x1;
	s10 =	sld [smem:$0x3FB6];
	_ =	sdelay $0x3  }
0x37: {  	[smem:$0x3FB6] =	sst s10  }
0x38: {  	s10 =	sld [smem:$0x3FB7]  }
0x39: {  	_ = 	snop;
	(pc) =	sbr.ind lr, $3  }
0x3a: {  	_ = 	snop  }
0x3b: {  	_ = 	snop  }
0x3c: {  	p2 =	seq.s32 s10, $0x1;
	s10 =	sld [smem:$0x3FB6]  }
0x3d: {  	_ =	shalt  }
0x3e: {  	_ =	shalt  }
0x3f: {  	_ =	shalt  }
0x40: {  	_ =	shalt  }
0x41: {  	_ =	shalt  }
0x42: {  	_ =	shalt  }
0x43: {  	_ =	shalt  }
0x44: {  	_ =	shalt  }
0x45: {  	_ =	shalt  }
0x46: {  	_ =	shalt  }
0x47: {  	_ =	shalt  }
0x48: {  	_ =	shalt  }
0x49: {  	_ =	shalt  }
0x4a: {  	_ =	shalt  }
0x4b: {  	_ =	shalt  }
0x4c: {  	_ =	shalt  }
0x4d: {  	_ =	shalt  }
0x4e: {  	_ =	shalt  }
0x4f: {  	_ =	shalt  }
0x50: {  	_ =	shalt  }
0x51: {  	_ =	shalt  }
0x52: {  	_ =	shalt  }
0x53: {  	_ =	shalt  }
0x54: {  	_ =	shalt  }
0x55: {  	_ =	shalt  }
0x56: {  	_ =	shalt  }
0x57: {  	_ =	shalt  }
0x58: {  	_ =	shalt  }
0x59: {  	_ =	shalt  }
0x5a: {  	_ =	shalt  }
0x5b: {  	_ =	shalt  }
0x5c: {  	_ =	shalt  }
0x5d: {  	_ =	shalt  }
0x5e: {  	_ =	shalt  }
0x5f: {  	_ =	shalt  }
0x60: {  	_ =	shalt  }
0x61: {  	_ =	shalt  }
0x62: {  	_ =	shalt  }
0x63: {  	_ =	shalt  }
0x64: {  	_ =	shalt  }
0x65: {  	_ =	shalt  }
0x66: {  	_ =	shalt  }
0x67: {  	_ =	shalt  }
0x68: {  	_ =	shalt  }
0x69: {  	_ =	shalt  }
0x6a: {  	_ =	shalt  }
0x6b: {  	_ =	shalt  }
0x6c: {  	_ =	shalt  }
0x6d: {  	_ =	shalt  }
0x6e: {  	_ =	shalt  }
0x6f: {  	_ =	shalt  }
0x70: {  	_ =	shalt  }
0x71: {  	_ =	shalt  }
0x72: {  	_ =	shalt  }
0x73: {  	_ =	shalt  }
0x74: {  	_ =	shalt  }
0x75: {  	_ =	shalt  }
0x76: {  	_ =	shalt  }
0x77: {  	_ =	shalt  }
0x78: {  	_ =	shalt  }
0x79: {  	_ =	shalt  }
0x7a: {  	_ =	shalt  }
0x7b: {  	_ =	shalt  }
0x7c: {  	_ =	shalt  }
0x7d: {  	_ =	shalt  }
0x7e: {  	_ =	shalt  }
0x7f: {  	_ =	shalt  }
0x80: {  	_ =	shalt  }
0x81: {  	_ =	shalt  }
0x82: {  	_ =	shalt  }
0x83: {  	_ =	shalt  }
0x84: {  	_ =	shalt  }
0x85: {  	_ =	shalt  }
0x86: {  	_ =	shalt  }
0x87: {  	_ =	shalt  }
.Lfunc_end0:
.L_simem_size_0:
called_computation.1_lowered:
.L_overlay_start_0:
0x88: {  	s2 =	sld [smem:$0x3FD9]  }
0x89: {  	s3 =	sld [smem:$0x3FFE];
	_ =	sdelay $0x1  }
0x8a: {  	s1 =	srdreg.scid  }
0x8b: {  	s0 =	sand.u32 $0x1, s1  }
0x8c: {  	s14 =	sshll.u32 s0, $0xA;
	s2 =	sadd.s32 s3, s2  }
0x8d: {  	s2 =	sadd.s32 s2, s14  }
0x8e: {  	[smem:$0x3FC2] =	sst s2  }
0x8f: {  	_ = 	snop  }
0x90: {  	s2 =	sld [smem:$0x3FD0];
	_ =	sdelay $0x2  }
0x91: {  	s4 =	simm.s32 $0xA;
	s5 =	simm.s32 $0x10;
	s15 =	sld [smem:$0x3FC9]  }
0x92: {  	[smem:s5], [sflag:s4] =	dma.local [hbm:s2], $0x1  }
0x93: {  	_ =	swait.eq [sflag:s4], $0x1  }
0x94: {  	[sflag:s4] =	ssyncset.done $0x0  }
0x95: {  	[sflag:s4] =	ssyncadd.s32 $0xFFFFFFFF  }
0x96: {  	s16 =	sld [smem:$0x10];
	(tm) =	ssettm $0x1  }
0x97: {  	s17 =	sld [smem:$0x3FFB];
	_ =	sdelay $0x3  }
0x98: {  	_ =	strace s17  }
0x99: {  	s4 =	sld [smem:$0x3FFC];
	_ =	sdelay $0x3  }
0x9a: {  	_ =	strace s4  }
0x9b: {  	s4 =	sld [smem:$0x3FFD];
	_ =	sdelay $0x3  }
0x9c: {  	_ =	strace s4  }
0x9d: {  	_ =	strace $0x8FFFFFFF  }
0x9e: {  	s18 =	sld [smem:$0x3FDB];
	_ =	sdelay $0x1  }
0x9f: {  	s19 =	simm.s32 $_scs_section_size  }
0xa0: {  	s6 =	simm.s32 $_size__tile_overlayer_lowered;
	s7 =	simm.s32 $_tile_overlayer_lowered  }
0xa1: {  	s22 =	simm.s32 $0x1BFF;
	s21 =	sshll.u32 s7, $0x1;
	s4 =	sadd.s32 s19, s18  }
0xa2: {  	s8 =	simm.s32 $0x0;
	s20 =	sshll.u32 s6, $0x1;
	s6 =	sadd.s32 s21, s4  }
0xa3: {  	[timem:s8], [sflag:s22] =	dma.local [hbm:s6], s20  }
0xa4: {  	_ =	swait.ge [sflag:s22], s20  }
0xa5: {  	s5 =	ssub.s32 $0x0, s20;
	[sflag:s22] =	ssyncset.done $0x0  }
0xa6: {  	[sflag:s22] =	ssyncadd.s32 s5;
	_ =	sdelay $0x1  }
0xa7: {  	s23 =	simm.s32 $0x1B8B  }
0xa8: {  	_ =	swait.ge [sflag:s23], $0x1  }
0xa9: {  	[sflag:s23] =	ssyncset.done $0x0  }
0xaa: {  	s25 =	simm.s32 $0x1B8E;
	s24 =	sld [smem:$0x3FFE];
	[sflag:s23] =	ssyncadd.s32 $0xFFFFFFFF  }
0xab: {  	s26 =	simm.s32 $execute0_lowered;
	[smem:$0x3FD2] =	sst s25  }
0xac: {  	s6 =	sshll.u32 s26, $0x1;
	_ =	strace $0x80000049;
	[dreg:$0x1] =	wrdreg $0xFFFFFFFF  }
0xad: {  	s28 =	simm.s32 $_size_execute0_lowered;
	s4 =	sadd.s32 s4, s6;
	[dreg:$0x0] =	wrdreg $0x0  }
0xae: {  	s6 =	sshll.u32 s28, $0x1;
	[dreg:$0x2] =	wrdreg s4  }
0xaf: {  	[dreg:$0x3] =	wrdreg s6  }
0xb0: {  	[dreg:$0x4] =	wrdreg $0xC0  }
0xb1: {  	_ =	task [dreg:s8], $0x5FFFF  }
0xb2: {  	[dreg:$0x1] =	wrdreg $0xFFFFFFFF  }
0xb3: {  	[dreg:$0x0] =	wrdreg $0x60  }
0xb4: {  	[dreg:$0x2] =	wrdreg s15  }
0xb5: {  	[dreg:$0x3] =	wrdreg s24  }
0xb6: {  	[dreg:$0x4] =	wrdreg s16  }
0xb7: {  	[dreg:$0x5] =	wrdreg $0xA2800  }
0xb8: {  	[dreg:$0x6] =	wrdreg $0x9  }
0xb9: {  	_ =	task.clear_ibuf [dreg:s8], $0x7FFFF;
	_ =	strace $0x90000049  }
0xba: {  	s29 =	simm.s32 $0x9;
	_ =	strace $0x8000004B  }
0xbb: {  	_ =	swait.ge [sflag:s29], $0x1  }
0xbc: {  	[sflag:s29] =	ssyncadd.s32 $0xFFFFFFFF  }
0xbd: {  	_ =	strace $0x9000004B  }
0xbe: {  	_ =	sfence  }
0xbf: {  	s30 =	sld [smem:$0x0];
	_ =	sdelay $0x2  }
0xc0: {  	s31 =	sshll.u32 s1, $0xD;
	s1 =	sshrl.u32 s1, $0x2  }
0xc1: {  	s3 =	sand.u32 $0x4000, s31;
	s1 =	sadd.s32 s1, s30  }
0xc2: {  	s0 =	sor.u32 s3, s0;
	s1 =	sshll.u32 s1, $0x11  }
0xc3: {  	s0 =	sor.u32 s1, s0  }
0xc4: {  	s0 =	sadd.s32 $0x8F2B, s0  }
0xc5: {  	[sflag:s0] =	ssyncadd.remote.s32 $0x1  }
0xc6: {  	_ =	sfence.sel $0xFFFF  }
0xc7: {  	[dreg:$0x0] =	wrdreg $0xFFFFFFFF;
	(pc) =	sbr.abs _section_cstart, $3  }
0xc8: {  	[dreg:$0x1] =	wrdreg $0xFFFFFFFF  }
0xc9: {  	_ =	task.clear_ibuf [dreg:s8], $0x2FFFF;
	_ =	strace $0x9FFFFFFF  }
0xca: {  	(tm) =	ssettm $0x7FFFFFFF  }
0xcb: {  	_ =	shalt  }
tec
execute0_lowered:
.L_overlay_start_1:
0x0: {  	(tag) =	ssettag $0x1  }
0x1: {  	s1 =	rddreg [dreg:$0x0]  }
0x2: {  	s0 =	rddreg [dreg:$0x1]  }
0x3: {  	s2 =	srdreg.scid;
	s3 =	rddreg [dreg:$0x2]  }
0x4: {  	s16 =	stileid.u32;
	s4 =	rddreg [dreg:$0x3]  }
0x5: {  	s28 =	simm.s32 $0x2980;
	s29 =	simm.s32 $0x1;
	s30 =	simm.s32 $0x2  }
0x6: {  	s31 =	simm.s32 $0x4;
	s2 =	sand.u32 $0x1, s2;
	s5 =	sshll.u32 s16, $0x1  }
0x7: {  	s11 =	smul.u32 $0x4E000, s16;
	s7 =	sadd.s32 $0x1400, s0;
	s12 =	sadd.s32 $0x15000, s0  }
0x8: {  	s19 =	smul.u32 $0x2700, s16;
	s20 =	sshll.u32 s16, $0x6;
	s14 =	sadd.s32 $0x138000, s4  }
0x9: {  	p0 =	sne.s32 s16, $0xF;
	s6 =	sor.u32 s2, s5;
	s15 =	smul.u32 $0x138800, s2  }
0xa: {  	s5 =	simm.s32 $0x0;
	s9 =	ssub.s32 $0x2, s2;
	s2 =	smul.u32 $0x27100, s2  }
0xb: {  	s16 =	simm.s32 $0x7;
	s6 =	smul.u32 $0x2710, s6;
	[smem:$0x7FF] =	sst s5  }
0xc: {  	s17 =	sshrl.u32 s9, $0x1;
	s18 =	sshrl.u32 s11, $0x2;
	s11 =	simm.s32 $0x7A80  }
0xd: {  	_ =	strace $0x8000004A;
	[dreg:$0x5] =	wrdreg s12;
	s12 =	ssub.s32 s9, s17  }
0xe: {  	s13 =	sadd.s32 s18, s4;
	s9 =	sor.u32 $0x1C07, s20;
	s23 =	sshrl.u32 s15, $0x3  }
0xf: {  	s2 =	sadd.s32 s19, s2;
	s17 =	sshrl.u32 @!p0 s14, $0x3;
	s8 =	sshrl.u32 s6, $0x3  }
0x10: {  	s26 =	smax.u32 s12, $0x1;
	s15 =	sshrl.u32 s13, $0x3;
	[dreg:$0x6] =	wrdreg s9  }
0x11: {  	s12 =	simm.s32 $0x2A00;
	s13 =	simm.s32 $0x0;
	[dreg:$0x10] =	wrdreg s17  }
0x12: {  	s10 =	sadd.s32 s8, s0;
	s0 =	sadd.s32 $0x17800, s0;
	[dreg:$0xe] =	wrdreg s26  }
0x13: {  	s21 =	sadd.s32 s7, s8;
	s22 =	sadd.s32 s3, s8;
	[dreg:$0xf] =	wrdreg s15  }
0x14: {  	s8 =	sadd.s32 $0xA, s8;
	s26 =	simm.s32 $0x2800;
	[dreg:$0x8] =	wrdreg s21  }
0x15: {  	s10 =	sadd.s32 $0xB200, s10;
	[dreg:$0x9] =	wrdreg s22;
	s24 =	sadd.s32 s7, s8  }
0x16: {  	s8 =	sadd.s32 s3, s8;
	s21 =	simm.s32 $0x50;
	[dreg:$0x7] =	wrdreg s10  }
.Ltmp0:
0x17: {  	s22 =	simm.s32 $0x2A80;
	[dreg:$0xa] =	wrdreg s24;
	(pc) =	sbr.rel .LBB2_1-.Ltmp0, $4  }
0x18: {  	s10 =	sadd.s32 s0, s23;
	[dreg:$0xb] =	wrdreg s8;
	s0 =	sadd.s32 s0, s2  }
0x19: {  	s23 =	simm.s32 $0x2780;
	s24 =	simm.s32 $0x2900;
	s2 =	simm.s32 $0x5  }
0x1a: {  	[dreg:$0xc] =	wrdreg s0;
	s25 =	sadd.s32 $0x27000, s10;
	s0 =	simm.s32 $0x3  }
0x1b: {  	s10 =	simm.s32 $0x2880;
	[dreg:$0xd] =	wrdreg s25;
	s25 =	simm.s32 $0x5280  }
.LBB2_10:
0x1c: {  	_ =	swait.ge [sflag:s2], $0x2800  }
0x1d: {  	[sflag:s2] =	ssyncset.done $0x0  }
0x1e: {  	[sflag:s2] =	ssyncadd.s32 $0xFFFFD800  }
0x1f: {  	[bflag:$0x0] =	sbarrier.arrive $0xFFFF  }
0x20: {  	s9 =	rddreg [dreg:$0x6]  }
0x21: {  	s8 =	rddreg [dreg:$0xc]  }
0x22: {  	s16 =	simm.s32 $0x7;
	s15 =	rddreg [dreg:$0xf]  }
0x23: {  	[hbm:s8], [sflag:s9] =	dma.local [spmem:s15], $0x2700  }
0x24: {  	_ =	swait.ge [sflag:s16], $0x2700  }
0x25: {  	[sflag:s16] =	ssyncset.done $0x0;
	s8 =	rddreg [dreg:$0xd]  }
0x26: {  	s17 =	rddreg [dreg:$0x10];
	[sflag:s16] =	ssyncadd.s32 $0xFFFFD900  }
0x27: {  	[hbm:s8], [sflag:s9] =	dma.local @!p0 [spmem:s17], $0x100  }
0x28: {  	s8 =	simm.s32 @!p0 $0x7  }
0x29: {  	_ =	swait.ge @!p0 [sflag:s8], $0x100  }
0x2a: {  	s13 =	sadd.s32 $0x1, s13;
	s14 =	rddreg [dreg:$0xe]  }
0x2b: {  	p1 =	sne.s32 s13, s14  }
.Ltmp1:
0x2c: {  	_ = 	snop;
	(pc) =	sbr.rel @!p1 .LBB2_11-.Ltmp1, $3  }
0x2d: {  	_ =	sdelay $0x1  }
0x2e: {  	[sflag:s8] =	ssyncset.done @!p0 $0x0  }
0x2f: {  	[sflag:s8] =	ssyncadd.s32 @!p0 $0xFFFFFF00  }
.LBB2_1:
0x30: {  	s8 =	rddreg [dreg:$0x5]  }
0x31: {  	[spmem:s15], [sflag:s9] =	dma.local [hbm:s8], $0x2700  }
0x32: {  	_ =	swait.ge [sflag:s16], $0x2700  }
0x33: {  	[sflag:s16] =	ssyncset.done $0x0  }
0x34: {  	[sflag:s16] =	ssyncadd.s32 $0xFFFFD900  }
0x35: {  	[spmem:s17], [sflag:s9] =	dma.local @!p0 [hbm:s8], $0x100  }
0x36: {  	s8 =	simm.s32 @!p0 $0x7  }
0x37: {  	_ =	swait.ge @!p0 [sflag:s8], $0x100  }
0x38: {  	[sflag:s8] =	ssyncset.done @!p0 $0x0  }
0x39: {  	s15 =	rddreg [dreg:$0x7];
	[sflag:s8] =	ssyncadd.s32 @!p0 $0xFFFFFF00  }
0x3a: {  	[tilespmem:s5], [sflag:$0x7] =	stream.linear.gather [hbm4b:s15+s5], $0x2710, $0x38;
	[tilespmem:$0x1DB00] =	vst v63  }
0x3b: {  	_ =	swait.ge [sflag:s16], $0x2710  }
0x3c: {  	[sflag:s16] =	ssyncset.done $0x0  }
0x3d: {  	[sflag:s16] =	ssyncadd.s32 $0xFFFFD8F0  }
0x3e: {  	[bflag:$0x0] =	sbarrier.arrive $0xFFFF  }
0x3f: {  	[tilespmem:s22], [sflag:$0x1] =	stream.indirect.gather [hbm4b:s1+s21], $0x80, s5, s21, $0xb8;
	[tilespmem:$0x1DB00] =	vst v63  }
0x40: {  	s17 =	rddreg [dreg:$0x8]  }
0x41: {  	[tilespmem:s23], [sflag:$0x1] =	stream.linear.gather [hbm4b:s17+s5], $0x50, $0x38;
	[tilespmem:$0x1DB00] =	vst v63  }
0x42: {  	s18 =	rddreg [dreg:$0x9]  }
0x43: {  	[tilespmem:s24], [sflag:$0x1] =	stream.linear.gather [hbm4b:s18+s5], $0x50, $0x38;
	[tilespmem:$0x1DB00] =	vst v63  }
0x44: {  	_ = 	snop  }
0x45: {  	[tilespmem:s25], [sflag:$0x2] =	stream.indirect.gather [hbm4b:s1+s21], $0x80, s21, s21, $0xb8;
	[tilespmem:$0x1DB00] =	vst v63  }
0x46: {  	s19 =	rddreg [dreg:$0xa]  }
0x47: {  	[tilespmem:s26], [sflag:$0x2] =	stream.linear.gather [hbm4b:s19+s5], $0x50, $0x38;
	[tilespmem:$0x1DB00] =	vst v63  }
0x48: {  	s14 =	simm.s32 $0x0;
	s20 =	rddreg [dreg:$0xb]  }
0x49: {  	[tilespmem:s28], [sflag:$0x2] =	stream.linear.gather [hbm4b:s20+s5], $0x50, $0x38;
	[tilespmem:$0x1DB00] =	vst v63  }
.LBB2_2:
0x4a: {  	_ =	swait.ge [sflag:s29], $0x2800  }
0x4b: {  	[sflag:s29] =	ssyncset.done $0x0  }
0x4c: {  	[sflag:s29] =	ssyncadd.s32 $0xFFFFD800  }
0x4d: {  	_ =	swait.ge [sflag:s29], $0x50  }
0x4e: {  	[sflag:s29] =	ssyncset.done $0x0  }
0x4f: {  	[sflag:s29] =	ssyncadd.s32 $0xFFFFFFB0  }
0x50: {  	_ =	swait.ge [sflag:s29], $0x50  }
0x51: {  	s8 =	simm.s32 $0x0;
	[sflag:s29] =	ssyncset.done $0x0  }
0x52: {  	s16 =	sand.u32 $0x70, s8;
	[sflag:s29] =	ssyncadd.s32 $0xFFFFFFB0  }
0x53: {  	s15 =	simm.s32 $0x2B80;
	v0 =	vld [tilespmem:s16+$0x2900]  }
0x54: {  	v2 =	vld [tilespmem:s15+$0xF0]  }
0x55: {  	v3 =	vld [tilespmem:s15+$0xFFFFFF00]  }
0x56: {  	v4 =	vld [tilespmem:s15+$0xFFFFFF10]  }
0x57: {  	s18 =	sand.u32 $0xF, s8;
	v5 =	vld [tilespmem:s15+$0xFFFFFF20]  }
0x58: {  	s17 =	sadd.s32 $0x3, s18;
	v6 =	vld [tilespmem:s15+$0xFFFFFF30]  }
0x59: {  	s8 =	sand.u32 $0xC, s8;
	v1 =	vmov s17;
	v7 =	vld [tilespmem:s15+$0xFFFFFF40]  }
0x5a: {  	v11 =	vmov s8;
	v8 =	vld [tilespmem:s15+$0xFFFFFF50];
	v1 =	vperm.xlane v0, v1  }
0x5b: {  	v14 =	vld [tilespmem:s15+$0xFFFFFFA0];
	v11 =	vperm.xlane v0, v11  }
0x5c: {  	s19 =	sadd.s32 $0x1, s18;
	v15 =	vld [tilespmem:s15+$0xFFFFFFB0];
	v2 =	vmul.f32 v2, v1  }
0x5d: {  	v13 =	vmov s19;
	v10 =	vld [tilespmem:s15+$0xFFFFFF80];
	v3 =	vmul.f32 v3, v11  }
0x5e: {  	v16 =	vld [tilespmem:s15+$0xFFFFFFC0];
	v13 =	vperm.xlane v0, v13;
	v4 =	vmul.f32 v4, v11;
	[tilespmem:s15+$0xF0] =	vst v2  }
0x5f: {  	v9 =	vld [tilespmem:s15+$0xFFFFFF60];
	v5 =	vmul.f32 v5, v11;
	[tilespmem:s15+$0xFFFFFF00] =	vst v3  }
0x60: {  	v12 =	vld [tilespmem:s15+$0xFFFFFF90];
	v49 =	vmul.f32 v14, v13;
	[tilespmem:s15+$0xFFFFFF10] =	vst v4  }
0x61: {  	v17 =	vld [tilespmem:s15+$0xFFFFFF70];
	v50 =	vmul.f32 v15, v13;
	[tilespmem:s15+$0xFFFFFF20] =	vst v5  }
0x62: {  	v52 =	vld [tilespmem:s15+$0x70];
	v2 =	vmul.f32 v10, v13;
	[tilespmem:s15+$0xFFFFFFA0] =	vst v49  }
0x63: {  	v53 =	vld [tilespmem:s15+$0x90];
	v51 =	vmul.f32 v16, v13;
	[tilespmem:s15+$0xFFFFFFB0] =	vst v50  }
0x64: {  	v10 =	vld [tilespmem:s15+$0xFFFFFFD0];
	[tilespmem:s15+$0xFFFFFF80] =	vst v2;
	v2 =	vmul.f32 v6, v11  }
0x65: {  	v5 =	vmul.f32 v7, v11;
	[tilespmem:s15+$0xFFFFFFC0] =	vst v51;
	v6 =	vld [tilespmem:s15+$0x0]  }
0x66: {  	s20 =	sadd.s32 $0x2, s18;
	v3 =	vld [tilespmem:s15+$0xFFFFFFE0];
	[tilespmem:s15+$0xFFFFFF30] =	vst v2;
	v2 =	vmul.f32 v8, v11  }
0x67: {  	v4 =	vld [tilespmem:s15+$0xFFFFFFF0];
	[tilespmem:s15+$0xFFFFFF40] =	vst v5;
	v5 =	vmul.f32 v9, v11;
	v8 =	vmov s20  }
0x68: {  	v7 =	vld [tilespmem:s15+$0x10];
	v0 =	vperm.xlane v0, v8;
	[tilespmem:s15+$0xFFFFFF50] =	vst v2;
	v2 =	vmul.f32 v17, v11  }
0x69: {  	v9 =	vld [tilespmem:s15+$0x20];
	[tilespmem:s15+$0xFFFFFF60] =	vst v5;
	v5 =	vmul.f32 v12, v13  }
0x6a: {  	v54 =	vld [tilespmem:s15+$0xA0];
	[tilespmem:s15+$0xFFFFFF70] =	vst v2;
	v2 =	vmul.f32 v6, v0  }
0x6b: {  	v10 =	vmul.f32 v10, v13;
	v11 =	vld [tilespmem:s15+$0x40];
	[tilespmem:s15+$0xFFFFFF90] =	vst v5  }
0x6c: {  	v4 =	vmul.f32 v4, v13;
	[tilespmem:s15+$0x0] =	vst v2;
	v2 =	vld [tilespmem:s15+$0x80]  }
0x6d: {  	v3 =	vmul.f32 v3, v13;
	v5 =	vld [tilespmem:s15+$0x60];
	[tilespmem:s15+$0xFFFFFFD0] =	vst v10  }
0x6e: {  	v8 =	vld [tilespmem:s15+$0x30];
	[tilespmem:s15+$0xFFFFFFF0] =	vst v4;
	v4 =	vmul.f32 v7, v0;
	v7 =	vmul.f32 v9, v0  }
0x6f: {  	v10 =	vld [tilespmem:s15+$0xB0];
	[tilespmem:s15+$0xFFFFFFE0] =	vst v3  }
0x70: {  	v6 =	vld [tilespmem:s15+$0x50];
	[tilespmem:s15+$0x20] =	vst v7;
	v7 =	vmul.f32 v11, v0  }
0x71: {  	s9 =	simm.s32 $0x4;
	v55 =	vld [tilespmem:s15+$0xD0];
	s16 =	simm.s32 $0x2D80;
	[tilespmem:s15+$0x10] =	vst v4;
	v2 =	vmul.f32 v2, v1  }
0x72: {  	s17 =	sand.u32 $0x70, s9;
	v56 =	vld [tilespmem:s16+$0xFFFFFF30];
	v5 =	vmul.f32 v5, v0;
	[tilespmem:s15+$0x40] =	vst v7  }
0x73: {  	v9 =	vld [tilespmem:s17+$0x2900];
	[tilespmem:s15+$0x80] =	vst v2;
	v2 =	vmul.f32 v8, v0  }
0x74: {  	v3 =	vld [tilespmem:s15+$0xC0];
	v10 =	vmul.f32 v10, v1;
	[tilespmem:s15+$0x60] =	vst v5  }
0x75: {  	[tilespmem:s15+$0x30] =	vst v2;
	v2 =	vmul.f32 v6, v0;
	v6 =	vld [tilespmem:s16+$0xFFFFFF00]  }
0x76: {  	s18 =	sand.u32 $0xC, s9;
	v7 =	vld [tilespmem:s16+$0xFFFFFF10];
	[tilespmem:s15+$0xB0] =	vst v10;
	v0 =	vmul.f32 v52, v0  }
0x77: {  	s8 =	sand.u32 $0xF, s9;
	v5 =	vmul.f32 v53, v1;
	v8 =	vld [tilespmem:s16+$0xF0];
	[tilespmem:s15+$0x50] =	vst v2;
	v2 =	vmov s18  }
0x78: {  	s19 =	sadd.s32 $0x3, s8;
	v57 =	vld [tilespmem:s16+$0xFFFFFF40];
	[tilespmem:s15+$0x70] =	vst v0;
	v0 =	vmul.f32 v54, v1;
	v2 =	vperm.xlane v9, v2  }
0x79: {  	v11 =	vld [tilespmem:s16+$0xFFFFFF20];
	v3 =	vmul.f32 v3, v1;
	[tilespmem:s15+$0x90] =	vst v5;
	v5 =	vmov s19  }
0x7a: {  	v58 =	vld [tilespmem:s16+$0xFFFFFF50];
	[tilespmem:s15+$0xA0] =	vst v0;
	v0 =	vperm.xlane v9, v5;
	v6 =	vmul.f32 v6, v2  }
0x7b: {  	[tilespmem:s15+$0xC0] =	vst v3;
	v5 =	vld [tilespmem:s16+$0xFFFFFF60];
	v3 =	vmul.f32 v7, v2  }
0x7c: {  	v10 =	vld [tilespmem:s16+$0xFFFFFF90];
	[tilespmem:s16+$0xFFFFFF00] =	vst v6;
	v6 =	vmul.f32 v8, v0  }
0x7d: {  	v8 =	vld [tilespmem:s16+$0xFFFFFF70];
	[tilespmem:s16+$0xFFFFFF10] =	vst v3;
	v3 =	vmul.f32 v56, v2  }
0x7e: {  	v7 =	vld [tilespmem:s16+$0xFFFFFF80];
	[tilespmem:s16+$0xF0] =	vst v6;
	v6 =	vmul.f32 v11, v2  }
0x7f: {  	v59 =	vld [tilespmem:s16+$0xFFFFFFA0];
	s20 =	sadd.s32 $0x1, s8;
	[tilespmem:s16+$0xFFFFFF30] =	vst v3;
	v3 =	vmul.f32 v58, v2  }
0x80: {  	v60 =	vld [tilespmem:s16+$0xFFFFFFB0];
	v11 =	vmov s20;
	v5 =	vmul.f32 v5, v2;
	[tilespmem:s16+$0xFFFFFF20] =	vst v6  }
0x81: {  	v61 =	vld [tilespmem:s16+$0xFFFFFFC0];
	v11 =	vperm.xlane v9, v11;
	v6 =	vmul.f32 v57, v2;
	[tilespmem:s16+$0xFFFFFF50] =	vst v3  }
0x82: {  	v63 =	vld [tilespmem:s16+$0x20];
	[tilespmem:s16+$0xFFFFFF60] =	vst v5;
	v2 =	vmul.f32 v8, v2  }
0x83: {  	v5 =	vmul.f32 v10, v11;
	[tilespmem:s16+$0xFFFFFF40] =	vst v6;
	v6 =	vmul.f32 v7, v11;
	v7 =	vld [tilespmem:s16+$0xFFFFFFD0]  }
0x84: {  	v3 =	vld [tilespmem:s16+$0xFFFFFFE0];
	[tilespmem:s16+$0xFFFFFF70] =	vst v2  }
0x85: {  	v8 =	vld [tilespmem:s16+$0x0];
	v2 =	vmul.f32 v59, v11;
	[tilespmem:s16+$0xFFFFFF90] =	vst v5  }
0x86: {  	s8 =	sadd.s32 $0x2, s8;
	v5 =	vmul.f32 v60, v11;
	[tilespmem:s16+$0xFFFFFF80] =	vst v6;
	v6 =	vld [tilespmem:s16+$0xFFFFFFF0]  }
0x87: {  	v62 =	vmov s8;
	v10 =	vld [tilespmem:s16+$0x10];
	[tilespmem:s16+$0xFFFFFFA0] =	vst v2;
	v2 =	vmul.f32 v61, v11  }
0x88: {  	v12 =	vperm.xlane v9, v62;
	v9 =	vld [tilespmem:s16+$0x60];
	[tilespmem:s16+$0xFFFFFFB0] =	vst v5;
	v5 =	vmul.f32 v7, v11  }
0x89: {  	v7 =	vld [tilespmem:s16+$0x30];
	[tilespmem:s16+$0xFFFFFFC0] =	vst v2;
	v2 =	vmul.f32 v3, v11  }
0x8a: {  	v3 =	vld [tilespmem:s16+$0x40];
	[tilespmem:s16+$0xFFFFFFD0] =	vst v5;
	v5 =	vmul.f32 v8, v12  }
0x8b: {  	v8 =	vld [tilespmem:s16+$0x50];
	v6 =	vmul.f32 v6, v11;
	[tilespmem:s16+$0xFFFFFFE0] =	vst v2  }
0x8c: {  	v4 =	vld [tilespmem:s15+$0xE0];
	v2 =	vmul.f32 v10, v12;
	[tilespmem:s16+$0x0] =	vst v5  }
0x8d: {  	v10 =	vld [tilespmem:s16+$0x70];
	[tilespmem:s16+$0xFFFFFFF0] =	vst v6;
	v5 =	vmul.f32 v63, v12  }
0x8e: {  	[tilespmem:s16+$0x10] =	vst v2;
	v6 =	vld [tilespmem:s16+$0x80];
	v2 =	vmul.f32 v7, v12  }
0x8f: {  	v3 =	vmul.f32 v3, v12;
	[tilespmem:s16+$0x20] =	vst v5;
	v5 =	vld [tilespmem:s16+$0x90]  }
0x90: {  	v9 =	vmul.f32 v9, v12;
	v7 =	vld [tilespmem:s16+$0xA0];
	[tilespmem:s16+$0x30] =	vst v2;
	v8 =	vmul.f32 v8, v12  }
0x91: {  	v2 =	vmul.f32 v55, v1;
	v1 =	vmul.f32 v4, v1;
	[tilespmem:s16+$0x40] =	vst v3;
	v4 =	vld [tilespmem:s16+$0xB0]  }
0x92: {  	s8 =	simm.s32 $0x8;
	s17 =	simm.s32 $0x2D80;
	v3 =	vld [tilespmem:s16+$0xC0];
	[tilespmem:s16+$0x50] =	vst v8;
	v8 =	vmul.f32 v10, v12  }
.LBB2_3:
0x93: {  	s18 =	sand.u32 $0x70, s8;
	p1 =	slt.u32 s8, $0x4C;
	[tilespmem:s16+$0x60] =	vst v9;
	v6 =	vmul.f32 v6, v0;
	v9 =	vld [tilespmem:s16+$0xD0]  }
0x94: {  	v10 =	vld [tilespmem:s18+$0x2900];
	[tilespmem:s16+$0x70] =	vst v8;
	v5 =	vmul.f32 v5, v0  }
0x95: {  	s20 =	sand.u32 $0xF, s8;
	s16 =	sadd.s32 $0x200, s16;
	[tilespmem:s17+$0x80] =	vst v6;
	v6 =	vmul.f32 v7, v0;
	v7 =	vld [tilespmem:s17+$0xE0]  }
0x96: {  	s18 =	sand.u32 $0xC, s8;
	s9 =	sadd.s32 $0x2, s20;
	v8 =	vld [tilespmem:s16+$0xF0];
	[tilespmem:s17+$0x90] =	vst v5;
	v4 =	vmul.f32 v4, v0  }
0x97: {  	v13 =	vmov s9;
	v5 =	vmov s18;
	s18 =	sadd.s32 $0x1, s20;
	s20 =	sadd.s32 $0x3, s20;
	v11 =	vld [tilespmem:s16+$0xFFFFFF00];
	[tilespmem:s17+$0xA0] =	vst v6;
	v3 =	vmul.f32 v3, v0  }
0x98: {  	v12 =	vmov s18;
	v14 =	vmov s20;
	v6 =	vld [tilespmem:s16+$0xFFFFFF10];
	[tilespmem:s17+$0xB0] =	vst v4  }
0x99: {  	v4 =	vperm.xlane v10, v5;
	v5 =	vld [tilespmem:s16+$0xFFFFFF20];
	v14 =	vperm.xlane v10, v14;
	[tilespmem:s17+$0xC0] =	vst v3  }
0x9a: {  	v12 =	vperm.xlane v10, v12;
	v10 =	vperm.xlane v10, v13;
	v3 =	vld [tilespmem:s16+$0xFFFFFF30];
	[tilespmem:s15+$0xD0] =	vst v2  }
0x9b: {  	v2 =	vmul.f32 v9, v0;
	v13 =	vld [tilespmem:s16+$0xFFFFFF40];
	v8 =	vmul.f32 v8, v14;
	[tilespmem:s15+$0xE0] =	vst v1;
	s15 =	smov.u32 s17;
	s17 =	smov.u32 s16  }
0x9c: {  	v1 =	vmul.f32 v7, v0;
	v0 =	vmov v14;
	v9 =	vmul.f32 v11, v4;
	v11 =	vld [tilespmem:s16+$0xFFFFFF50]  }
0x9d: {  	v6 =	vmul.f32 v6, v4;
	v7 =	vld [tilespmem:s16+$0xFFFFFF60];
	[tilespmem:s16+$0xF0] =	vst v8  }
0x9e: {  	[tilespmem:s16+$0xFFFFFF00] =	vst v9;
	v5 =	vmul.f32 v5, v4;
	v8 =	vld [tilespmem:s16+$0xFFFFFF70]  }
0x9f: {  	[tilespmem:s16+$0xFFFFFF10] =	vst v6;
	v3 =	vmul.f32 v3, v4;
	v6 =	vld [tilespmem:s16+$0xFFFFFF80]  }
0xa0: {  	[tilespmem:s16+$0xFFFFFF20] =	vst v5;
	v5 =	vmul.f32 v13, v4;
	v9 =	vld [tilespmem:s16+$0xFFFFFF90]  }
0xa1: {  	[tilespmem:s16+$0xFFFFFF30] =	vst v3;
	v3 =	vmul.f32 v11, v4;
	v11 =	vld [tilespmem:s16+$0xFFFFFFA0]  }
0xa2: {  	[tilespmem:s16+$0xFFFFFF40] =	vst v5;
	v5 =	vmul.f32 v7, v4;
	v7 =	vld [tilespmem:s16+$0xFFFFFFB0]  }
0xa3: {  	[tilespmem:s16+$0xFFFFFF50] =	vst v3;
	v3 =	vmul.f32 v8, v4;
	v4 =	vld [tilespmem:s16+$0xFFFFFFC0]  }
0xa4: {  	[tilespmem:s16+$0xFFFFFF60] =	vst v5;
	v5 =	vmul.f32 v6, v12;
	v6 =	vld [tilespmem:s16+$0xFFFFFFD0]  }
0xa5: {  	[tilespmem:s16+$0xFFFFFF70] =	vst v3;
	v3 =	vmul.f32 v9, v12;
	v8 =	vld [tilespmem:s16+$0xFFFFFFE0]  }
0xa6: {  	[tilespmem:s16+$0xFFFFFF80] =	vst v5;
	v5 =	vmul.f32 v11, v12;
	v9 =	vld [tilespmem:s16+$0xFFFFFFF0]  }
0xa7: {  	[tilespmem:s16+$0xFFFFFF90] =	vst v3;
	v3 =	vmul.f32 v7, v12;
	v7 =	vld [tilespmem:s16+$0x0]  }
0xa8: {  	[tilespmem:s16+$0xFFFFFFA0] =	vst v5;
	v4 =	vmul.f32 v4, v12;
	v5 =	vld [tilespmem:s16+$0x10]  }
0xa9: {  	[tilespmem:s16+$0xFFFFFFB0] =	vst v3;
	v3 =	vmul.f32 v6, v12;
	v6 =	vld [tilespmem:s16+$0x20]  }
0xaa: {  	[tilespmem:s16+$0xFFFFFFC0] =	vst v4;
	v4 =	vmul.f32 v8, v12;
	v8 =	vld [tilespmem:s16+$0x30]  }
0xab: {  	[tilespmem:s16+$0xFFFFFFD0] =	vst v3;
	v3 =	vmul.f32 v9, v12;
	v9 =	vld [tilespmem:s16+$0x40]  }
0xac: {  	[tilespmem:s16+$0xFFFFFFE0] =	vst v4;
	v4 =	vmul.f32 v7, v10;
	v7 =	vld [tilespmem:s16+$0x50]  }
0xad: {  	[tilespmem:s16+$0xFFFFFFF0] =	vst v3;
	v3 =	vmul.f32 v5, v10;
	v11 =	vld [tilespmem:s16+$0x60]  }
0xae: {  	[tilespmem:s16+$0x0] =	vst v4;
	v4 =	vmul.f32 v6, v10;
	v12 =	vld [tilespmem:s16+$0x70]  }
.Ltmp2:
0xaf: {  	[tilespmem:s16+$0x10] =	vst v3;
	v3 =	vmul.f32 v8, v10;
	v6 =	vld [tilespmem:s16+$0x80];
	(pc) =	sbr.rel @p1 .LBB2_3-.Ltmp2, $4  }
0xb0: {  	[tilespmem:s16+$0x20] =	vst v4;
	v4 =	vmul.f32 v9, v10;
	v5 =	vld [tilespmem:s16+$0x90]  }
0xb1: {  	[tilespmem:s16+$0x30] =	vst v3;
	v3 =	vmul.f32 v7, v10;
	v7 =	vld [tilespmem:s16+$0xA0]  }
0xb2: {  	[tilespmem:s16+$0x40] =	vst v4;
	v9 =	vmul.f32 v11, v10;
	v4 =	vld [tilespmem:s16+$0xB0]  }
0xb3: {  	s8 =	sadd.s32 $0x4, s8;
	[tilespmem:s16+$0x50] =	vst v3;
	v8 =	vmul.f32 v12, v10;
	v3 =	vld [tilespmem:s16+$0xC0]  }
0xb4: {  	[tilespmem:s16+$0x60] =	vst v9  }
0xb5: {  	v6 =	vmul.f32 v6, v0;
	[tilespmem:s15+$0xD0] =	vst v2  }
0xb6: {  	v9 =	vld [tilespmem:s16+$0xD0];
	[tilespmem:s15+$0xE0] =	vst v1  }
0xb7: {  	v5 =	vmul.f32 v5, v0;
	[tilespmem:s17+$0x80] =	vst v6;
	v6 =	vmul.f32 v7, v0;
	v7 =	vld [tilespmem:s17+$0xE0]  }
0xb8: {  	[tilespmem:s16+$0x70] =	vst v8  }
0xb9: {  	[tilespmem:s17+$0x90] =	vst v5;
	v4 =	vmul.f32 v4, v0  }
0xba: {  	[tilespmem:s17+$0xA0] =	vst v6;
	v3 =	vmul.f32 v3, v0  }
0xbb: {  	[tilespmem:s17+$0xB0] =	vst v4;
	v2 =	vmul.f32 v9, v0  }
0xbc: {  	[tilespmem:s17+$0xC0] =	vst v3;
	v0 =	vmul.f32 v7, v0  }
0xbd: {  	p1 =	seq.s32 s14, $0x0;
	[tilespmem:s17+$0xD0] =	vst v2  }
0xbe: {  	s8 =	simm.s32 @!p1 $0x6;
	[tilespmem:s17+$0xE0] =	vst v0  }
0xbf: {  	[spmem:s4] =	stream.indirect.scatter.add.f32 [tilespmem:s22], [sflag:$0x4], $0x80, s23, s21, $0xb8;
	[tilespmem:$0x1DB00] =	vst v63  }
0xc0: {  	p2 =	seq.s32 @!p1 s14, $0x29;
	_ =	swait.ge @!p1 [sflag:s8], $0x2800  }
0xc1: {  	p2 =	por p1, !p2;
	[sflag:s8] =	ssyncset.done @!p1 $0x0  }
0xc2: {  	[sflag:s8] =	ssyncadd.s32 @!p1 $0xFFFFD800;
	s8 =	smul.u32 @p2 $0xF0, s14;
	_ =	sdelay $0x1  }
0xc3: {  	s8 =	sadd.s32 @p2 $0xA0, s8  }
0xc4: {  	[tilespmem:s11], [sflag:$0x3] =	stream.indirect.gather @p2 [hbm4b:s1+s21], $0x80, s8, s21, $0xb8;
	[tilespmem:$0x1DB00] =	vst v63  }
0xc5: {  	s8 =	sadd.s32 @p2 s6, s8  }
0xc6: {  	s8 =	sshrl.u32 @p2 s8, $0x3  }
0xc7: {  	s9 =	sadd.s32 @p2 s7, s8  }
0xc8: {  	[tilespmem:s10], [sflag:$0x3] =	stream.linear.gather @p2 [hbm4b:s9+s5], $0x50, $0x38;
	[tilespmem:$0x1DB00] =	vst v63  }
0xc9: {  	s8 =	sadd.s32 @p2 s3, s8  }
0xca: {  	[tilespmem:s12], [sflag:$0x3] =	stream.linear.gather @p2 [hbm4b:s8+s5], $0x50, $0x38;
	[tilespmem:$0x1DB00] =	vst v63  }
0xcb: {  	_ =	swait.ge [sflag:s30], $0x2800  }
0xcc: {  	[sflag:s30] =	ssyncset.done $0x0  }
0xcd: {  	[sflag:s30] =	ssyncadd.s32 $0xFFFFD800  }
0xce: {  	_ =	swait.ge [sflag:s30], $0x50  }
0xcf: {  	[sflag:s30] =	ssyncset.done $0x0  }
0xd0: {  	[sflag:s30] =	ssyncadd.s32 $0xFFFFFFB0  }
0xd1: {  	_ =	swait.ge [sflag:s30], $0x50  }
0xd2: {  	s18 =	simm.s32 $0x0;
	[sflag:s30] =	ssyncset.done $0x0  }
0xd3: {  	s19 =	sand.u32 $0x70, s18;
	[sflag:s30] =	ssyncadd.s32 $0xFFFFFFB0  }
0xd4: {  	s15 =	simm.s32 $0x5380;
	v0 =	vld [tilespmem:s19+$0x2980]  }
0xd5: {  	v2 =	vld [tilespmem:s15+$0xF0]  }
0xd6: {  	v3 =	vld [tilespmem:s15+$0xFFFFFF00]  }
0xd7: {  	v4 =	vld [tilespmem:s15+$0xFFFFFF10]  }
0xd8: {  	s20 =	sand.u32 $0xF, s18;
	v5 =	vld [tilespmem:s15+$0xFFFFFF20]  }
0xd9: {  	s17 =	sadd.s32 $0x3, s20;
	v6 =	vld [tilespmem:s15+$0xFFFFFF30]  }
0xda: {  	v1 =	vmov s17;
	s8 =	sand.u32 $0xC, s18;
	v7 =	vld [tilespmem:s15+$0xFFFFFF40]  }
0xdb: {  	v11 =	vmov s8;
	v8 =	vld [tilespmem:s15+$0xFFFFFF50];
	v1 =	vperm.xlane v0, v1  }
0xdc: {  	v14 =	vld [tilespmem:s15+$0xFFFFFFA0];
	v11 =	vperm.xlane v0, v11  }
0xdd: {  	s18 =	sadd.s32 $0x1, s20;
	v15 =	vld [tilespmem:s15+$0xFFFFFFB0];
	v2 =	vmul.f32 v2, v1  }
0xde: {  	v13 =	vmov s18;
	v10 =	vld [tilespmem:s15+$0xFFFFFF80];
	v3 =	vmul.f32 v3, v11  }
0xdf: {  	v16 =	vld [tilespmem:s15+$0xFFFFFFC0];
	v13 =	vperm.xlane v0, v13;
	v4 =	vmul.f32 v4, v11;
	[tilespmem:s15+$0xF0] =	vst v2  }
0xe0: {  	v9 =	vld [tilespmem:s15+$0xFFFFFF60];
	v5 =	vmul.f32 v5, v11;
	[tilespmem:s15+$0xFFFFFF00] =	vst v3  }
0xe1: {  	v12 =	vld [tilespmem:s15+$0xFFFFFF90];
	v49 =	vmul.f32 v14, v13;
	[tilespmem:s15+$0xFFFFFF10] =	vst v4  }
0xe2: {  	v17 =	vld [tilespmem:s15+$0xFFFFFF70];
	v50 =	vmul.f32 v15, v13;
	[tilespmem:s15+$0xFFFFFF20] =	vst v5  }
0xe3: {  	v52 =	vld [tilespmem:s15+$0x70];
	v2 =	vmul.f32 v10, v13;
	[tilespmem:s15+$0xFFFFFFA0] =	vst v49  }
0xe4: {  	v53 =	vld [tilespmem:s15+$0x90];
	v51 =	vmul.f32 v16, v13;
	[tilespmem:s15+$0xFFFFFFB0] =	vst v50  }
0xe5: {  	v10 =	vld [tilespmem:s15+$0xFFFFFFD0];
	[tilespmem:s15+$0xFFFFFF80] =	vst v2;
	v2 =	vmul.f32 v6, v11  }
0xe6: {  	v5 =	vmul.f32 v7, v11;
	[tilespmem:s15+$0xFFFFFFC0] =	vst v51;
	v6 =	vld [tilespmem:s15+$0x0]  }
0xe7: {  	s19 =	sadd.s32 $0x2, s20;
	v3 =	vld [tilespmem:s15+$0xFFFFFFE0];
	[tilespmem:s15+$0xFFFFFF30] =	vst v2;
	v2 =	vmul.f32 v8, v11  }
0xe8: {  	v4 =	vld [tilespmem:s15+$0xFFFFFFF0];
	[tilespmem:s15+$0xFFFFFF40] =	vst v5;
	v5 =	vmul.f32 v9, v11;
	v8 =	vmov s19  }
0xe9: {  	v7 =	vld [tilespmem:s15+$0x10];
	v0 =	vperm.xlane v0, v8;
	[tilespmem:s15+$0xFFFFFF50] =	vst v2;
	v2 =	vmul.f32 v17, v11  }
0xea: {  	v9 =	vld [tilespmem:s15+$0x20];
	[tilespmem:s15+$0xFFFFFF60] =	vst v5;
	v5 =	vmul.f32 v12, v13  }
0xeb: {  	v54 =	vld [tilespmem:s15+$0xA0];
	[tilespmem:s15+$0xFFFFFF70] =	vst v2;
	v2 =	vmul.f32 v6, v0  }
0xec: {  	v10 =	vmul.f32 v10, v13;
	v11 =	vld [tilespmem:s15+$0x40];
	[tilespmem:s15+$0xFFFFFF90] =	vst v5  }
0xed: {  	v4 =	vmul.f32 v4, v13;
	[tilespmem:s15+$0x0] =	vst v2;
	v2 =	vld [tilespmem:s15+$0x80]  }
0xee: {  	v3 =	vmul.f32 v3, v13;
	v5 =	vld [tilespmem:s15+$0x60];
	[tilespmem:s15+$0xFFFFFFD0] =	vst v10  }
0xef: {  	v8 =	vld [tilespmem:s15+$0x30];
	[tilespmem:s15+$0xFFFFFFF0] =	vst v4;
	v4 =	vmul.f32 v7, v0;
	v7 =	vmul.f32 v9, v0  }
0xf0: {  	v10 =	vld [tilespmem:s15+$0xB0];
	[tilespmem:s15+$0xFFFFFFE0] =	vst v3  }
0xf1: {  	v6 =	vld [tilespmem:s15+$0x50];
	[tilespmem:s15+$0x20] =	vst v7;
	v7 =	vmul.f32 v11, v0  }
0xf2: {  	s16 =	simm.s32 $0x5580;
	s20 =	simm.s32 $0x4;
	v55 =	vld [tilespmem:s15+$0xD0];
	[tilespmem:s15+$0x10] =	vst v4;
	v2 =	vmul.f32 v2, v1  }
0xf3: {  	v56 =	vld [tilespmem:s16+$0xFFFFFF30];
	s17 =	sand.u32 $0x70, s20;
	v5 =	vmul.f32 v5, v0;
	[tilespmem:s15+$0x40] =	vst v7  }
0xf4: {  	v9 =	vld [tilespmem:s17+$0x2980];
	[tilespmem:s15+$0x80] =	vst v2;
	v2 =	vmul.f32 v8, v0  }
0xf5: {  	v3 =	vld [tilespmem:s15+$0xC0];
	v10 =	vmul.f32 v10, v1;
	[tilespmem:s15+$0x60] =	vst v5  }
0xf6: {  	[tilespmem:s15+$0x30] =	vst v2;
	v2 =	vmul.f32 v6, v0;
	v6 =	vld [tilespmem:s16+$0xFFFFFF00]  }
0xf7: {  	s18 =	sand.u32 $0xC, s20;
	v7 =	vld [tilespmem:s16+$0xFFFFFF10];
	[tilespmem:s15+$0xB0] =	vst v10;
	v0 =	vmul.f32 v52, v0  }
0xf8: {  	s8 =	sand.u32 $0xF, s20;
	v5 =	vmul.f32 v53, v1;
	v8 =	vld [tilespmem:s16+$0xF0];
	[tilespmem:s15+$0x50] =	vst v2;
	v2 =	vmov s18  }
0xf9: {  	v57 =	vld [tilespmem:s16+$0xFFFFFF40];
	s19 =	sadd.s32 $0x3, s8;
	[tilespmem:s15+$0x70] =	vst v0;
	v0 =	vmul.f32 v54, v1;
	v2 =	vperm.xlane v9, v2  }
0xfa: {  	v11 =	vld [tilespmem:s16+$0xFFFFFF20];
	v3 =	vmul.f32 v3, v1;
	[tilespmem:s15+$0x90] =	vst v5;
	v5 =	vmov s19  }
0xfb: {  	v58 =	vld [tilespmem:s16+$0xFFFFFF50];
	[tilespmem:s15+$0xA0] =	vst v0;
	v0 =	vperm.xlane v9, v5;
	v6 =	vmul.f32 v6, v2  }
0xfc: {  	[tilespmem:s15+$0xC0] =	vst v3;
	v5 =	vld [tilespmem:s16+$0xFFFFFF60];
	v3 =	vmul.f32 v7, v2  }
0xfd: {  	v10 =	vld [tilespmem:s16+$0xFFFFFF90];
	[tilespmem:s16+$0xFFFFFF00] =	vst v6;
	v6 =	vmul.f32 v8, v0  }
0xfe: {  	v8 =	vld [tilespmem:s16+$0xFFFFFF70];
	[tilespmem:s16+$0xFFFFFF10] =	vst v3;
	v3 =	vmul.f32 v56, v2  }
0xff: {  	v7 =	vld [tilespmem:s16+$0xFFFFFF80];
	[tilespmem:s16+$0xF0] =	vst v6;
	v6 =	vmul.f32 v11, v2  }
0x100: {  	v59 =	vld [tilespmem:s16+$0xFFFFFFA0];
	s20 =	sadd.s32 $0x1, s8;
	[tilespmem:s16+$0xFFFFFF30] =	vst v3;
	v3 =	vmul.f32 v58, v2  }
0x101: {  	v60 =	vld [tilespmem:s16+$0xFFFFFFB0];
	v11 =	vmov s20;
	v5 =	vmul.f32 v5, v2;
	[tilespmem:s16+$0xFFFFFF20] =	vst v6  }
0x102: {  	v61 =	vld [tilespmem:s16+$0xFFFFFFC0];
	v11 =	vperm.xlane v9, v11;
	v6 =	vmul.f32 v57, v2;
	[tilespmem:s16+$0xFFFFFF50] =	vst v3  }
0x103: {  	v63 =	vld [tilespmem:s16+$0x20];
	[tilespmem:s16+$0xFFFFFF60] =	vst v5;
	v2 =	vmul.f32 v8, v2  }
0x104: {  	v5 =	vmul.f32 v10, v11;
	[tilespmem:s16+$0xFFFFFF40] =	vst v6;
	v6 =	vmul.f32 v7, v11;
	v7 =	vld [tilespmem:s16+$0xFFFFFFD0]  }
0x105: {  	v3 =	vld [tilespmem:s16+$0xFFFFFFE0];
	[tilespmem:s16+$0xFFFFFF70] =	vst v2  }
0x106: {  	v8 =	vld [tilespmem:s16+$0x0];
	v2 =	vmul.f32 v59, v11;
	[tilespmem:s16+$0xFFFFFF90] =	vst v5  }
0x107: {  	s8 =	sadd.s32 $0x2, s8;
	v5 =	vmul.f32 v60, v11;
	[tilespmem:s16+$0xFFFFFF80] =	vst v6;
	v6 =	vld [tilespmem:s16+$0xFFFFFFF0]  }
0x108: {  	v62 =	vmov s8;
	v10 =	vld [tilespmem:s16+$0x10];
	[tilespmem:s16+$0xFFFFFFA0] =	vst v2;
	v2 =	vmul.f32 v61, v11  }
0x109: {  	v12 =	vperm.xlane v9, v62;
	v9 =	vld [tilespmem:s16+$0x60];
	[tilespmem:s16+$0xFFFFFFB0] =	vst v5;
	v5 =	vmul.f32 v7, v11  }
0x10a: {  	v7 =	vld [tilespmem:s16+$0x30];
	[tilespmem:s16+$0xFFFFFFC0] =	vst v2;
	v2 =	vmul.f32 v3, v11  }
0x10b: {  	v3 =	vld [tilespmem:s16+$0x40];
	[tilespmem:s16+$0xFFFFFFD0] =	vst v5;
	v5 =	vmul.f32 v8, v12  }
0x10c: {  	v8 =	vld [tilespmem:s16+$0x50];
	v6 =	vmul.f32 v6, v11;
	[tilespmem:s16+$0xFFFFFFE0] =	vst v2  }
0x10d: {  	v4 =	vld [tilespmem:s15+$0xE0];
	v2 =	vmul.f32 v10, v12;
	[tilespmem:s16+$0x0] =	vst v5  }
0x10e: {  	v10 =	vld [tilespmem:s16+$0x70];
	[tilespmem:s16+$0xFFFFFFF0] =	vst v6;
	v5 =	vmul.f32 v63, v12  }
0x10f: {  	[tilespmem:s16+$0x10] =	vst v2;
	v6 =	vld [tilespmem:s16+$0x80];
	v2 =	vmul.f32 v7, v12  }
0x110: {  	v3 =	vmul.f32 v3, v12;
	[tilespmem:s16+$0x20] =	vst v5;
	v5 =	vld [tilespmem:s16+$0x90]  }
0x111: {  	v9 =	vmul.f32 v9, v12;
	v7 =	vld [tilespmem:s16+$0xA0];
	[tilespmem:s16+$0x30] =	vst v2;
	v8 =	vmul.f32 v8, v12  }
0x112: {  	v2 =	vmul.f32 v55, v1;
	v1 =	vmul.f32 v4, v1;
	[tilespmem:s16+$0x40] =	vst v3;
	v4 =	vld [tilespmem:s16+$0xB0]  }
0x113: {  	s8 =	simm.s32 $0x8;
	s17 =	simm.s32 $0x5580;
	v3 =	vld [tilespmem:s16+$0xC0];
	[tilespmem:s16+$0x50] =	vst v8;
	v8 =	vmul.f32 v10, v12  }
.LBB2_5:
0x114: {  	s9 =	sand.u32 $0x70, s8;
	p1 =	slt.u32 s8, $0x4C;
	[tilespmem:s16+$0x60] =	vst v9;
	v6 =	vmul.f32 v6, v0;
	v9 =	vld [tilespmem:s16+$0xD0]  }
0x115: {  	v10 =	vld [tilespmem:s9+$0x2980];
	[tilespmem:s16+$0x70] =	vst v8;
	v5 =	vmul.f32 v5, v0  }
0x116: {  	s18 =	sand.u32 $0xF, s8;
	s16 =	sadd.s32 $0x200, s16;
	[tilespmem:s17+$0x80] =	vst v6;
	v6 =	vmul.f32 v7, v0;
	v7 =	vld [tilespmem:s17+$0xE0]  }
0x117: {  	s9 =	sand.u32 $0xC, s8;
	s20 =	sadd.s32 $0x2, s18;
	v8 =	vld [tilespmem:s16+$0xF0];
	[tilespmem:s17+$0x90] =	vst v5;
	v4 =	vmul.f32 v4, v0  }
0x118: {  	v13 =	vmov s20;
	v5 =	vmov s9;
	s9 =	sadd.s32 $0x1, s18;
	s18 =	sadd.s32 $0x3, s18;
	v11 =	vld [tilespmem:s16+$0xFFFFFF00];
	[tilespmem:s17+$0xA0] =	vst v6;
	v3 =	vmul.f32 v3, v0  }
0x119: {  	v12 =	vmov s9;
	v14 =	vmov s18;
	v6 =	vld [tilespmem:s16+$0xFFFFFF10];
	[tilespmem:s17+$0xB0] =	vst v4  }
0x11a: {  	v4 =	vperm.xlane v10, v5;
	v5 =	vld [tilespmem:s16+$0xFFFFFF20];
	v14 =	vperm.xlane v10, v14;
	[tilespmem:s17+$0xC0] =	vst v3  }
0x11b: {  	v12 =	vperm.xlane v10, v12;
	v10 =	vperm.xlane v10, v13;
	v3 =	vld [tilespmem:s16+$0xFFFFFF30];
	[tilespmem:s15+$0xD0] =	vst v2  }
0x11c: {  	v2 =	vmul.f32 v9, v0;
	v13 =	vld [tilespmem:s16+$0xFFFFFF40];
	v8 =	vmul.f32 v8, v14;
	[tilespmem:s15+$0xE0] =	vst v1;
	s15 =	smov.u32 s17;
	s17 =	smov.u32 s16  }
0x11d: {  	v1 =	vmul.f32 v7, v0;
	v0 =	vmov v14;
	v9 =	vmul.f32 v11, v4;
	v11 =	vld [tilespmem:s16+$0xFFFFFF50]  }
0x11e: {  	v6 =	vmul.f32 v6, v4;
	v7 =	vld [tilespmem:s16+$0xFFFFFF60];
	[tilespmem:s16+$0xF0] =	vst v8  }
0x11f: {  	[tilespmem:s16+$0xFFFFFF00] =	vst v9;
	v5 =	vmul.f32 v5, v4;
	v8 =	vld [tilespmem:s16+$0xFFFFFF70]  }
0x120: {  	[tilespmem:s16+$0xFFFFFF10] =	vst v6;
	v3 =	vmul.f32 v3, v4;
	v6 =	vld [tilespmem:s16+$0xFFFFFF80]  }
0x121: {  	[tilespmem:s16+$0xFFFFFF20] =	vst v5;
	v5 =	vmul.f32 v13, v4;
	v9 =	vld [tilespmem:s16+$0xFFFFFF90]  }
0x122: {  	[tilespmem:s16+$0xFFFFFF30] =	vst v3;
	v3 =	vmul.f32 v11, v4;
	v11 =	vld [tilespmem:s16+$0xFFFFFFA0]  }
0x123: {  	[tilespmem:s16+$0xFFFFFF40] =	vst v5;
	v5 =	vmul.f32 v7, v4;
	v7 =	vld [tilespmem:s16+$0xFFFFFFB0]  }
0x124: {  	[tilespmem:s16+$0xFFFFFF50] =	vst v3;
	v3 =	vmul.f32 v8, v4;
	v4 =	vld [tilespmem:s16+$0xFFFFFFC0]  }
0x125: {  	[tilespmem:s16+$0xFFFFFF60] =	vst v5;
	v5 =	vmul.f32 v6, v12;
	v6 =	vld [tilespmem:s16+$0xFFFFFFD0]  }
0x126: {  	[tilespmem:s16+$0xFFFFFF70] =	vst v3;
	v3 =	vmul.f32 v9, v12;
	v8 =	vld [tilespmem:s16+$0xFFFFFFE0]  }
0x127: {  	[tilespmem:s16+$0xFFFFFF80] =	vst v5;
	v5 =	vmul.f32 v11, v12;
	v9 =	vld [tilespmem:s16+$0xFFFFFFF0]  }
0x128: {  	[tilespmem:s16+$0xFFFFFF90] =	vst v3;
	v3 =	vmul.f32 v7, v12;
	v7 =	vld [tilespmem:s16+$0x0]  }
0x129: {  	[tilespmem:s16+$0xFFFFFFA0] =	vst v5;
	v4 =	vmul.f32 v4, v12;
	v5 =	vld [tilespmem:s16+$0x10]  }
0x12a: {  	[tilespmem:s16+$0xFFFFFFB0] =	vst v3;
	v3 =	vmul.f32 v6, v12;
	v6 =	vld [tilespmem:s16+$0x20]  }
0x12b: {  	[tilespmem:s16+$0xFFFFFFC0] =	vst v4;
	v4 =	vmul.f32 v8, v12;
	v8 =	vld [tilespmem:s16+$0x30]  }
0x12c: {  	[tilespmem:s16+$0xFFFFFFD0] =	vst v3;
	v3 =	vmul.f32 v9, v12;
	v9 =	vld [tilespmem:s16+$0x40]  }
0x12d: {  	[tilespmem:s16+$0xFFFFFFE0] =	vst v4;
	v4 =	vmul.f32 v7, v10;
	v7 =	vld [tilespmem:s16+$0x50]  }
0x12e: {  	[tilespmem:s16+$0xFFFFFFF0] =	vst v3;
	v3 =	vmul.f32 v5, v10;
	v11 =	vld [tilespmem:s16+$0x60]  }
0x12f: {  	[tilespmem:s16+$0x0] =	vst v4;
	v4 =	vmul.f32 v6, v10;
	v12 =	vld [tilespmem:s16+$0x70]  }
.Ltmp3:
0x130: {  	[tilespmem:s16+$0x10] =	vst v3;
	v3 =	vmul.f32 v8, v10;
	v6 =	vld [tilespmem:s16+$0x80];
	(pc) =	sbr.rel @p1 .LBB2_5-.Ltmp3, $4  }
0x131: {  	[tilespmem:s16+$0x20] =	vst v4;
	v4 =	vmul.f32 v9, v10;
	v5 =	vld [tilespmem:s16+$0x90]  }
0x132: {  	[tilespmem:s16+$0x30] =	vst v3;
	v3 =	vmul.f32 v7, v10;
	v7 =	vld [tilespmem:s16+$0xA0]  }
0x133: {  	[tilespmem:s16+$0x40] =	vst v4;
	v9 =	vmul.f32 v11, v10;
	v4 =	vld [tilespmem:s16+$0xB0]  }
0x134: {  	s8 =	sadd.s32 $0x4, s8;
	[tilespmem:s16+$0x50] =	vst v3;
	v8 =	vmul.f32 v12, v10;
	v3 =	vld [tilespmem:s16+$0xC0]  }
0x135: {  	[tilespmem:s16+$0x60] =	vst v9  }
0x136: {  	[tilespmem:s15+$0xD0] =	vst v2  }
0x137: {  	v6 =	vmul.f32 v6, v0;
	v59 =	vld [tilespmem:s16+$0xD0];
	[tilespmem:s15+$0xE0] =	vst v1  }
0x138: {  	v61 =	vld [tilespmem:s17+$0xE0];
	v5 =	vmul.f32 v5, v0;
	[tilespmem:s16+$0x70] =	vst v8  }
0x139: {  	[tilespmem:s17+$0x80] =	vst v6;
	v60 =	vmul.f32 v7, v0  }
0x13a: {  	[tilespmem:s17+$0x90] =	vst v5;
	v4 =	vmul.f32 v4, v0  }
0x13b: {  	[tilespmem:s17+$0xA0] =	vst v60;
	v3 =	vmul.f32 v3, v0  }
0x13c: {  	[tilespmem:s17+$0xB0] =	vst v4;
	v62 =	vmul.f32 v59, v0  }
0x13d: {  	v63 =	vmul.f32 v61, v0;
	[tilespmem:s17+$0xC0] =	vst v3  }
0x13e: {  	p1 =	seq.s32 s14, $0x29;
	[tilespmem:s17+$0xD0] =	vst v62  }
.Ltmp4:
0x13f: {  	[tilespmem:s17+$0xE0] =	vst v63;
	(pc) =	sbr.rel @p1 .LBB2_10-.Ltmp4, $4  }
0x140: {  	[spmem:s4] =	stream.indirect.scatter.add.f32 [tilespmem:s25], [sflag:$0x5], $0x80, s26, s21, $0xb8;
	[tilespmem:$0x1DB00] =	vst v63  }
0x141: {  	_ =	swait.ge [sflag:s31], $0x2800  }
0x142: {  	[sflag:s31] =	ssyncset.done $0x0  }
0x143: {  	[sflag:s31] =	ssyncadd.s32 $0xFFFFD800  }
0x144: {  	s15 =	smul.u32 $0xF0, s14;
	_ =	sdelay $0x1  }
0x145: {  	s8 =	sadd.s32 $0xF0, s15  }
0x146: {  	[tilespmem:s22], [sflag:$0x1] =	stream.indirect.gather [hbm4b:s1+s21], $0x80, s8, s21, $0xb8;
	[tilespmem:$0x1DB00] =	vst v63  }
0x147: {  	s8 =	sadd.s32 s6, s8  }
0x148: {  	s8 =	sshrl.u32 s8, $0x3  }
0x149: {  	s17 =	simm.s32 $0x0;
	s9 =	sadd.s32 s7, s8  }
0x14a: {  	[tilespmem:s23], [sflag:$0x1] =	stream.linear.gather [hbm4b:s9+s17], $0x50, $0x38;
	[tilespmem:$0x1DB00] =	vst v63  }
0x14b: {  	s8 =	sadd.s32 s3, s8  }
0x14c: {  	[tilespmem:s24], [sflag:$0x1] =	stream.linear.gather [hbm4b:s8+s17], $0x50, $0x38;
	[tilespmem:$0x1DB00] =	vst v63  }
0x14d: {  	_ =	swait.ge [sflag:s0], $0x2800  }
0x14e: {  	[sflag:s0] =	ssyncset.done $0x0  }
0x14f: {  	[sflag:s0] =	ssyncadd.s32 $0xFFFFD800  }
0x150: {  	_ =	swait.ge [sflag:s0], $0x50  }
0x151: {  	[sflag:s0] =	ssyncset.done $0x0  }
0x152: {  	[sflag:s0] =	ssyncadd.s32 $0xFFFFFFB0  }
0x153: {  	_ =	swait.ge [sflag:s0], $0x50  }
0x154: {  	[sflag:s0] =	ssyncset.done $0x0  }
0x155: {  	s19 =	sand.u32 $0x70, s17;
	[sflag:s0] =	ssyncadd.s32 $0xFFFFFFB0  }
0x156: {  	s16 =	simm.s32 $0x7B80;
	v0 =	vld [tilespmem:s19+$0x2A00]  }
0x157: {  	v2 =	vld [tilespmem:s16+$0xF0]  }
0x158: {  	v3 =	vld [tilespmem:s16+$0xFFFFFF00]  }
0x159: {  	v4 =	vld [tilespmem:s16+$0xFFFFFF10]  }
0x15a: {  	s20 =	sand.u32 $0xF, s17;
	v5 =	vld [tilespmem:s16+$0xFFFFFF20]  }
0x15b: {  	s18 =	sadd.s32 $0x3, s20;
	v6 =	vld [tilespmem:s16+$0xFFFFFF30]  }
0x15c: {  	v1 =	vmov s18;
	s17 =	sand.u32 $0xC, s17;
	v7 =	vld [tilespmem:s16+$0xFFFFFF40]  }
0x15d: {  	v11 =	vmov s17;
	v8 =	vld [tilespmem:s16+$0xFFFFFF50];
	v1 =	vperm.xlane v0, v1  }
0x15e: {  	v14 =	vld [tilespmem:s16+$0xFFFFFFA0];
	v11 =	vperm.xlane v0, v11  }
0x15f: {  	s19 =	sadd.s32 $0x1, s20;
	v15 =	vld [tilespmem:s16+$0xFFFFFFB0];
	v2 =	vmul.f32 v2, v1  }
0x160: {  	v10 =	vld [tilespmem:s16+$0xFFFFFF80];
	v13 =	vmov s19;
	v3 =	vmul.f32 v3, v11  }
0x161: {  	v16 =	vld [tilespmem:s16+$0xFFFFFFC0];
	v13 =	vperm.xlane v0, v13;
	v4 =	vmul.f32 v4, v11;
	[tilespmem:s16+$0xF0] =	vst v2  }
0x162: {  	v9 =	vld [tilespmem:s16+$0xFFFFFF60];
	v5 =	vmul.f32 v5, v11;
	[tilespmem:s16+$0xFFFFFF00] =	vst v3  }
0x163: {  	v12 =	vld [tilespmem:s16+$0xFFFFFF90];
	v49 =	vmul.f32 v14, v13;
	[tilespmem:s16+$0xFFFFFF10] =	vst v4  }
0x164: {  	v17 =	vld [tilespmem:s16+$0xFFFFFF70];
	v50 =	vmul.f32 v15, v13;
	[tilespmem:s16+$0xFFFFFF20] =	vst v5  }
0x165: {  	v52 =	vld [tilespmem:s16+$0x70];
	v2 =	vmul.f32 v10, v13;
	[tilespmem:s16+$0xFFFFFFA0] =	vst v49  }
0x166: {  	v53 =	vld [tilespmem:s16+$0x90];
	v51 =	vmul.f32 v16, v13;
	[tilespmem:s16+$0xFFFFFFB0] =	vst v50  }
0x167: {  	v10 =	vld [tilespmem:s16+$0xFFFFFFD0];
	[tilespmem:s16+$0xFFFFFF80] =	vst v2;
	v2 =	vmul.f32 v6, v11  }
0x168: {  	v5 =	vmul.f32 v7, v11;
	[tilespmem:s16+$0xFFFFFFC0] =	vst v51;
	v6 =	vld [tilespmem:s16+$0x0]  }
0x169: {  	s8 =	sadd.s32 $0x2, s20;
	v3 =	vld [tilespmem:s16+$0xFFFFFFE0];
	[tilespmem:s16+$0xFFFFFF30] =	vst v2;
	v2 =	vmul.f32 v8, v11  }
0x16a: {  	v4 =	vld [tilespmem:s16+$0xFFFFFFF0];
	[tilespmem:s16+$0xFFFFFF40] =	vst v5;
	v5 =	vmul.f32 v9, v11;
	v8 =	vmov s8  }
0x16b: {  	v7 =	vld [tilespmem:s16+$0x10];
	v0 =	vperm.xlane v0, v8;
	[tilespmem:s16+$0xFFFFFF50] =	vst v2;
	v2 =	vmul.f32 v17, v11  }
0x16c: {  	v9 =	vld [tilespmem:s16+$0x20];
	[tilespmem:s16+$0xFFFFFF60] =	vst v5;
	v5 =	vmul.f32 v12, v13  }
0x16d: {  	v54 =	vld [tilespmem:s16+$0xA0];
	[tilespmem:s16+$0xFFFFFF70] =	vst v2;
	v2 =	vmul.f32 v6, v0  }
0x16e: {  	v10 =	vmul.f32 v10, v13;
	v11 =	vld [tilespmem:s16+$0x40];
	[tilespmem:s16+$0xFFFFFF90] =	vst v5  }
0x16f: {  	v4 =	vmul.f32 v4, v13;
	[tilespmem:s16+$0x0] =	vst v2;
	v2 =	vld [tilespmem:s16+$0x80]  }
0x170: {  	v3 =	vmul.f32 v3, v13;
	v5 =	vld [tilespmem:s16+$0x60];
	[tilespmem:s16+$0xFFFFFFD0] =	vst v10  }
0x171: {  	v8 =	vld [tilespmem:s16+$0x30];
	[tilespmem:s16+$0xFFFFFFF0] =	vst v4;
	v4 =	vmul.f32 v7, v0;
	v7 =	vmul.f32 v9, v0  }
0x172: {  	v10 =	vld [tilespmem:s16+$0xB0];
	[tilespmem:s16+$0xFFFFFFE0] =	vst v3  }
0x173: {  	v6 =	vld [tilespmem:s16+$0x50];
	[tilespmem:s16+$0x20] =	vst v7;
	v7 =	vmul.f32 v11, v0  }
0x174: {  	s20 =	simm.s32 $0x4;
	v55 =	vld [tilespmem:s16+$0xD0];
	[tilespmem:s16+$0x10] =	vst v4;
	v2 =	vmul.f32 v2, v1  }
0x175: {  	s17 =	sand.u32 $0x70, s20;
	v3 =	vld [tilespmem:s16+$0xC0];
	v5 =	vmul.f32 v5, v0;
	[tilespmem:s16+$0x40] =	vst v7  }
0x176: {  	v9 =	vld [tilespmem:s17+$0x2A00];
	s17 =	simm.s32 $0x7D80;
	[tilespmem:s16+$0x80] =	vst v2;
	v2 =	vmul.f32 v8, v0  }
0x177: {  	v56 =	vld [tilespmem:s17+$0xFFFFFF30];
	v10 =	vmul.f32 v10, v1;
	[tilespmem:s16+$0x60] =	vst v5  }
0x178: {  	[tilespmem:s16+$0x30] =	vst v2;
	v2 =	vmul.f32 v6, v0;
	v6 =	vld [tilespmem:s17+$0xFFFFFF00]  }
0x179: {  	s18 =	sand.u32 $0xC, s20;
	v7 =	vld [tilespmem:s17+$0xFFFFFF10];
	[tilespmem:s16+$0xB0] =	vst v10;
	v0 =	vmul.f32 v52, v0  }
0x17a: {  	s8 =	sand.u32 $0xF, s20;
	v5 =	vmul.f32 v53, v1;
	v8 =	vld [tilespmem:s17+$0xF0];
	[tilespmem:s16+$0x50] =	vst v2;
	v2 =	vmov s18  }
0x17b: {  	s19 =	sadd.s32 $0x3, s8;
	v57 =	vld [tilespmem:s17+$0xFFFFFF40];
	[tilespmem:s16+$0x70] =	vst v0;
	v0 =	vmul.f32 v54, v1;
	v2 =	vperm.xlane v9, v2  }
0x17c: {  	v11 =	vld [tilespmem:s17+$0xFFFFFF20];
	v3 =	vmul.f32 v3, v1;
	[tilespmem:s16+$0x90] =	vst v5;
	v5 =	vmov s19  }
0x17d: {  	v58 =	vld [tilespmem:s17+$0xFFFFFF50];
	[tilespmem:s16+$0xA0] =	vst v0;
	v0 =	vperm.xlane v9, v5;
	v6 =	vmul.f32 v6, v2  }
0x17e: {  	[tilespmem:s16+$0xC0] =	vst v3;
	v5 =	vld [tilespmem:s17+$0xFFFFFF60];
	v3 =	vmul.f32 v7, v2  }
0x17f: {  	v10 =	vld [tilespmem:s17+$0xFFFFFF90];
	[tilespmem:s17+$0xFFFFFF00] =	vst v6;
	v6 =	vmul.f32 v8, v0  }
0x180: {  	v8 =	vld [tilespmem:s17+$0xFFFFFF70];
	[tilespmem:s17+$0xFFFFFF10] =	vst v3;
	v3 =	vmul.f32 v56, v2  }
0x181: {  	v7 =	vld [tilespmem:s17+$0xFFFFFF80];
	[tilespmem:s17+$0xF0] =	vst v6;
	v6 =	vmul.f32 v11, v2  }
0x182: {  	s20 =	sadd.s32 $0x1, s8;
	v59 =	vld [tilespmem:s17+$0xFFFFFFA0];
	[tilespmem:s17+$0xFFFFFF30] =	vst v3;
	v3 =	vmul.f32 v58, v2  }
0x183: {  	v60 =	vld [tilespmem:s17+$0xFFFFFFB0];
	v11 =	vmov s20;
	v5 =	vmul.f32 v5, v2;
	[tilespmem:s17+$0xFFFFFF20] =	vst v6  }
0x184: {  	v61 =	vld [tilespmem:s17+$0xFFFFFFC0];
	v11 =	vperm.xlane v9, v11;
	v6 =	vmul.f32 v57, v2;
	[tilespmem:s17+$0xFFFFFF50] =	vst v3  }
0x185: {  	v63 =	vld [tilespmem:s17+$0x20];
	[tilespmem:s17+$0xFFFFFF60] =	vst v5;
	v2 =	vmul.f32 v8, v2  }
0x186: {  	v5 =	vmul.f32 v10, v11;
	[tilespmem:s17+$0xFFFFFF40] =	vst v6;
	v6 =	vmul.f32 v7, v11;
	v7 =	vld [tilespmem:s17+$0xFFFFFFD0]  }
0x187: {  	v3 =	vld [tilespmem:s17+$0xFFFFFFE0];
	[tilespmem:s17+$0xFFFFFF70] =	vst v2  }
0x188: {  	v8 =	vld [tilespmem:s17+$0x0];
	v2 =	vmul.f32 v59, v11;
	[tilespmem:s17+$0xFFFFFF90] =	vst v5  }
0x189: {  	s8 =	sadd.s32 $0x2, s8;
	v5 =	vmul.f32 v60, v11;
	[tilespmem:s17+$0xFFFFFF80] =	vst v6;
	v6 =	vld [tilespmem:s17+$0xFFFFFFF0]  }
0x18a: {  	v62 =	vmov s8;
	v10 =	vld [tilespmem:s17+$0x10];
	[tilespmem:s17+$0xFFFFFFA0] =	vst v2;
	v2 =	vmul.f32 v61, v11  }
0x18b: {  	v12 =	vperm.xlane v9, v62;
	v9 =	vld [tilespmem:s17+$0x60];
	[tilespmem:s17+$0xFFFFFFB0] =	vst v5;
	v5 =	vmul.f32 v7, v11  }
0x18c: {  	v7 =	vld [tilespmem:s17+$0x30];
	[tilespmem:s17+$0xFFFFFFC0] =	vst v2;
	v2 =	vmul.f32 v3, v11  }
0x18d: {  	v3 =	vld [tilespmem:s17+$0x40];
	[tilespmem:s17+$0xFFFFFFD0] =	vst v5;
	v5 =	vmul.f32 v8, v12  }
0x18e: {  	v8 =	vld [tilespmem:s17+$0x50];
	v6 =	vmul.f32 v6, v11;
	[tilespmem:s17+$0xFFFFFFE0] =	vst v2  }
0x18f: {  	v4 =	vld [tilespmem:s16+$0xE0];
	v2 =	vmul.f32 v10, v12;
	[tilespmem:s17+$0x0] =	vst v5  }
0x190: {  	v10 =	vld [tilespmem:s17+$0x70];
	[tilespmem:s17+$0xFFFFFFF0] =	vst v6;
	v5 =	vmul.f32 v63, v12  }
0x191: {  	[tilespmem:s17+$0x10] =	vst v2;
	v6 =	vld [tilespmem:s17+$0x80];
	v2 =	vmul.f32 v7, v12  }
0x192: {  	v3 =	vmul.f32 v3, v12;
	[tilespmem:s17+$0x20] =	vst v5;
	v5 =	vld [tilespmem:s17+$0x90]  }
0x193: {  	v9 =	vmul.f32 v9, v12;
	v7 =	vld [tilespmem:s17+$0xA0];
	[tilespmem:s17+$0x30] =	vst v2;
	v8 =	vmul.f32 v8, v12  }
0x194: {  	v2 =	vmul.f32 v55, v1;
	v1 =	vmul.f32 v4, v1;
	[tilespmem:s17+$0x40] =	vst v3;
	v4 =	vld [tilespmem:s17+$0xB0]  }
0x195: {  	s8 =	simm.s32 $0x7D80;
	s18 =	simm.s32 $0x8;
	v3 =	vld [tilespmem:s17+$0xC0];
	[tilespmem:s17+$0x50] =	vst v8;
	v8 =	vmul.f32 v10, v12  }
.LBB2_8:
0x196: {  	s9 =	sand.u32 $0x70, s18;
	p1 =	slt.u32 s18, $0x4C;
	[tilespmem:s17+$0x60] =	vst v9;
	v6 =	vmul.f32 v6, v0;
	v9 =	vld [tilespmem:s17+$0xD0]  }
0x197: {  	v10 =	vld [tilespmem:s9+$0x2A00];
	[tilespmem:s17+$0x70] =	vst v8;
	v5 =	vmul.f32 v5, v0  }
0x198: {  	s20 =	sand.u32 $0xF, s18;
	s17 =	sadd.s32 $0x200, s17;
	[tilespmem:s8+$0x80] =	vst v6;
	v6 =	vmul.f32 v7, v0;
	v7 =	vld [tilespmem:s8+$0xE0]  }
0x199: {  	s9 =	sand.u32 $0xC, s18;
	s19 =	sadd.s32 $0x2, s20;
	v8 =	vld [tilespmem:s17+$0xF0];
	[tilespmem:s8+$0x90] =	vst v5;
	v4 =	vmul.f32 v4, v0  }
0x19a: {  	v13 =	vmov s19;
	v5 =	vmov s9;
	s9 =	sadd.s32 $0x1, s20;
	s20 =	sadd.s32 $0x3, s20;
	v11 =	vld [tilespmem:s17+$0xFFFFFF00];
	[tilespmem:s8+$0xA0] =	vst v6;
	v3 =	vmul.f32 v3, v0  }
0x19b: {  	v12 =	vmov s9;
	v14 =	vmov s20;
	v6 =	vld [tilespmem:s17+$0xFFFFFF10];
	[tilespmem:s8+$0xB0] =	vst v4  }
0x19c: {  	v4 =	vperm.xlane v10, v5;
	v5 =	vld [tilespmem:s17+$0xFFFFFF20];
	v14 =	vperm.xlane v10, v14;
	[tilespmem:s8+$0xC0] =	vst v3  }
0x19d: {  	v12 =	vperm.xlane v10, v12;
	v10 =	vperm.xlane v10, v13;
	v3 =	vld [tilespmem:s17+$0xFFFFFF30];
	[tilespmem:s16+$0xD0] =	vst v2  }
0x19e: {  	v2 =	vmul.f32 v9, v0;
	v13 =	vld [tilespmem:s17+$0xFFFFFF40];
	v8 =	vmul.f32 v8, v14;
	[tilespmem:s16+$0xE0] =	vst v1;
	s16 =	smov.u32 s8;
	s8 =	smov.u32 s17  }
0x19f: {  	v1 =	vmul.f32 v7, v0;
	v0 =	vmov v14;
	v9 =	vmul.f32 v11, v4;
	v11 =	vld [tilespmem:s17+$0xFFFFFF50]  }
0x1a0: {  	v6 =	vmul.f32 v6, v4;
	v7 =	vld [tilespmem:s17+$0xFFFFFF60];
	[tilespmem:s17+$0xF0] =	vst v8  }
0x1a1: {  	[tilespmem:s17+$0xFFFFFF00] =	vst v9;
	v5 =	vmul.f32 v5, v4;
	v8 =	vld [tilespmem:s17+$0xFFFFFF70]  }
0x1a2: {  	[tilespmem:s17+$0xFFFFFF10] =	vst v6;
	v3 =	vmul.f32 v3, v4;
	v6 =	vld [tilespmem:s17+$0xFFFFFF80]  }
0x1a3: {  	[tilespmem:s17+$0xFFFFFF20] =	vst v5;
	v5 =	vmul.f32 v13, v4;
	v9 =	vld [tilespmem:s17+$0xFFFFFF90]  }
0x1a4: {  	[tilespmem:s17+$0xFFFFFF30] =	vst v3;
	v3 =	vmul.f32 v11, v4;
	v11 =	vld [tilespmem:s17+$0xFFFFFFA0]  }
0x1a5: {  	[tilespmem:s17+$0xFFFFFF40] =	vst v5;
	v5 =	vmul.f32 v7, v4;
	v7 =	vld [tilespmem:s17+$0xFFFFFFB0]  }
0x1a6: {  	[tilespmem:s17+$0xFFFFFF50] =	vst v3;
	v3 =	vmul.f32 v8, v4;
	v4 =	vld [tilespmem:s17+$0xFFFFFFC0]  }
0x1a7: {  	[tilespmem:s17+$0xFFFFFF60] =	vst v5;
	v5 =	vmul.f32 v6, v12;
	v6 =	vld [tilespmem:s17+$0xFFFFFFD0]  }
0x1a8: {  	[tilespmem:s17+$0xFFFFFF70] =	vst v3;
	v3 =	vmul.f32 v9, v12;
	v8 =	vld [tilespmem:s17+$0xFFFFFFE0]  }
0x1a9: {  	[tilespmem:s17+$0xFFFFFF80] =	vst v5;
	v5 =	vmul.f32 v11, v12;
	v9 =	vld [tilespmem:s17+$0xFFFFFFF0]  }
0x1aa: {  	[tilespmem:s17+$0xFFFFFF90] =	vst v3;
	v3 =	vmul.f32 v7, v12;
	v7 =	vld [tilespmem:s17+$0x0]  }
0x1ab: {  	[tilespmem:s17+$0xFFFFFFA0] =	vst v5;
	v4 =	vmul.f32 v4, v12;
	v5 =	vld [tilespmem:s17+$0x10]  }
0x1ac: {  	[tilespmem:s17+$0xFFFFFFB0] =	vst v3;
	v3 =	vmul.f32 v6, v12;
	v6 =	vld [tilespmem:s17+$0x20]  }
0x1ad: {  	[tilespmem:s17+$0xFFFFFFC0] =	vst v4;
	v4 =	vmul.f32 v8, v12;
	v8 =	vld [tilespmem:s17+$0x30]  }
0x1ae: {  	[tilespmem:s17+$0xFFFFFFD0] =	vst v3;
	v3 =	vmul.f32 v9, v12;
	v9 =	vld [tilespmem:s17+$0x40]  }
0x1af: {  	[tilespmem:s17+$0xFFFFFFE0] =	vst v4;
	v4 =	vmul.f32 v7, v10;
	v7 =	vld [tilespmem:s17+$0x50]  }
0x1b0: {  	[tilespmem:s17+$0xFFFFFFF0] =	vst v3;
	v3 =	vmul.f32 v5, v10;
	v11 =	vld [tilespmem:s17+$0x60]  }
0x1b1: {  	[tilespmem:s17+$0x0] =	vst v4;
	v4 =	vmul.f32 v6, v10;
	v12 =	vld [tilespmem:s17+$0x70]  }
.Ltmp5:
0x1b2: {  	[tilespmem:s17+$0x10] =	vst v3;
	v3 =	vmul.f32 v8, v10;
	v6 =	vld [tilespmem:s17+$0x80];
	(pc) =	sbr.rel @p1 .LBB2_8-.Ltmp5, $4  }
0x1b3: {  	[tilespmem:s17+$0x20] =	vst v4;
	v4 =	vmul.f32 v9, v10;
	v5 =	vld [tilespmem:s17+$0x90]  }
0x1b4: {  	[tilespmem:s17+$0x30] =	vst v3;
	v3 =	vmul.f32 v7, v10;
	v7 =	vld [tilespmem:s17+$0xA0]  }
0x1b5: {  	[tilespmem:s17+$0x40] =	vst v4;
	v9 =	vmul.f32 v11, v10;
	v4 =	vld [tilespmem:s17+$0xB0]  }
0x1b6: {  	s18 =	sadd.s32 $0x4, s18;
	[tilespmem:s17+$0x50] =	vst v3;
	v8 =	vmul.f32 v12, v10;
	v3 =	vld [tilespmem:s17+$0xC0]  }
0x1b7: {  	[tilespmem:s17+$0x60] =	vst v9  }
0x1b8: {  	[tilespmem:s16+$0xD0] =	vst v2  }
0x1b9: {  	v6 =	vmul.f32 v6, v0;
	v59 =	vld [tilespmem:s17+$0xD0];
	[tilespmem:s16+$0xE0] =	vst v1  }
0x1ba: {  	v61 =	vld [tilespmem:s8+$0xE0];
	v5 =	vmul.f32 v5, v0;
	[tilespmem:s17+$0x70] =	vst v8  }
0x1bb: {  	[tilespmem:s8+$0x80] =	vst v6;
	v60 =	vmul.f32 v7, v0  }
0x1bc: {  	[tilespmem:s8+$0x90] =	vst v5;
	v4 =	vmul.f32 v4, v0  }
0x1bd: {  	[tilespmem:s8+$0xA0] =	vst v60;
	v3 =	vmul.f32 v3, v0  }
0x1be: {  	[tilespmem:s8+$0xB0] =	vst v4;
	v62 =	vmul.f32 v59, v0  }
0x1bf: {  	v63 =	vmul.f32 v61, v0;
	[tilespmem:s8+$0xC0] =	vst v3  }
0x1c0: {  	[tilespmem:s8+$0xD0] =	vst v62  }
0x1c1: {  	[tilespmem:s8+$0xE0] =	vst v63  }
0x1c2: {  	[spmem:s4] =	stream.indirect.scatter.add.f32 [tilespmem:s11], [sflag:$0x6], $0x80, s10, s21, $0xb8;
	[tilespmem:$0x1DB00] =	vst v63  }
0x1c3: {  	_ =	swait.ge [sflag:s2], $0x2800  }
0x1c4: {  	s20 =	sadd.s32 $0x140, s15;
	[sflag:s2] =	ssyncset.done $0x0  }
0x1c5: {  	s8 =	sadd.s32 s6, s20;
	[sflag:s2] =	ssyncadd.s32 $0xFFFFD800  }
0x1c6: {  	[tilespmem:s25], [sflag:$0x2] =	stream.indirect.gather [hbm4b:s1+s21], $0x80, s20, s21, $0xb8;
	[tilespmem:$0x1DB00] =	vst v63  }
.Ltmp6:
0x1c7: {  	s8 =	sshrl.u32 s8, $0x3;
	(pc) =	sbr.rel .LBB2_2-.Ltmp6, $4  }
0x1c8: {  	s9 =	sadd.s32 s7, s8  }
0x1c9: {  	[tilespmem:s26], [sflag:$0x2] =	stream.linear.gather [hbm4b:s9+s5], $0x50, $0x38;
	[tilespmem:$0x1DB00] =	vst v63  }
0x1ca: {  	s14 =	sadd.s32 $0x1, s14;
	s8 =	sadd.s32 s3, s8  }
0x1cb: {  	[tilespmem:s28], [sflag:$0x2] =	stream.linear.gather [hbm4b:s8+s5], $0x50, $0x38;
	[tilespmem:$0x1DB00] =	vst v63  }
.LBB2_11:
0x1cc: {  	_ =	sfence.sel $0x180000  }
0x1cd: {  	[bflag:$0x0] =	sbarrier.arrive $0xFFFF  }
0x1ce: {  	_ =	strace $0x9000004A  }
0x1cf: {  	s0 =	stileid.u32;
	[bflag:$0x2] =	sbarrier.arrive $0xFFFF  }
0x1d0: {  	p0 =	sne.s32 s0, $0x0;
	s0 =	rddreg [dreg:$0x4]  }
0x1d1: {  	s0 =	sadd.s32 @!p0 $0x100000, s0  }
0x1d2: {  	[sflag:s0] =	ssyncadd.tile.s32 @!p0 $0x1;
	_ =	shalt  }
.Lfunc_end2:
_tile_overlayer_lowered:
.L_overlay_start_2:
0x1d3: {  	(tag) =	ssettag $0x2  }
0x1d4: {  	s0 =	rddreg [dreg:$0x0];
	s2 =	stileid.u32  }
0x1d5: {  	s1 =	rddreg [dreg:$0x1];
	p0 =	sne.s32 s2, $0x0  }
0x1d6: {  	s3 =	rddreg [dreg:$0x2];
	[bflag:$0x3] =	sbarrier.arrive $0xFFFF;
	s2 =	simm.s32 @!p0 $0x1C07  }
0x1d7: {  	[timem:s3], [sflag:s2] =	dma.local @!p0 [hbm:s0], s1  }
0x1d8: {  	s0 =	simm.s32 @!p0 $0x7  }
0x1d9: {  	_ =	swait.ge @!p0 [sflag:s0], s1  }
0x1da: {  	s1 =	ssub.s32 @!p0 $0x0, s1;
	[sflag:s0] =	ssyncset.done @!p0 $0x0  }
0x1db: {  	[sflag:s0] =	ssyncadd.s32 @!p0 s1  }
0x1dc: {  	[bflag:$0x3] =	sbarrier.arrive $0xFFFF  }
0x1dd: {  	_ =	shalt  }

// kernel: kernel.8.cloned.1.call-start
scs
__scs_entry_jumppad:
0x0: {  	(pc) =	sbr.rel $0x88, $3  }
0x1: {  	(tag) =	ssettag $0x0;
	lr =	simm.s32 $0x1  }
0x2: {  	[smem:$0x3F9B] =	sst lr;
	_ =	strace $0xD0000000  }
0x3: {  	_ = 	snop  }
0x4: {  	_ = 	snop  }
0x5: {  	_ = 	snop  }
0x6: {  	_ = 	snop  }
0x7: {  	_ = 	snop  }
__scs_overlays_trampoline_lowered:
0x8: {  	[smem:$0x3FAA] =	sst s0  }
0x9: {  	[smem:$0x3FAB] =	sst s1  }
0xa: {  	[smem:$0x3FAC] =	sst s2  }
0xb: {  	[smem:$0x3FAD] =	sst s3  }
0xc: {  	[smem:$0x3FAE] =	sst s4  }
0xd: {  	[smem:$0x3FAF] =	sst s5  }
0xe: {  	[smem:$0x3FB0] =	sst s6  }
0xf: {  	[smem:$0x3FB1] =	sst s7  }
0x10: {  	[smem:$0x3FB2] =	sst s8  }
0x11: {  	[smem:$0x3FB3] =	sst s9;
	s0 =	simm.s32 @!p0 $0x0  }
0x12: {  	s1 =	sld [smem:$0x3F99];
	s0 =	simm.s32 @p0 $0x1  }
0x13: {  	[smem:$0x3FB4] =	sst s0;
	s0 =	simm.s32 @!p1 $0x0  }
0x14: {  	s2 =	sld [smem:$0x3F98];
	s0 =	simm.s32 @p1 $0x1  }
0x15: {  	[smem:$0x3FB5] =	sst s0;
	s0 =	simm.s32 @!p2 $0x0  }
0x16: {  	s3 =	sld [smem:$0x3FDB];
	s0 =	simm.s32 @p2 $0x1  }
0x17: {  	s4 =	simm.s32 $0x1BF5;
	[smem:$0x3FB7] =	sst s0  }
0x18: {  	s0 =	sld [smem:$0x3F9A];
	_ =	swait.ge [sflag:s4], $0x0  }
0x19: {  	s7 =	sld [smem:$0x3F9B]  }
0x1a: {  	s8 =	sadd.s32 $0xFFFFE003, lr  }
0x1b: {  	s9 =	sadd.s32 $0xFFFFFEF7, lr;
	s5 =	simm.s32 $0xFFFFFFFF;
	p2 =	slt.u32 s8, $0xFFFFF086  }
0x1c: {  	p1 =	slt.u32 s9, $0xF7A;
	s5 =	simm.s32 @!p2 $0x0  }
0x1d: {  	s5 =	simm.s32 @p1 $0x1;
	p0 =	seq.s32 s7, s2  }
0x1e: {  	s7 =	smul.u32 @!p0 $0xF7A, s2;
	p2 =	seq.s32 @!p0 s5, $0x0  }
0x1f: {  	s9 =	smul.u32 $0xF7A, s1;
	s8 =	simm.s32 @!p0 $0x1BF5;
	p2 =	por !p2, p0  }
0x20: {  	[sflag:s8] =	ssyncset.s32 @!p0 $0xFFFFF086;
	s6 =	sadd.s32 @!p0 s3, s7;
	s7 =	simm.s32 @!p0 $0x108  }
0x21: {  	s3 =	sadd.s32 s3, s9;
	s6 =	sadd.s32 @!p0 $0x88, s6;
	s7 =	simm.s32 @p2 $0x1082  }
0x22: {  	[simem:s7], [sflag:s8] =	dma.local @!p0 [hbm:s6], $0xF7A  }
0x23: {  	s9 =	sor.u32 $0xD0000000, s2;
	s6 =	simm.s32 $0x108;
	_ =	swait.ge @!p0 [sflag:s8], $0x0  }
0x24: {  	s3 =	sadd.s32 $0x88, s3;
	s6 =	simm.s32 @!p1 $0x1082;
	[sflag:s4] =	ssyncset.s32 $0xFFFFF086  }
0x25: {  	[simem:s6], [sflag:s4] =	dma.local [hbm:s3], $0xF7A  }
0x26: {  	[smem:$0x3F9B] =	sst s1;
	(tag) =	ssettag s2;
	_ =	strace s9  }
0x27: {  	s1 =	sld [smem:$0x3FAB]  }
0x28: {  	s2 =	sld [smem:$0x3FAC]  }
0x29: {  	s4 =	sld [smem:$0x3FAE]  }
0x2a: {  	p0 =	seq.s32 s5, $0x0;
	s5 =	sld [smem:$0x3FAF]  }
0x2b: {  	s6 =	sld [smem:$0x3FB0]  }
0x2c: {  	s7 =	sld [smem:$0x3FB1]  }
0x2d: {  	s3 =	simm.s32 $0x108;
	s8 =	sld [smem:$0x3FB2]  }
0x2e: {  	s3 =	simm.s32 @!p0 $0x1082;
	s9 =	sld [smem:$0x3FB3]  }
0x2f: {  	lr =	sadd.s32 s0, s3;
	s0 =	sld [smem:$0x3FAA]  }
0x30: {  	s3 =	sld [smem:$0x3FAD]  }
0x31: {  	[smem:$0x3FB6] =	sst s10  }
0x32: {  	s10 =	sld [smem:$0x3FB4];
	_ =	sdelay $0x3  }
0x33: {  	p0 =	seq.s32 s10, $0x1;
	s10 =	sld [smem:$0x3FB6];
	_ =	sdelay $0x3  }
0x34: {  	[smem:$0x3FB6] =	sst s10  }
0x35: {  	s10 =	sld [smem:$0x3FB5];
	_ =	sdelay $0x3  }
0x36: {  	p1 =	seq.s32 s10, $0x1;
	s10 =	sld [smem:$0x3FB6];
	_ =	sdelay $0x3  }
0x37: {  	[smem:$0x3FB6] =	sst s10  }
0x38: {  	s10 =	sld [smem:$0x3FB7]  }
0x39: {  	_ = 	snop;
	(pc) =	sbr.ind lr, $3  }
0x3a: {  	_ = 	snop  }
0x3b: {  	_ = 	snop  }
0x3c: {  	p2 =	seq.s32 s10, $0x1;
	s10 =	sld [smem:$0x3FB6]  }
0x3d: {  	_ =	shalt  }
0x3e: {  	_ =	shalt  }
0x3f: {  	_ =	shalt  }
0x40: {  	_ =	shalt  }
0x41: {  	_ =	shalt  }
0x42: {  	_ =	shalt  }
0x43: {  	_ =	shalt  }
0x44: {  	_ =	shalt  }
0x45: {  	_ =	shalt  }
0x46: {  	_ =	shalt  }
0x47: {  	_ =	shalt  }
0x48: {  	_ =	shalt  }
0x49: {  	_ =	shalt  }
0x4a: {  	_ =	shalt  }
0x4b: {  	_ =	shalt  }
0x4c: {  	_ =	shalt  }
0x4d: {  	_ =	shalt  }
0x4e: {  	_ =	shalt  }
0x4f: {  	_ =	shalt  }
0x50: {  	_ =	shalt  }
0x51: {  	_ =	shalt  }
0x52: {  	_ =	shalt  }
0x53: {  	_ =	shalt  }
0x54: {  	_ =	shalt  }
0x55: {  	_ =	shalt  }
0x56: {  	_ =	shalt  }
0x57: {  	_ =	shalt  }
0x58: {  	_ =	shalt  }
0x59: {  	_ =	shalt  }
0x5a: {  	_ =	shalt  }
0x5b: {  	_ =	shalt  }
0x5c: {  	_ =	shalt  }
0x5d: {  	_ =	shalt  }
0x5e: {  	_ =	shalt  }
0x5f: {  	_ =	shalt  }
0x60: {  	_ =	shalt  }
0x61: {  	_ =	shalt  }
0x62: {  	_ =	shalt  }
0x63: {  	_ =	shalt  }
0x64: {  	_ =	shalt  }
0x65: {  	_ =	shalt  }
0x66: {  	_ =	shalt  }
0x67: {  	_ =	shalt  }
0x68: {  	_ =	shalt  }
0x69: {  	_ =	shalt  }
0x6a: {  	_ =	shalt  }
0x6b: {  	_ =	shalt  }
0x6c: {  	_ =	shalt  }
0x6d: {  	_ =	shalt  }
0x6e: {  	_ =	shalt  }
0x6f: {  	_ =	shalt  }
0x70: {  	_ =	shalt  }
0x71: {  	_ =	shalt  }
0x72: {  	_ =	shalt  }
0x73: {  	_ =	shalt  }
0x74: {  	_ =	shalt  }
0x75: {  	_ =	shalt  }
0x76: {  	_ =	shalt  }
0x77: {  	_ =	shalt  }
0x78: {  	_ =	shalt  }
0x79: {  	_ =	shalt  }
0x7a: {  	_ =	shalt  }
0x7b: {  	_ =	shalt  }
0x7c: {  	_ =	shalt  }
0x7d: {  	_ =	shalt  }
0x7e: {  	_ =	shalt  }
0x7f: {  	_ =	shalt  }
0x80: {  	_ =	shalt  }
0x81: {  	_ =	shalt  }
0x82: {  	_ =	shalt  }
0x83: {  	_ =	shalt  }
0x84: {  	_ =	shalt  }
0x85: {  	_ =	shalt  }
0x86: {  	_ =	shalt  }
0x87: {  	_ =	shalt  }
.Lfunc_end0:
.L_simem_size_0:
called_computation_lowered:
.L_overlay_start_0:
0x88: {  	s2 =	sld [smem:$0x3FD9]  }
0x89: {  	s3 =	sld [smem:$0x3FFE];
	_ =	sdelay $0x1  }
0x8a: {  	s1 =	srdreg.scid  }
0x8b: {  	s0 =	sand.u32 $0x1, s1  }
0x8c: {  	s14 =	sshll.u32 s0, $0xA;
	s2 =	sadd.s32 s3, s2  }
0x8d: {  	s2 =	sadd.s32 s2, s14  }
0x8e: {  	[smem:$0x3FC2] =	sst s2  }
0x8f: {  	_ = 	snop  }
0x90: {  	s2 =	sld [smem:$0x3FD0];
	_ =	sdelay $0x2  }
0x91: {  	s4 =	simm.s32 $0xA;
	s5 =	simm.s32 $0x10;
	s15 =	sld [smem:$0x3FC4]  }
0x92: {  	[smem:s5], [sflag:s4] =	dma.local [hbm:s2], $0x1  }
0x93: {  	_ =	swait.eq [sflag:s4], $0x1  }
0x94: {  	[sflag:s4] =	ssyncset.done $0x0  }
0x95: {  	[sflag:s4] =	ssyncadd.s32 $0xFFFFFFFF  }
0x96: {  	s16 =	sld [smem:$0x10];
	(tm) =	ssettm $0x1  }
0x97: {  	s17 =	sld [smem:$0x3FFB];
	_ =	sdelay $0x3  }
0x98: {  	_ =	strace s17  }
0x99: {  	s4 =	sld [smem:$0x3FFC];
	_ =	sdelay $0x3  }
0x9a: {  	_ =	strace s4  }
0x9b: {  	s4 =	sld [smem:$0x3FFD];
	_ =	sdelay $0x3  }
0x9c: {  	_ =	strace s4  }
0x9d: {  	_ =	strace $0x8FFFFFFF  }
0x9e: {  	s18 =	sld [smem:$0x3FDB];
	_ =	sdelay $0x1  }
0x9f: {  	s19 =	simm.s32 $_scs_section_size  }
0xa0: {  	s6 =	simm.s32 $_size__tile_overlayer_lowered;
	s7 =	simm.s32 $_tile_overlayer_lowered  }
0xa1: {  	s22 =	simm.s32 $0x1BFF;
	s21 =	sshll.u32 s7, $0x1;
	s4 =	sadd.s32 s19, s18  }
0xa2: {  	s8 =	simm.s32 $0x0;
	s20 =	sshll.u32 s6, $0x1;
	s6 =	sadd.s32 s21, s4  }
0xa3: {  	[timem:s8], [sflag:s22] =	dma.local [hbm:s6], s20  }
0xa4: {  	_ =	swait.ge [sflag:s22], s20  }
0xa5: {  	s5 =	ssub.s32 $0x0, s20;
	[sflag:s22] =	ssyncset.done $0x0  }
0xa6: {  	[sflag:s22] =	ssyncadd.s32 s5;
	_ =	sdelay $0x1  }
0xa7: {  	s23 =	simm.s32 $0x1B8B  }
0xa8: {  	_ =	swait.ge [sflag:s23], $0x1  }
0xa9: {  	[sflag:s23] =	ssyncset.done $0x0  }
0xaa: {  	s25 =	simm.s32 $0x1B8E;
	s24 =	sld [smem:$0x3FFE];
	[sflag:s23] =	ssyncadd.s32 $0xFFFFFFFF  }
0xab: {  	s26 =	simm.s32 $execute0_lowered;
	[smem:$0x3FD2] =	sst s25  }
0xac: {  	s6 =	sshll.u32 s26, $0x1;
	_ =	strace $0x80000046;
	[dreg:$0x1] =	wrdreg $0xFFFFFFFF  }
0xad: {  	s28 =	simm.s32 $_size_execute0_lowered;
	s4 =	sadd.s32 s4, s6;
	[dreg:$0x0] =	wrdreg $0x0  }
0xae: {  	s6 =	sshll.u32 s28, $0x1;
	[dreg:$0x2] =	wrdreg s4  }
0xaf: {  	[dreg:$0x3] =	wrdreg s6  }
0xb0: {  	[dreg:$0x4] =	wrdreg $0xC0  }
0xb1: {  	_ =	task [dreg:s8], $0x5FFFF  }
0xb2: {  	[dreg:$0x1] =	wrdreg $0xFFFFFFFF  }
0xb3: {  	[dreg:$0x0] =	wrdreg $0x60  }
0xb4: {  	[dreg:$0x2] =	wrdreg s16  }
0xb5: {  	[dreg:$0x3] =	wrdreg s24  }
0xb6: {  	[dreg:$0x4] =	wrdreg s15  }
0xb7: {  	[dreg:$0x5] =	wrdreg $0x9  }
0xb8: {  	_ =	task.clear_ibuf [dreg:s8], $0x6FFFF;
	_ =	strace $0x90000046  }
0xb9: {  	s29 =	simm.s32 $0x9;
	_ =	strace $0x80000048  }
0xba: {  	_ =	swait.ge [sflag:s29], $0x1  }
0xbb: {  	[sflag:s29] =	ssyncadd.s32 $0xFFFFFFFF  }
0xbc: {  	_ =	strace $0x90000048  }
0xbd: {  	_ =	sfence  }
0xbe: {  	s30 =	sld [smem:$0x0];
	_ =	sdelay $0x2  }
0xbf: {  	s31 =	sshll.u32 s1, $0xD;
	s1 =	sshrl.u32 s1, $0x2  }
0xc0: {  	s3 =	sand.u32 $0x4000, s31;
	s1 =	sadd.s32 s1, s30  }
0xc1: {  	s0 =	sor.u32 s3, s0;
	s1 =	sshll.u32 s1, $0x11  }
0xc2: {  	s0 =	sor.u32 s1, s0  }
0xc3: {  	s0 =	sadd.s32 $0x8F2B, s0  }
0xc4: {  	[sflag:s0] =	ssyncadd.remote.s32 $0x1  }
0xc5: {  	_ =	sfence.sel $0xFFFF  }
0xc6: {  	[dreg:$0x0] =	wrdreg $0xFFFFFFFF;
	(pc) =	sbr.abs _section_cstart, $3  }
0xc7: {  	[dreg:$0x1] =	wrdreg $0xFFFFFFFF  }
0xc8: {  	_ =	task.clear_ibuf [dreg:s8], $0x2FFFF;
	_ =	strace $0x9FFFFFFF  }
0xc9: {  	(tm) =	ssettm $0x7FFFFFFF  }
tec
execute0_lowered:
.L_overlay_start_1:
0x0: {  	(tag) =	ssettag $0x1  }
0x1: {  	s1 =	rddreg [dreg:$0x0]  }
0x2: {  	s0 =	rddreg [dreg:$0x1];
	s2 =	srdreg.scid  }
0x3: {  	s3 =	stileid.u32;
	s4 =	simm.s32 $0x0;
	s12 =	simm.s32 $0xEF00  }
0x4: {  	s13 =	simm.s32 $0x5;
	s14 =	simm.s32 $0x2780;
	s15 =	simm.s32 $0x50  }
0x5: {  	s16 =	simm.s32 $0x4F00;
	s17 =	simm.s32 $0x9F00;
	s18 =	simm.s32 $0x7700  }
0x6: {  	s19 =	simm.s32 $0xC700;
	s20 =	simm.s32 $0x1;
	s21 =	simm.s32 $0x2  }
0x7: {  	s22 =	simm.s32 $0xEF80;
	s2 =	sand.u32 $0x1, s2;
	s3 =	sshll.u32 s3, $0x1  }
0x8: {  	s23 =	simm.s32 $0x3;
	s24 =	simm.s32 $0x4;
	s3 =	sor.u32 s2, s3  }
0x9: {  	s25 =	simm.s32 $0x0;
	[smem:$0x7FF] =	sst s4;
	s5 =	smul.u32 $0x2710, s3  }
0xa: {  	s6 =	sadd.s32 $0x15000, s0;
	s2 =	ssub.s32 $0x2, s2;
	s3 =	smul.u32 $0x27100, s3  }
0xb: {  	s7 =	sadd.s32 $0x3C200, s0;
	_ =	strace $0x80000047;
	s9 =	sshrl.u32 s2, $0x1  }
0xc: {  	s2 =	ssub.s32 s2, s9;
	s8 =	sshrl.u32 s5, $0x3;
	s3 =	sshrl.u32 s3, $0x3  }
0xd: {  	s11 =	smax.u32 s2, $0x1;
	s0 =	sadd.s32 s8, s0;
	s3 =	sadd.s32 s7, s3  }
0xe: {  	s8 =	sadd.s32 $0xB200, s0;
	s9 =	sadd.s32 $0x1400, s0;
	s10 =	sadd.s32 $0x4D80, s3  }
.LBB2_1:
0xf: {  	s0 =	rddreg [dreg:$0x2]  }
0x10: {  	[tilespmem:s12], [sflag:$0x5] =	stream.linear.gather [hbm4b:s0+s4], $0x80, $0x38;
	[tilespmem:$0xF480] =	vst v63  }
0x11: {  	_ =	swait.ge [sflag:s13], $0x80  }
0x12: {  	[sflag:s13] =	ssyncset.done $0x0  }
0x13: {  	[sflag:s13] =	ssyncadd.s32 $0xFFFFFF80  }
0x14: {  	v0 =	vld [tilespmem:$0xEF00]  }
0x15: {  	v1 =	vld [tilespmem:$0xEF10]  }
0x16: {  	v2 =	vld [tilespmem:$0xEF20]  }
0x17: {  	v3 =	vld [tilespmem:$0xEF30]  }
0x18: {  	v4 =	vld [tilespmem:$0xEF40]  }
0x19: {  	v5 =	vld [tilespmem:$0xEF50];
	v0 =	vmul.f32 $-2.000000000e+00, v0  }
0x1a: {  	v6 =	vld [tilespmem:$0xEF60];
	v1 =	vmul.f32 $-2.000000000e+00, v1  }
0x1b: {  	v58 =	vld [tilespmem:$0xEF70];
	v57 =	vmul.f32 $-2.000000000e+00, v2;
	[tilespmem:$0xEF00] =	vst v0  }
0x1c: {  	v59 =	vmul.f32 $-2.000000000e+00, v3;
	[tilespmem:$0xEF10] =	vst v1  }
0x1d: {  	v60 =	vmul.f32 $-2.000000000e+00, v4;
	[tilespmem:$0xEF20] =	vst v57  }
0x1e: {  	v61 =	vmul.f32 $-2.000000000e+00, v5;
	[tilespmem:$0xEF30] =	vst v59  }
0x1f: {  	v62 =	vmul.f32 $-2.000000000e+00, v6;
	[tilespmem:$0xEF40] =	vst v60  }
0x20: {  	v63 =	vmul.f32 $-2.000000000e+00, v58;
	[tilespmem:$0xEF50] =	vst v61  }
0x21: {  	[tilespmem:$0xEF60] =	vst v62  }
0x22: {  	[tilespmem:$0xEF70] =	vst v63  }
0x23: {  	[tilespmem:s4], [sflag:$0x5] =	stream.linear.gather [hbm4b:s8+s4], $0x2710, $0x38;
	[tilespmem:$0xF480] =	vst v63  }
0x24: {  	_ =	swait.ge [sflag:s13], $0x2710  }
0x25: {  	[sflag:s13] =	ssyncset.done $0x0  }
0x26: {  	[sflag:s13] =	ssyncadd.s32 $0xFFFFD8F0  }
0x27: {  	[tilespmem:s14], [sflag:$0x5] =	stream.linear.gather [hbm4b:s9+s4], $0x2710, $0x38;
	[tilespmem:$0xF480] =	vst v63  }
0x28: {  	_ =	swait.ge [sflag:s13], $0x2710  }
0x29: {  	[sflag:s13] =	ssyncset.done $0x0  }
0x2a: {  	[sflag:s13] =	ssyncadd.s32 $0xFFFFD8F0  }
0x2b: {  	[tilespmem:s16], [sflag:$0x1] =	stream.indirect.gather [hbm4b:s1+s15], $0x80, s4, s15, $0xb8;
	[tilespmem:$0xF480] =	vst v63  }
0x2c: {  	s26 =	simm.s32 $0x0  }
0x2d: {  	[tilespmem:s17], [sflag:$0x2] =	stream.indirect.gather [hbm4b:s6+s15], $0x80, s14, s15, $0xb8;
	[tilespmem:$0xF480] =	vst v63  }
.LBB2_2:
0x2e: {  	s29 =	smul.u32 $0xA0, s26;
	_ =	sdelay $0x1  }
0x2f: {  	s28 =	sadd.s32 $0x50, s29  }
0x30: {  	[tilespmem:s18], [sflag:$0x3] =	stream.indirect.gather [hbm4b:s1+s15], $0x80, s28, s15, $0xb8;
	[tilespmem:$0xF480] =	vst v63  }
0x31: {  	s0 =	sadd.s32 $0x27D0, s29  }
0x32: {  	[tilespmem:s19], [sflag:$0x4] =	stream.indirect.gather [hbm4b:s6+s15], $0x80, s0, s15, $0xb8;
	[tilespmem:$0xF480] =	vst v63  }
0x33: {  	_ =	swait.ge [sflag:s20], $0x2800  }
0x34: {  	[sflag:s20] =	ssyncset.done $0x0  }
0x35: {  	[sflag:s20] =	ssyncadd.s32 $0xFFFFD800  }
0x36: {  	_ =	swait.ge [sflag:s21], $0x2800  }
0x37: {  	[sflag:s21] =	ssyncset.done $0x0  }
0x38: {  	[sflag:s21] =	ssyncadd.s32 $0xFFFFD800  }
0x39: {  	v6 =	vld [tilespmem:$0xEF00]  }
0x3a: {  	v7 =	vld [tilespmem:$0xEF10]  }
0x3b: {  	v5 =	vld [tilespmem:$0xEF20]  }
0x3c: {  	s2 =	simm.s32 $0x5000;
	v4 =	vld [tilespmem:$0xEF30]  }
0x3d: {  	v8 =	vld [tilespmem:s2+$0xE0]  }
0x3e: {  	s3 =	simm.s32 $0xA000;
	v9 =	vld [tilespmem:s2+$0x80]  }
0x3f: {  	v10 =	vld [tilespmem:s3+$0x80]  }
0x40: {  	v11 =	vld [tilespmem:s2+$0x90]  }
0x41: {  	v12 =	vld [tilespmem:s3+$0x90]  }
0x42: {  	v13 =	vld [tilespmem:s2+$0xA0]  }
0x43: {  	v14 =	vld [tilespmem:s3+$0xA0]  }
0x44: {  	v15 =	vld [tilespmem:s2+$0xB0]  }
0x45: {  	v9 =	vadd.f32 v10, v9;
	v10 =	vld [tilespmem:s3+$0xB0]  }
0x46: {  	v16 =	vld [tilespmem:s2+$0xC0]  }
0x47: {  	v11 =	vadd.f32 v12, v11;
	v12 =	vld [tilespmem:s3+$0xC0];
	v9 =	vmul.f32 $1.442695020e+00, v9  }
0x48: {  	v17 =	vld [tilespmem:s2+$0xD0];
	v13 =	vadd.f32 v14, v13  }
0x49: {  	v14 =	vld [tilespmem:s3+$0xE0];
	v11 =	vmul.f32 $1.442695020e+00, v11;
	(erf) = vpow2.f32 v9  }
0x4a: {  	v13 =	vmul.f32 $1.442695020e+00, v13;
	v9 =	vld [tilespmem:s3+$0xD0];
	v10 =	vadd.f32 v10, v15  }
0x4b: {  	(erf) = vpow2.f32 v11;
	v11 =	vld [tilespmem:s2+$0xF0]  }
0x4c: {  	v15 =	vld [tilespmem:s3+$0xF0];
	v12 =	vadd.f32 v12, v16;
	(erf) = vpow2.f32 v13;
	v10 =	vmul.f32 $1.442695020e+00, v10  }
0x4d: {  	v16 =	vld [tilespmem:s2+$0xFFFFFF80]  }
0x4e: {  	v12 =	vmul.f32 $1.442695020e+00, v12;
	(erf) = vpow2.f32 v10;
	v10 =	vld [tilespmem:s3+$0xFFFFFF80]  }
0x4f: {  	v3 =	vld [tilespmem:$0xEF40];
	v9 =	vadd.f32 v9, v17  }
0x50: {  	v8 =	vadd.f32 v14, v8;
	v14 =	vld [tilespmem:s2+$0x0];
	(erf) = vpow2.f32 v12  }
0x51: {  	v13 =	vld [tilespmem:s3+$0xFFFFFF00];
	v9 =	vmul.f32 $1.442695020e+00, v9  }
0x52: {  	v8 =	vmul.f32 $1.442695020e+00, v8;
	v17 =	vld [tilespmem:s2+$0xFFFFFF00];
	v11 =	vadd.f32 v15, v11;
	v15 =	vpop (erf)  }
0x53: {  	v12 =	vld [tilespmem:s3+$0x0];
	(erf) = vpow2.f32 v9;
	v15 =	vadd.f32 $1.000000000e+00, v15;
	v10 =	vadd.f32 v10, v16  }
0x54: {  	v11 =	vmul.f32 $1.442695020e+00, v11;
	v9 =	vld [tilespmem:s2+$0xFFFFFF10];
	v18 =	vpop (erf);
	(erf) = vpow2.f32 v8  }
0x55: {  	v8 =	vld [tilespmem:s3+$0xFFFFFF10];
	v18 =	vadd.f32 $1.000000000e+00, v18;
	v16 =	vpop (erf);
	(erf) = vrcp.f32 v15;
	v10 =	vmul.f32 $1.442695020e+00, v10  }
0x56: {  	v19 =	vld [tilespmem:s3+$0x10];
	v16 =	vadd.f32 $1.000000000e+00, v16;
	(erf) = vpow2.f32 v11  }
0x57: {  	v13 =	vadd.f32 v13, v17;
	v15 =	vld [tilespmem:s2+$0xFFFFFF90];
	(erf) = vrcp.f32 v18  }
0x58: {  	v12 =	vadd.f32 v12, v14;
	v11 =	vld [tilespmem:s3+$0xFFFFFF90];
	v17 =	vpop (erf);
	(erf) = vrcp.f32 v16  }
0x59: {  	v14 =	vld [tilespmem:s3+$0xFFFFFF20];
	v13 =	vmul.f32 $1.442695020e+00, v13;
	v17 =	vadd.f32 $1.000000000e+00, v17;
	(erf) = vpow2.f32 v10;
	v10 =	vpop (erf)  }
0x5a: {  	v18 =	vld [tilespmem:s2+$0x10];
	v8 =	vadd.f32 v8, v9;
	v9 =	vadd.f32 $1.000000000e+00, v10  }
0x5b: {  	v16 =	vld [tilespmem:s2+$0xFFFFFF20]  }
0x5c: {  	(erf) = vrcp.f32 v17;
	v10 =	vld [tilespmem:s2+$0xFFFFFFA0]  }
0x5d: {  	v12 =	vmul.f32 $1.442695020e+00, v12;
	v11 =	vadd.f32 v11, v15;
	(erf) = vpow2.f32 v13;
	v13 =	vpop (erf);
	v15 =	vld [tilespmem:s3+$0xFFFFFFA0]  }
0x5e: {  	v20 =	vld [tilespmem:s3+$0x20];
	(erf) = vrcp.f32 v9;
	v13 =	vadd.f32 $1.000000000e+00, v13;
	v9 =	vpop (erf)  }
0x5f: {  	v17 =	vld [tilespmem:s2+$0x20];
	v18 =	vadd.f32 v19, v18;
	v19 =	vpop (erf);
	(erf) = vpow2.f32 v12  }
0x60: {  	v2 =	vld [tilespmem:$0xEF50];
	(erf) = vrcp.f32 v13;
	v13 =	vadd.f32 v14, v16  }
0x61: {  	v22 =	vld [tilespmem:s2+$0xFFFFFFB0];
	v8 =	vmul.f32 $1.442695020e+00, v8;
	v12 =	vmul.f32 v19, v6;
	v19 =	vpop (erf)  }
0x62: {  	v9 =	vadd.f32 $1.000000000e+00, v9;
	v14 =	vmul.f32 $1.442695020e+00, v18;
	v10 =	vadd.f32 v15, v10;
	v15 =	vld [tilespmem:s3+$0xFFFFFFB0];
	v16 =	vpop (erf)  }
0x63: {  	v21 =	vld [tilespmem:s2+$0xFFFFFF30];
	v19 =	vadd.f32 $1.000000000e+00, v19;
	v12 =	vadd.f32 $0.0e+00, v12;
	v16 =	vmul.f32 v16, v7  }
0x64: {  	v17 =	vadd.f32 v20, v17;
	v20 =	vld [tilespmem:s3+$0x30];
	(erf) = vrcp.f32 v9;
	v9 =	vmul.f32 $1.442695020e+00, v13;
	v13 =	vpop (erf)  }
0x65: {  	v18 =	vld [tilespmem:s3+$0xFFFFFF30];
	(erf) = vpow2.f32 v8;
	v8 =	vadd.f32 v16, v12;
	v12 =	vmul.f32 v13, v5  }
0x66: {  	v11 =	vmul.f32 $1.442695020e+00, v11;
	v16 =	vld [tilespmem:s2+$0x30];
	v13 =	vpop (erf)  }
0x67: {  	v1 =	vld [tilespmem:$0xEF60];
	v10 =	vmul.f32 $1.442695020e+00, v10;
	(erf) = vrcp.f32 v19;
	v15 =	vadd.f32 v15, v22;
	v19 =	vpop (erf)  }
0x68: {  	v0 =	vld [tilespmem:$0xEF70];
	(erf) = vpow2.f32 v11;
	v8 =	vadd.f32 v12, v8;
	v11 =	vmul.f32 v19, v4  }
0x69: {  	v17 =	vmul.f32 $1.442695020e+00, v17;
	v19 =	vld [tilespmem:s2+$0xFFFFFF40];
	v15 =	vmul.f32 $1.442695020e+00, v15;
	v12 =	vpop (erf)  }
0x6a: {  	(erf) = vpow2.f32 v14;
	v14 =	vadd.f32 v18, v21;
	v21 =	vld [tilespmem:s3+$0xFFFFFF40];
	v8 =	vadd.f32 v11, v8;
	v18 =	vpop (erf)  }
0x6b: {  	v11 =	vld [tilespmem:s2+$0xFFFFFFC0];
	v16 =	vadd.f32 v20, v16;
	(erf) = vpow2.f32 v9;
	v9 =	vmul.f32 v18, v3  }
0x6c: {  	(erf) = vpow2.f32 v10;
	v10 =	vpop (erf);
	v14 =	vmul.f32 $1.442695020e+00, v14;
	v18 =	vld [tilespmem:s3+$0xFFFFFFC0]  }
0x6d: {  	v20 =	vld [tilespmem:s2+$0x40];
	v16 =	vmul.f32 $1.442695020e+00, v16;
	(erf) = vpow2.f32 v17;
	v17 =	vpop (erf)  }
0x6e: {  	v8 =	vadd.f32 v9, v8;
	v9 =	vmul.f32 v17, v2;
	v17 =	vld [tilespmem:s3+$0x40];
	(erf) = vpow2.f32 v14  }
0x6f: {  	v12 =	vadd.f32 $1.000000000e+00, v12;
	v14 =	vadd.f32 v21, v19;
	v19 =	vld [tilespmem:s2+$0xFFFFFF50];
	v21 =	vpop (erf);
	(erf) = vpow2.f32 v15  }
0x70: {  	v8 =	vadd.f32 v9, v8;
	v9 =	vld [tilespmem:s3+$0xFFFFFF50];
	(erf) = vpow2.f32 v16;
	v16 =	vmul.f32 v21, v1  }
0x71: {  	v23 =	vld [tilespmem:s3+$0xFFFFFFD0];
	v13 =	vadd.f32 $1.000000000e+00, v13;
	v14 =	vmul.f32 $1.442695020e+00, v14;
	v11 =	vadd.f32 v18, v11  }
0x72: {  	v22 =	vadd.f32 $1.000000000e+00, v10;
	v15 =	vpop (erf);
	v18 =	vld [tilespmem:s2+$0xFFFFFFD0];
	(erf) = vrcp.f32 v12;
	v8 =	vadd.f32 v16, v8  }
0x73: {  	v21 =	vpop (erf);
	v10 =	vmul.f32 $1.442695020e+00, v11;
	v11 =	vadd.f32 v17, v20;
	v17 =	vld [tilespmem:s2+$0x50];
	(erf) = vpow2.f32 v14  }
0x74: {  	v12 =	vpop (erf);
	v14 =	vmul.f32 v21, v0;
	v20 =	vld [tilespmem:s3+$0x50];
	(erf) = vrcp.f32 v13  }
0x75: {  	v16 =	vpop (erf);
	v9 =	vadd.f32 v9, v19;
	v19 =	vld [tilespmem:s2+$0xFFFFFF60];
	v11 =	vmul.f32 $1.442695020e+00, v11;
	(erf) = vpow2.f32 v10  }
0x76: {  	v15 =	vadd.f32 $1.000000000e+00, v15;
	v13 =	vpop (erf);
	v10 =	vadd.f32 v14, v8;
	v14 =	vld [tilespmem:s3+$0xFFFFFF60];
	(erf) = vrcp.f32 v22  }
0x77: {  	v8 =	vpop (erf);
	v22 =	vld [tilespmem:s2+$0xFFFFFFE0];
	(erf) = vpow2.f32 v11;
	v11 =	vadd.f32 $1.000000000e+00, v12  }
0x78: {  	v18 =	vadd.f32 v23, v18;
	v23 =	vld [tilespmem:s3+$0xFFFFFFE0];
	v21 =	vpop (erf);
	v9 =	vmul.f32 $1.442695020e+00, v9  }
0x79: {  	v12 =	vadd.f32 $1.000000000e+00, v16;
	v16 =	vpop (erf);
	(erf) = vrcp.f32 v15;
	v17 =	vadd.f32 v20, v17;
	v20 =	vld [tilespmem:s2+$0x60]  }
0x7a: {  	v18 =	vmul.f32 $1.442695020e+00, v18;
	v15 =	vpop (erf);
	(erf) = vpow2.f32 v9;
	v9 =	vadd.f32 $1.000000000e+00, v13;
	v13 =	vld [tilespmem:s3+$0x60]  }
0x7b: {  	(erf) = vrcp.f32 v11;
	v14 =	vadd.f32 v14, v19;
	v19 =	vld [tilespmem:s2+$0xFFFFFF70];
	v11 =	vpop (erf)  }
0x7c: {  	v17 =	vmul.f32 $1.442695020e+00, v17;
	v24 =	vpop (erf);
	(erf) = vpow2.f32 v18;
	v18 =	vadd.f32 $1.000000000e+00, v21;
	v21 =	vld [tilespmem:s3+$0xFFFFFF70]  }
0x7d: {  	v37 =	vld [tilespmem:s3+$0xFFFFFFF0];
	v8 =	vadd.f32 $1.000000000e+00, v8;
	(erf) = vrcp.f32 v12;
	v12 =	vmul.f32 $1.442695020e+00, v14  }
0x7e: {  	v26 =	vld [tilespmem:s3+$0x70];
	v16 =	vadd.f32 $1.000000000e+00, v16;
	v25 =	vpop (erf);
	v14 =	vadd.f32 v23, v22;
	(erf) = vpow2.f32 v17  }
0x7f: {  	v23 =	vpop (erf);
	v17 =	vmul.f32 v24, v6;
	v13 =	vadd.f32 v13, v20;
	v20 =	vld [tilespmem:s2+$0x70];
	(erf) = vrcp.f32 v9  }
0x80: {  	v15 =	vadd.f32 $1.000000000e+00, v15;
	v22 =	vld [tilespmem:s2+$0xFFFFFFF0];
	v9 =	vpop (erf);
	v14 =	vmul.f32 $1.442695020e+00, v14;
	(erf) = vpow2.f32 v12  }
0x81: {  	v23 =	vmul.f32 v23, v6;
	v12 =	vpop (erf);
	(erf) = vrcp.f32 v8;
	v19 =	vadd.f32 v21, v19  }
0x82: {  	v11 =	vadd.f32 $1.000000000e+00, v11;
	v13 =	vmul.f32 $1.442695020e+00, v13;
	v8 =	vpop (erf);
	(erf) = vpow2.f32 v14  }
0x83: {  	v9 =	vadd.f32 $1.000000000e+00, v9;
	v21 =	vpop (erf);
	(erf) = vrcp.f32 v18;
	v18 =	vmul.f32 $1.442695020e+00, v19  }
0x84: {  	v23 =	vadd.f32 $0.0e+00, v23;
	v20 =	vadd.f32 v26, v20;
	v38 =	vpop (erf)  }
0x85: {  	(erf) = vpow2.f32 v13;
	v13 =	vadd.f32 $0.0e+00, v17;
	v17 =	vadd.f32 v37, v22;
	v19 =	vpop (erf)  }
0x86: {  	v14 =	vadd.f32 $1.000000000e+00, v25;
	v12 =	vmul.f32 v12, v6;
	(erf) = vrcp.f32 v16;
	v16 =	vpop (erf)  }
0x87: {  	v8 =	vadd.f32 $1.000000000e+00, v8;
	(erf) = vpow2.f32 v18;
	v17 =	vmul.f32 $1.442695020e+00, v17;
	v18 =	vpop (erf)  }
0x88: {  	v12 =	vadd.f32 $0.0e+00, v12;
	v39 =	vpop (erf);
	(erf) = vrcp.f32 v15;
	v15 =	vmul.f32 $1.442695020e+00, v20  }
0x89: {  	s30 =	simm.s32 $0xA200;
	v22 =	vadd.f32 $1.000000000e+00, v38;
	v18 =	vmul.f32 v18, v7;
	v20 =	vpop (erf);
	(erf) = vpow2.f32 v17  }
0x8a: {  	v43 =	vld [tilespmem:s30+$0xE0];
	v16 =	vadd.f32 $1.000000000e+00, v16;
	v17 =	vmul.f32 v21, v7;
	v21 =	vpop (erf);
	(erf) = vrcp.f32 v11  }
0x8b: {  	v51 =	vld [tilespmem:s30+$0xFFFFFF10];
	s3 =	simm.s32 $0x5200;
	v24 =	vadd.f32 $1.000000000e+00, v39;
	v11 =	vmul.f32 v19, v7;
	v19 =	vpop (erf);
	(erf) = vpow2.f32 v15  }
0x8c: {  	v41 =	vld [tilespmem:s3+$0x90];
	v12 =	vadd.f32 v18, v12;
	v13 =	vadd.f32 v17, v13;
	v15 =	vpop (erf);
	(erf) = vrcp.f32 v14  }
0x8d: {  	v17 =	vld [tilespmem:s3+$0x80];
	v11 =	vadd.f32 v11, v23;
	v14 =	vpop (erf);
	(erf) = vrcp.f32 v9;
	v9 =	vmul.f32 v20, v5  }
0x8e: {  	v21 =	vadd.f32 $1.000000000e+00, v21;
	v23 =	vld [tilespmem:s30+$0x80];
	v20 =	vpop (erf);
	(erf) = vrcp.f32 v8;
	v14 =	vmul.f32 v14, v5  }
0x8f: {  	v42 =	vld [tilespmem:s3+$0xB0];
	v15 =	vadd.f32 $1.000000000e+00, v15;
	v8 =	vmul.f32 v19, v5;
	v18 =	vpop (erf);
	(erf) = vrcp.f32 v22  }
0x90: {  	v20 =	vadd.f32 $1.000000000e+00, v20;
	v9 =	vadd.f32 v9, v13;
	v22 =	vld [tilespmem:s3+$0xA0];
	v13 =	vpop (erf);
	(erf) = vrcp.f32 v16  }
0x91: {  	v16 =	vld [tilespmem:s30+$0xA0];
	v8 =	vadd.f32 v8, v11;
	v18 =	vmul.f32 v18, v4;
	v11 =	vpop (erf);
	(erf) = vrcp.f32 v24  }
0x92: {  	v19 =	vld [tilespmem:s30+$0x90];
	v12 =	vadd.f32 v14, v12;
	v13 =	vadd.f32 $1.000000000e+00, v13;
	(erf) = vrcp.f32 v21;
	v14 =	vpop (erf)  }
0x93: {  	v17 =	vadd.f32 v23, v17;
	v23 =	vld [tilespmem:s30+$0xC0];
	v11 =	vmul.f32 v11, v4;
	(erf) = vrcp.f32 v15;
	v15 =	vpop (erf)  }
0x94: {  	v21 =	vld [tilespmem:s30+$0xB0];
	v14 =	vadd.f32 $1.000000000e+00, v14;
	v15 =	vmul.f32 v15, v4;
	(erf) = vrcp.f32 v20;
	v20 =	vpop (erf)  }
0x95: {  	v9 =	vadd.f32 v18, v9;
	v18 =	vld [tilespmem:s3+$0xC0];
	v8 =	vadd.f32 v11, v8;
	v27 =	vpop (erf);
	(erf) = vrcp.f32 v13  }
0x96: {  	v53 =	vld [tilespmem:s30+$0xFFFFFF20];
	v20 =	vadd.f32 $1.000000000e+00, v20;
	v16 =	vadd.f32 v16, v22;
	v13 =	vpop (erf);
	(erf) = vrcp.f32 v14  }
0x97: {  	v40 =	vld [tilespmem:s3+$0xE0];
	v14 =	vmul.f32 $1.442695020e+00, v17;
	v17 =	vadd.f32 v19, v41;
	v13 =	vmul.f32 v13, v3  }
0x98: {  	v11 =	vld [tilespmem:s3+$0xD0];
	v12 =	vadd.f32 v15, v12;
	v15 =	vpop (erf);
	(erf) = vrcp.f32 v20;
	v20 =	vmul.f32 v27, v3  }
0x99: {  	v19 =	vld [tilespmem:s30+$0xD0];
	v21 =	vadd.f32 v21, v42;
	v17 =	vmul.f32 $1.442695020e+00, v17;
	v44 =	vpop (erf);
	(erf) = vpow2.f32 v14  }
0x9a: {  	v16 =	vmul.f32 $1.442695020e+00, v16;
	v18 =	vadd.f32 v23, v18;
	v14 =	vld [tilespmem:s3+$0xF0];
	v15 =	vmul.f32 v15, v3;
	v22 =	vpop (erf)  }
0x9b: {  	v21 =	vmul.f32 $1.442695020e+00, v21;
	v9 =	vadd.f32 v20, v9;
	v20 =	vld [tilespmem:s30+$0xF0];
	v28 =	vpop (erf);
	(erf) = vpow2.f32 v17  }
0x9c: {  	v46 =	vld [tilespmem:s3+$0xFFFFFF80];
	v8 =	vadd.f32 v13, v8;
	v45 =	vmul.f32 v44, v2;
	v22 =	vmul.f32 v22, v2;
	v13 =	vpop (erf)  }
0x9d: {  	v49 =	vld [tilespmem:s3+$0xFFFFFF00];
	v12 =	vadd.f32 v15, v12;
	v23 =	vmul.f32 v28, v2;
	v29 =	vpop (erf);
	(erf) = vpow2.f32 v16  }
0x9e: {  	v18 =	vmul.f32 $1.442695020e+00, v18;
	v11 =	vadd.f32 v19, v11;
	v9 =	vadd.f32 v45, v9;
	v16 =	vld [tilespmem:s30+$0xFFFFFF80];
	v15 =	vpop (erf)  }
0x9f: {  	v17 =	vld [tilespmem:s30+$0xFFFFFF00];
	v8 =	vadd.f32 v22, v8;
	v22 =	vadd.f32 v43, v40;
	v13 =	vmul.f32 v13, v1;
	v48 =	vpop (erf)  }
0xa0: {  	v47 =	vld [tilespmem:s3+$0x0];
	v11 =	vmul.f32 $1.442695020e+00, v11;
	(erf) = vpow2.f32 v21;
	v14 =	vadd.f32 v20, v14;
	v21 =	vpop (erf)  }
0xa1: {  	v30 =	vld [tilespmem:s3+$0xFFFFFF90];
	v12 =	vadd.f32 v23, v12;
	v50 =	vmul.f32 v29, v1;
	(erf) = vpow2.f32 v18;
	v23 =	vpop (erf)  }
0xa2: {  	v19 =	vld [tilespmem:s30+$0x0];
	v22 =	vmul.f32 $1.442695020e+00, v22;
	v15 =	vmul.f32 v15, v1;
	v13 =	vadd.f32 v13, v9;
	v20 =	vpop (erf)  }
0xa3: {  	v18 =	vld [tilespmem:s3+$0xFFFFFF10];
	(erf) = vpow2.f32 v11;
	v16 =	vadd.f32 v16, v46;
	v20 =	vadd.f32 $1.000000000e+00, v20  }
0xa4: {  	v9 =	vld [tilespmem:s30+$0xFFFFFF90];
	v17 =	vadd.f32 v17, v49;
	v11 =	vmul.f32 $1.442695020e+00, v14;
	(erf) = vpow2.f32 v22;
	v14 =	vpop (erf)  }
0xa5: {  	v55 =	vld [tilespmem:s30+$0xFFFFFFA0];
	v16 =	vmul.f32 $1.442695020e+00, v16;
	v14 =	vadd.f32 $1.000000000e+00, v14;
	(erf) = vrcp.f32 v20  }
0xa6: {  	v58 =	vld [tilespmem:s30+$0xFFFFFF30];
	v22 =	vpop (erf);
	(erf) = vpow2.f32 v11;
	v11 =	vadd.f32 v50, v8;
	v8 =	vadd.f32 v15, v12  }
0xa7: {  	v20 =	vld [tilespmem:s3+$0x10];
	v12 =	vadd.f32 v19, v47;
	v19 =	vadd.f32 $1.000000000e+00, v22  }
0xa8: {  	v17 =	vmul.f32 $1.442695020e+00, v17;
	v15 =	vld [tilespmem:s30+$0x10];
	(erf) = vrcp.f32 v14  }
0xa9: {  	v18 =	vadd.f32 v51, v18;
	v56 =	vadd.f32 v9, v30;
	v22 =	vld [tilespmem:s3+$0xFFFFFF20];
	v52 =	vpop (erf);
	(erf) = vrcp.f32 v19  }
0xaa: {  	v54 =	vmul.f32 $1.442695020e+00, v12;
	v12 =	vadd.f32 $1.000000000e+00, v52;
	v19 =	vld [tilespmem:s3+$0xFFFFFFA0];
	(erf) = vpow2.f32 v16;
	v16 =	vpop (erf)  }
0xab: {  	v63 =	vld [tilespmem:s30+$0xFFFFFFB0];
	v18 =	vmul.f32 $1.442695020e+00, v18;
	v27 =	vmul.f32 $1.442695020e+00, v56;
	v16 =	vadd.f32 $1.000000000e+00, v16  }
0xac: {  	(erf) = vrcp.f32 v12;
	v12 =	vmul.f32 v21, v0;
	v21 =	vld [tilespmem:s3+$0x20];
	v9 =	vpop (erf)  }
0xad: {  	v15 =	vadd.f32 v15, v20;
	(erf) = vpow2.f32 v17;
	v17 =	vld [tilespmem:s30+$0x20];
	v57 =	vadd.f32 $1.000000000e+00, v9  }
0xae: {  	v32 =	vld [tilespmem:s30+$0x30];
	v9 =	vmul.f32 v23, v0;
	v22 =	vadd.f32 v53, v22;
	(erf) = vrcp.f32 v16  }
0xaf: {  	v35 =	vld [tilespmem:s30+$0xFFFFFF40];
	v15 =	vmul.f32 $1.442695020e+00, v15;
	(erf) = vpow2.f32 v54;
	v19 =	vadd.f32 v55, v19;
	v16 =	vpop (erf)  }
0xb0: {  	v60 =	vld [tilespmem:s3+$0xFFFFFFB0];
	v22 =	vmul.f32 $1.442695020e+00, v22;
	(erf) = vrcp.f32 v57;
	v20 =	vpop (erf);
	v16 =	vadd.f32 $1.000000000e+00, v16  }
0xb1: {  	v23 =	vld [tilespmem:s3+$0xFFFFFF30];
	v19 =	vmul.f32 $1.442695020e+00, v19;
	v20 =	vmul.f32 v20, v6;
	v59 =	vpop (erf)  }
0xb2: {  	v17 =	vadd.f32 v17, v21;
	v61 =	vadd.f32 $1.000000000e+00, v59;
	v62 =	vpop (erf);
	(erf) = vrcp.f32 v16;
	v16 =	vld [tilespmem:s3+$0x30]  }
0xb3: {  	v42 =	vld [tilespmem:s30+$0xFFFFFFD0];
	v20 =	vadd.f32 $0.0e+00, v20;
	v28 =	vmul.f32 v62, v7;
	(erf) = vpow2.f32 v18;
	v18 =	vpop (erf)  }
0xb4: {  	v40 =	vld [tilespmem:s3+$0xFFFFFFD0];
	v17 =	vmul.f32 $1.442695020e+00, v17;
	v33 =	vpop (erf);
	(erf) = vrcp.f32 v61  }
0xb5: {  	v36 =	vld [tilespmem:s30+$0xFFFFFFC0];
	v18 =	vmul.f32 v18, v5;
	v20 =	vadd.f32 v28, v20;
	(erf) = vpow2.f32 v27;
	v21 =	vpop (erf)  }
0xb6: {  	v34 =	vld [tilespmem:s3+$0xFFFFFF40];
	v21 =	vmul.f32 v21, v4;
	(erf) = vpow2.f32 v15;
	v15 =	vadd.f32 v58, v23  }
0xb7: {  	v23 =	vld [tilespmem:s3+$0xFFFFFFC0];
	(erf) = vpow2.f32 v22;
	v22 =	vadd.f32 v63, v60;
	v16 =	vadd.f32 v32, v16  }
0xb8: {  	v18 =	vadd.f32 v18, v20;
	(erf) = vpow2.f32 v19;
	v15 =	vmul.f32 $1.442695020e+00, v15;
	v19 =	vld [tilespmem:s3+$0x40]  }
0xb9: {  	v26 =	vadd.f32 v42, v40;
	v20 =	vpop (erf);
	(erf) = vpow2.f32 v17;
	v17 =	vmul.f32 $1.442695020e+00, v22;
	v22 =	vld [tilespmem:s30+$0x40]  }
0xba: {  	v16 =	vmul.f32 $1.442695020e+00, v16;
	v18 =	vadd.f32 v21, v18;
	v37 =	vpop (erf);
	(erf) = vpow2.f32 v15  }
0xbb: {  	v38 =	vld [tilespmem:s3+$0xFFFFFF50];
	v15 =	vadd.f32 v35, v34;
	v20 =	vadd.f32 $1.000000000e+00, v20;
	(erf) = vpow2.f32 v17  }
0xbc: {  	v21 =	vpop (erf);
	v17 =	vld [tilespmem:s30+$0xFFFFFF50];
	v23 =	vadd.f32 v36, v23;
	(erf) = vpow2.f32 v16;
	v16 =	vmul.f32 v37, v3  }
0xbd: {  	v26 =	vmul.f32 $1.442695020e+00, v26;
	v28 =	vadd.f32 $1.000000000e+00, v33;
	v39 =	vpop (erf);
	v15 =	vmul.f32 $1.442695020e+00, v15  }
0xbe: {  	v41 =	vpop (erf);
	(erf) = vrcp.f32 v20;
	v23 =	vmul.f32 $1.442695020e+00, v23;
	v19 =	vadd.f32 v22, v19;
	v22 =	vld [tilespmem:s3+$0x50]  }
0xbf: {  	v20 =	vpop (erf);
	(erf) = vpow2.f32 v15;
	v15 =	vadd.f32 v16, v18;
	v18 =	vadd.f32 $1.000000000e+00, v21;
	v21 =	vld [tilespmem:s30+$0x50]  }
0xc0: {  	(erf) = vrcp.f32 v28;
	v20 =	vadd.f32 $1.000000000e+00, v20;
	v16 =	vpop (erf);
	v19 =	vmul.f32 $1.442695020e+00, v19  }
0xc1: {  	v44 =	vld [tilespmem:s3+$0xFFFFFF60];
	v17 =	vadd.f32 v17, v38;
	(erf) = vpow2.f32 v23;
	v23 =	vmul.f32 v39, v2;
	v43 =	vpop (erf)  }
0xc2: {  	v46 =	vld [tilespmem:s30+$0xFFFFFF60];
	v14 =	vmul.f32 v48, v0;
	(erf) = vrcp.f32 v18;
	v45 =	vpop (erf)  }
0xc3: {  	v47 =	vld [tilespmem:s3+$0xFFFFFFE0];
	v17 =	vmul.f32 $1.442695020e+00, v17;
	(erf) = vpow2.f32 v19;
	v15 =	vadd.f32 v23, v15;
	v18 =	vpop (erf)  }
0xc4: {  	v48 =	vld [tilespmem:s30+$0xFFFFFFE0];
	v23 =	vadd.f32 $1.000000000e+00, v43;
	v21 =	vadd.f32 v21, v22;
	v19 =	vpop (erf);
	(erf) = vrcp.f32 v20  }
0xc5: {  	v22 =	vld [tilespmem:s3+$0x60];
	v20 =	vpop (erf);
	(erf) = vpow2.f32 v17;
	v17 =	vmul.f32 v41, v1  }
0xc6: {  	v49 =	vadd.f32 $1.000000000e+00, v45;
	v21 =	vmul.f32 $1.442695020e+00, v21;
	v50 =	vpop (erf);
	(erf) = vrcp.f32 v23;
	v23 =	vld [tilespmem:s30+$0x60]  }
0xc7: {  	(erf) = vpow2.f32 v26;
	v51 =	vpop (erf);
	v15 =	vadd.f32 v17, v15;
	v17 =	vadd.f32 $1.000000000e+00, v18  }
0xc8: {  	v25 =	vadd.f32 v46, v44;
	v52 =	vld [tilespmem:s3+$0xFFFFFF70];
	v16 =	vmul.f32 v16, v0;
	v18 =	vpop (erf);
	(erf) = vrcp.f32 v49  }
0xc9: {  	v31 =	vadd.f32 v14, v13;
	v19 =	vadd.f32 $1.000000000e+00, v19;
	v53 =	vpop (erf);
	(erf) = vpow2.f32 v21;
	v21 =	vld [tilespmem:s30+$0xFFFFFF70]  }
0xca: {  	v25 =	vmul.f32 $1.442695020e+00, v25;
	v28 =	vadd.f32 v48, v47;
	v55 =	vadd.f32 v16, v15;
	v16 =	vld [tilespmem:s30+$0xFFFFFFF0]  }
0xcb: {  	v15 =	vadd.f32 $1.000000000e+00, v20;
	(erf) = vrcp.f32 v17;
	v17 =	vpop (erf);
	v22 =	vadd.f32 v23, v22;
	v23 =	vld [tilespmem:s3+$0xFFFFFFF0]  }
0xcc: {  	v56 =	vld [tilespmem:s30+$0x70];
	v28 =	vmul.f32 $1.442695020e+00, v28;
	v26 =	vadd.f32 $1.000000000e+00, v51;
	(erf) = vpow2.f32 v25;
	v54 =	vpop (erf)  }
0xcd: {  	v20 =	vld [tilespmem:s3+$0x70];
	v57 =	vmul.f32 v53, v6;
	(erf) = vrcp.f32 v19;
	v59 =	vadd.f32 $1.000000000e+00, v17;
	v19 =	vpop (erf)  }
0xce: {  	(erf) = vpow2.f32 v28;
	v13 =	vmul.f32 $1.442695020e+00, v22;
	v22 =	vadd.f32 $1.000000000e+00, v50;
	v14 =	vpop (erf)  }
0xcf: {  	v17 =	vmul.f32 v54, v6;
	v21 =	vadd.f32 v21, v52;
	(erf) = vrcp.f32 v15;
	v15 =	vpop (erf)  }
0xd0: {  	v60 =	vadd.f32 $1.000000000e+00, v19;
	(erf) = vpow2.f32 v13;
	v58 =	vpop (erf);
	v16 =	vadd.f32 v16, v23  }
0xd1: {  	(erf) = vrcp.f32 v22;
	v13 =	vadd.f32 $1.000000000e+00, v15;
	v15 =	vmul.f32 $1.442695020e+00, v21;
	v19 =	vpop (erf)  }
0xd2: {  	v21 =	vmul.f32 v14, v6;
	v22 =	vpop (erf);
	v14 =	vadd.f32 $1.000000000e+00, v19;
	v19 =	vadd.f32 v56, v20  }
0xd3: {  	v18 =	vadd.f32 $1.000000000e+00, v18;
	v61 =	vadd.f32 $0.0e+00, v17;
	v63 =	vmul.f32 v58, v7;
	v20 =	vpop (erf)  }
0xd4: {  	v23 =	vadd.f32 $0.0e+00, v57;
	v62 =	vmul.f32 $1.442695020e+00, v16;
	(erf) = vpow2.f32 v15;
	v32 =	vpop (erf)  }
0xd5: {  	v17 =	vadd.f32 $0.0e+00, v21;
	(erf) = vrcp.f32 v26;
	v21 =	vmul.f32 $1.442695020e+00, v19;
	v16 =	vpop (erf)  }
0xd6: {  	s2 =	simm.s32 $0xEFA0;
	v12 =	vadd.f32 v12, v11;
	(erf) = vpow2.f32 v62;
	v19 =	vpop (erf)  }
0xd7: {  	[tilespmem:s2+$0x10] =	vst v10;
	v11 =	vadd.f32 v63, v23;
	v15 =	vadd.f32 $1.000000000e+00, v20;
	(erf) = vrcp.f32 v18;
	v10 =	vpop (erf)  }
0xd8: {  	[tilespmem:s2+$0xFFFFFFE0] =	vst v31;
	v16 =	vadd.f32 $1.000000000e+00, v16;
	v18 =	vmul.f32 v22, v7;
	(erf) = vpow2.f32 v21;
	v20 =	vpop (erf)  }
0xd9: {  	s31 =	simm.s32 $0xEFE0;
	[tilespmem:s2+$0xFFFFFFF0] =	vst v12;
	v22 =	vmul.f32 v32, v7;
	v10 =	vadd.f32 $1.000000000e+00, v10;
	(erf) = vrcp.f32 v59;
	v21 =	vpop (erf)  }
0xda: {  	s0 =	simm.s32 $0x4;
	[tilespmem:s31+$0x10] =	vst v55;
	s3 =	simm.s32 $0x5400;
	v12 =	vadd.f32 v18, v61;
	(erf) = vrcp.f32 v60;
	v18 =	vadd.f32 $1.000000000e+00, v21;
	v21 =	vpop (erf)  }
.LBB2_3:
0xdb: {  	v23 =	vld [tilespmem:s3+$0xE0];
	v19 =	vmul.f32 v19, v5;
	v17 =	vadd.f32 v22, v17;
	(erf) = vrcp.f32 v13;
	v13 =	vpop (erf)  }
0xdc: {  	v25 =	vmul.f32 v20, v5;
	s30 =	sadd.s32 $0x200, s30;
	v22 =	vld [tilespmem:s3+$0x80];
	v13 =	vadd.f32 $1.000000000e+00, v13;
	v24 =	vpop (erf);
	(erf) = vrcp.f32 v14  }
0xdd: {  	s0 =	sadd.s32 $0x4, s0;
	v14 =	vld [tilespmem:s30+$0x80];
	v11 =	vadd.f32 v19, v11;
	v19 =	vmul.f32 v21, v5;
	v21 =	vpop (erf);
	(erf) = vrcp.f32 v15  }
0xde: {  	p0 =	slt.u32 s0, $0x4C;
	v12 =	vadd.f32 v25, v12;
	v15 =	vld [tilespmem:s3+$0x90];
	v21 =	vadd.f32 $1.000000000e+00, v21;
	v20 =	vpop (erf);
	(erf) = vrcp.f32 v16  }
0xdf: {  	v26 =	vmul.f32 v24, v4;
	v16 =	vld [tilespmem:s30+$0x90];
	v17 =	vadd.f32 v19, v17;
	(erf) = vrcp.f32 v10;
	v10 =	vpop (erf)  }
0xe0: {  	v20 =	vmul.f32 v20, v4;
	v19 =	vld [tilespmem:s3+$0xA0];
	v10 =	vadd.f32 $1.000000000e+00, v10;
	(erf) = vrcp.f32 v18;
	v18 =	vpop (erf)  }
0xe1: {  	v11 =	vadd.f32 v26, v11;
	v25 =	vld [tilespmem:s30+$0xA0];
	v26 =	vmul.f32 v18, v4;
	(erf) = vrcp.f32 v13;
	v13 =	vpop (erf)  }
0xe2: {  	v14 =	vadd.f32 v14, v22;
	v22 =	vld [tilespmem:s3+$0xB0];
	v13 =	vadd.f32 $1.000000000e+00, v13;
	v24 =	vpop (erf);
	(erf) = vrcp.f32 v21  }
0xe3: {  	v12 =	vadd.f32 v20, v12;
	v21 =	vld [tilespmem:s30+$0xB0];
	v17 =	vadd.f32 v26, v17;
	v18 =	vpop (erf);
	(erf) = vrcp.f32 v10  }
0xe4: {  	v26 =	vmul.f32 $1.442695020e+00, v14;
	v14 =	vadd.f32 v16, v15;
	v15 =	vld [tilespmem:s3+$0xC0];
	v16 =	vpop (erf);
	(erf) = vrcp.f32 v13  }
0xe5: {  	v8 =	vadd.f32 v9, v8;
	v20 =	vmul.f32 v24, v3;
	v27 =	vmul.f32 v18, v3;
	v13 =	vld [tilespmem:s30+$0xC0];
	v24 =	vpop (erf)  }
0xe6: {  	v28 =	vmul.f32 $1.442695020e+00, v14;
	v14 =	vadd.f32 v25, v19;
	v19 =	vld [tilespmem:s3+$0xD0];
	(erf) = vpow2.f32 v26;
	v10 =	vpop (erf)  }
0xe7: {  	v11 =	vadd.f32 v20, v11;
	v16 =	vmul.f32 v16, v3;
	v12 =	vadd.f32 v27, v12;
	v25 =	vld [tilespmem:s30+$0xD0];
	v18 =	vpop (erf);
	[tilespmem:s2+$0x0] =	vst v8;
	s2 =	smov.u32 s31  }
0xe8: {  	v26 =	vmul.f32 $1.442695020e+00, v14;
	v14 =	vadd.f32 v21, v22;
	v20 =	vld [tilespmem:s30+$0xE0];
	(erf) = vpow2.f32 v28;
	v9 =	vpop (erf)  }
0xe9: {  	v10 =	vmul.f32 v10, v2;
	v16 =	vadd.f32 v16, v17;
	v22 =	vmul.f32 v24, v2;
	v21 =	vld [tilespmem:s3+$0xF0];
	v17 =	vpop (erf)  }
0xea: {  	v27 =	vmul.f32 $1.442695020e+00, v14;
	v13 =	vadd.f32 v13, v15;
	v15 =	vld [tilespmem:s30+$0xF0];
	(erf) = vpow2.f32 v26;
	v8 =	vpop (erf)  }
0xeb: {  	v10 =	vadd.f32 v10, v12;
	v12 =	vmul.f32 v18, v2;
	v11 =	vadd.f32 v22, v11;
	v24 =	vld [tilespmem:s30+$0xFFFFFF00];
	v18 =	vpop (erf)  }
0xec: {  	v22 =	vld [tilespmem:s3+$0xFFFFFF80];
	v13 =	vmul.f32 $1.442695020e+00, v13;
	v19 =	vadd.f32 v25, v19;
	(erf) = vpow2.f32 v27;
	v14 =	vpop (erf)  }
0xed: {  	v9 =	vmul.f32 v9, v1;
	v16 =	vadd.f32 v12, v16;
	v25 =	vld [tilespmem:s30+$0xFFFFFF80];
	v27 =	vadd.f32 v20, v23;
	v23 =	vpop (erf)  }
0xee: {  	v26 =	vld [tilespmem:s3+$0x0];
	v12 =	vmul.f32 $1.442695020e+00, v19;
	(erf) = vpow2.f32 v13  }
0xef: {  	v17 =	vmul.f32 v17, v1;
	v13 =	vld [tilespmem:s30+$0x0];
	v19 =	vmul.f32 $1.442695020e+00, v27;
	v15 =	vadd.f32 v15, v21;
	v20 =	vpop (erf)  }
0xf0: {  	v8 =	vmul.f32 v8, v1;
	v21 =	vld [tilespmem:s3+$0xFFFFFF00];
	v20 =	vadd.f32 $1.000000000e+00, v20;
	(erf) = vpow2.f32 v12  }
0xf1: {  	v12 =	vadd.f32 v9, v11;
	v27 =	vld [tilespmem:s3+$0xFFFFFF10];
	v15 =	vmul.f32 $1.442695020e+00, v15;
	v28 =	vpop (erf);
	(erf) = vpow2.f32 v19  }
0xf2: {  	v9 =	vld [tilespmem:s30+$0xFFFFFF10];
	v11 =	vadd.f32 v25, v22;
	v19 =	vadd.f32 $1.000000000e+00, v28;
	(erf) = vrcp.f32 v20  }
0xf3: {  	v10 =	vadd.f32 v17, v10;
	v8 =	vadd.f32 v8, v16;
	v20 =	vld [tilespmem:s3+$0xFFFFFF90];
	v22 =	vpop (erf);
	(erf) = vpow2.f32 v15  }
0xf4: {  	v15 =	vld [tilespmem:s30+$0xFFFFFF90];
	v16 =	vadd.f32 v13, v26;
	v17 =	vadd.f32 $1.000000000e+00, v22;
	(erf) = vrcp.f32 v19  }
0xf5: {  	v13 =	vmul.f32 v18, v0;
	v19 =	vadd.f32 v24, v21;
	v24 =	vmul.f32 $1.442695020e+00, v11;
	v21 =	vld [tilespmem:s3+$0x10];
	v22 =	vpop (erf)  }
0xf6: {  	v16 =	vmul.f32 $1.442695020e+00, v16;
	v18 =	vld [tilespmem:s30+$0x10];
	v22 =	vadd.f32 $1.000000000e+00, v22;
	(erf) = vrcp.f32 v17  }
0xf7: {  	v17 =	vmul.f32 $1.442695020e+00, v19;
	v26 =	vadd.f32 v9, v27;
	v19 =	vld [tilespmem:s3+$0xFFFFFF20];
	(erf) = vpow2.f32 v24;
	v11 =	vpop (erf)  }
0xf8: {  	v24 =	vld [tilespmem:s30+$0xFFFFFF20];
	v27 =	vadd.f32 $1.000000000e+00, v11;
	(erf) = vrcp.f32 v22;
	v11 =	vmul.f32 v14, v0  }
0xf9: {  	v14 =	vmul.f32 $1.442695020e+00, v26;
	v15 =	vadd.f32 v15, v20;
	v20 =	vld [tilespmem:s3+$0xFFFFFFA0];
	(erf) = vpow2.f32 v17;
	v9 =	vpop (erf)  }
0xfa: {  	v17 =	vld [tilespmem:s30+$0xFFFFFFA0];
	v28 =	vadd.f32 $1.000000000e+00, v9;
	(erf) = vrcp.f32 v27;
	v25 =	vpop (erf);
	v9 =	vmul.f32 v23, v0  }
0xfb: {  	v15 =	vmul.f32 $1.442695020e+00, v15;
	v18 =	vadd.f32 v18, v21;
	v21 =	vld [tilespmem:s3+$0x20];
	(erf) = vpow2.f32 v16;
	v16 =	vpop (erf)  }
0xfc: {  	v25 =	vadd.f32 $1.000000000e+00, v25;
	v23 =	vld [tilespmem:s30+$0x20];
	v16 =	vmul.f32 v16, v6;
	(erf) = vrcp.f32 v28;
	v22 =	vpop (erf)  }
0xfd: {  	v19 =	vadd.f32 v24, v19;
	v24 =	vld [tilespmem:s3+$0xFFFFFF30];
	v18 =	vmul.f32 $1.442695020e+00, v18;
	v22 =	vadd.f32 $1.000000000e+00, v22;
	v26 =	vpop (erf)  }
0xfe: {  	v27 =	vld [tilespmem:s30+$0xFFFFFF30];
	v16 =	vadd.f32 $0.0e+00, v16;
	v28 =	vmul.f32 v26, v7;
	(erf) = vrcp.f32 v25  }
0xff: {  	v19 =	vmul.f32 $1.442695020e+00, v19;
	v17 =	vadd.f32 v17, v20;
	v20 =	vld [tilespmem:s3+$0xFFFFFFB0];
	(erf) = vpow2.f32 v14;
	v14 =	vpop (erf)  }
0x100: {  	v25 =	vld [tilespmem:s30+$0xFFFFFFB0];
	v28 =	vadd.f32 v28, v16;
	v14 =	vmul.f32 v14, v5;
	v26 =	vpop (erf);
	(erf) = vrcp.f32 v22  }
0x101: {  	v29 =	vmul.f32 $1.442695020e+00, v17;
	v21 =	vadd.f32 v23, v21;
	v22 =	vld [tilespmem:s3+$0x30];
	(erf) = vpow2.f32 v15;
	v15 =	vpop (erf)  }
0x102: {  	v23 =	vld [tilespmem:s30+$0x30];
	v14 =	vadd.f32 v14, v28;
	v15 =	vmul.f32 v15, v4;
	v16 =	vpop (erf);
	(erf) = vpow2.f32 v18  }
0x103: {  	v18 =	vadd.f32 v27, v24;
	v24 =	vld [tilespmem:s3+$0xFFFFFF40];
	v28 =	vmul.f32 $1.442695020e+00, v21;
	(erf) = vpow2.f32 v19;
	v19 =	vpop (erf)  }
0x104: {  	v27 =	vld [tilespmem:s30+$0xFFFFFF40];
	v14 =	vadd.f32 v15, v14;
	v15 =	vmul.f32 v19, v3;
	(erf) = vpow2.f32 v29;
	v17 =	vpop (erf)  }
0x105: {  	v29 =	vmul.f32 $1.442695020e+00, v18;
	v19 =	vadd.f32 v25, v20;
	v20 =	vld [tilespmem:s3+$0xFFFFFFC0];
	(erf) = vpow2.f32 v28;
	v21 =	vpop (erf)  }
0x106: {  	v16 =	vadd.f32 $1.000000000e+00, v16;
	v25 =	vld [tilespmem:s30+$0xFFFFFFC0];
	v14 =	vadd.f32 v15, v14;
	v15 =	vmul.f32 v21, v2  }
0x107: {  	v28 =	vmul.f32 $1.442695020e+00, v19;
	v21 =	vadd.f32 v23, v22;
	v22 =	vld [tilespmem:s3+$0x40];
	(erf) = vpow2.f32 v29;
	v18 =	vpop (erf)  }
0x108: {  	v23 =	vadd.f32 $1.000000000e+00, v26;
	v26 =	vld [tilespmem:s30+$0x40];
	v14 =	vadd.f32 v15, v14;
	v15 =	vmul.f32 v18, v1;
	v18 =	vpop (erf)  }
0x109: {  	v24 =	vadd.f32 v27, v24;
	v27 =	vld [tilespmem:s3+$0xFFFFFF50];
	v21 =	vmul.f32 $1.442695020e+00, v21;
	(erf) = vpow2.f32 v28;
	v19 =	vpop (erf)  }
0x10a: {  	v17 =	vadd.f32 $1.000000000e+00, v17;
	v28 =	vld [tilespmem:s30+$0xFFFFFF50];
	v14 =	vadd.f32 v15, v14;
	v30 =	vmul.f32 v19, v0;
	v19 =	vpop (erf)  }
0x10b: {  	v31 =	vmul.f32 $1.442695020e+00, v24;
	v20 =	vadd.f32 v25, v20;
	v25 =	vld [tilespmem:s3+$0xFFFFFFD0];
	v29 =	vpop (erf);
	(erf) = vpow2.f32 v21  }
0x10c: {  	v18 =	vadd.f32 $1.000000000e+00, v18;
	v21 =	vld [tilespmem:s30+$0xFFFFFFD0];
	v30 =	vadd.f32 v30, v14;
	(erf) = vrcp.f32 v16;
	v15 =	vpop (erf)  }
0x10d: {  	s31 =	sadd.s32 $0x40, s31;
	v16 =	vmul.f32 $1.442695020e+00, v20;
	v20 =	vadd.f32 v26, v22;
	v22 =	vld [tilespmem:s3+$0x50];
	(erf) = vpow2.f32 v31;
	v24 =	vpop (erf)  }
0x10e: {  	v19 =	vadd.f32 $1.000000000e+00, v19;
	v26 =	vadd.f32 $1.000000000e+00, v29;
	v29 =	vld [tilespmem:s30+$0x50];
	[tilespmem:s31+$0x10] =	vst v30;
	(erf) = vrcp.f32 v23;
	v14 =	vpop (erf)  }
0x10f: {  	v23 =	vadd.f32 v28, v27;
	v27 =	vld [tilespmem:s3+$0xFFFFFF60];
	v20 =	vmul.f32 $1.442695020e+00, v20;
	(erf) = vpow2.f32 v16  }
0x110: {  	v15 =	vadd.f32 $1.000000000e+00, v15;
	v24 =	vadd.f32 $1.000000000e+00, v24;
	v16 =	vld [tilespmem:s30+$0xFFFFFF60];
	v28 =	vpop (erf);
	(erf) = vrcp.f32 v17  }
0x111: {  	v17 =	vmul.f32 $1.442695020e+00, v23;
	v21 =	vadd.f32 v21, v25;
	v23 =	vld [tilespmem:s3+$0xFFFFFFE0];
	(erf) = vpow2.f32 v20  }
0x112: {  	v14 =	vadd.f32 $1.000000000e+00, v14;
	v20 =	vadd.f32 $1.000000000e+00, v28;
	v25 =	vld [tilespmem:s30+$0xFFFFFFE0];
	(erf) = vrcp.f32 v18;
	v18 =	vpop (erf)  }
0x113: {  	v21 =	vmul.f32 $1.442695020e+00, v21;
	v22 =	vadd.f32 v29, v22;
	v28 =	vld [tilespmem:s3+$0x60];
	(erf) = vpow2.f32 v17  }
0x114: {  	v12 =	vadd.f32 v13, v12;
	v18 =	vadd.f32 $1.000000000e+00, v18;
	v17 =	vld [tilespmem:s30+$0x60];
	(erf) = vrcp.f32 v19;
	v19 =	vpop (erf)  }
0x115: {  	v13 =	vadd.f32 v16, v27;
	v16 =	vld [tilespmem:s3+$0xFFFFFF70];
	v22 =	vmul.f32 $1.442695020e+00, v22;
	v27 =	vpop (erf);
	(erf) = vpow2.f32 v21  }
0x116: {  	v29 =	vadd.f32 $1.000000000e+00, v19;
	v21 =	vmul.f32 v27, v6;
	v27 =	vld [tilespmem:s30+$0xFFFFFF70];
	v19 =	vpop (erf);
	(erf) = vrcp.f32 v26;
	[tilespmem:s2+$0xFFFFFFE0] =	vst v12  }
0x117: {  	v30 =	vmul.f32 $1.442695020e+00, v13;
	v13 =	vadd.f32 v25, v23;
	v23 =	vld [tilespmem:s3+$0xFFFFFFF0];
	v25 =	vpop (erf);
	(erf) = vpow2.f32 v22  }
0x118: {  	v26 =	vadd.f32 $1.000000000e+00, v19;
	v19 =	vmul.f32 v25, v6;
	v22 =	vld [tilespmem:s30+$0xFFFFFFF0];
	(erf) = vrcp.f32 v15;
	v15 =	vpop (erf)  }
0x119: {  	v13 =	vmul.f32 $1.442695020e+00, v13;
	v17 =	vadd.f32 v17, v28;
	v25 =	vld [tilespmem:s3+$0x70];
	(erf) = vpow2.f32 v30;
	v12 =	vpop (erf)  }
0x11a: {  	v28 =	vadd.f32 $1.000000000e+00, v15;
	v12 =	vmul.f32 v12, v6;
	v15 =	vld [tilespmem:s30+$0x70];
	(erf) = vrcp.f32 v24;
	v24 =	vpop (erf)  }
0x11b: {  	v16 =	vadd.f32 v27, v16;
	v30 =	vmul.f32 $1.442695020e+00, v17;
	v27 =	vpop (erf);
	(erf) = vpow2.f32 v13  }
0x11c: {  	v21 =	vadd.f32 $0.0e+00, v21;
	v13 =	vadd.f32 $1.000000000e+00, v24;
	v24 =	vpop (erf);
	(erf) = vrcp.f32 v14  }
0x11d: {  	v16 =	vmul.f32 $1.442695020e+00, v16;
	v31 =	vadd.f32 v22, v23;
	v23 =	vpop (erf);
	(erf) = vpow2.f32 v30  }
0x11e: {  	v14 =	vadd.f32 $1.000000000e+00, v24;
	v24 =	vadd.f32 $0.0e+00, v19;
	(erf) = vrcp.f32 v20;
	v17 =	vpop (erf)  }
0x11f: {  	v30 =	vmul.f32 $1.442695020e+00, v31;
	v25 =	vadd.f32 v15, v25;
	(erf) = vpow2.f32 v16;
	v22 =	vpop (erf)  }
0x120: {  	v15 =	vadd.f32 $1.000000000e+00, v17;
	v17 =	vadd.f32 $0.0e+00, v12;
	(erf) = vrcp.f32 v18;
	v12 =	vpop (erf)  }
.Ltmp0:
0x121: {  	v16 =	vadd.f32 $1.000000000e+00, v12;
	v12 =	vmul.f32 $1.442695020e+00, v25;
	v19 =	vpop (erf);
	(erf) = vpow2.f32 v30;
	(pc) =	sbr.rel @p0 .LBB2_3-.Ltmp0, $4  }
0x122: {  	v27 =	vmul.f32 v27, v7;
	v25 =	vadd.f32 v11, v10;
	v20 =	vpop (erf);
	(erf) = vrcp.f32 v29  }
0x123: {  	v23 =	vmul.f32 v23, v7;
	v10 =	vadd.f32 $1.000000000e+00, v20;
	v20 =	vpop (erf);
	(erf) = vpow2.f32 v12  }
0x124: {  	v22 =	vmul.f32 v22, v7;
	v11 =	vadd.f32 v27, v21;
	(erf) = vrcp.f32 v26;
	v18 =	vpop (erf);
	[tilespmem:s2+$0xFFFFFFF0] =	vst v25  }
0x125: {  	s3 =	sadd.s32 $0x200, s3;
	v12 =	vadd.f32 v23, v24;
	v18 =	vadd.f32 $1.000000000e+00, v18;
	(erf) = vrcp.f32 v28;
	v21 =	vpop (erf)  }
0x126: {  	(erf) = vrcp.f32 v13;
	v6 =	vpop (erf)  }
0x127: {  	v7 =	vpop (erf);
	(erf) = vrcp.f32 v14  }
0x128: {  	v13 =	vpop (erf);
	(erf) = vrcp.f32 v15  }
0x129: {  	v6 =	vadd.f32 $1.000000000e+00, v6;
	(erf) = vrcp.f32 v16  }
0x12a: {  	v15 =	vmul.f32 v19, v5;
	v14 =	vpop (erf);
	v16 =	vadd.f32 v22, v17;
	(erf) = vrcp.f32 v10  }
0x12b: {  	v13 =	vadd.f32 $1.000000000e+00, v13;
	v10 =	vpop (erf);
	(erf) = vrcp.f32 v18;
	v18 =	vmul.f32 v20, v5  }
0x12c: {  	v17 =	vpop (erf);
	v10 =	vadd.f32 $1.000000000e+00, v10;
	v5 =	vmul.f32 v21, v5;
	(erf) = vrcp.f32 v6  }
0x12d: {  	v7 =	vmul.f32 v7, v4;
	v11 =	vadd.f32 v15, v11;
	v6 =	vpop (erf);
	(erf) = vrcp.f32 v13  }
0x12e: {  	v6 =	vadd.f32 $1.000000000e+00, v6;
	v19 =	vpop (erf);
	v5 =	vadd.f32 v5, v16;
	(erf) = vrcp.f32 v10  }
0x12f: {  	v13 =	vpop (erf);
	v10 =	vadd.f32 v18, v12;
	v12 =	vmul.f32 v14, v4;
	v4 =	vmul.f32 v17, v4  }
0x130: {  	v14 =	vpop (erf);
	(erf) = vrcp.f32 v6;
	v6 =	vadd.f32 v7, v11;
	v11 =	vmul.f32 v19, v3  }
0x131: {  	v7 =	vpop (erf);
	v4 =	vadd.f32 v4, v5  }
0x132: {  	v10 =	vadd.f32 v12, v10;
	v12 =	vmul.f32 v13, v3;
	v13 =	vpop (erf)  }
0x133: {  	v3 =	vmul.f32 v14, v3;
	v5 =	vpop (erf)  }
0x134: {  	v6 =	vadd.f32 v11, v6;
	v7 =	vmul.f32 v7, v2;
	v10 =	vadd.f32 v12, v10;
	v11 =	vpop (erf)  }
0x135: {  	v12 =	vmul.f32 v13, v2;
	v3 =	vadd.f32 v3, v4;
	v2 =	vmul.f32 v5, v2;
	v4 =	vpop (erf)  }
0x136: {  	v6 =	vadd.f32 v7, v6;
	v7 =	vmul.f32 v11, v1;
	v5 =	vpop (erf)  }
0x137: {  	v10 =	vadd.f32 v12, v10;
	v2 =	vadd.f32 v2, v3;
	v3 =	vmul.f32 v4, v1;
	v11 =	vpop (erf)  }
0x138: {  	v1 =	vmul.f32 v5, v1;
	v5 =	vadd.f32 v7, v6;
	v4 =	vpop (erf);
	v6 =	vmul.f32 v11, v0  }
0x139: {  	v7 =	vadd.f32 v9, v8;
	v3 =	vadd.f32 v3, v10;
	v8 =	vpop (erf);
	v4 =	vmul.f32 v4, v0  }
0x13a: {  	v1 =	vadd.f32 v1, v2;
	v0 =	vmul.f32 v8, v0;
	v2 =	vadd.f32 v6, v5  }
0x13b: {  	[tilespmem:s2+$0x0] =	vst v7;
	v3 =	vadd.f32 v4, v3  }
0x13c: {  	s0 =	sadd.s32 s5, s29;
	[tilespmem:s31+$0xFFFFFFE0] =	vst v2;
	v0 =	vadd.f32 v0, v1  }
0x13d: {  	s0 =	sshll.u32 s0, $0x1;
	[tilespmem:s31+$0xFFFFFFF0] =	vst v3  }
0x13e: {  	s0 =	sadd.s32 s7, s0;
	[tilespmem:s31+$0x0] =	vst v0  }
0x13f: {  	[hbm4b:s0+s4] =	stream.linear.scatter [tilespmem:s22], [sflag:$0x5], $0x500, $0x38;
	[tilespmem:$0xF480] =	vst v63  }
0x140: {  	_ =	swait.ge [sflag:s13], $0x500  }
0x141: {  	[sflag:s13] =	ssyncset.done $0x0  }
0x142: {  	s3 =	sadd.s32 $0xA0, s29;
	[sflag:s13] =	ssyncadd.s32 $0xFFFFFB00  }
0x143: {  	[tilespmem:s16], [sflag:$0x1] =	stream.indirect.gather [hbm4b:s1+s15], $0x80, s3, s15, $0xb8;
	[tilespmem:$0xF480] =	vst v63  }
0x144: {  	s31 =	sadd.s32 $0x2820, s29  }
0x145: {  	[tilespmem:s17], [sflag:$0x2] =	stream.indirect.gather [hbm4b:s6+s15], $0x80, s31, s15, $0xb8;
	[tilespmem:$0xF480] =	vst v63  }
0x146: {  	_ =	swait.ge [sflag:s23], $0x2800  }
0x147: {  	[sflag:s23] =	ssyncset.done $0x0  }
0x148: {  	[sflag:s23] =	ssyncadd.s32 $0xFFFFD800  }
0x149: {  	_ =	swait.ge [sflag:s24], $0x2800  }
0x14a: {  	[sflag:s24] =	ssyncset.done $0x0  }
0x14b: {  	[sflag:s24] =	ssyncadd.s32 $0xFFFFD800  }
0x14c: {  	v6 =	vld [tilespmem:$0xEF00]  }
0x14d: {  	v7 =	vld [tilespmem:$0xEF10]  }
0x14e: {  	v5 =	vld [tilespmem:$0xEF20]  }
0x14f: {  	v4 =	vld [tilespmem:$0xEF30]  }
0x150: {  	v3 =	vld [tilespmem:$0xEF40]  }
0x151: {  	s0 =	simm.s32 $0x7800;
	v2 =	vld [tilespmem:$0xEF50]  }
0x152: {  	v8 =	vld [tilespmem:s0+$0xE0]  }
0x153: {  	s3 =	simm.s32 $0xC800;
	v9 =	vld [tilespmem:s0+$0x80]  }
0x154: {  	v10 =	vld [tilespmem:s3+$0x80]  }
0x155: {  	v11 =	vld [tilespmem:s0+$0x90]  }
0x156: {  	v12 =	vld [tilespmem:s3+$0x90]  }
0x157: {  	v13 =	vld [tilespmem:s0+$0xA0]  }
0x158: {  	v14 =	vld [tilespmem:s3+$0xA0]  }
0x159: {  	v15 =	vld [tilespmem:s0+$0xB0]  }
0x15a: {  	v9 =	vadd.f32 v10, v9;
	v10 =	vld [tilespmem:s3+$0xB0]  }
0x15b: {  	v16 =	vld [tilespmem:s0+$0xC0]  }
0x15c: {  	v11 =	vadd.f32 v12, v11;
	v12 =	vld [tilespmem:s3+$0xC0];
	v9 =	vmul.f32 $1.442695020e+00, v9  }
0x15d: {  	v17 =	vld [tilespmem:s0+$0xD0];
	v13 =	vadd.f32 v14, v13  }
0x15e: {  	v14 =	vld [tilespmem:s3+$0xE0];
	v11 =	vmul.f32 $1.442695020e+00, v11;
	(erf) = vpow2.f32 v9  }
0x15f: {  	v13 =	vmul.f32 $1.442695020e+00, v13;
	v9 =	vld [tilespmem:s3+$0xD0];
	v10 =	vadd.f32 v10, v15  }
0x160: {  	(erf) = vpow2.f32 v11;
	v11 =	vld [tilespmem:s0+$0xF0]  }
0x161: {  	v15 =	vld [tilespmem:s3+$0xF0];
	v12 =	vadd.f32 v12, v16;
	(erf) = vpow2.f32 v13;
	v10 =	vmul.f32 $1.442695020e+00, v10  }
0x162: {  	v16 =	vld [tilespmem:s0+$0xFFFFFF80]  }
0x163: {  	v12 =	vmul.f32 $1.442695020e+00, v12;
	(erf) = vpow2.f32 v10;
	v10 =	vld [tilespmem:s3+$0xFFFFFF80]  }
0x164: {  	v19 =	vld [tilespmem:s3+$0x10];
	v9 =	vadd.f32 v9, v17  }
0x165: {  	v8 =	vadd.f32 v14, v8;
	v13 =	vld [tilespmem:s3+$0xFFFFFF00];
	(erf) = vpow2.f32 v12  }
0x166: {  	v17 =	vld [tilespmem:s0+$0xFFFFFF00];
	v9 =	vmul.f32 $1.442695020e+00, v9  }
0x167: {  	v14 =	vld [tilespmem:s0+$0x0];
	v8 =	vmul.f32 $1.442695020e+00, v8;
	v11 =	vadd.f32 v15, v11;
	v15 =	vpop (erf)  }
0x168: {  	v12 =	vld [tilespmem:s3+$0x0];
	(erf) = vpow2.f32 v9;
	v15 =	vadd.f32 $1.000000000e+00, v15;
	v10 =	vadd.f32 v10, v16  }
0x169: {  	v11 =	vmul.f32 $1.442695020e+00, v11;
	v9 =	vld [tilespmem:s0+$0xFFFFFF10];
	v18 =	vpop (erf);
	(erf) = vpow2.f32 v8  }
0x16a: {  	v8 =	vld [tilespmem:s3+$0xFFFFFF10];
	v18 =	vadd.f32 $1.000000000e+00, v18;
	v16 =	vpop (erf);
	(erf) = vrcp.f32 v15;
	v10 =	vmul.f32 $1.442695020e+00, v10  }
0x16b: {  	v13 =	vadd.f32 v13, v17;
	v15 =	vld [tilespmem:s0+$0xFFFFFF90];
	v16 =	vadd.f32 $1.000000000e+00, v16;
	(erf) = vpow2.f32 v11  }
0x16c: {  	v11 =	vld [tilespmem:s3+$0xFFFFFF90];
	(erf) = vrcp.f32 v18  }
0x16d: {  	v12 =	vadd.f32 v12, v14;
	v14 =	vld [tilespmem:s3+$0xFFFFFF20];
	v13 =	vmul.f32 $1.442695020e+00, v13;
	v17 =	vpop (erf);
	(erf) = vrcp.f32 v16  }
0x16e: {  	v18 =	vld [tilespmem:s0+$0x10];
	v17 =	vadd.f32 $1.000000000e+00, v17;
	(erf) = vpow2.f32 v10;
	v10 =	vpop (erf)  }
0x16f: {  	v16 =	vld [tilespmem:s0+$0xFFFFFF20];
	v8 =	vadd.f32 v8, v9;
	v9 =	vadd.f32 $1.000000000e+00, v10  }
0x170: {  	v20 =	vld [tilespmem:s3+$0x20];
	(erf) = vrcp.f32 v17  }
0x171: {  	v12 =	vmul.f32 $1.442695020e+00, v12;
	v17 =	vld [tilespmem:s0+$0x20];
	v11 =	vadd.f32 v11, v15;
	(erf) = vpow2.f32 v13;
	v13 =	vpop (erf)  }
0x172: {  	v10 =	vld [tilespmem:s0+$0xFFFFFFA0];
	v8 =	vmul.f32 $1.442695020e+00, v8;
	(erf) = vrcp.f32 v9;
	v13 =	vadd.f32 $1.000000000e+00, v13  }
0x173: {  	v15 =	vld [tilespmem:s3+$0xFFFFFFA0];
	v18 =	vadd.f32 v19, v18;
	v11 =	vmul.f32 $1.442695020e+00, v11;
	(erf) = vpow2.f32 v12;
	v9 =	vpop (erf)  }
0x174: {  	v21 =	vld [tilespmem:s0+$0xFFFFFF30];
	(erf) = vrcp.f32 v13;
	v13 =	vadd.f32 v14, v16;
	v19 =	vpop (erf);
	v9 =	vadd.f32 $1.000000000e+00, v9  }
0x175: {  	v14 =	vmul.f32 $1.442695020e+00, v18;
	v18 =	vld [tilespmem:s3+$0xFFFFFF30];
	v12 =	vmul.f32 v19, v6;
	v19 =	vpop (erf)  }
0x176: {  	v22 =	vld [tilespmem:s0+$0xFFFFFFB0];
	v17 =	vadd.f32 v20, v17;
	v16 =	vpop (erf);
	v19 =	vadd.f32 $1.000000000e+00, v19;
	(erf) = vrcp.f32 v9  }
0x177: {  	v20 =	vld [tilespmem:s3+$0x30];
	v12 =	vadd.f32 $0.0e+00, v12;
	v16 =	vmul.f32 v16, v7;
	(erf) = vpow2.f32 v8  }
0x178: {  	v10 =	vadd.f32 v15, v10;
	v15 =	vld [tilespmem:s3+$0xFFFFFFB0];
	v9 =	vmul.f32 $1.442695020e+00, v13;
	v13 =	vpop (erf);
	(erf) = vrcp.f32 v19  }
0x179: {  	v8 =	vadd.f32 v16, v12;
	v12 =	vmul.f32 v13, v5;
	v13 =	vpop (erf);
	v16 =	vld [tilespmem:s0+$0x30];
	(erf) = vpow2.f32 v11  }
0x17a: {  	v19 =	vpop (erf);
	(erf) = vpow2.f32 v14;
	v14 =	vadd.f32 v18, v21;
	v21 =	vld [tilespmem:s3+$0xFFFFFF40]  }
0x17b: {  	v10 =	vmul.f32 $1.442695020e+00, v10;
	v11 =	vmul.f32 v19, v4;
	v19 =	vld [tilespmem:s0+$0xFFFFFF40]  }
0x17c: {  	v1 =	vld [tilespmem:$0xEF60];
	v17 =	vmul.f32 $1.442695020e+00, v17;
	v8 =	vadd.f32 v12, v8  }
0x17d: {  	v0 =	vld [tilespmem:$0xEF70];
	v15 =	vadd.f32 v15, v22;
	(erf) = vpow2.f32 v9;
	v12 =	vpop (erf)  }
0x17e: {  	v14 =	vmul.f32 $1.442695020e+00, v14;
	v8 =	vadd.f32 v11, v8;
	v11 =	vld [tilespmem:s0+$0xFFFFFFC0];
	v18 =	vpop (erf);
	(erf) = vpow2.f32 v10  }
0x17f: {  	v16 =	vadd.f32 v20, v16;
	v9 =	vmul.f32 v18, v3;
	v10 =	vpop (erf);
	v18 =	vld [tilespmem:s3+$0xFFFFFFC0];
	(erf) = vpow2.f32 v17  }
0x180: {  	v15 =	vmul.f32 $1.442695020e+00, v15;
	v20 =	vld [tilespmem:s0+$0x40];
	v17 =	vpop (erf);
	(erf) = vpow2.f32 v14;
	v14 =	vadd.f32 v21, v19  }
0x181: {  	v16 =	vmul.f32 $1.442695020e+00, v16;
	v8 =	vadd.f32 v9, v8;
	v9 =	vmul.f32 v17, v2;
	v17 =	vld [tilespmem:s3+$0x40]  }
0x182: {  	v12 =	vadd.f32 $1.000000000e+00, v12;
	v19 =	vld [tilespmem:s0+$0xFFFFFF50];
	v21 =	vpop (erf);
	(erf) = vpow2.f32 v15  }
0x183: {  	v14 =	vmul.f32 $1.442695020e+00, v14;
	(erf) = vpow2.f32 v16;
	v8 =	vadd.f32 v9, v8;
	v9 =	vld [tilespmem:s3+$0xFFFFFF50]  }
0x184: {  	v23 =	vld [tilespmem:s3+$0xFFFFFFD0];
	v16 =	vmul.f32 v21, v1;
	(erf) = vrcp.f32 v12;
	v11 =	vadd.f32 v18, v11  }
0x185: {  	v13 =	vadd.f32 $1.000000000e+00, v13;
	v22 =	vadd.f32 $1.000000000e+00, v10;
	v15 =	vpop (erf);
	v18 =	vld [tilespmem:s0+$0xFFFFFFD0];
	(erf) = vpow2.f32 v14  }
0x186: {  	v21 =	vpop (erf);
	v8 =	vadd.f32 v16, v8;
	v10 =	vmul.f32 $1.442695020e+00, v11;
	v11 =	vadd.f32 v17, v20;
	v17 =	vld [tilespmem:s0+$0x50]  }
0x187: {  	v12 =	vpop (erf);
	v14 =	vmul.f32 v21, v0;
	(erf) = vrcp.f32 v13;
	v20 =	vld [tilespmem:s3+$0x50]  }
0x188: {  	v16 =	vpop (erf);
	v9 =	vadd.f32 v9, v19;
	v19 =	vld [tilespmem:s0+$0xFFFFFF60];
	v11 =	vmul.f32 $1.442695020e+00, v11;
	(erf) = vpow2.f32 v10  }
0x189: {  	v15 =	vadd.f32 $1.000000000e+00, v15;
	v13 =	vpop (erf);
	v10 =	vadd.f32 v14, v8;
	v14 =	vld [tilespmem:s3+$0xFFFFFF60];
	(erf) = vrcp.f32 v22  }
0x18a: {  	v8 =	vpop (erf);
	v22 =	vld [tilespmem:s0+$0xFFFFFFE0];
	(erf) = vpow2.f32 v11;
	v11 =	vadd.f32 $1.000000000e+00, v12  }
0x18b: {  	v18 =	vadd.f32 v23, v18;
	v23 =	vld [tilespmem:s3+$0xFFFFFFE0];
	v21 =	vpop (erf);
	v9 =	vmul.f32 $1.442695020e+00, v9  }
0x18c: {  	v12 =	vadd.f32 $1.000000000e+00, v16;
	v16 =	vpop (erf);
	(erf) = vrcp.f32 v15;
	v17 =	vadd.f32 v20, v17;
	v20 =	vld [tilespmem:s0+$0x60]  }
0x18d: {  	v18 =	vmul.f32 $1.442695020e+00, v18;
	v15 =	vpop (erf);
	(erf) = vpow2.f32 v9;
	v9 =	vadd.f32 $1.000000000e+00, v13;
	v13 =	vld [tilespmem:s3+$0x60]  }
0x18e: {  	(erf) = vrcp.f32 v11;
	v14 =	vadd.f32 v14, v19;
	v19 =	vld [tilespmem:s0+$0xFFFFFF70];
	v11 =	vpop (erf)  }
0x18f: {  	v17 =	vmul.f32 $1.442695020e+00, v17;
	v24 =	vpop (erf);
	(erf) = vpow2.f32 v18;
	v18 =	vadd.f32 $1.000000000e+00, v21;
	v21 =	vld [tilespmem:s3+$0xFFFFFF70]  }
0x190: {  	v37 =	vld [tilespmem:s3+$0xFFFFFFF0];
	v8 =	vadd.f32 $1.000000000e+00, v8;
	(erf) = vrcp.f32 v12;
	v12 =	vmul.f32 $1.442695020e+00, v14  }
0x191: {  	v26 =	vld [tilespmem:s3+$0x70];
	v16 =	vadd.f32 $1.000000000e+00, v16;
	v25 =	vpop (erf);
	v14 =	vadd.f32 v23, v22;
	(erf) = vpow2.f32 v17  }
0x192: {  	v23 =	vpop (erf);
	v17 =	vmul.f32 v24, v6;
	v13 =	vadd.f32 v13, v20;
	v20 =	vld [tilespmem:s0+$0x70];
	(erf) = vrcp.f32 v9  }
0x193: {  	v15 =	vadd.f32 $1.000000000e+00, v15;
	v22 =	vld [tilespmem:s0+$0xFFFFFFF0];
	v9 =	vpop (erf);
	v14 =	vmul.f32 $1.442695020e+00, v14;
	(erf) = vpow2.f32 v12  }
0x194: {  	v23 =	vmul.f32 v23, v6;
	v12 =	vpop (erf);
	(erf) = vrcp.f32 v8;
	v19 =	vadd.f32 v21, v19  }
0x195: {  	v11 =	vadd.f32 $1.000000000e+00, v11;
	v13 =	vmul.f32 $1.442695020e+00, v13;
	v8 =	vpop (erf);
	(erf) = vpow2.f32 v14  }
0x196: {  	v9 =	vadd.f32 $1.000000000e+00, v9;
	v21 =	vpop (erf);
	(erf) = vrcp.f32 v18;
	v18 =	vmul.f32 $1.442695020e+00, v19  }
0x197: {  	v23 =	vadd.f32 $0.0e+00, v23;
	v20 =	vadd.f32 v26, v20;
	v38 =	vpop (erf)  }
0x198: {  	(erf) = vpow2.f32 v13;
	v13 =	vadd.f32 $0.0e+00, v17;
	v17 =	vadd.f32 v37, v22;
	v19 =	vpop (erf)  }
0x199: {  	v14 =	vadd.f32 $1.000000000e+00, v25;
	v12 =	vmul.f32 v12, v6;
	(erf) = vrcp.f32 v16;
	v16 =	vpop (erf)  }
0x19a: {  	v8 =	vadd.f32 $1.000000000e+00, v8;
	(erf) = vpow2.f32 v18;
	v17 =	vmul.f32 $1.442695020e+00, v17;
	v18 =	vpop (erf)  }
0x19b: {  	v12 =	vadd.f32 $0.0e+00, v12;
	v39 =	vpop (erf);
	(erf) = vrcp.f32 v15;
	v15 =	vmul.f32 $1.442695020e+00, v20  }
0x19c: {  	s31 =	simm.s32 $0x7A00;
	v22 =	vadd.f32 $1.000000000e+00, v38;
	v18 =	vmul.f32 v18, v7;
	v20 =	vpop (erf);
	(erf) = vpow2.f32 v17  }
0x19d: {  	v40 =	vld [tilespmem:s31+$0xE0];
	v16 =	vadd.f32 $1.000000000e+00, v16;
	v17 =	vmul.f32 v21, v7;
	v21 =	vpop (erf);
	(erf) = vrcp.f32 v11  }
0x19e: {  	v41 =	vld [tilespmem:s31+$0x90];
	v24 =	vadd.f32 $1.000000000e+00, v39;
	v11 =	vmul.f32 v19, v7;
	v19 =	vpop (erf);
	(erf) = vpow2.f32 v15  }
0x19f: {  	v42 =	vld [tilespmem:s31+$0xB0];
	v12 =	vadd.f32 v18, v12;
	v13 =	vadd.f32 v17, v13;
	v15 =	vpop (erf);
	(erf) = vrcp.f32 v14  }
0x1a0: {  	s29 =	simm.s32 $0xCA00;
	v17 =	vld [tilespmem:s31+$0x80];
	v11 =	vadd.f32 v11, v23;
	v14 =	vpop (erf);
	(erf) = vrcp.f32 v9;
	v9 =	vmul.f32 v20, v5  }
0x1a1: {  	v21 =	vadd.f32 $1.000000000e+00, v21;
	v23 =	vld [tilespmem:s29+$0x80];
	v20 =	vpop (erf);
	(erf) = vrcp.f32 v8;
	v14 =	vmul.f32 v14, v5  }
0x1a2: {  	v43 =	vld [tilespmem:s29+$0xE0];
	v15 =	vadd.f32 $1.000000000e+00, v15;
	v8 =	vmul.f32 v19, v5;
	v18 =	vpop (erf);
	(erf) = vrcp.f32 v22  }
0x1a3: {  	v20 =	vadd.f32 $1.000000000e+00, v20;
	v9 =	vadd.f32 v9, v13;
	v22 =	vld [tilespmem:s31+$0xA0];
	v13 =	vpop (erf);
	(erf) = vrcp.f32 v16  }
0x1a4: {  	v16 =	vld [tilespmem:s29+$0xA0];
	v8 =	vadd.f32 v8, v11;
	v18 =	vmul.f32 v18, v4;
	v11 =	vpop (erf);
	(erf) = vrcp.f32 v24  }
0x1a5: {  	v19 =	vld [tilespmem:s29+$0x90];
	v12 =	vadd.f32 v14, v12;
	v13 =	vadd.f32 $1.000000000e+00, v13;
	(erf) = vrcp.f32 v21;
	v14 =	vpop (erf)  }
0x1a6: {  	v17 =	vadd.f32 v23, v17;
	v23 =	vld [tilespmem:s29+$0xC0];
	v11 =	vmul.f32 v11, v4;
	(erf) = vrcp.f32 v15;
	v15 =	vpop (erf)  }
0x1a7: {  	v21 =	vld [tilespmem:s29+$0xB0];
	v14 =	vadd.f32 $1.000000000e+00, v14;
	v15 =	vmul.f32 v15, v4;
	(erf) = vrcp.f32 v20;
	v20 =	vpop (erf)  }
0x1a8: {  	v9 =	vadd.f32 v18, v9;
	v18 =	vld [tilespmem:s31+$0xC0];
	v8 =	vadd.f32 v11, v8;
	v27 =	vpop (erf);
	(erf) = vrcp.f32 v13  }
0x1a9: {  	v46 =	vld [tilespmem:s31+$0xFFFFFF80];
	v20 =	vadd.f32 $1.000000000e+00, v20;
	v16 =	vadd.f32 v16, v22;
	v13 =	vpop (erf);
	(erf) = vrcp.f32 v14  }
0x1aa: {  	v47 =	vld [tilespmem:s31+$0x0];
	v14 =	vmul.f32 $1.442695020e+00, v17;
	v17 =	vadd.f32 v19, v41;
	v13 =	vmul.f32 v13, v3  }
0x1ab: {  	v11 =	vld [tilespmem:s31+$0xD0];
	v12 =	vadd.f32 v15, v12;
	v15 =	vpop (erf);
	(erf) = vrcp.f32 v20;
	v20 =	vmul.f32 v27, v3  }
0x1ac: {  	v19 =	vld [tilespmem:s29+$0xD0];
	v21 =	vadd.f32 v21, v42;
	v17 =	vmul.f32 $1.442695020e+00, v17;
	v44 =	vpop (erf);
	(erf) = vpow2.f32 v14  }
0x1ad: {  	v16 =	vmul.f32 $1.442695020e+00, v16;
	v18 =	vadd.f32 v23, v18;
	v14 =	vld [tilespmem:s31+$0xF0];
	v15 =	vmul.f32 v15, v3;
	v22 =	vpop (erf)  }
0x1ae: {  	v21 =	vmul.f32 $1.442695020e+00, v21;
	v9 =	vadd.f32 v20, v9;
	v20 =	vld [tilespmem:s29+$0xF0];
	v28 =	vpop (erf);
	(erf) = vpow2.f32 v17  }
0x1af: {  	v49 =	vld [tilespmem:s31+$0xFFFFFF00];
	v8 =	vadd.f32 v13, v8;
	v45 =	vmul.f32 v44, v2;
	v22 =	vmul.f32 v22, v2;
	v13 =	vpop (erf)  }
0x1b0: {  	v51 =	vld [tilespmem:s29+$0xFFFFFF10];
	v12 =	vadd.f32 v15, v12;
	v23 =	vmul.f32 v28, v2;
	v29 =	vpop (erf);
	(erf) = vpow2.f32 v16  }
0x1b1: {  	v18 =	vmul.f32 $1.442695020e+00, v18;
	v11 =	vadd.f32 v19, v11;
	v9 =	vadd.f32 v45, v9;
	v16 =	vld [tilespmem:s29+$0xFFFFFF80];
	v15 =	vpop (erf)  }
0x1b2: {  	v17 =	vld [tilespmem:s29+$0xFFFFFF00];
	v8 =	vadd.f32 v22, v8;
	v22 =	vadd.f32 v43, v40;
	v13 =	vmul.f32 v13, v1;
	v48 =	vpop (erf)  }
0x1b3: {  	v30 =	vld [tilespmem:s31+$0xFFFFFF90];
	v11 =	vmul.f32 $1.442695020e+00, v11;
	(erf) = vpow2.f32 v21;
	v14 =	vadd.f32 v20, v14;
	v21 =	vpop (erf)  }
0x1b4: {  	v53 =	vld [tilespmem:s29+$0xFFFFFF20];
	v12 =	vadd.f32 v23, v12;
	v50 =	vmul.f32 v29, v1;
	(erf) = vpow2.f32 v18;
	v23 =	vpop (erf)  }
0x1b5: {  	v19 =	vld [tilespmem:s29+$0x0];
	v22 =	vmul.f32 $1.442695020e+00, v22;
	v15 =	vmul.f32 v15, v1;
	v13 =	vadd.f32 v13, v9;
	v20 =	vpop (erf)  }
0x1b6: {  	v18 =	vld [tilespmem:s31+$0xFFFFFF10];
	(erf) = vpow2.f32 v11;
	v16 =	vadd.f32 v16, v46;
	v20 =	vadd.f32 $1.000000000e+00, v20  }
0x1b7: {  	v9 =	vld [tilespmem:s29+$0xFFFFFF90];
	v17 =	vadd.f32 v17, v49;
	v11 =	vmul.f32 $1.442695020e+00, v14;
	(erf) = vpow2.f32 v22;
	v14 =	vpop (erf)  }
0x1b8: {  	v55 =	vld [tilespmem:s29+$0xFFFFFFA0];
	v16 =	vmul.f32 $1.442695020e+00, v16;
	v14 =	vadd.f32 $1.000000000e+00, v14;
	(erf) = vrcp.f32 v20  }
0x1b9: {  	v58 =	vld [tilespmem:s29+$0xFFFFFF30];
	v22 =	vpop (erf);
	(erf) = vpow2.f32 v11;
	v11 =	vadd.f32 v50, v8;
	v8 =	vadd.f32 v15, v12  }
0x1ba: {  	v20 =	vld [tilespmem:s31+$0x10];
	v12 =	vadd.f32 v19, v47;
	v19 =	vadd.f32 $1.000000000e+00, v22  }
0x1bb: {  	v17 =	vmul.f32 $1.442695020e+00, v17;
	v15 =	vld [tilespmem:s29+$0x10];
	(erf) = vrcp.f32 v14  }
0x1bc: {  	v18 =	vadd.f32 v51, v18;
	v56 =	vadd.f32 v9, v30;
	v22 =	vld [tilespmem:s31+$0xFFFFFF20];
	v52 =	vpop (erf);
	(erf) = vrcp.f32 v19  }
0x1bd: {  	v54 =	vmul.f32 $1.442695020e+00, v12;
	v12 =	vadd.f32 $1.000000000e+00, v52;
	v19 =	vld [tilespmem:s31+$0xFFFFFFA0];
	(erf) = vpow2.f32 v16;
	v16 =	vpop (erf)  }
0x1be: {  	v60 =	vld [tilespmem:s31+$0xFFFFFFB0];
	v18 =	vmul.f32 $1.442695020e+00, v18;
	v27 =	vmul.f32 $1.442695020e+00, v56;
	v16 =	vadd.f32 $1.000000000e+00, v16  }
0x1bf: {  	(erf) = vrcp.f32 v12;
	v12 =	vmul.f32 v21, v0;
	v21 =	vld [tilespmem:s31+$0x20];
	v9 =	vpop (erf)  }
0x1c0: {  	v15 =	vadd.f32 v15, v20;
	(erf) = vpow2.f32 v17;
	v17 =	vld [tilespmem:s29+$0x20];
	v57 =	vadd.f32 $1.000000000e+00, v9  }
0x1c1: {  	v63 =	vld [tilespmem:s29+$0xFFFFFFB0];
	v9 =	vmul.f32 v23, v0;
	v22 =	vadd.f32 v53, v22;
	(erf) = vrcp.f32 v16  }
0x1c2: {  	v32 =	vld [tilespmem:s29+$0x30];
	v15 =	vmul.f32 $1.442695020e+00, v15;
	(erf) = vpow2.f32 v54;
	v19 =	vadd.f32 v55, v19;
	v16 =	vpop (erf)  }
0x1c3: {  	v34 =	vld [tilespmem:s31+$0xFFFFFF40];
	v22 =	vmul.f32 $1.442695020e+00, v22;
	(erf) = vrcp.f32 v57;
	v20 =	vpop (erf);
	v16 =	vadd.f32 $1.000000000e+00, v16  }
0x1c4: {  	v23 =	vld [tilespmem:s31+$0xFFFFFF30];
	v19 =	vmul.f32 $1.442695020e+00, v19;
	v20 =	vmul.f32 v20, v6;
	v59 =	vpop (erf)  }
0x1c5: {  	v17 =	vadd.f32 v17, v21;
	v61 =	vadd.f32 $1.000000000e+00, v59;
	v62 =	vpop (erf);
	(erf) = vrcp.f32 v16;
	v16 =	vld [tilespmem:s31+$0x30]  }
0x1c6: {  	v42 =	vld [tilespmem:s29+$0xFFFFFFD0];
	v20 =	vadd.f32 $0.0e+00, v20;
	v28 =	vmul.f32 v62, v7;
	(erf) = vpow2.f32 v18;
	v18 =	vpop (erf)  }
0x1c7: {  	v40 =	vld [tilespmem:s31+$0xFFFFFFD0];
	v17 =	vmul.f32 $1.442695020e+00, v17;
	v33 =	vpop (erf);
	(erf) = vrcp.f32 v61  }
0x1c8: {  	v35 =	vld [tilespmem:s29+$0xFFFFFF40];
	v18 =	vmul.f32 v18, v5;
	v20 =	vadd.f32 v28, v20;
	(erf) = vpow2.f32 v27;
	v21 =	vpop (erf)  }
0x1c9: {  	v36 =	vld [tilespmem:s29+$0xFFFFFFC0];
	v21 =	vmul.f32 v21, v4;
	(erf) = vpow2.f32 v15;
	v15 =	vadd.f32 v58, v23  }
0x1ca: {  	v23 =	vld [tilespmem:s31+$0xFFFFFFC0];
	(erf) = vpow2.f32 v22;
	v22 =	vadd.f32 v63, v60;
	v16 =	vadd.f32 v32, v16  }
0x1cb: {  	v18 =	vadd.f32 v18, v20;
	(erf) = vpow2.f32 v19;
	v15 =	vmul.f32 $1.442695020e+00, v15;
	v19 =	vld [tilespmem:s31+$0x40]  }
0x1cc: {  	v26 =	vadd.f32 v42, v40;
	v20 =	vpop (erf);
	(erf) = vpow2.f32 v17;
	v17 =	vmul.f32 $1.442695020e+00, v22;
	v22 =	vld [tilespmem:s29+$0x40]  }
0x1cd: {  	v16 =	vmul.f32 $1.442695020e+00, v16;
	v18 =	vadd.f32 v21, v18;
	v37 =	vpop (erf);
	(erf) = vpow2.f32 v15  }
0x1ce: {  	v38 =	vld [tilespmem:s31+$0xFFFFFF50];
	v15 =	vadd.f32 v35, v34;
	v20 =	vadd.f32 $1.000000000e+00, v20;
	(erf) = vpow2.f32 v17  }
0x1cf: {  	v21 =	vpop (erf);
	v17 =	vld [tilespmem:s29+$0xFFFFFF50];
	v23 =	vadd.f32 v36, v23;
	(erf) = vpow2.f32 v16;
	v16 =	vmul.f32 v37, v3  }
0x1d0: {  	v26 =	vmul.f32 $1.442695020e+00, v26;
	v28 =	vadd.f32 $1.000000000e+00, v33;
	v39 =	vpop (erf);
	v15 =	vmul.f32 $1.442695020e+00, v15  }
0x1d1: {  	v41 =	vpop (erf);
	(erf) = vrcp.f32 v20;
	v23 =	vmul.f32 $1.442695020e+00, v23;
	v19 =	vadd.f32 v22, v19;
	v22 =	vld [tilespmem:s31+$0x50]  }
0x1d2: {  	v20 =	vpop (erf);
	(erf) = vpow2.f32 v15;
	v15 =	vadd.f32 v16, v18;
	v18 =	vadd.f32 $1.000000000e+00, v21;
	v21 =	vld [tilespmem:s29+$0x50]  }
0x1d3: {  	(erf) = vrcp.f32 v28;
	v20 =	vadd.f32 $1.000000000e+00, v20;
	v16 =	vpop (erf);
	v19 =	vmul.f32 $1.442695020e+00, v19  }
0x1d4: {  	v44 =	vld [tilespmem:s31+$0xFFFFFF60];
	v17 =	vadd.f32 v17, v38;
	(erf) = vpow2.f32 v23;
	v23 =	vmul.f32 v39, v2;
	v43 =	vpop (erf)  }
0x1d5: {  	v46 =	vld [tilespmem:s29+$0xFFFFFF60];
	v14 =	vmul.f32 v48, v0;
	(erf) = vrcp.f32 v18;
	v45 =	vpop (erf)  }
0x1d6: {  	v47 =	vld [tilespmem:s31+$0xFFFFFFE0];
	v17 =	vmul.f32 $1.442695020e+00, v17;
	(erf) = vpow2.f32 v19;
	v15 =	vadd.f32 v23, v15;
	v18 =	vpop (erf)  }
0x1d7: {  	v48 =	vld [tilespmem:s29+$0xFFFFFFE0];
	v23 =	vadd.f32 $1.000000000e+00, v43;
	v21 =	vadd.f32 v21, v22;
	v19 =	vpop (erf);
	(erf) = vrcp.f32 v20  }
0x1d8: {  	v22 =	vld [tilespmem:s31+$0x60];
	v20 =	vpop (erf);
	(erf) = vpow2.f32 v17;
	v17 =	vmul.f32 v41, v1  }
0x1d9: {  	v49 =	vadd.f32 $1.000000000e+00, v45;
	v21 =	vmul.f32 $1.442695020e+00, v21;
	v50 =	vpop (erf);
	(erf) = vrcp.f32 v23;
	v23 =	vld [tilespmem:s29+$0x60]  }
0x1da: {  	(erf) = vpow2.f32 v26;
	v51 =	vpop (erf);
	v15 =	vadd.f32 v17, v15;
	v17 =	vadd.f32 $1.000000000e+00, v18  }
0x1db: {  	v25 =	vadd.f32 v46, v44;
	v52 =	vld [tilespmem:s31+$0xFFFFFF70];
	v16 =	vmul.f32 v16, v0;
	v18 =	vpop (erf);
	(erf) = vrcp.f32 v49  }
0x1dc: {  	v31 =	vadd.f32 v14, v13;
	v19 =	vadd.f32 $1.000000000e+00, v19;
	v53 =	vpop (erf);
	(erf) = vpow2.f32 v21;
	v21 =	vld [tilespmem:s29+$0xFFFFFF70]  }
0x1dd: {  	v25 =	vmul.f32 $1.442695020e+00, v25;
	v28 =	vadd.f32 v48, v47;
	v55 =	vadd.f32 v16, v15;
	v16 =	vld [tilespmem:s29+$0xFFFFFFF0]  }
0x1de: {  	v15 =	vadd.f32 $1.000000000e+00, v20;
	(erf) = vrcp.f32 v17;
	v17 =	vpop (erf);
	v22 =	vadd.f32 v23, v22;
	v23 =	vld [tilespmem:s31+$0xFFFFFFF0]  }
0x1df: {  	v56 =	vld [tilespmem:s29+$0x70];
	v28 =	vmul.f32 $1.442695020e+00, v28;
	v26 =	vadd.f32 $1.000000000e+00, v51;
	(erf) = vpow2.f32 v25;
	v54 =	vpop (erf)  }
0x1e0: {  	v20 =	vld [tilespmem:s31+$0x70];
	v57 =	vmul.f32 v53, v6;
	(erf) = vrcp.f32 v19;
	v59 =	vadd.f32 $1.000000000e+00, v17;
	v19 =	vpop (erf)  }
0x1e1: {  	(erf) = vpow2.f32 v28;
	v13 =	vmul.f32 $1.442695020e+00, v22;
	v22 =	vadd.f32 $1.000000000e+00, v50;
	v14 =	vpop (erf)  }
0x1e2: {  	v17 =	vmul.f32 v54, v6;
	v21 =	vadd.f32 v21, v52;
	(erf) = vrcp.f32 v15;
	v15 =	vpop (erf)  }
0x1e3: {  	v60 =	vadd.f32 $1.000000000e+00, v19;
	(erf) = vpow2.f32 v13;
	v58 =	vpop (erf);
	v16 =	vadd.f32 v16, v23  }
0x1e4: {  	(erf) = vrcp.f32 v22;
	v13 =	vadd.f32 $1.000000000e+00, v15;
	v15 =	vmul.f32 $1.442695020e+00, v21;
	v19 =	vpop (erf)  }
0x1e5: {  	v21 =	vmul.f32 v14, v6;
	v22 =	vpop (erf);
	v14 =	vadd.f32 $1.000000000e+00, v19;
	v19 =	vadd.f32 v56, v20  }
0x1e6: {  	v18 =	vadd.f32 $1.000000000e+00, v18;
	v61 =	vadd.f32 $0.0e+00, v17;
	v63 =	vmul.f32 v58, v7;
	v20 =	vpop (erf)  }
0x1e7: {  	v23 =	vadd.f32 $0.0e+00, v57;
	v62 =	vmul.f32 $1.442695020e+00, v16;
	(erf) = vpow2.f32 v15;
	v32 =	vpop (erf)  }
0x1e8: {  	v17 =	vadd.f32 $0.0e+00, v21;
	(erf) = vrcp.f32 v26;
	v21 =	vmul.f32 $1.442695020e+00, v19;
	v16 =	vpop (erf)  }
0x1e9: {  	s2 =	simm.s32 $0xEFA0;
	v12 =	vadd.f32 v12, v11;
	(erf) = vpow2.f32 v62;
	v19 =	vpop (erf)  }
0x1ea: {  	[tilespmem:s2+$0x10] =	vst v10;
	v11 =	vadd.f32 v63, v23;
	v15 =	vadd.f32 $1.000000000e+00, v20;
	(erf) = vrcp.f32 v18;
	v10 =	vpop (erf)  }
0x1eb: {  	[tilespmem:s2+$0xFFFFFFE0] =	vst v31;
	v16 =	vadd.f32 $1.000000000e+00, v16;
	v18 =	vmul.f32 v22, v7;
	(erf) = vpow2.f32 v21;
	v20 =	vpop (erf)  }
0x1ec: {  	s30 =	simm.s32 $0xEFE0;
	[tilespmem:s2+$0xFFFFFFF0] =	vst v12;
	v22 =	vmul.f32 v32, v7;
	v10 =	vadd.f32 $1.000000000e+00, v10;
	(erf) = vrcp.f32 v59;
	v21 =	vpop (erf)  }
0x1ed: {  	s3 =	simm.s32 $0x7C00;
	s0 =	simm.s32 $0x4;
	[tilespmem:s30+$0x10] =	vst v55;
	v12 =	vadd.f32 v18, v61;
	(erf) = vrcp.f32 v60;
	v18 =	vadd.f32 $1.000000000e+00, v21;
	v21 =	vpop (erf)  }
.LBB2_5:
0x1ee: {  	v23 =	vld [tilespmem:s3+$0xE0];
	v19 =	vmul.f32 v19, v5;
	v17 =	vadd.f32 v22, v17;
	(erf) = vrcp.f32 v13;
	v13 =	vpop (erf)  }
0x1ef: {  	v25 =	vmul.f32 v20, v5;
	s29 =	sadd.s32 $0x200, s29;
	v22 =	vld [tilespmem:s3+$0x80];
	v13 =	vadd.f32 $1.000000000e+00, v13;
	v24 =	vpop (erf);
	(erf) = vrcp.f32 v14  }
0x1f0: {  	s0 =	sadd.s32 $0x4, s0;
	v14 =	vld [tilespmem:s29+$0x80];
	v11 =	vadd.f32 v19, v11;
	v19 =	vmul.f32 v21, v5;
	v21 =	vpop (erf);
	(erf) = vrcp.f32 v15  }
0x1f1: {  	p0 =	slt.u32 s0, $0x4C;
	v12 =	vadd.f32 v25, v12;
	v15 =	vld [tilespmem:s3+$0x90];
	v21 =	vadd.f32 $1.000000000e+00, v21;
	v20 =	vpop (erf);
	(erf) = vrcp.f32 v16  }
0x1f2: {  	v26 =	vmul.f32 v24, v4;
	v16 =	vld [tilespmem:s29+$0x90];
	v17 =	vadd.f32 v19, v17;
	(erf) = vrcp.f32 v10;
	v10 =	vpop (erf)  }
0x1f3: {  	v20 =	vmul.f32 v20, v4;
	v19 =	vld [tilespmem:s3+$0xA0];
	v10 =	vadd.f32 $1.000000000e+00, v10;
	(erf) = vrcp.f32 v18;
	v18 =	vpop (erf)  }
0x1f4: {  	v11 =	vadd.f32 v26, v11;
	v25 =	vld [tilespmem:s29+$0xA0];
	v26 =	vmul.f32 v18, v4;
	(erf) = vrcp.f32 v13;
	v13 =	vpop (erf)  }
0x1f5: {  	v14 =	vadd.f32 v14, v22;
	v22 =	vld [tilespmem:s3+$0xB0];
	v13 =	vadd.f32 $1.000000000e+00, v13;
	v24 =	vpop (erf);
	(erf) = vrcp.f32 v21  }
0x1f6: {  	v12 =	vadd.f32 v20, v12;
	v21 =	vld [tilespmem:s29+$0xB0];
	v17 =	vadd.f32 v26, v17;
	v18 =	vpop (erf);
	(erf) = vrcp.f32 v10  }
0x1f7: {  	v26 =	vmul.f32 $1.442695020e+00, v14;
	v14 =	vadd.f32 v16, v15;
	v15 =	vld [tilespmem:s3+$0xC0];
	v16 =	vpop (erf);
	(erf) = vrcp.f32 v13  }
0x1f8: {  	v8 =	vadd.f32 v9, v8;
	v20 =	vmul.f32 v24, v3;
	v27 =	vmul.f32 v18, v3;
	v13 =	vld [tilespmem:s29+$0xC0];
	v24 =	vpop (erf)  }
0x1f9: {  	v28 =	vmul.f32 $1.442695020e+00, v14;
	v14 =	vadd.f32 v25, v19;
	v19 =	vld [tilespmem:s3+$0xD0];
	(erf) = vpow2.f32 v26;
	v10 =	vpop (erf)  }
0x1fa: {  	v11 =	vadd.f32 v20, v11;
	v16 =	vmul.f32 v16, v3;
	v12 =	vadd.f32 v27, v12;
	v25 =	vld [tilespmem:s29+$0xD0];
	v18 =	vpop (erf);
	[tilespmem:s2+$0x0] =	vst v8;
	s2 =	smov.u32 s30  }
0x1fb: {  	v26 =	vmul.f32 $1.442695020e+00, v14;
	v14 =	vadd.f32 v21, v22;
	v20 =	vld [tilespmem:s29+$0xE0];
	(erf) = vpow2.f32 v28;
	v9 =	vpop (erf)  }
0x1fc: {  	v10 =	vmul.f32 v10, v2;
	v16 =	vadd.f32 v16, v17;
	v22 =	vmul.f32 v24, v2;
	v21 =	vld [tilespmem:s3+$0xF0];
	v17 =	vpop (erf)  }
0x1fd: {  	v27 =	vmul.f32 $1.442695020e+00, v14;
	v13 =	vadd.f32 v13, v15;
	v15 =	vld [tilespmem:s29+$0xF0];
	(erf) = vpow2.f32 v26;
	v8 =	vpop (erf)  }
0x1fe: {  	v10 =	vadd.f32 v10, v12;
	v12 =	vmul.f32 v18, v2;
	v11 =	vadd.f32 v22, v11;
	v24 =	vld [tilespmem:s29+$0xFFFFFF00];
	v18 =	vpop (erf)  }
0x1ff: {  	v22 =	vld [tilespmem:s3+$0xFFFFFF80];
	v13 =	vmul.f32 $1.442695020e+00, v13;
	v19 =	vadd.f32 v25, v19;
	(erf) = vpow2.f32 v27;
	v14 =	vpop (erf)  }
0x200: {  	v9 =	vmul.f32 v9, v1;
	v16 =	vadd.f32 v12, v16;
	v25 =	vld [tilespmem:s29+$0xFFFFFF80];
	v27 =	vadd.f32 v20, v23;
	v23 =	vpop (erf)  }
0x201: {  	v26 =	vld [tilespmem:s3+$0x0];
	v12 =	vmul.f32 $1.442695020e+00, v19;
	(erf) = vpow2.f32 v13  }
0x202: {  	v17 =	vmul.f32 v17, v1;
	v13 =	vld [tilespmem:s29+$0x0];
	v19 =	vmul.f32 $1.442695020e+00, v27;
	v15 =	vadd.f32 v15, v21;
	v20 =	vpop (erf)  }
0x203: {  	v8 =	vmul.f32 v8, v1;
	v21 =	vld [tilespmem:s3+$0xFFFFFF00];
	v20 =	vadd.f32 $1.000000000e+00, v20;
	(erf) = vpow2.f32 v12  }
0x204: {  	v12 =	vadd.f32 v9, v11;
	v27 =	vld [tilespmem:s3+$0xFFFFFF10];
	v15 =	vmul.f32 $1.442695020e+00, v15;
	v28 =	vpop (erf);
	(erf) = vpow2.f32 v19  }
0x205: {  	v9 =	vld [tilespmem:s29+$0xFFFFFF10];
	v11 =	vadd.f32 v25, v22;
	v19 =	vadd.f32 $1.000000000e+00, v28;
	(erf) = vrcp.f32 v20  }
0x206: {  	v10 =	vadd.f32 v17, v10;
	v8 =	vadd.f32 v8, v16;
	v20 =	vld [tilespmem:s3+$0xFFFFFF90];
	v22 =	vpop (erf);
	(erf) = vpow2.f32 v15  }
0x207: {  	v15 =	vld [tilespmem:s29+$0xFFFFFF90];
	v16 =	vadd.f32 v13, v26;
	v17 =	vadd.f32 $1.000000000e+00, v22;
	(erf) = vrcp.f32 v19  }
0x208: {  	v13 =	vmul.f32 v18, v0;
	v19 =	vadd.f32 v24, v21;
	v24 =	vmul.f32 $1.442695020e+00, v11;
	v21 =	vld [tilespmem:s3+$0x10];
	v22 =	vpop (erf)  }
0x209: {  	v16 =	vmul.f32 $1.442695020e+00, v16;
	v18 =	vld [tilespmem:s29+$0x10];
	v22 =	vadd.f32 $1.000000000e+00, v22;
	(erf) = vrcp.f32 v17  }
0x20a: {  	v17 =	vmul.f32 $1.442695020e+00, v19;
	v26 =	vadd.f32 v9, v27;
	v19 =	vld [tilespmem:s3+$0xFFFFFF20];
	(erf) = vpow2.f32 v24;
	v11 =	vpop (erf)  }
0x20b: {  	v24 =	vld [tilespmem:s29+$0xFFFFFF20];
	v27 =	vadd.f32 $1.000000000e+00, v11;
	(erf) = vrcp.f32 v22;
	v11 =	vmul.f32 v14, v0  }
0x20c: {  	v14 =	vmul.f32 $1.442695020e+00, v26;
	v15 =	vadd.f32 v15, v20;
	v20 =	vld [tilespmem:s3+$0xFFFFFFA0];
	(erf) = vpow2.f32 v17;
	v9 =	vpop (erf)  }
0x20d: {  	v17 =	vld [tilespmem:s29+$0xFFFFFFA0];
	v28 =	vadd.f32 $1.000000000e+00, v9;
	(erf) = vrcp.f32 v27;
	v25 =	vpop (erf);
	v9 =	vmul.f32 v23, v0  }
0x20e: {  	v15 =	vmul.f32 $1.442695020e+00, v15;
	v18 =	vadd.f32 v18, v21;
	v21 =	vld [tilespmem:s3+$0x20];
	(erf) = vpow2.f32 v16;
	v16 =	vpop (erf)  }
0x20f: {  	v25 =	vadd.f32 $1.000000000e+00, v25;
	v23 =	vld [tilespmem:s29+$0x20];
	v16 =	vmul.f32 v16, v6;
	(erf) = vrcp.f32 v28;
	v22 =	vpop (erf)  }
0x210: {  	v19 =	vadd.f32 v24, v19;
	v24 =	vld [tilespmem:s3+$0xFFFFFF30];
	v18 =	vmul.f32 $1.442695020e+00, v18;
	v22 =	vadd.f32 $1.000000000e+00, v22;
	v26 =	vpop (erf)  }
0x211: {  	v27 =	vld [tilespmem:s29+$0xFFFFFF30];
	v16 =	vadd.f32 $0.0e+00, v16;
	v28 =	vmul.f32 v26, v7;
	(erf) = vrcp.f32 v25  }
0x212: {  	v19 =	vmul.f32 $1.442695020e+00, v19;
	v17 =	vadd.f32 v17, v20;
	v20 =	vld [tilespmem:s3+$0xFFFFFFB0];
	(erf) = vpow2.f32 v14;
	v14 =	vpop (erf)  }
0x213: {  	v25 =	vld [tilespmem:s29+$0xFFFFFFB0];
	v28 =	vadd.f32 v28, v16;
	v14 =	vmul.f32 v14, v5;
	v26 =	vpop (erf);
	(erf) = vrcp.f32 v22  }
0x214: {  	v29 =	vmul.f32 $1.442695020e+00, v17;
	v21 =	vadd.f32 v23, v21;
	v22 =	vld [tilespmem:s3+$0x30];
	(erf) = vpow2.f32 v15;
	v15 =	vpop (erf)  }
0x215: {  	v23 =	vld [tilespmem:s29+$0x30];
	v14 =	vadd.f32 v14, v28;
	v15 =	vmul.f32 v15, v4;
	v16 =	vpop (erf);
	(erf) = vpow2.f32 v18  }
0x216: {  	v18 =	vadd.f32 v27, v24;
	v24 =	vld [tilespmem:s3+$0xFFFFFF40];
	v28 =	vmul.f32 $1.442695020e+00, v21;
	(erf) = vpow2.f32 v19;
	v19 =	vpop (erf)  }
0x217: {  	v27 =	vld [tilespmem:s29+$0xFFFFFF40];
	v14 =	vadd.f32 v15, v14;
	v15 =	vmul.f32 v19, v3;
	(erf) = vpow2.f32 v29;
	v17 =	vpop (erf)  }
0x218: {  	v29 =	vmul.f32 $1.442695020e+00, v18;
	v19 =	vadd.f32 v25, v20;
	v20 =	vld [tilespmem:s3+$0xFFFFFFC0];
	(erf) = vpow2.f32 v28;
	v21 =	vpop (erf)  }
0x219: {  	v16 =	vadd.f32 $1.000000000e+00, v16;
	v25 =	vld [tilespmem:s29+$0xFFFFFFC0];
	v14 =	vadd.f32 v15, v14;
	v15 =	vmul.f32 v21, v2  }
0x21a: {  	v28 =	vmul.f32 $1.442695020e+00, v19;
	v21 =	vadd.f32 v23, v22;
	v22 =	vld [tilespmem:s3+$0x40];
	(erf) = vpow2.f32 v29;
	v18 =	vpop (erf)  }
0x21b: {  	v23 =	vadd.f32 $1.000000000e+00, v26;
	v26 =	vld [tilespmem:s29+$0x40];
	v14 =	vadd.f32 v15, v14;
	v15 =	vmul.f32 v18, v1;
	v18 =	vpop (erf)  }
0x21c: {  	v24 =	vadd.f32 v27, v24;
	v27 =	vld [tilespmem:s3+$0xFFFFFF50];
	v21 =	vmul.f32 $1.442695020e+00, v21;
	(erf) = vpow2.f32 v28;
	v19 =	vpop (erf)  }
0x21d: {  	v17 =	vadd.f32 $1.000000000e+00, v17;
	v28 =	vld [tilespmem:s29+$0xFFFFFF50];
	v14 =	vadd.f32 v15, v14;
	v30 =	vmul.f32 v19, v0;
	v19 =	vpop (erf)  }
0x21e: {  	v31 =	vmul.f32 $1.442695020e+00, v24;
	v20 =	vadd.f32 v25, v20;
	v25 =	vld [tilespmem:s3+$0xFFFFFFD0];
	v29 =	vpop (erf);
	(erf) = vpow2.f32 v21  }
0x21f: {  	v18 =	vadd.f32 $1.000000000e+00, v18;
	v21 =	vld [tilespmem:s29+$0xFFFFFFD0];
	v30 =	vadd.f32 v30, v14;
	(erf) = vrcp.f32 v16;
	v15 =	vpop (erf)  }
0x220: {  	s30 =	sadd.s32 $0x40, s30;
	v16 =	vmul.f32 $1.442695020e+00, v20;
	v20 =	vadd.f32 v26, v22;
	v22 =	vld [tilespmem:s3+$0x50];
	(erf) = vpow2.f32 v31;
	v24 =	vpop (erf)  }
0x221: {  	v19 =	vadd.f32 $1.000000000e+00, v19;
	v26 =	vadd.f32 $1.000000000e+00, v29;
	v29 =	vld [tilespmem:s29+$0x50];
	[tilespmem:s30+$0x10] =	vst v30;
	(erf) = vrcp.f32 v23;
	v14 =	vpop (erf)  }
0x222: {  	v23 =	vadd.f32 v28, v27;
	v27 =	vld [tilespmem:s3+$0xFFFFFF60];
	v20 =	vmul.f32 $1.442695020e+00, v20;
	(erf) = vpow2.f32 v16  }
0x223: {  	v15 =	vadd.f32 $1.000000000e+00, v15;
	v24 =	vadd.f32 $1.000000000e+00, v24;
	v16 =	vld [tilespmem:s29+$0xFFFFFF60];
	v28 =	vpop (erf);
	(erf) = vrcp.f32 v17  }
0x224: {  	v17 =	vmul.f32 $1.442695020e+00, v23;
	v21 =	vadd.f32 v21, v25;
	v23 =	vld [tilespmem:s3+$0xFFFFFFE0];
	(erf) = vpow2.f32 v20  }
0x225: {  	v14 =	vadd.f32 $1.000000000e+00, v14;
	v20 =	vadd.f32 $1.000000000e+00, v28;
	v25 =	vld [tilespmem:s29+$0xFFFFFFE0];
	(erf) = vrcp.f32 v18;
	v18 =	vpop (erf)  }
0x226: {  	v21 =	vmul.f32 $1.442695020e+00, v21;
	v22 =	vadd.f32 v29, v22;
	v28 =	vld [tilespmem:s3+$0x60];
	(erf) = vpow2.f32 v17  }
0x227: {  	v12 =	vadd.f32 v13, v12;
	v18 =	vadd.f32 $1.000000000e+00, v18;
	v17 =	vld [tilespmem:s29+$0x60];
	(erf) = vrcp.f32 v19;
	v19 =	vpop (erf)  }
0x228: {  	v13 =	vadd.f32 v16, v27;
	v16 =	vld [tilespmem:s3+$0xFFFFFF70];
	v22 =	vmul.f32 $1.442695020e+00, v22;
	v27 =	vpop (erf);
	(erf) = vpow2.f32 v21  }
0x229: {  	v29 =	vadd.f32 $1.000000000e+00, v19;
	v21 =	vmul.f32 v27, v6;
	v27 =	vld [tilespmem:s29+$0xFFFFFF70];
	v19 =	vpop (erf);
	(erf) = vrcp.f32 v26;
	[tilespmem:s2+$0xFFFFFFE0] =	vst v12  }
0x22a: {  	v30 =	vmul.f32 $1.442695020e+00, v13;
	v13 =	vadd.f32 v25, v23;
	v23 =	vld [tilespmem:s3+$0xFFFFFFF0];
	v25 =	vpop (erf);
	(erf) = vpow2.f32 v22  }
0x22b: {  	v26 =	vadd.f32 $1.000000000e+00, v19;
	v19 =	vmul.f32 v25, v6;
	v22 =	vld [tilespmem:s29+$0xFFFFFFF0];
	(erf) = vrcp.f32 v15;
	v15 =	vpop (erf)  }
0x22c: {  	v13 =	vmul.f32 $1.442695020e+00, v13;
	v17 =	vadd.f32 v17, v28;
	v25 =	vld [tilespmem:s3+$0x70];
	(erf) = vpow2.f32 v30;
	v12 =	vpop (erf)  }
0x22d: {  	v28 =	vadd.f32 $1.000000000e+00, v15;
	v12 =	vmul.f32 v12, v6;
	v15 =	vld [tilespmem:s29+$0x70];
	(erf) = vrcp.f32 v24;
	v24 =	vpop (erf)  }
0x22e: {  	v16 =	vadd.f32 v27, v16;
	v30 =	vmul.f32 $1.442695020e+00, v17;
	v27 =	vpop (erf);
	(erf) = vpow2.f32 v13  }
0x22f: {  	v21 =	vadd.f32 $0.0e+00, v21;
	v13 =	vadd.f32 $1.000000000e+00, v24;
	v24 =	vpop (erf);
	(erf) = vrcp.f32 v14  }
0x230: {  	v16 =	vmul.f32 $1.442695020e+00, v16;
	v31 =	vadd.f32 v22, v23;
	v23 =	vpop (erf);
	(erf) = vpow2.f32 v30  }
0x231: {  	v14 =	vadd.f32 $1.000000000e+00, v24;
	v24 =	vadd.f32 $0.0e+00, v19;
	(erf) = vrcp.f32 v20;
	v17 =	vpop (erf)  }
0x232: {  	v30 =	vmul.f32 $1.442695020e+00, v31;
	v25 =	vadd.f32 v15, v25;
	(erf) = vpow2.f32 v16;
	v22 =	vpop (erf)  }
0x233: {  	v15 =	vadd.f32 $1.000000000e+00, v17;
	v17 =	vadd.f32 $0.0e+00, v12;
	(erf) = vrcp.f32 v18;
	v12 =	vpop (erf)  }
.Ltmp1:
0x234: {  	v16 =	vadd.f32 $1.000000000e+00, v12;
	v12 =	vmul.f32 $1.442695020e+00, v25;
	v19 =	vpop (erf);
	(erf) = vpow2.f32 v30;
	(pc) =	sbr.rel @p0 .LBB2_5-.Ltmp1, $4  }
0x235: {  	v27 =	vmul.f32 v27, v7;
	v25 =	vadd.f32 v11, v10;
	v20 =	vpop (erf);
	(erf) = vrcp.f32 v29  }
0x236: {  	v23 =	vmul.f32 v23, v7;
	v10 =	vadd.f32 $1.000000000e+00, v20;
	v20 =	vpop (erf);
	(erf) = vpow2.f32 v12  }
0x237: {  	v22 =	vmul.f32 v22, v7;
	v11 =	vadd.f32 v27, v21;
	(erf) = vrcp.f32 v26;
	v18 =	vpop (erf);
	[tilespmem:s2+$0xFFFFFFF0] =	vst v25  }
0x238: {  	s3 =	sadd.s32 $0x200, s3;
	v12 =	vadd.f32 v23, v24;
	v18 =	vadd.f32 $1.000000000e+00, v18;
	(erf) = vrcp.f32 v28;
	v21 =	vpop (erf)  }
0x239: {  	(erf) = vrcp.f32 v13;
	v6 =	vpop (erf)  }
0x23a: {  	(erf) = vrcp.f32 v14;
	v7 =	vpop (erf)  }
0x23b: {  	(erf) = vrcp.f32 v15;
	v26 =	vpop (erf)  }
0x23c: {  	(erf) = vrcp.f32 v16;
	v27 =	vpop (erf)  }
0x23d: {  	v28 =	vmul.f32 v19, v5;
	v6 =	vadd.f32 $1.000000000e+00, v6;
	(erf) = vrcp.f32 v10;
	v29 =	vpop (erf)  }
0x23e: {  	v30 =	vadd.f32 v22, v17;
	v13 =	vadd.f32 $1.000000000e+00, v26;
	(erf) = vrcp.f32 v18;
	v31 =	vpop (erf)  }
0x23f: {  	v32 =	vmul.f32 v20, v5;
	v10 =	vadd.f32 $1.000000000e+00, v29;
	(erf) = vrcp.f32 v6;
	v33 =	vpop (erf)  }
0x240: {  	v34 =	vmul.f32 v21, v5;
	v6 =	vadd.f32 $1.000000000e+00, v33;
	v35 =	vpop (erf);
	(erf) = vrcp.f32 v13  }
0x241: {  	v11 =	vadd.f32 v28, v11;
	v7 =	vmul.f32 v7, v4;
	v36 =	vpop (erf);
	(erf) = vrcp.f32 v10  }
0x242: {  	v37 =	vadd.f32 v32, v12;
	v38 =	vmul.f32 v27, v4;
	v39 =	vpop (erf);
	(erf) = vrcp.f32 v6  }
0x243: {  	v5 =	vadd.f32 v34, v30;
	v40 =	vadd.f32 v7, v11;
	v41 =	vmul.f32 v31, v4;
	v42 =	vpop (erf)  }
0x244: {  	v10 =	vadd.f32 v38, v37;
	v43 =	vmul.f32 v35, v3;
	v44 =	vmul.f32 v36, v3;
	v45 =	vpop (erf)  }
0x245: {  	v4 =	vadd.f32 v41, v5;
	v46 =	vmul.f32 v39, v3;
	v47 =	vpop (erf)  }
0x246: {  	v6 =	vadd.f32 v43, v40;
	v10 =	vadd.f32 v44, v10;
	v7 =	vmul.f32 v42, v2;
	v48 =	vpop (erf)  }
0x247: {  	v49 =	vmul.f32 v45, v2;
	v3 =	vadd.f32 v46, v4;
	v51 =	vmul.f32 v47, v2;
	v50 =	vpop (erf)  }
0x248: {  	v6 =	vadd.f32 v7, v6;
	v53 =	vmul.f32 v48, v1;
	v52 =	vpop (erf)  }
0x249: {  	v10 =	vadd.f32 v49, v10;
	v2 =	vadd.f32 v51, v3;
	v55 =	vmul.f32 v50, v1;
	v54 =	vpop (erf)  }
0x24a: {  	v57 =	vmul.f32 v52, v1;
	v58 =	vadd.f32 v53, v6;
	v56 =	vpop (erf);
	v59 =	vmul.f32 v54, v0  }
0x24b: {  	v60 =	vadd.f32 v9, v8;
	v3 =	vadd.f32 v55, v10;
	v61 =	vpop (erf);
	v4 =	vmul.f32 v56, v0  }
0x24c: {  	v1 =	vadd.f32 v57, v2;
	v62 =	vmul.f32 v61, v0;
	v63 =	vadd.f32 v59, v58  }
0x24d: {  	s0 =	sadd.s32 s5, s28;
	[tilespmem:s2+$0x0] =	vst v60;
	v3 =	vadd.f32 v4, v3  }
0x24e: {  	s26 =	sadd.s32 $0x1, s26;
	s0 =	sshll.u32 s0, $0x1;
	[tilespmem:s30+$0xFFFFFFE0] =	vst v63;
	v0 =	vadd.f32 v62, v1  }
0x24f: {  	p0 =	sne.s32 s26, $0x3E;
	s0 =	sand.u32 $0x1FFFFFE0, s0;
	[tilespmem:s30+$0xFFFFFFF0] =	vst v3  }
.Ltmp2:
0x250: {  	s0 =	sadd.s32 s7, s0;
	[tilespmem:s30+$0x0] =	vst v0;
	(pc) =	sbr.rel @p0 .LBB2_2-.Ltmp2, $4  }
0x251: {  	[hbm4b:s0+s4] =	stream.linear.scatter [tilespmem:s22], [sflag:$0x5], $0x500, $0x38;
	[tilespmem:$0xF480] =	vst v63  }
0x252: {  	_ =	swait.ge [sflag:s13], $0x500  }
0x253: {  	[sflag:s13] =	ssyncset.done $0x0  }
0x254: {  	[sflag:s13] =	ssyncadd.s32 $0xFFFFFB00  }
0x255: {  	_ =	swait.ge [sflag:s20], $0x2800  }
0x256: {  	[sflag:s20] =	ssyncset.done $0x0  }
0x257: {  	[sflag:s20] =	ssyncadd.s32 $0xFFFFD800  }
0x258: {  	_ =	swait.ge [sflag:s21], $0x2800  }
0x259: {  	[sflag:s21] =	ssyncset.done $0x0  }
0x25a: {  	[sflag:s21] =	ssyncadd.s32 $0xFFFFD800  }
0x25b: {  	v6 =	vld [tilespmem:$0xEF00]  }
0x25c: {  	v7 =	vld [tilespmem:$0xEF10]  }
0x25d: {  	v5 =	vld [tilespmem:$0xEF20]  }
0x25e: {  	s2 =	simm.s32 $0x5000;
	v4 =	vld [tilespmem:$0xEF30]  }
0x25f: {  	v8 =	vld [tilespmem:s2+$0xE0]  }
0x260: {  	s0 =	simm.s32 $0xA000;
	v9 =	vld [tilespmem:s2+$0x80]  }
0x261: {  	v10 =	vld [tilespmem:s0+$0x80]  }
0x262: {  	v11 =	vld [tilespmem:s2+$0x90]  }
0x263: {  	v12 =	vld [tilespmem:s0+$0x90]  }
0x264: {  	v13 =	vld [tilespmem:s2+$0xA0]  }
0x265: {  	v14 =	vld [tilespmem:s0+$0xA0]  }
0x266: {  	v15 =	vld [tilespmem:s2+$0xB0]  }
0x267: {  	v9 =	vadd.f32 v10, v9;
	v10 =	vld [tilespmem:s0+$0xB0]  }
0x268: {  	v16 =	vld [tilespmem:s2+$0xC0]  }
0x269: {  	v11 =	vadd.f32 v12, v11;
	v12 =	vld [tilespmem:s0+$0xC0];
	v9 =	vmul.f32 $1.442695020e+00, v9  }
0x26a: {  	v17 =	vld [tilespmem:s2+$0xD0];
	v13 =	vadd.f32 v14, v13  }
0x26b: {  	v14 =	vld [tilespmem:s0+$0xE0];
	v11 =	vmul.f32 $1.442695020e+00, v11;
	(erf) = vpow2.f32 v9  }
0x26c: {  	v13 =	vmul.f32 $1.442695020e+00, v13;
	v9 =	vld [tilespmem:s0+$0xD0];
	v10 =	vadd.f32 v10, v15  }
0x26d: {  	(erf) = vpow2.f32 v11;
	v11 =	vld [tilespmem:s2+$0xF0]  }
0x26e: {  	v15 =	vld [tilespmem:s0+$0xF0];
	v12 =	vadd.f32 v12, v16;
	(erf) = vpow2.f32 v13;
	v10 =	vmul.f32 $1.442695020e+00, v10  }
0x26f: {  	v16 =	vld [tilespmem:s2+$0xFFFFFF80]  }
0x270: {  	v12 =	vmul.f32 $1.442695020e+00, v12;
	(erf) = vpow2.f32 v10;
	v10 =	vld [tilespmem:s0+$0xFFFFFF80]  }
0x271: {  	v3 =	vld [tilespmem:$0xEF40];
	v9 =	vadd.f32 v9, v17  }
0x272: {  	v8 =	vadd.f32 v14, v8;
	v14 =	vld [tilespmem:s2+$0x0];
	(erf) = vpow2.f32 v12  }
0x273: {  	v13 =	vld [tilespmem:s0+$0xFFFFFF00];
	v9 =	vmul.f32 $1.442695020e+00, v9  }
0x274: {  	v8 =	vmul.f32 $1.442695020e+00, v8;
	v17 =	vld [tilespmem:s2+$0xFFFFFF00];
	v11 =	vadd.f32 v15, v11;
	v15 =	vpop (erf)  }
0x275: {  	v12 =	vld [tilespmem:s0+$0x0];
	(erf) = vpow2.f32 v9;
	v15 =	vadd.f32 $1.000000000e+00, v15;
	v10 =	vadd.f32 v10, v16  }
0x276: {  	v11 =	vmul.f32 $1.442695020e+00, v11;
	v9 =	vld [tilespmem:s2+$0xFFFFFF10];
	v18 =	vpop (erf);
	(erf) = vpow2.f32 v8  }
0x277: {  	v8 =	vld [tilespmem:s0+$0xFFFFFF10];
	v18 =	vadd.f32 $1.000000000e+00, v18;
	v16 =	vpop (erf);
	(erf) = vrcp.f32 v15;
	v10 =	vmul.f32 $1.442695020e+00, v10  }
0x278: {  	v19 =	vld [tilespmem:s0+$0x10];
	v16 =	vadd.f32 $1.000000000e+00, v16;
	(erf) = vpow2.f32 v11  }
0x279: {  	v13 =	vadd.f32 v13, v17;
	v15 =	vld [tilespmem:s2+$0xFFFFFF90];
	(erf) = vrcp.f32 v18  }
0x27a: {  	v12 =	vadd.f32 v12, v14;
	v11 =	vld [tilespmem:s0+$0xFFFFFF90];
	v17 =	vpop (erf);
	(erf) = vrcp.f32 v16  }
0x27b: {  	v14 =	vld [tilespmem:s0+$0xFFFFFF20];
	v13 =	vmul.f32 $1.442695020e+00, v13;
	v17 =	vadd.f32 $1.000000000e+00, v17;
	(erf) = vpow2.f32 v10;
	v10 =	vpop (erf)  }
0x27c: {  	v18 =	vld [tilespmem:s2+$0x10];
	v8 =	vadd.f32 v8, v9;
	v9 =	vadd.f32 $1.000000000e+00, v10  }
0x27d: {  	v16 =	vld [tilespmem:s2+$0xFFFFFF20]  }
0x27e: {  	(erf) = vrcp.f32 v17;
	v10 =	vld [tilespmem:s2+$0xFFFFFFA0]  }
0x27f: {  	v12 =	vmul.f32 $1.442695020e+00, v12;
	v11 =	vadd.f32 v11, v15;
	(erf) = vpow2.f32 v13;
	v13 =	vpop (erf);
	v15 =	vld [tilespmem:s0+$0xFFFFFFA0]  }
0x280: {  	v20 =	vld [tilespmem:s0+$0x20];
	(erf) = vrcp.f32 v9;
	v13 =	vadd.f32 $1.000000000e+00, v13;
	v9 =	vpop (erf)  }
0x281: {  	v17 =	vld [tilespmem:s2+$0x20];
	v18 =	vadd.f32 v19, v18;
	v19 =	vpop (erf);
	(erf) = vpow2.f32 v12  }
0x282: {  	v2 =	vld [tilespmem:$0xEF50];
	(erf) = vrcp.f32 v13;
	v13 =	vadd.f32 v14, v16  }
0x283: {  	v22 =	vld [tilespmem:s2+$0xFFFFFFB0];
	v8 =	vmul.f32 $1.442695020e+00, v8;
	v12 =	vmul.f32 v19, v6;
	v19 =	vpop (erf)  }
0x284: {  	v9 =	vadd.f32 $1.000000000e+00, v9;
	v14 =	vmul.f32 $1.442695020e+00, v18;
	v10 =	vadd.f32 v15, v10;
	v15 =	vld [tilespmem:s0+$0xFFFFFFB0];
	v16 =	vpop (erf)  }
0x285: {  	v21 =	vld [tilespmem:s2+$0xFFFFFF30];
	v19 =	vadd.f32 $1.000000000e+00, v19;
	v12 =	vadd.f32 $0.0e+00, v12;
	v16 =	vmul.f32 v16, v7  }
0x286: {  	v17 =	vadd.f32 v20, v17;
	v20 =	vld [tilespmem:s0+$0x30];
	(erf) = vrcp.f32 v9;
	v9 =	vmul.f32 $1.442695020e+00, v13;
	v13 =	vpop (erf)  }
0x287: {  	v18 =	vld [tilespmem:s0+$0xFFFFFF30];
	(erf) = vpow2.f32 v8;
	v8 =	vadd.f32 v16, v12;
	v12 =	vmul.f32 v13, v5  }
0x288: {  	v11 =	vmul.f32 $1.442695020e+00, v11;
	v16 =	vld [tilespmem:s2+$0x30];
	v13 =	vpop (erf)  }
0x289: {  	v1 =	vld [tilespmem:$0xEF60];
	v10 =	vmul.f32 $1.442695020e+00, v10;
	(erf) = vrcp.f32 v19;
	v15 =	vadd.f32 v15, v22;
	v19 =	vpop (erf)  }
0x28a: {  	v0 =	vld [tilespmem:$0xEF70];
	(erf) = vpow2.f32 v11;
	v8 =	vadd.f32 v12, v8;
	v11 =	vmul.f32 v19, v4  }
0x28b: {  	v17 =	vmul.f32 $1.442695020e+00, v17;
	v19 =	vld [tilespmem:s2+$0xFFFFFF40];
	v15 =	vmul.f32 $1.442695020e+00, v15;
	v12 =	vpop (erf)  }
0x28c: {  	(erf) = vpow2.f32 v14;
	v14 =	vadd.f32 v18, v21;
	v21 =	vld [tilespmem:s0+$0xFFFFFF40];
	v8 =	vadd.f32 v11, v8;
	v18 =	vpop (erf)  }
0x28d: {  	v11 =	vld [tilespmem:s2+$0xFFFFFFC0];
	v16 =	vadd.f32 v20, v16;
	(erf) = vpow2.f32 v9;
	v9 =	vmul.f32 v18, v3  }
0x28e: {  	(erf) = vpow2.f32 v10;
	v10 =	vpop (erf);
	v14 =	vmul.f32 $1.442695020e+00, v14;
	v18 =	vld [tilespmem:s0+$0xFFFFFFC0]  }
0x28f: {  	v20 =	vld [tilespmem:s2+$0x40];
	v16 =	vmul.f32 $1.442695020e+00, v16;
	(erf) = vpow2.f32 v17;
	v17 =	vpop (erf)  }
0x290: {  	v8 =	vadd.f32 v9, v8;
	v9 =	vmul.f32 v17, v2;
	v17 =	vld [tilespmem:s0+$0x40];
	(erf) = vpow2.f32 v14  }
0x291: {  	v12 =	vadd.f32 $1.000000000e+00, v12;
	v14 =	vadd.f32 v21, v19;
	v19 =	vld [tilespmem:s2+$0xFFFFFF50];
	v21 =	vpop (erf);
	(erf) = vpow2.f32 v15  }
0x292: {  	v8 =	vadd.f32 v9, v8;
	v9 =	vld [tilespmem:s0+$0xFFFFFF50];
	(erf) = vpow2.f32 v16;
	v16 =	vmul.f32 v21, v1  }
0x293: {  	v23 =	vld [tilespmem:s0+$0xFFFFFFD0];
	v13 =	vadd.f32 $1.000000000e+00, v13;
	v14 =	vmul.f32 $1.442695020e+00, v14;
	v11 =	vadd.f32 v18, v11  }
0x294: {  	v22 =	vadd.f32 $1.000000000e+00, v10;
	v15 =	vpop (erf);
	v18 =	vld [tilespmem:s2+$0xFFFFFFD0];
	(erf) = vrcp.f32 v12;
	v8 =	vadd.f32 v16, v8  }
0x295: {  	v21 =	vpop (erf);
	v10 =	vmul.f32 $1.442695020e+00, v11;
	v11 =	vadd.f32 v17, v20;
	v17 =	vld [tilespmem:s2+$0x50];
	(erf) = vpow2.f32 v14  }
0x296: {  	v12 =	vpop (erf);
	v14 =	vmul.f32 v21, v0;
	v20 =	vld [tilespmem:s0+$0x50];
	(erf) = vrcp.f32 v13  }
0x297: {  	v16 =	vpop (erf);
	v9 =	vadd.f32 v9, v19;
	v19 =	vld [tilespmem:s2+$0xFFFFFF60];
	v11 =	vmul.f32 $1.442695020e+00, v11;
	(erf) = vpow2.f32 v10  }
0x298: {  	v15 =	vadd.f32 $1.000000000e+00, v15;
	v13 =	vpop (erf);
	v10 =	vadd.f32 v14, v8;
	v14 =	vld [tilespmem:s0+$0xFFFFFF60];
	(erf) = vrcp.f32 v22  }
0x299: {  	v8 =	vpop (erf);
	v22 =	vld [tilespmem:s2+$0xFFFFFFE0];
	(erf) = vpow2.f32 v11;
	v11 =	vadd.f32 $1.000000000e+00, v12  }
0x29a: {  	v18 =	vadd.f32 v23, v18;
	v23 =	vld [tilespmem:s0+$0xFFFFFFE0];
	v21 =	vpop (erf);
	v9 =	vmul.f32 $1.442695020e+00, v9  }
0x29b: {  	v12 =	vadd.f32 $1.000000000e+00, v16;
	v16 =	vpop (erf);
	(erf) = vrcp.f32 v15;
	v17 =	vadd.f32 v20, v17;
	v20 =	vld [tilespmem:s2+$0x60]  }
0x29c: {  	v18 =	vmul.f32 $1.442695020e+00, v18;
	v15 =	vpop (erf);
	(erf) = vpow2.f32 v9;
	v9 =	vadd.f32 $1.000000000e+00, v13;
	v13 =	vld [tilespmem:s0+$0x60]  }
0x29d: {  	(erf) = vrcp.f32 v11;
	v14 =	vadd.f32 v14, v19;
	v19 =	vld [tilespmem:s2+$0xFFFFFF70];
	v11 =	vpop (erf)  }
0x29e: {  	v17 =	vmul.f32 $1.442695020e+00, v17;
	v24 =	vpop (erf);
	(erf) = vpow2.f32 v18;
	v18 =	vadd.f32 $1.000000000e+00, v21;
	v21 =	vld [tilespmem:s0+$0xFFFFFF70]  }
0x29f: {  	v37 =	vld [tilespmem:s0+$0xFFFFFFF0];
	v8 =	vadd.f32 $1.000000000e+00, v8;
	(erf) = vrcp.f32 v12;
	v12 =	vmul.f32 $1.442695020e+00, v14  }
0x2a0: {  	v26 =	vld [tilespmem:s0+$0x70];
	v16 =	vadd.f32 $1.000000000e+00, v16;
	v25 =	vpop (erf);
	v14 =	vadd.f32 v23, v22;
	(erf) = vpow2.f32 v17  }
0x2a1: {  	v23 =	vpop (erf);
	v17 =	vmul.f32 v24, v6;
	v13 =	vadd.f32 v13, v20;
	v20 =	vld [tilespmem:s2+$0x70];
	(erf) = vrcp.f32 v9  }
0x2a2: {  	v15 =	vadd.f32 $1.000000000e+00, v15;
	v22 =	vld [tilespmem:s2+$0xFFFFFFF0];
	v9 =	vpop (erf);
	v14 =	vmul.f32 $1.442695020e+00, v14;
	(erf) = vpow2.f32 v12  }
0x2a3: {  	v23 =	vmul.f32 v23, v6;
	v12 =	vpop (erf);
	(erf) = vrcp.f32 v8;
	v19 =	vadd.f32 v21, v19  }
0x2a4: {  	v11 =	vadd.f32 $1.000000000e+00, v11;
	v13 =	vmul.f32 $1.442695020e+00, v13;
	v8 =	vpop (erf);
	(erf) = vpow2.f32 v14  }
0x2a5: {  	v9 =	vadd.f32 $1.000000000e+00, v9;
	v21 =	vpop (erf);
	(erf) = vrcp.f32 v18;
	v18 =	vmul.f32 $1.442695020e+00, v19  }
0x2a6: {  	v23 =	vadd.f32 $0.0e+00, v23;
	v20 =	vadd.f32 v26, v20;
	v38 =	vpop (erf)  }
0x2a7: {  	(erf) = vpow2.f32 v13;
	v13 =	vadd.f32 $0.0e+00, v17;
	v17 =	vadd.f32 v37, v22;
	v19 =	vpop (erf)  }
0x2a8: {  	v14 =	vadd.f32 $1.000000000e+00, v25;
	v12 =	vmul.f32 v12, v6;
	(erf) = vrcp.f32 v16;
	v16 =	vpop (erf)  }
0x2a9: {  	v8 =	vadd.f32 $1.000000000e+00, v8;
	(erf) = vpow2.f32 v18;
	v17 =	vmul.f32 $1.442695020e+00, v17;
	v18 =	vpop (erf)  }
0x2aa: {  	v12 =	vadd.f32 $0.0e+00, v12;
	v39 =	vpop (erf);
	(erf) = vrcp.f32 v15;
	v15 =	vmul.f32 $1.442695020e+00, v20  }
0x2ab: {  	s31 =	simm.s32 $0x5200;
	v22 =	vadd.f32 $1.000000000e+00, v38;
	v18 =	vmul.f32 v18, v7;
	v20 =	vpop (erf);
	(erf) = vpow2.f32 v17  }
0x2ac: {  	v40 =	vld [tilespmem:s31+$0xE0];
	v16 =	vadd.f32 $1.000000000e+00, v16;
	v17 =	vmul.f32 v21, v7;
	v21 =	vpop (erf);
	(erf) = vrcp.f32 v11  }
0x2ad: {  	v41 =	vld [tilespmem:s31+$0x90];
	v24 =	vadd.f32 $1.000000000e+00, v39;
	v11 =	vmul.f32 v19, v7;
	v19 =	vpop (erf);
	(erf) = vpow2.f32 v15  }
0x2ae: {  	v42 =	vld [tilespmem:s31+$0xB0];
	v12 =	vadd.f32 v18, v12;
	v13 =	vadd.f32 v17, v13;
	v15 =	vpop (erf);
	(erf) = vrcp.f32 v14  }
0x2af: {  	s26 =	simm.s32 $0xA200;
	v17 =	vld [tilespmem:s31+$0x80];
	v11 =	vadd.f32 v11, v23;
	v14 =	vpop (erf);
	(erf) = vrcp.f32 v9;
	v9 =	vmul.f32 v20, v5  }
0x2b0: {  	v21 =	vadd.f32 $1.000000000e+00, v21;
	v23 =	vld [tilespmem:s26+$0x80];
	v20 =	vpop (erf);
	(erf) = vrcp.f32 v8;
	v14 =	vmul.f32 v14, v5  }
0x2b1: {  	v43 =	vld [tilespmem:s26+$0xE0];
	v15 =	vadd.f32 $1.000000000e+00, v15;
	v8 =	vmul.f32 v19, v5;
	v18 =	vpop (erf);
	(erf) = vrcp.f32 v22  }
0x2b2: {  	v20 =	vadd.f32 $1.000000000e+00, v20;
	v9 =	vadd.f32 v9, v13;
	v22 =	vld [tilespmem:s31+$0xA0];
	v13 =	vpop (erf);
	(erf) = vrcp.f32 v16  }
0x2b3: {  	v16 =	vld [tilespmem:s26+$0xA0];
	v8 =	vadd.f32 v8, v11;
	v18 =	vmul.f32 v18, v4;
	v11 =	vpop (erf);
	(erf) = vrcp.f32 v24  }
0x2b4: {  	v19 =	vld [tilespmem:s26+$0x90];
	v12 =	vadd.f32 v14, v12;
	v13 =	vadd.f32 $1.000000000e+00, v13;
	(erf) = vrcp.f32 v21;
	v14 =	vpop (erf)  }
0x2b5: {  	v17 =	vadd.f32 v23, v17;
	v23 =	vld [tilespmem:s26+$0xC0];
	v11 =	vmul.f32 v11, v4;
	(erf) = vrcp.f32 v15;
	v15 =	vpop (erf)  }
0x2b6: {  	v21 =	vld [tilespmem:s26+$0xB0];
	v14 =	vadd.f32 $1.000000000e+00, v14;
	v15 =	vmul.f32 v15, v4;
	(erf) = vrcp.f32 v20;
	v20 =	vpop (erf)  }
0x2b7: {  	v9 =	vadd.f32 v18, v9;
	v18 =	vld [tilespmem:s31+$0xC0];
	v8 =	vadd.f32 v11, v8;
	v27 =	vpop (erf);
	(erf) = vrcp.f32 v13  }
0x2b8: {  	v46 =	vld [tilespmem:s31+$0xFFFFFF80];
	v20 =	vadd.f32 $1.000000000e+00, v20;
	v16 =	vadd.f32 v16, v22;
	v13 =	vpop (erf);
	(erf) = vrcp.f32 v14  }
0x2b9: {  	v47 =	vld [tilespmem:s31+$0x0];
	v14 =	vmul.f32 $1.442695020e+00, v17;
	v17 =	vadd.f32 v19, v41;
	v13 =	vmul.f32 v13, v3  }
0x2ba: {  	v11 =	vld [tilespmem:s31+$0xD0];
	v12 =	vadd.f32 v15, v12;
	v15 =	vpop (erf);
	(erf) = vrcp.f32 v20;
	v20 =	vmul.f32 v27, v3  }
0x2bb: {  	v19 =	vld [tilespmem:s26+$0xD0];
	v21 =	vadd.f32 v21, v42;
	v17 =	vmul.f32 $1.442695020e+00, v17;
	v44 =	vpop (erf);
	(erf) = vpow2.f32 v14  }
0x2bc: {  	v16 =	vmul.f32 $1.442695020e+00, v16;
	v18 =	vadd.f32 v23, v18;
	v14 =	vld [tilespmem:s31+$0xF0];
	v15 =	vmul.f32 v15, v3;
	v22 =	vpop (erf)  }
0x2bd: {  	v21 =	vmul.f32 $1.442695020e+00, v21;
	v9 =	vadd.f32 v20, v9;
	v20 =	vld [tilespmem:s26+$0xF0];
	v28 =	vpop (erf);
	(erf) = vpow2.f32 v17  }
0x2be: {  	v49 =	vld [tilespmem:s31+$0xFFFFFF00];
	v8 =	vadd.f32 v13, v8;
	v45 =	vmul.f32 v44, v2;
	v22 =	vmul.f32 v22, v2;
	v13 =	vpop (erf)  }
0x2bf: {  	v51 =	vld [tilespmem:s26+$0xFFFFFF10];
	v12 =	vadd.f32 v15, v12;
	v23 =	vmul.f32 v28, v2;
	v29 =	vpop (erf);
	(erf) = vpow2.f32 v16  }
0x2c0: {  	v18 =	vmul.f32 $1.442695020e+00, v18;
	v11 =	vadd.f32 v19, v11;
	v9 =	vadd.f32 v45, v9;
	v16 =	vld [tilespmem:s26+$0xFFFFFF80];
	v15 =	vpop (erf)  }
0x2c1: {  	v17 =	vld [tilespmem:s26+$0xFFFFFF00];
	v8 =	vadd.f32 v22, v8;
	v22 =	vadd.f32 v43, v40;
	v13 =	vmul.f32 v13, v1;
	v48 =	vpop (erf)  }
0x2c2: {  	v30 =	vld [tilespmem:s31+$0xFFFFFF90];
	v11 =	vmul.f32 $1.442695020e+00, v11;
	(erf) = vpow2.f32 v21;
	v14 =	vadd.f32 v20, v14;
	v21 =	vpop (erf)  }
0x2c3: {  	v53 =	vld [tilespmem:s26+$0xFFFFFF20];
	v12 =	vadd.f32 v23, v12;
	v50 =	vmul.f32 v29, v1;
	(erf) = vpow2.f32 v18;
	v23 =	vpop (erf)  }
0x2c4: {  	v19 =	vld [tilespmem:s26+$0x0];
	v22 =	vmul.f32 $1.442695020e+00, v22;
	v15 =	vmul.f32 v15, v1;
	v13 =	vadd.f32 v13, v9;
	v20 =	vpop (erf)  }
0x2c5: {  	v18 =	vld [tilespmem:s31+$0xFFFFFF10];
	(erf) = vpow2.f32 v11;
	v16 =	vadd.f32 v16, v46;
	v20 =	vadd.f32 $1.000000000e+00, v20  }
0x2c6: {  	v9 =	vld [tilespmem:s26+$0xFFFFFF90];
	v17 =	vadd.f32 v17, v49;
	v11 =	vmul.f32 $1.442695020e+00, v14;
	(erf) = vpow2.f32 v22;
	v14 =	vpop (erf)  }
0x2c7: {  	v55 =	vld [tilespmem:s26+$0xFFFFFFA0];
	v16 =	vmul.f32 $1.442695020e+00, v16;
	v14 =	vadd.f32 $1.000000000e+00, v14;
	(erf) = vrcp.f32 v20  }
0x2c8: {  	v58 =	vld [tilespmem:s26+$0xFFFFFF30];
	v22 =	vpop (erf);
	(erf) = vpow2.f32 v11;
	v11 =	vadd.f32 v50, v8;
	v8 =	vadd.f32 v15, v12  }
0x2c9: {  	v20 =	vld [tilespmem:s31+$0x10];
	v12 =	vadd.f32 v19, v47;
	v19 =	vadd.f32 $1.000000000e+00, v22  }
0x2ca: {  	v17 =	vmul.f32 $1.442695020e+00, v17;
	v15 =	vld [tilespmem:s26+$0x10];
	(erf) = vrcp.f32 v14  }
0x2cb: {  	v18 =	vadd.f32 v51, v18;
	v56 =	vadd.f32 v9, v30;
	v22 =	vld [tilespmem:s31+$0xFFFFFF20];
	v52 =	vpop (erf);
	(erf) = vrcp.f32 v19  }
0x2cc: {  	v54 =	vmul.f32 $1.442695020e+00, v12;
	v12 =	vadd.f32 $1.000000000e+00, v52;
	v19 =	vld [tilespmem:s31+$0xFFFFFFA0];
	(erf) = vpow2.f32 v16;
	v16 =	vpop (erf)  }
0x2cd: {  	v60 =	vld [tilespmem:s31+$0xFFFFFFB0];
	v18 =	vmul.f32 $1.442695020e+00, v18;
	v27 =	vmul.f32 $1.442695020e+00, v56;
	v16 =	vadd.f32 $1.000000000e+00, v16  }
0x2ce: {  	(erf) = vrcp.f32 v12;
	v12 =	vmul.f32 v21, v0;
	v21 =	vld [tilespmem:s31+$0x20];
	v9 =	vpop (erf)  }
0x2cf: {  	v15 =	vadd.f32 v15, v20;
	(erf) = vpow2.f32 v17;
	v17 =	vld [tilespmem:s26+$0x20];
	v57 =	vadd.f32 $1.000000000e+00, v9  }
0x2d0: {  	v63 =	vld [tilespmem:s26+$0xFFFFFFB0];
	v9 =	vmul.f32 v23, v0;
	v22 =	vadd.f32 v53, v22;
	(erf) = vrcp.f32 v16  }
0x2d1: {  	v32 =	vld [tilespmem:s26+$0x30];
	v15 =	vmul.f32 $1.442695020e+00, v15;
	(erf) = vpow2.f32 v54;
	v19 =	vadd.f32 v55, v19;
	v16 =	vpop (erf)  }
0x2d2: {  	v34 =	vld [tilespmem:s31+$0xFFFFFF40];
	v22 =	vmul.f32 $1.442695020e+00, v22;
	(erf) = vrcp.f32 v57;
	v20 =	vpop (erf);
	v16 =	vadd.f32 $1.000000000e+00, v16  }
0x2d3: {  	v23 =	vld [tilespmem:s31+$0xFFFFFF30];
	v19 =	vmul.f32 $1.442695020e+00, v19;
	v20 =	vmul.f32 v20, v6;
	v59 =	vpop (erf)  }
0x2d4: {  	v17 =	vadd.f32 v17, v21;
	v61 =	vadd.f32 $1.000000000e+00, v59;
	v62 =	vpop (erf);
	(erf) = vrcp.f32 v16;
	v16 =	vld [tilespmem:s31+$0x30]  }
0x2d5: {  	v42 =	vld [tilespmem:s26+$0xFFFFFFD0];
	v20 =	vadd.f32 $0.0e+00, v20;
	v28 =	vmul.f32 v62, v7;
	(erf) = vpow2.f32 v18;
	v18 =	vpop (erf)  }
0x2d6: {  	v40 =	vld [tilespmem:s31+$0xFFFFFFD0];
	v17 =	vmul.f32 $1.442695020e+00, v17;
	v33 =	vpop (erf);
	(erf) = vrcp.f32 v61  }
0x2d7: {  	v35 =	vld [tilespmem:s26+$0xFFFFFF40];
	v18 =	vmul.f32 v18, v5;
	v20 =	vadd.f32 v28, v20;
	(erf) = vpow2.f32 v27;
	v21 =	vpop (erf)  }
0x2d8: {  	v36 =	vld [tilespmem:s26+$0xFFFFFFC0];
	v21 =	vmul.f32 v21, v4;
	(erf) = vpow2.f32 v15;
	v15 =	vadd.f32 v58, v23  }
0x2d9: {  	v23 =	vld [tilespmem:s31+$0xFFFFFFC0];
	(erf) = vpow2.f32 v22;
	v22 =	vadd.f32 v63, v60;
	v16 =	vadd.f32 v32, v16  }
0x2da: {  	v18 =	vadd.f32 v18, v20;
	(erf) = vpow2.f32 v19;
	v15 =	vmul.f32 $1.442695020e+00, v15;
	v19 =	vld [tilespmem:s31+$0x40]  }
0x2db: {  	v26 =	vadd.f32 v42, v40;
	v20 =	vpop (erf);
	(erf) = vpow2.f32 v17;
	v17 =	vmul.f32 $1.442695020e+00, v22;
	v22 =	vld [tilespmem:s26+$0x40]  }
0x2dc: {  	v16 =	vmul.f32 $1.442695020e+00, v16;
	v18 =	vadd.f32 v21, v18;
	v37 =	vpop (erf);
	(erf) = vpow2.f32 v15  }
0x2dd: {  	v38 =	vld [tilespmem:s31+$0xFFFFFF50];
	v15 =	vadd.f32 v35, v34;
	v20 =	vadd.f32 $1.000000000e+00, v20;
	(erf) = vpow2.f32 v17  }
0x2de: {  	v21 =	vpop (erf);
	v17 =	vld [tilespmem:s26+$0xFFFFFF50];
	v23 =	vadd.f32 v36, v23;
	(erf) = vpow2.f32 v16;
	v16 =	vmul.f32 v37, v3  }
0x2df: {  	v26 =	vmul.f32 $1.442695020e+00, v26;
	v28 =	vadd.f32 $1.000000000e+00, v33;
	v39 =	vpop (erf);
	v15 =	vmul.f32 $1.442695020e+00, v15  }
0x2e0: {  	v41 =	vpop (erf);
	(erf) = vrcp.f32 v20;
	v23 =	vmul.f32 $1.442695020e+00, v23;
	v19 =	vadd.f32 v22, v19;
	v22 =	vld [tilespmem:s31+$0x50]  }
0x2e1: {  	v20 =	vpop (erf);
	(erf) = vpow2.f32 v15;
	v15 =	vadd.f32 v16, v18;
	v18 =	vadd.f32 $1.000000000e+00, v21;
	v21 =	vld [tilespmem:s26+$0x50]  }
0x2e2: {  	(erf) = vrcp.f32 v28;
	v20 =	vadd.f32 $1.000000000e+00, v20;
	v16 =	vpop (erf);
	v19 =	vmul.f32 $1.442695020e+00, v19  }
0x2e3: {  	v44 =	vld [tilespmem:s31+$0xFFFFFF60];
	v17 =	vadd.f32 v17, v38;
	(erf) = vpow2.f32 v23;
	v23 =	vmul.f32 v39, v2;
	v43 =	vpop (erf)  }
0x2e4: {  	v46 =	vld [tilespmem:s26+$0xFFFFFF60];
	v14 =	vmul.f32 v48, v0;
	(erf) = vrcp.f32 v18;
	v45 =	vpop (erf)  }
0x2e5: {  	v47 =	vld [tilespmem:s31+$0xFFFFFFE0];
	v17 =	vmul.f32 $1.442695020e+00, v17;
	(erf) = vpow2.f32 v19;
	v15 =	vadd.f32 v23, v15;
	v18 =	vpop (erf)  }
0x2e6: {  	v48 =	vld [tilespmem:s26+$0xFFFFFFE0];
	v23 =	vadd.f32 $1.000000000e+00, v43;
	v21 =	vadd.f32 v21, v22;
	v19 =	vpop (erf);
	(erf) = vrcp.f32 v20  }
0x2e7: {  	v22 =	vld [tilespmem:s31+$0x60];
	v20 =	vpop (erf);
	(erf) = vpow2.f32 v17;
	v17 =	vmul.f32 v41, v1  }
0x2e8: {  	v49 =	vadd.f32 $1.000000000e+00, v45;
	v21 =	vmul.f32 $1.442695020e+00, v21;
	v50 =	vpop (erf);
	(erf) = vrcp.f32 v23;
	v23 =	vld [tilespmem:s26+$0x60]  }
0x2e9: {  	(erf) = vpow2.f32 v26;
	v51 =	vpop (erf);
	v15 =	vadd.f32 v17, v15;
	v17 =	vadd.f32 $1.000000000e+00, v18  }
0x2ea: {  	v25 =	vadd.f32 v46, v44;
	v52 =	vld [tilespmem:s31+$0xFFFFFF70];
	v16 =	vmul.f32 v16, v0;
	v18 =	vpop (erf);
	(erf) = vrcp.f32 v49  }
0x2eb: {  	v31 =	vadd.f32 v14, v13;
	v19 =	vadd.f32 $1.000000000e+00, v19;
	v53 =	vpop (erf);
	(erf) = vpow2.f32 v21;
	v21 =	vld [tilespmem:s26+$0xFFFFFF70]  }
0x2ec: {  	v25 =	vmul.f32 $1.442695020e+00, v25;
	v28 =	vadd.f32 v48, v47;
	v55 =	vadd.f32 v16, v15;
	v16 =	vld [tilespmem:s26+$0xFFFFFFF0]  }
0x2ed: {  	v15 =	vadd.f32 $1.000000000e+00, v20;
	(erf) = vrcp.f32 v17;
	v17 =	vpop (erf);
	v22 =	vadd.f32 v23, v22;
	v23 =	vld [tilespmem:s31+$0xFFFFFFF0]  }
0x2ee: {  	v56 =	vld [tilespmem:s26+$0x70];
	v28 =	vmul.f32 $1.442695020e+00, v28;
	v26 =	vadd.f32 $1.000000000e+00, v51;
	(erf) = vpow2.f32 v25;
	v54 =	vpop (erf)  }
0x2ef: {  	v20 =	vld [tilespmem:s31+$0x70];
	v57 =	vmul.f32 v53, v6;
	(erf) = vrcp.f32 v19;
	v59 =	vadd.f32 $1.000000000e+00, v17;
	v19 =	vpop (erf)  }
0x2f0: {  	(erf) = vpow2.f32 v28;
	v13 =	vmul.f32 $1.442695020e+00, v22;
	v22 =	vadd.f32 $1.000000000e+00, v50;
	v14 =	vpop (erf)  }
0x2f1: {  	v17 =	vmul.f32 v54, v6;
	v21 =	vadd.f32 v21, v52;
	(erf) = vrcp.f32 v15;
	v15 =	vpop (erf)  }
0x2f2: {  	v60 =	vadd.f32 $1.000000000e+00, v19;
	(erf) = vpow2.f32 v13;
	v58 =	vpop (erf);
	v16 =	vadd.f32 v16, v23  }
0x2f3: {  	(erf) = vrcp.f32 v22;
	v13 =	vadd.f32 $1.000000000e+00, v15;
	v15 =	vmul.f32 $1.442695020e+00, v21;
	v19 =	vpop (erf)  }
0x2f4: {  	v21 =	vmul.f32 v14, v6;
	v22 =	vpop (erf);
	v14 =	vadd.f32 $1.000000000e+00, v19;
	v19 =	vadd.f32 v56, v20  }
0x2f5: {  	v18 =	vadd.f32 $1.000000000e+00, v18;
	v61 =	vadd.f32 $0.0e+00, v17;
	v63 =	vmul.f32 v58, v7;
	v20 =	vpop (erf)  }
0x2f6: {  	v23 =	vadd.f32 $0.0e+00, v57;
	v62 =	vmul.f32 $1.442695020e+00, v16;
	(erf) = vpow2.f32 v15;
	v32 =	vpop (erf)  }
0x2f7: {  	v17 =	vadd.f32 $0.0e+00, v21;
	(erf) = vrcp.f32 v26;
	v21 =	vmul.f32 $1.442695020e+00, v19;
	v16 =	vpop (erf)  }
0x2f8: {  	s2 =	simm.s32 $0xEFA0;
	v12 =	vadd.f32 v12, v11;
	(erf) = vpow2.f32 v62;
	v19 =	vpop (erf)  }
0x2f9: {  	[tilespmem:s2+$0x10] =	vst v10;
	v11 =	vadd.f32 v63, v23;
	v15 =	vadd.f32 $1.000000000e+00, v20;
	(erf) = vrcp.f32 v18;
	v10 =	vpop (erf)  }
0x2fa: {  	[tilespmem:s2+$0xFFFFFFE0] =	vst v31;
	v16 =	vadd.f32 $1.000000000e+00, v16;
	v18 =	vmul.f32 v22, v7;
	(erf) = vpow2.f32 v21;
	v20 =	vpop (erf)  }
0x2fb: {  	s28 =	simm.s32 $0xEFE0;
	[tilespmem:s2+$0xFFFFFFF0] =	vst v12;
	v22 =	vmul.f32 v32, v7;
	v10 =	vadd.f32 $1.000000000e+00, v10;
	(erf) = vrcp.f32 v59;
	v21 =	vpop (erf)  }
0x2fc: {  	s3 =	simm.s32 $0x5400;
	s0 =	simm.s32 $0x4;
	[tilespmem:s28+$0x10] =	vst v55;
	v12 =	vadd.f32 v18, v61;
	(erf) = vrcp.f32 v60;
	v18 =	vadd.f32 $1.000000000e+00, v21;
	v21 =	vpop (erf)  }
.LBB2_8:
0x2fd: {  	v23 =	vld [tilespmem:s3+$0xE0];
	v19 =	vmul.f32 v19, v5;
	v17 =	vadd.f32 v22, v17;
	(erf) = vrcp.f32 v13;
	v13 =	vpop (erf)  }
0x2fe: {  	v25 =	vmul.f32 v20, v5;
	s26 =	sadd.s32 $0x200, s26;
	v22 =	vld [tilespmem:s3+$0x80];
	v13 =	vadd.f32 $1.000000000e+00, v13;
	v24 =	vpop (erf);
	(erf) = vrcp.f32 v14  }
0x2ff: {  	s0 =	sadd.s32 $0x4, s0;
	v14 =	vld [tilespmem:s26+$0x80];
	v11 =	vadd.f32 v19, v11;
	v19 =	vmul.f32 v21, v5;
	v21 =	vpop (erf);
	(erf) = vrcp.f32 v15  }
0x300: {  	p0 =	slt.u32 s0, $0x4C;
	v12 =	vadd.f32 v25, v12;
	v15 =	vld [tilespmem:s3+$0x90];
	v21 =	vadd.f32 $1.000000000e+00, v21;
	v20 =	vpop (erf);
	(erf) = vrcp.f32 v16  }
0x301: {  	v26 =	vmul.f32 v24, v4;
	v16 =	vld [tilespmem:s26+$0x90];
	v17 =	vadd.f32 v19, v17;
	(erf) = vrcp.f32 v10;
	v10 =	vpop (erf)  }
0x302: {  	v20 =	vmul.f32 v20, v4;
	v19 =	vld [tilespmem:s3+$0xA0];
	v10 =	vadd.f32 $1.000000000e+00, v10;
	(erf) = vrcp.f32 v18;
	v18 =	vpop (erf)  }
0x303: {  	v11 =	vadd.f32 v26, v11;
	v25 =	vld [tilespmem:s26+$0xA0];
	v26 =	vmul.f32 v18, v4;
	(erf) = vrcp.f32 v13;
	v13 =	vpop (erf)  }
0x304: {  	v14 =	vadd.f32 v14, v22;
	v22 =	vld [tilespmem:s3+$0xB0];
	v13 =	vadd.f32 $1.000000000e+00, v13;
	v24 =	vpop (erf);
	(erf) = vrcp.f32 v21  }
0x305: {  	v12 =	vadd.f32 v20, v12;
	v21 =	vld [tilespmem:s26+$0xB0];
	v17 =	vadd.f32 v26, v17;
	v18 =	vpop (erf);
	(erf) = vrcp.f32 v10  }
0x306: {  	v26 =	vmul.f32 $1.442695020e+00, v14;
	v14 =	vadd.f32 v16, v15;
	v15 =	vld [tilespmem:s3+$0xC0];
	v16 =	vpop (erf);
	(erf) = vrcp.f32 v13  }
0x307: {  	v8 =	vadd.f32 v9, v8;
	v20 =	vmul.f32 v24, v3;
	v27 =	vmul.f32 v18, v3;
	v13 =	vld [tilespmem:s26+$0xC0];
	v24 =	vpop (erf)  }
0x308: {  	v28 =	vmul.f32 $1.442695020e+00, v14;
	v14 =	vadd.f32 v25, v19;
	v19 =	vld [tilespmem:s3+$0xD0];
	(erf) = vpow2.f32 v26;
	v10 =	vpop (erf)  }
0x309: {  	v11 =	vadd.f32 v20, v11;
	v16 =	vmul.f32 v16, v3;
	v12 =	vadd.f32 v27, v12;
	v25 =	vld [tilespmem:s26+$0xD0];
	v18 =	vpop (erf);
	[tilespmem:s2+$0x0] =	vst v8;
	s2 =	smov.u32 s28  }
0x30a: {  	v26 =	vmul.f32 $1.442695020e+00, v14;
	v14 =	vadd.f32 v21, v22;
	v20 =	vld [tilespmem:s26+$0xE0];
	(erf) = vpow2.f32 v28;
	v9 =	vpop (erf)  }
0x30b: {  	v10 =	vmul.f32 v10, v2;
	v16 =	vadd.f32 v16, v17;
	v22 =	vmul.f32 v24, v2;
	v21 =	vld [tilespmem:s3+$0xF0];
	v17 =	vpop (erf)  }
0x30c: {  	v27 =	vmul.f32 $1.442695020e+00, v14;
	v13 =	vadd.f32 v13, v15;
	v15 =	vld [tilespmem:s26+$0xF0];
	(erf) = vpow2.f32 v26;
	v8 =	vpop (erf)  }
0x30d: {  	v10 =	vadd.f32 v10, v12;
	v12 =	vmul.f32 v18, v2;
	v11 =	vadd.f32 v22, v11;
	v24 =	vld [tilespmem:s26+$0xFFFFFF00];
	v18 =	vpop (erf)  }
0x30e: {  	v22 =	vld [tilespmem:s3+$0xFFFFFF80];
	v13 =	vmul.f32 $1.442695020e+00, v13;
	v19 =	vadd.f32 v25, v19;
	(erf) = vpow2.f32 v27;
	v14 =	vpop (erf)  }
0x30f: {  	v9 =	vmul.f32 v9, v1;
	v16 =	vadd.f32 v12, v16;
	v25 =	vld [tilespmem:s26+$0xFFFFFF80];
	v27 =	vadd.f32 v20, v23;
	v23 =	vpop (erf)  }
0x310: {  	v26 =	vld [tilespmem:s3+$0x0];
	v12 =	vmul.f32 $1.442695020e+00, v19;
	(erf) = vpow2.f32 v13  }
0x311: {  	v17 =	vmul.f32 v17, v1;
	v13 =	vld [tilespmem:s26+$0x0];
	v19 =	vmul.f32 $1.442695020e+00, v27;
	v15 =	vadd.f32 v15, v21;
	v20 =	vpop (erf)  }
0x312: {  	v8 =	vmul.f32 v8, v1;
	v21 =	vld [tilespmem:s3+$0xFFFFFF00];
	v20 =	vadd.f32 $1.000000000e+00, v20;
	(erf) = vpow2.f32 v12  }
0x313: {  	v12 =	vadd.f32 v9, v11;
	v27 =	vld [tilespmem:s3+$0xFFFFFF10];
	v15 =	vmul.f32 $1.442695020e+00, v15;
	v28 =	vpop (erf);
	(erf) = vpow2.f32 v19  }
0x314: {  	v9 =	vld [tilespmem:s26+$0xFFFFFF10];
	v11 =	vadd.f32 v25, v22;
	v19 =	vadd.f32 $1.000000000e+00, v28;
	(erf) = vrcp.f32 v20  }
0x315: {  	v10 =	vadd.f32 v17, v10;
	v8 =	vadd.f32 v8, v16;
	v20 =	vld [tilespmem:s3+$0xFFFFFF90];
	v22 =	vpop (erf);
	(erf) = vpow2.f32 v15  }
0x316: {  	v15 =	vld [tilespmem:s26+$0xFFFFFF90];
	v16 =	vadd.f32 v13, v26;
	v17 =	vadd.f32 $1.000000000e+00, v22;
	(erf) = vrcp.f32 v19  }
0x317: {  	v13 =	vmul.f32 v18, v0;
	v19 =	vadd.f32 v24, v21;
	v24 =	vmul.f32 $1.442695020e+00, v11;
	v21 =	vld [tilespmem:s3+$0x10];
	v22 =	vpop (erf)  }
0x318: {  	v16 =	vmul.f32 $1.442695020e+00, v16;
	v18 =	vld [tilespmem:s26+$0x10];
	v22 =	vadd.f32 $1.000000000e+00, v22;
	(erf) = vrcp.f32 v17  }
0x319: {  	v17 =	vmul.f32 $1.442695020e+00, v19;
	v26 =	vadd.f32 v9, v27;
	v19 =	vld [tilespmem:s3+$0xFFFFFF20];
	(erf) = vpow2.f32 v24;
	v11 =	vpop (erf)  }
0x31a: {  	v24 =	vld [tilespmem:s26+$0xFFFFFF20];
	v27 =	vadd.f32 $1.000000000e+00, v11;
	(erf) = vrcp.f32 v22;
	v11 =	vmul.f32 v14, v0  }
0x31b: {  	v14 =	vmul.f32 $1.442695020e+00, v26;
	v15 =	vadd.f32 v15, v20;
	v20 =	vld [tilespmem:s3+$0xFFFFFFA0];
	(erf) = vpow2.f32 v17;
	v9 =	vpop (erf)  }
0x31c: {  	v17 =	vld [tilespmem:s26+$0xFFFFFFA0];
	v28 =	vadd.f32 $1.000000000e+00, v9;
	(erf) = vrcp.f32 v27;
	v25 =	vpop (erf);
	v9 =	vmul.f32 v23, v0  }
0x31d: {  	v15 =	vmul.f32 $1.442695020e+00, v15;
	v18 =	vadd.f32 v18, v21;
	v21 =	vld [tilespmem:s3+$0x20];
	(erf) = vpow2.f32 v16;
	v16 =	vpop (erf)  }
0x31e: {  	v25 =	vadd.f32 $1.000000000e+00, v25;
	v23 =	vld [tilespmem:s26+$0x20];
	v16 =	vmul.f32 v16, v6;
	(erf) = vrcp.f32 v28;
	v22 =	vpop (erf)  }
0x31f: {  	v19 =	vadd.f32 v24, v19;
	v24 =	vld [tilespmem:s3+$0xFFFFFF30];
	v18 =	vmul.f32 $1.442695020e+00, v18;
	v22 =	vadd.f32 $1.000000000e+00, v22;
	v26 =	vpop (erf)  }
0x320: {  	v27 =	vld [tilespmem:s26+$0xFFFFFF30];
	v16 =	vadd.f32 $0.0e+00, v16;
	v28 =	vmul.f32 v26, v7;
	(erf) = vrcp.f32 v25  }
0x321: {  	v19 =	vmul.f32 $1.442695020e+00, v19;
	v17 =	vadd.f32 v17, v20;
	v20 =	vld [tilespmem:s3+$0xFFFFFFB0];
	(erf) = vpow2.f32 v14;
	v14 =	vpop (erf)  }
0x322: {  	v25 =	vld [tilespmem:s26+$0xFFFFFFB0];
	v28 =	vadd.f32 v28, v16;
	v14 =	vmul.f32 v14, v5;
	v26 =	vpop (erf);
	(erf) = vrcp.f32 v22  }
0x323: {  	v29 =	vmul.f32 $1.442695020e+00, v17;
	v21 =	vadd.f32 v23, v21;
	v22 =	vld [tilespmem:s3+$0x30];
	(erf) = vpow2.f32 v15;
	v15 =	vpop (erf)  }
0x324: {  	v23 =	vld [tilespmem:s26+$0x30];
	v14 =	vadd.f32 v14, v28;
	v15 =	vmul.f32 v15, v4;
	v16 =	vpop (erf);
	(erf) = vpow2.f32 v18  }
0x325: {  	v18 =	vadd.f32 v27, v24;
	v24 =	vld [tilespmem:s3+$0xFFFFFF40];
	v28 =	vmul.f32 $1.442695020e+00, v21;
	(erf) = vpow2.f32 v19;
	v19 =	vpop (erf)  }
0x326: {  	v27 =	vld [tilespmem:s26+$0xFFFFFF40];
	v14 =	vadd.f32 v15, v14;
	v15 =	vmul.f32 v19, v3;
	(erf) = vpow2.f32 v29;
	v17 =	vpop (erf)  }
0x327: {  	v29 =	vmul.f32 $1.442695020e+00, v18;
	v19 =	vadd.f32 v25, v20;
	v20 =	vld [tilespmem:s3+$0xFFFFFFC0];
	(erf) = vpow2.f32 v28;
	v21 =	vpop (erf)  }
0x328: {  	v16 =	vadd.f32 $1.000000000e+00, v16;
	v25 =	vld [tilespmem:s26+$0xFFFFFFC0];
	v14 =	vadd.f32 v15, v14;
	v15 =	vmul.f32 v21, v2  }
0x329: {  	v28 =	vmul.f32 $1.442695020e+00, v19;
	v21 =	vadd.f32 v23, v22;
	v22 =	vld [tilespmem:s3+$0x40];
	(erf) = vpow2.f32 v29;
	v18 =	vpop (erf)  }
0x32a: {  	v23 =	vadd.f32 $1.000000000e+00, v26;
	v26 =	vld [tilespmem:s26+$0x40];
	v14 =	vadd.f32 v15, v14;
	v15 =	vmul.f32 v18, v1;
	v18 =	vpop (erf)  }
0x32b: {  	v24 =	vadd.f32 v27, v24;
	v27 =	vld [tilespmem:s3+$0xFFFFFF50];
	v21 =	vmul.f32 $1.442695020e+00, v21;
	(erf) = vpow2.f32 v28;
	v19 =	vpop (erf)  }
0x32c: {  	v17 =	vadd.f32 $1.000000000e+00, v17;
	v28 =	vld [tilespmem:s26+$0xFFFFFF50];
	v14 =	vadd.f32 v15, v14;
	v30 =	vmul.f32 v19, v0;
	v19 =	vpop (erf)  }
0x32d: {  	v31 =	vmul.f32 $1.442695020e+00, v24;
	v20 =	vadd.f32 v25, v20;
	v25 =	vld [tilespmem:s3+$0xFFFFFFD0];
	v29 =	vpop (erf);
	(erf) = vpow2.f32 v21  }
0x32e: {  	v18 =	vadd.f32 $1.000000000e+00, v18;
	v21 =	vld [tilespmem:s26+$0xFFFFFFD0];
	v30 =	vadd.f32 v30, v14;
	(erf) = vrcp.f32 v16;
	v15 =	vpop (erf)  }
0x32f: {  	s28 =	sadd.s32 $0x40, s28;
	v16 =	vmul.f32 $1.442695020e+00, v20;
	v20 =	vadd.f32 v26, v22;
	v22 =	vld [tilespmem:s3+$0x50];
	(erf) = vpow2.f32 v31;
	v24 =	vpop (erf)  }
0x330: {  	v19 =	vadd.f32 $1.000000000e+00, v19;
	v26 =	vadd.f32 $1.000000000e+00, v29;
	v29 =	vld [tilespmem:s26+$0x50];
	[tilespmem:s28+$0x10] =	vst v30;
	(erf) = vrcp.f32 v23;
	v14 =	vpop (erf)  }
0x331: {  	v23 =	vadd.f32 v28, v27;
	v27 =	vld [tilespmem:s3+$0xFFFFFF60];
	v20 =	vmul.f32 $1.442695020e+00, v20;
	(erf) = vpow2.f32 v16  }
0x332: {  	v15 =	vadd.f32 $1.000000000e+00, v15;
	v24 =	vadd.f32 $1.000000000e+00, v24;
	v16 =	vld [tilespmem:s26+$0xFFFFFF60];
	v28 =	vpop (erf);
	(erf) = vrcp.f32 v17  }
0x333: {  	v17 =	vmul.f32 $1.442695020e+00, v23;
	v21 =	vadd.f32 v21, v25;
	v23 =	vld [tilespmem:s3+$0xFFFFFFE0];
	(erf) = vpow2.f32 v20  }
0x334: {  	v14 =	vadd.f32 $1.000000000e+00, v14;
	v20 =	vadd.f32 $1.000000000e+00, v28;
	v25 =	vld [tilespmem:s26+$0xFFFFFFE0];
	(erf) = vrcp.f32 v18;
	v18 =	vpop (erf)  }
0x335: {  	v21 =	vmul.f32 $1.442695020e+00, v21;
	v22 =	vadd.f32 v29, v22;
	v28 =	vld [tilespmem:s3+$0x60];
	(erf) = vpow2.f32 v17  }
0x336: {  	v12 =	vadd.f32 v13, v12;
	v18 =	vadd.f32 $1.000000000e+00, v18;
	v17 =	vld [tilespmem:s26+$0x60];
	(erf) = vrcp.f32 v19;
	v19 =	vpop (erf)  }
0x337: {  	v13 =	vadd.f32 v16, v27;
	v16 =	vld [tilespmem:s3+$0xFFFFFF70];
	v22 =	vmul.f32 $1.442695020e+00, v22;
	v27 =	vpop (erf);
	(erf) = vpow2.f32 v21  }
0x338: {  	v29 =	vadd.f32 $1.000000000e+00, v19;
	v21 =	vmul.f32 v27, v6;
	v27 =	vld [tilespmem:s26+$0xFFFFFF70];
	v19 =	vpop (erf);
	(erf) = vrcp.f32 v26;
	[tilespmem:s2+$0xFFFFFFE0] =	vst v12  }
0x339: {  	v30 =	vmul.f32 $1.442695020e+00, v13;
	v13 =	vadd.f32 v25, v23;
	v23 =	vld [tilespmem:s3+$0xFFFFFFF0];
	v25 =	vpop (erf);
	(erf) = vpow2.f32 v22  }
0x33a: {  	v26 =	vadd.f32 $1.000000000e+00, v19;
	v19 =	vmul.f32 v25, v6;
	v22 =	vld [tilespmem:s26+$0xFFFFFFF0];
	(erf) = vrcp.f32 v15;
	v15 =	vpop (erf)  }
0x33b: {  	v13 =	vmul.f32 $1.442695020e+00, v13;
	v17 =	vadd.f32 v17, v28;
	v25 =	vld [tilespmem:s3+$0x70];
	(erf) = vpow2.f32 v30;
	v12 =	vpop (erf)  }
0x33c: {  	v28 =	vadd.f32 $1.000000000e+00, v15;
	v12 =	vmul.f32 v12, v6;
	v15 =	vld [tilespmem:s26+$0x70];
	(erf) = vrcp.f32 v24;
	v24 =	vpop (erf)  }
0x33d: {  	v16 =	vadd.f32 v27, v16;
	v30 =	vmul.f32 $1.442695020e+00, v17;
	v27 =	vpop (erf);
	(erf) = vpow2.f32 v13  }
0x33e: {  	v21 =	vadd.f32 $0.0e+00, v21;
	v13 =	vadd.f32 $1.000000000e+00, v24;
	v24 =	vpop (erf);
	(erf) = vrcp.f32 v14  }
0x33f: {  	v16 =	vmul.f32 $1.442695020e+00, v16;
	v31 =	vadd.f32 v22, v23;
	v23 =	vpop (erf);
	(erf) = vpow2.f32 v30  }
0x340: {  	v14 =	vadd.f32 $1.000000000e+00, v24;
	v24 =	vadd.f32 $0.0e+00, v19;
	(erf) = vrcp.f32 v20;
	v17 =	vpop (erf)  }
0x341: {  	v30 =	vmul.f32 $1.442695020e+00, v31;
	v25 =	vadd.f32 v15, v25;
	(erf) = vpow2.f32 v16;
	v22 =	vpop (erf)  }
0x342: {  	v15 =	vadd.f32 $1.000000000e+00, v17;
	v17 =	vadd.f32 $0.0e+00, v12;
	(erf) = vrcp.f32 v18;
	v12 =	vpop (erf)  }
.Ltmp3:
0x343: {  	v16 =	vadd.f32 $1.000000000e+00, v12;
	v12 =	vmul.f32 $1.442695020e+00, v25;
	v19 =	vpop (erf);
	(erf) = vpow2.f32 v30;
	(pc) =	sbr.rel @p0 .LBB2_8-.Ltmp3, $4  }
0x344: {  	v27 =	vmul.f32 v27, v7;
	v25 =	vadd.f32 v11, v10;
	v20 =	vpop (erf);
	(erf) = vrcp.f32 v29  }
0x345: {  	v23 =	vmul.f32 v23, v7;
	v10 =	vadd.f32 $1.000000000e+00, v20;
	v20 =	vpop (erf);
	(erf) = vpow2.f32 v12  }
0x346: {  	v22 =	vmul.f32 v22, v7;
	v11 =	vadd.f32 v27, v21;
	(erf) = vrcp.f32 v26;
	v18 =	vpop (erf);
	[tilespmem:s2+$0xFFFFFFF0] =	vst v25  }
0x347: {  	s3 =	sadd.s32 $0x200, s3;
	v12 =	vadd.f32 v23, v24;
	v18 =	vadd.f32 $1.000000000e+00, v18;
	(erf) = vrcp.f32 v28;
	v21 =	vpop (erf)  }
0x348: {  	(erf) = vrcp.f32 v13;
	v6 =	vpop (erf)  }
0x349: {  	(erf) = vrcp.f32 v14;
	v7 =	vpop (erf)  }
0x34a: {  	(erf) = vrcp.f32 v15;
	v26 =	vpop (erf)  }
0x34b: {  	(erf) = vrcp.f32 v16;
	v27 =	vpop (erf)  }
0x34c: {  	v28 =	vmul.f32 v19, v5;
	v6 =	vadd.f32 $1.000000000e+00, v6;
	(erf) = vrcp.f32 v10;
	v29 =	vpop (erf)  }
0x34d: {  	v30 =	vadd.f32 v22, v17;
	v13 =	vadd.f32 $1.000000000e+00, v26;
	(erf) = vrcp.f32 v18;
	v31 =	vpop (erf)  }
0x34e: {  	v32 =	vmul.f32 v20, v5;
	v10 =	vadd.f32 $1.000000000e+00, v29;
	(erf) = vrcp.f32 v6;
	v33 =	vpop (erf)  }
0x34f: {  	v34 =	vmul.f32 v21, v5;
	v6 =	vadd.f32 $1.000000000e+00, v33;
	v35 =	vpop (erf);
	(erf) = vrcp.f32 v13  }
0x350: {  	v11 =	vadd.f32 v28, v11;
	v7 =	vmul.f32 v7, v4;
	v36 =	vpop (erf);
	(erf) = vrcp.f32 v10  }
0x351: {  	v37 =	vadd.f32 v32, v12;
	v38 =	vmul.f32 v27, v4;
	v39 =	vpop (erf);
	(erf) = vrcp.f32 v6  }
0x352: {  	v5 =	vadd.f32 v34, v30;
	v40 =	vadd.f32 v7, v11;
	v41 =	vmul.f32 v31, v4;
	v42 =	vpop (erf)  }
0x353: {  	v10 =	vadd.f32 v38, v37;
	v43 =	vmul.f32 v35, v3;
	v44 =	vmul.f32 v36, v3;
	v45 =	vpop (erf)  }
0x354: {  	v4 =	vadd.f32 v41, v5;
	v46 =	vmul.f32 v39, v3;
	v47 =	vpop (erf)  }
0x355: {  	v6 =	vadd.f32 v43, v40;
	v10 =	vadd.f32 v44, v10;
	v7 =	vmul.f32 v42, v2;
	v48 =	vpop (erf)  }
0x356: {  	v49 =	vmul.f32 v45, v2;
	v3 =	vadd.f32 v46, v4;
	v51 =	vmul.f32 v47, v2;
	v50 =	vpop (erf)  }
0x357: {  	v6 =	vadd.f32 v7, v6;
	v53 =	vmul.f32 v48, v1;
	v52 =	vpop (erf)  }
0x358: {  	v10 =	vadd.f32 v49, v10;
	v2 =	vadd.f32 v51, v3;
	v55 =	vmul.f32 v50, v1;
	v54 =	vpop (erf)  }
0x359: {  	v57 =	vmul.f32 v52, v1;
	v58 =	vadd.f32 v53, v6;
	v56 =	vpop (erf);
	v59 =	vmul.f32 v54, v0  }
0x35a: {  	v60 =	vadd.f32 v9, v8;
	v3 =	vadd.f32 v55, v10;
	v61 =	vpop (erf);
	v4 =	vmul.f32 v56, v0  }
0x35b: {  	v1 =	vadd.f32 v57, v2;
	v62 =	vmul.f32 v61, v0;
	v63 =	vadd.f32 v59, v58  }
0x35c: {  	[tilespmem:s2+$0x0] =	vst v60;
	v3 =	vadd.f32 v4, v3  }
0x35d: {  	s25 =	sadd.s32 $0x1, s25;
	[tilespmem:s28+$0xFFFFFFE0] =	vst v63;
	v0 =	vadd.f32 v62, v1  }
0x35e: {  	p0 =	sne.s32 s25, s11;
	[tilespmem:s28+$0xFFFFFFF0] =	vst v3  }
.Ltmp4:
0x35f: {  	[tilespmem:s28+$0x0] =	vst v0;
	(pc) =	sbr.rel @p0 .LBB2_1-.Ltmp4, $4  }
0x360: {  	[hbm4b:s10+s4] =	stream.linear.scatter [tilespmem:s22], [sflag:$0x5], $0x500, $0x38;
	[tilespmem:$0xF480] =	vst v63  }
0x361: {  	_ =	swait.ge [sflag:s13], $0x500  }
0x362: {  	[sflag:s13] =	ssyncset.done $0x0  }
0x363: {  	[sflag:s13] =	ssyncadd.s32 $0xFFFFFB00  }
0x364: {  	_ =	sfence.sel $0x180000  }
0x365: {  	[bflag:$0x0] =	sbarrier.arrive $0xFFFF  }
0x366: {  	_ =	strace $0x90000047  }
0x367: {  	s0 =	stileid.u32;
	[bflag:$0x2] =	sbarrier.arrive $0xFFFF  }
0x368: {  	p0 =	sne.s32 s0, $0x0;
	s0 =	rddreg [dreg:$0x3]  }
0x369: {  	s0 =	sadd.s32 @!p0 $0x100000, s0  }
0x36a: {  	[sflag:s0] =	ssyncadd.tile.s32 @!p0 $0x1;
	_ =	shalt  }
.Lfunc_end2:
_tile_overlayer_lowered:
.L_overlay_start_2:
0x36b: {  	(tag) =	ssettag $0x2  }
0x36c: {  	s0 =	rddreg [dreg:$0x0];
	s2 =	stileid.u32  }
0x36d: {  	s1 =	rddreg [dreg:$0x1];
	p0 =	sne.s32 s2, $0x0  }
0x36e: {  	s3 =	rddreg [dreg:$0x2];
	[bflag:$0x3] =	sbarrier.arrive $0xFFFF;
	s2 =	simm.s32 @!p0 $0x1C05  }
0x36f: {  	[timem:s3], [sflag:s2] =	dma.local @!p0 [hbm:s0], s1  }
0x370: {  	s0 =	simm.s32 @!p0 $0x5  }
0x371: {  	_ =	swait.ge @!p0 [sflag:s0], s1  }
0x372: {  	s1 =	ssub.s32 @!p0 $0x0, s1;
	[sflag:s0] =	ssyncset.done @!p0 $0x0  }
0x373: {  	[sflag:s0] =	ssyncadd.s32 @!p0 s1  }
0x374: {  	[bflag:$0x3] =	sbarrier.arrive $0xFFFF  }
0x375: {  	_ =	shalt  }

</sc_bundles>
